<compile_context>
chip_gen: v7x
topology: tpu7x:2x2x1
jax: 0.10.2.dev20260603
libtpu: 0.0.44.dev20260713+nightly
codegen_flags: <defaults>
</compile_context>

<pallas_src>
import jax
import jax.numpy as jnp
from jax import lax
from jax.experimental import pallas as pl
from jax.experimental.pallas import tpu as pltpu
from jax.experimental.pallas import tpu_sc as plsc

B, S, D = 4096, 2, 64
NUM_ID, K = 100000, 4
NC, NS = 2, 16
NW = NC * NS
ROWS_PER_TILE = B // NW
SUB = 16
NQ = ROWS_PER_TILE // SUB
ROW = S * D
OUT_ROW = (S + K) * D
KS = S + K


def _rsqrt(x):
    i = plsc.bitcast(x, jnp.int32)
    y = plsc.bitcast(jnp.int32(0x5F3759DF) - (i >> 1), jnp.float32)
    for _ in range(2):
        y = y * (1.5 - 0.5 * x * y * y)
    return y


def _sc_body(feats_hbm, ids_hbm, f_out,
             table, ids_all, w_chunk, fs, fw, buf,
             fs_sems, fw_sems, out_sems, ids_sems):
    wid = lax.axis_index("s") * NC + lax.axis_index("c")
    base = wid * ROWS_PER_TILE
    lane = lax.iota(jnp.int32, 16)

    fs_pend = [None] * NQ
    fw_pend = [None] * NQ
    out_pend = [None] * NQ
    for q in range(2):
        fs_pend[q] = pltpu.async_copy(
            feats_hbm.at[pl.ds(base + q * SUB, SUB)], fs[q], fs_sems[q])
    IC = B // 4
    with jax.named_scope("p_ids"):
        ids_pend = [
            pltpu.async_copy(ids_hbm.at[pl.ds(h * IC, IC)],
                             ids_all.at[pl.ds(h * IC, IC)], ids_sems[h])
            for h in range(4)]

    rot = (lane + 1) & 15
    is15 = lane == 15

    def sort_chunk(k):
        idv = ids_all[pl.ds(k * 16, 16)]
        return lax.sort((idv << 12) | (lane + k * 16))

    def emit_chunk(skey):
        nxt = jnp.take_along_axis(skey, rot, axis=0,
                                  mode="promise_in_bounds")
        last = ((skey >> 12) != (nxt >> 12)) | is15
        plsc.store_scatter(table, [skey >> 12], skey & (B - 1), mask=last)

    def scat_body(k, skey_prev):
        skey_k = sort_chunk(k)
        emit_chunk(skey_prev)
        return skey_k

    with jax.named_scope("p_scat"):
        ids_pend[0].wait()
        carry = sort_chunk(0)
        for h in range(4):
            if h + 1 < 4:
                ids_pend[h + 1].wait()
            lo, hi = h * (IC // 16), (h + 1) * (IC // 16)
            carry = lax.fori_loop(lo + 1 if h == 0 else lo, hi,
                                  scat_body, carry, unroll=2)
        emit_chunk(carry)

    def w_body(k, c):
        idx = ids_all[pl.ds(base + k * 16, 16)]
        w_chunk[pl.ds(k * 16, 16)] = plsc.load_gather(table, [idx])
        return c
    with jax.named_scope("p_w"):
        lax.fori_loop(0, ROWS_PER_TILE // 16, w_body, 0, unroll=4)

    bfly = [lane ^ (1 << b) for b in range(4)]

    for q in range(2):
        fw_pend[q] = pltpu.async_copy(
            feats_hbm.at[w_chunk.at[pl.ds(q * SUB, SUB)]], fw[q],
            fw_sems[q])

    for q in range(NQ):
        cur = q % 2
        rbase = base + q * SUB
        with jax.named_scope("p_wait_in"):
            fs_pend[q].wait()
            fw_pend[q].wait()
        fsq, fwq, bufq = fs[cur], fw[cur], buf[cur]
        if q >= 2:
            out_pend[q - 2].wait()

        grp = [(fsq, 0, (0,)), (fsq, 1, (0,)),
               (fwq, 0, (ROW, 2 * ROW)), (fwq, 1, (ROW, 2 * ROW))]
        NG = len(grp)
        rng = range(NG)

        def r_body(r, c2):
            va = [[sr[r, pl.ds(g * D + k2 * 16, 16)] for k2 in range(4)]
                  for (sr, g, _) in grp]
            s = [va[i][0] * va[i][0] for i in rng]
            for k2 in (1, 2, 3):
                m = [va[i][k2] * va[i][k2] for i in rng]
                s = [s[i] + m[i] for i in rng]
            for perm in bfly:
                t = [jnp.take_along_axis(s[i], perm, axis=0,
                                         mode="promise_in_bounds")
                     for i in rng]
                s = [s[i] + t[i] for i in rng]
            x = [jnp.maximum(s[i], 1e-24) for i in rng]
            iv = [plsc.bitcast(x[i], jnp.int32) for i in rng]
            y = [plsc.bitcast(jnp.int32(0x5F3759DF) - (iv[i] >> 1),
                              jnp.float32) for i in rng]
            h = [0.5 * x[i] for i in rng]
            for _ in range(2):
                t = [y[i] * y[i] for i in rng]
                t = [h[i] * t[i] for i in rng]
                t = [1.5 - t[i] for i in rng]
                y = [y[i] * t[i] for i in rng]
            for i, (sr, g, cols) in enumerate(grp):
                for k2 in range(4):
                    o = va[i][k2] * y[i]
                    for c0 in cols:
                        bufq[r, pl.ds(c0 + g * D + k2 * 16, 16)] = o
            return c2
        with jax.named_scope("p_norm"):
            lax.fori_loop(0, SUB, r_body, 0)

        if q + 2 < NQ:
            fs_pend[q + 2] = pltpu.async_copy(
                feats_hbm.at[pl.ds(rbase + 2 * SUB, SUB)], fs[cur],
                fs_sems[cur])
            fw_pend[q + 2] = pltpu.async_copy(
                feats_hbm.at[w_chunk.at[pl.ds((q + 2) * SUB, SUB)]],
                fw[cur], fw_sems[cur])
        out_pend[q] = pltpu.async_copy(
            bufq, f_out.at[pl.ds(rbase, SUB)], out_sems[cur])

    with jax.named_scope("p_drain"):
        out_pend[NQ - 2].wait()
        out_pend[NQ - 1].wait()


@jax.jit
def _sc_call(feats2, ids):
    mesh = plsc.VectorSubcoreMesh(core_axis_name="c", subcore_axis_name="s")
    return pl.kernel(
        _sc_body,
        out_type=jax.ShapeDtypeStruct((B, OUT_ROW), jnp.float32),
        mesh=mesh,
        compiler_params=pltpu.CompilerParams(needs_layout_passes=False),
        scratch_types=[
            pltpu.VMEM((NUM_ID,), jnp.int32),
            pltpu.VMEM((B,), jnp.int32),
            pltpu.VMEM((ROWS_PER_TILE,), jnp.int32),
            [pltpu.VMEM((SUB, ROW), jnp.float32)] * 2,
            [pltpu.VMEM((SUB, ROW), jnp.float32)] * 2,
            [pltpu.VMEM((SUB, OUT_ROW), jnp.float32)] * 2,
            [pltpu.SemaphoreType.DMA] * 2,
            [pltpu.SemaphoreType.DMA] * 2,
            [pltpu.SemaphoreType.DMA] * 2,
            [pltpu.SemaphoreType.DMA] * 4,
        ],
    )(feats2, ids)


def kernel(feats, targets, mem):
    f_flat = _sc_call(feats.reshape(B, ROW), targets[:, 0])
    t = jnp.repeat(targets[:, :1], KS, axis=1)
    return f_flat.reshape(B, KS, D), t

# --- scband reference (transcript-rebuilt; emitter-appended) ---
"""Pipeline reference for scband-auxiliary-embed-block-54717883351224 (READ-ONLY COPY).

The authoritative reference and input builder live on the scoring server;
editing this copy changes nothing except your own understanding.
"""

import jax, jax.numpy as jnp
import numpy as np

B, S, D = 4096, 2, 64
NUM_ID, K = 100000, 4

def setup_inputs(seed: int = 0) -> dict:
    key = jax.random.key(seed)
    k1, k2 = jax.random.split(key)
    feats = jax.random.normal(k1, (B, S, D), dtype=jnp.float32)
    targets = jax.random.randint(k2, (B, S), 0, NUM_ID, dtype=jnp.int32)
    # learned memory parameter, initialized to ones as in the torch module
    mem = jnp.ones((NUM_ID, K, D), dtype=jnp.float32)
    return {"feats": feats, "targets": targets, "mem": mem}

def reference(feats, targets, mem):
    # Fresh module: self.init is all zeros, so init[targets[:,0]].sum() < len(feats)
    # is True and the scatter-overwrite branch executes.
    ids = targets[:, 0]
    k = mem.shape[1]
    s = feats.shape[1]
    # feats.clone().repeat(1, K//S + 1, 1)[:, :K]
    rep = jnp.tile(feats, (1, k // s + 1, 1))[:, :k]
    # scatter-overwrite into memory table (self.feats.data[targets[:,0]] = ...)
    mem = mem.at[ids].set(rep)
    # gather updated rows and concat with incoming feats
    gathered = mem[ids]
    f = jnp.concatenate([feats, gathered], axis=1)
    # F.normalize(f, dim=-1) with eps=1e-12
    n = jnp.linalg.norm(f, axis=-1, keepdims=True)
    f = f / jnp.maximum(n, 1e-12)
    t = jnp.repeat(targets[:, :1], k + targets.shape[1], axis=1)
    return (f, t)

if __name__ == "__main__":
    import jax
    _d = setup_inputs()
    print(jax.jit(kernel)(*tuple(_d.values())))

</pallas_src>

<mosaic_0001>
#map = affine_map<(d0, d1) -> (0, 0)>
#map1 = affine_map<(d0, d1) -> (0)>
module attributes {stable_mosaic.version = 14 : i64} {
  func.func @_sc_body(%arg0: i32, %arg1: i32, %arg2: memref<4096x128xf32, #tpu.memory_space<hbm>>, %arg3: memref<4096xi32, #tpu.memory_space<hbm>>, %arg4: memref<4096x384xf32, #tpu.memory_space<hbm>>, %arg5: memref<100000xi32, #tpu.memory_space<vmem>>, %arg6: memref<4096xi32, #tpu.memory_space<vmem>>, %arg7: memref<128xi32, #tpu.memory_space<vmem>>, %arg8: memref<16x128xf32, #tpu.memory_space<vmem>>, %arg9: memref<16x128xf32, #tpu.memory_space<vmem>>, %arg10: memref<16x128xf32, #tpu.memory_space<vmem>>, %arg11: memref<16x128xf32, #tpu.memory_space<vmem>>, %arg12: memref<16x384xf32, #tpu.memory_space<vmem>>, %arg13: memref<16x384xf32, #tpu.memory_space<vmem>>, %arg14: memref<!tpu.dma_semaphore, #tpu.memory_space<semaphore_mem>>, %arg15: memref<!tpu.dma_semaphore, #tpu.memory_space<semaphore_mem>>, %arg16: memref<!tpu.dma_semaphore, #tpu.memory_space<semaphore_mem>>, %arg17: memref<!tpu.dma_semaphore, #tpu.memory_space<semaphore_mem>>, %arg18: memref<!tpu.dma_semaphore, #tpu.memory_space<semaphore_mem>>, %arg19: memref<!tpu.dma_semaphore, #tpu.memory_space<semaphore_mem>>, %arg20: memref<!tpu.dma_semaphore, #tpu.memory_space<semaphore_mem>>, %arg21: memref<!tpu.dma_semaphore, #tpu.memory_space<semaphore_mem>>, %arg22: memref<!tpu.dma_semaphore, #tpu.memory_space<semaphore_mem>>, %arg23: memref<!tpu.dma_semaphore, #tpu.memory_space<semaphore_mem>>) attributes {dimension_semantics = [#tpu.dimension_semantics<core_parallel>, #tpu.dimension_semantics<subcore_parallel>], iteration_bounds = array<i64: 2, 16>, scalar_prefetch = 0 : i64, scratch_operands = 19 : i64, tpu.core_type = #tpu.core_type<sc_vector_subcore>, window_params = [{transform_indices = #map}, {transform_indices = #map1}, {transform_indices = #map}]} {
    %mul3A = arith.constant 2 : i32
    %mul3A_0 = arith.muli %arg1, %mul3A : i32
    %add3A = arith.addi %mul3A_0, %arg0 : i32
    %mul3A_1 = arith.constant 128 : i32
    %mul3A_2 = arith.muli %add3A, %mul3A_1 : i32
    %iota3A = tpu.iota {dimensions = array<i32: 0>} : vector<16xi32>
    %add3A_3 = arith.constant 0 : i32
    %add3A_4 = arith.addi %mul3A_2, %add3A_3 : i32
    %dma_start3A = arith.constant 0 : i32
    %dma_start3A_5 = tpu.memref_slice %arg2[%add3A_4, %dma_start3A] : memref<4096x128xf32, #tpu.memory_space<hbm>> -> memref<16x128xf32, #tpu.memory_space<hbm>>
    %dma_start3A_6 = arith.constant 0 : i32
    %dma_start3A_7 = tpu.memref_slice %arg2[%add3A_4, %dma_start3A_6] : memref<4096x128xf32, #tpu.memory_space<hbm>> -> memref<16x128xf32, #tpu.memory_space<hbm>>
    tpu.enqueue_dma source(%dma_start3A_7 : memref<16x128xf32, #tpu.memory_space<hbm>>) target(%arg8 : memref<16x128xf32, #tpu.memory_space<vmem>>) target_semaphore(%arg14 : memref<!tpu.dma_semaphore, #tpu.memory_space<semaphore_mem>>)
    %add3A_8 = arith.constant 16 : i32
    %add3A_9 = arith.addi %mul3A_2, %add3A_8 : i32
    %dma_start3A_10 = arith.constant 0 : i32
    %dma_start3A_11 = tpu.memref_slice %arg2[%add3A_9, %dma_start3A_10] : memref<4096x128xf32, #tpu.memory_space<hbm>> -> memref<16x128xf32, #tpu.memory_space<hbm>>
    %dma_start3A_12 = arith.constant 0 : i32
    %dma_start3A_13 = tpu.memref_slice %arg2[%add3A_9, %dma_start3A_12] : memref<4096x128xf32, #tpu.memory_space<hbm>> -> memref<16x128xf32, #tpu.memory_space<hbm>>
    tpu.enqueue_dma source(%dma_start3A_13 : memref<16x128xf32, #tpu.memory_space<hbm>>) target(%arg9 : memref<16x128xf32, #tpu.memory_space<vmem>>) target_semaphore(%arg15 : memref<!tpu.dma_semaphore, #tpu.memory_space<semaphore_mem>>)
    "tpu.trace_start"() <{level = 10 : i32, message = "p_ids"}> : () -> ()
    %dma_start3A_14 = arith.constant 0 : i32
    %dma_start3A_15 = tpu.memref_slice %arg6[%dma_start3A_14] : memref<4096xi32, #tpu.memory_space<vmem>> -> memref<1024xi32, #tpu.memory_space<vmem>>
    %dma_start3A_16 = arith.constant 0 : i32
    %dma_start3A_17 = tpu.memref_slice %arg3[%dma_start3A_16] : memref<4096xi32, #tpu.memory_space<hbm>> -> memref<1024xi32, #tpu.memory_space<hbm>>
    %dma_start3A_18 = arith.constant 0 : i32
    %dma_start3A_19 = tpu.memref_slice %arg6[%dma_start3A_18] : memref<4096xi32, #tpu.memory_space<vmem>> -> memref<1024xi32, #tpu.memory_space<vmem>>
    %dma_start3A_20 = arith.constant 0 : i32
    %dma_start3A_21 = tpu.memref_slice %arg3[%dma_start3A_20] : memref<4096xi32, #tpu.memory_space<hbm>> -> memref<1024xi32, #tpu.memory_space<hbm>>
    tpu.enqueue_dma source(%dma_start3A_21 : memref<1024xi32, #tpu.memory_space<hbm>>) target(%dma_start3A_19 : memref<1024xi32, #tpu.memory_space<vmem>>) target_semaphore(%arg20 : memref<!tpu.dma_semaphore, #tpu.memory_space<semaphore_mem>>)
    %dma_start3A_22 = arith.constant 1024 : i32
    %dma_start3A_23 = tpu.memref_slice %arg6[%dma_start3A_22] : memref<4096xi32, #tpu.memory_space<vmem>> -> memref<1024xi32, #tpu.memory_space<vmem>>
    %dma_start3A_24 = arith.constant 1024 : i32
    %dma_start3A_25 = tpu.memref_slice %arg3[%dma_start3A_24] : memref<4096xi32, #tpu.memory_space<hbm>> -> memref<1024xi32, #tpu.memory_space<hbm>>
    %dma_start3A_26 = arith.constant 1024 : i32
    %dma_start3A_27 = tpu.memref_slice %arg6[%dma_start3A_26] : memref<4096xi32, #tpu.memory_space<vmem>> -> memref<1024xi32, #tpu.memory_space<vmem>>
    %dma_start3A_28 = arith.constant 1024 : i32
    %dma_start3A_29 = tpu.memref_slice %arg3[%dma_start3A_28] : memref<4096xi32, #tpu.memory_space<hbm>> -> memref<1024xi32, #tpu.memory_space<hbm>>
    tpu.enqueue_dma source(%dma_start3A_29 : memref<1024xi32, #tpu.memory_space<hbm>>) target(%dma_start3A_27 : memref<1024xi32, #tpu.memory_space<vmem>>) target_semaphore(%arg21 : memref<!tpu.dma_semaphore, #tpu.memory_space<semaphore_mem>>)
    %dma_start3A_30 = arith.constant 2048 : i32
    %dma_start3A_31 = tpu.memref_slice %arg6[%dma_start3A_30] : memref<4096xi32, #tpu.memory_space<vmem>> -> memref<1024xi32, #tpu.memory_space<vmem>>
    %dma_start3A_32 = arith.constant 2048 : i32
    %dma_start3A_33 = tpu.memref_slice %arg3[%dma_start3A_32] : memref<4096xi32, #tpu.memory_space<hbm>> -> memref<1024xi32, #tpu.memory_space<hbm>>
    %dma_start3A_34 = arith.constant 2048 : i32
    %dma_start3A_35 = tpu.memref_slice %arg6[%dma_start3A_34] : memref<4096xi32, #tpu.memory_space<vmem>> -> memref<1024xi32, #tpu.memory_space<vmem>>
    %dma_start3A_36 = arith.constant 2048 : i32
    %dma_start3A_37 = tpu.memref_slice %arg3[%dma_start3A_36] : memref<4096xi32, #tpu.memory_space<hbm>> -> memref<1024xi32, #tpu.memory_space<hbm>>
    tpu.enqueue_dma source(%dma_start3A_37 : memref<1024xi32, #tpu.memory_space<hbm>>) target(%dma_start3A_35 : memref<1024xi32, #tpu.memory_space<vmem>>) target_semaphore(%arg22 : memref<!tpu.dma_semaphore, #tpu.memory_space<semaphore_mem>>)
    %dma_start3A_38 = arith.constant 3072 : i32
    %dma_start3A_39 = tpu.memref_slice %arg6[%dma_start3A_38] : memref<4096xi32, #tpu.memory_space<vmem>> -> memref<1024xi32, #tpu.memory_space<vmem>>
    %dma_start3A_40 = arith.constant 3072 : i32
    %dma_start3A_41 = tpu.memref_slice %arg3[%dma_start3A_40] : memref<4096xi32, #tpu.memory_space<hbm>> -> memref<1024xi32, #tpu.memory_space<hbm>>
    %dma_start3A_42 = arith.constant 3072 : i32
    %dma_start3A_43 = tpu.memref_slice %arg6[%dma_start3A_42] : memref<4096xi32, #tpu.memory_space<vmem>> -> memref<1024xi32, #tpu.memory_space<vmem>>
    %dma_start3A_44 = arith.constant 3072 : i32
    %dma_start3A_45 = tpu.memref_slice %arg3[%dma_start3A_44] : memref<4096xi32, #tpu.memory_space<hbm>> -> memref<1024xi32, #tpu.memory_space<hbm>>
    tpu.enqueue_dma source(%dma_start3A_45 : memref<1024xi32, #tpu.memory_space<hbm>>) target(%dma_start3A_43 : memref<1024xi32, #tpu.memory_space<vmem>>) target_semaphore(%arg23 : memref<!tpu.dma_semaphore, #tpu.memory_space<semaphore_mem>>)
    "tpu.trace_stop"() : () -> ()
    %add3A_46 = arith.constant 1 : i32
    %add3A_47 = vector.broadcast %add3A_46 : i32 to vector<16xi32>
    %add3A_48 = arith.addi %iota3A, %add3A_47 : vector<16xi32>
    %and3A = arith.constant 15 : i32
    %and3A_49 = vector.broadcast %and3A : i32 to vector<16xi32>
    %and3A_50 = arith.andi %add3A_48, %and3A_49 : vector<16xi32>
    %eq3A = arith.constant 15 : i32
    %eq3A_51 = vector.broadcast %eq3A : i32 to vector<16xi32>
    %eq3A_52 = arith.cmpi eq, %iota3A, %eq3A_51 : vector<16xi32>
    "tpu.trace_start"() <{level = 10 : i32, message = "p_scat"}> : () -> ()
    %dma_wait3A = arith.constant 0 : i32
    %dma_wait3A_53 = tpu.memref_slice %arg6[%dma_wait3A] : memref<4096xi32, #tpu.memory_space<vmem>> -> memref<1024xi32, #tpu.memory_space<vmem>>
    %dma_wait3A_54 = arith.constant 0 : i32
    %dma_wait3A_55 = tpu.memref_slice %arg3[%dma_wait3A_54] : memref<4096xi32, #tpu.memory_space<hbm>> -> memref<1024xi32, #tpu.memory_space<hbm>>
    %dma_wait3A_56 = arith.constant 0 : i32
    %dma_wait3A_57 = tpu.memref_slice %arg6[%dma_wait3A_56] : memref<4096xi32, #tpu.memory_space<vmem>> -> memref<1024xi32, #tpu.memory_space<vmem>>
    %dma_wait3A_58 = arith.constant 0 : i32
    %dma_wait3A_59 = tpu.memref_slice %arg3[%dma_wait3A_58] : memref<4096xi32, #tpu.memory_space<hbm>> -> memref<1024xi32, #tpu.memory_space<hbm>>
    tpu.wait_dma2 semaphore(%arg20 : memref<!tpu.dma_semaphore, #tpu.memory_space<semaphore_mem>>) src(%dma_wait3A_59 : memref<1024xi32, #tpu.memory_space<hbm>>) dst(%dma_wait3A_57 : memref<1024xi32, #tpu.memory_space<vmem>>)
    %get3A = arith.constant 0 : index
    %get3A_60 = tpu.vector_load %arg6[%get3A] {strides = array<i32>} : memref<4096xi32, #tpu.memory_space<vmem>>, vector<16xi32>,
    %shift_left3A = arith.constant 12 : i32
    %shift_left3A_61 = vector.broadcast %shift_left3A : i32 to vector<16xi32>
    %shift_left3A_62 = arith.shli %get3A_60, %shift_left3A_61 : vector<16xi32>
    %add3A_63 = arith.constant 0 : i32
    %add3A_64 = vector.broadcast %add3A_63 : i32 to vector<16xi32>
    %add3A_65 = arith.addi %iota3A, %add3A_64 : vector<16xi32>
    %or3A = arith.ori %shift_left3A_62, %add3A_65 : vector<16xi32>
    %sort3A = arith.constant dense<true> : vector<16xi1>
    %sort3A_66, %sort3A_67, %sort3A_68 = tpu.sort %or3A, %or3A masked %sort3A : (vector<16xi32>, vector<16xi32>, vector<16xi1>) -> (vector<16xi1>, vector<16xi32>, vector<16xi32>)
    %dma_wait3A_69 = arith.constant 1024 : i32
    %dma_wait3A_70 = tpu.memref_slice %arg6[%dma_wait3A_69] : memref<4096xi32, #tpu.memory_space<vmem>> -> memref<1024xi32, #tpu.memory_space<vmem>>
    %dma_wait3A_71 = arith.constant 1024 : i32
    %dma_wait3A_72 = tpu.memref_slice %arg3[%dma_wait3A_71] : memref<4096xi32, #tpu.memory_space<hbm>> -> memref<1024xi32, #tpu.memory_space<hbm>>
    %dma_wait3A_73 = arith.constant 1024 : i32
    %dma_wait3A_74 = tpu.memref_slice %arg6[%dma_wait3A_73] : memref<4096xi32, #tpu.memory_space<vmem>> -> memref<1024xi32, #tpu.memory_space<vmem>>
    %dma_wait3A_75 = arith.constant 1024 : i32
    %dma_wait3A_76 = tpu.memref_slice %arg3[%dma_wait3A_75] : memref<4096xi32, #tpu.memory_space<hbm>> -> memref<1024xi32, #tpu.memory_space<hbm>>
    tpu.wait_dma2 semaphore(%arg21 : memref<!tpu.dma_semaphore, #tpu.memory_space<semaphore_mem>>) src(%dma_wait3A_76 : memref<1024xi32, #tpu.memory_space<hbm>>) dst(%dma_wait3A_74 : memref<1024xi32, #tpu.memory_space<vmem>>)
    %scan3A = arith.constant 1 : i32
    %scan3A_77 = arith.constant 62 : i32
    %scan3A_78 = arith.addi %scan3A, %scan3A_77 : i32
    %scan3A_79 = arith.constant 2 : i32
    %scan3A_80 = scf.for %scan3A_457 = %scan3A to %scan3A_78 step %scan3A_79 iter_args(%scan3A_458 = %sort3A_67) -> (vector<16xi32>)  : i32 {
      %mul3A_459 = arith.constant 16 : i32
      %mul3A_460 = arith.muli %scan3A_457, %mul3A_459 : i32
      %get3A_461 = arith.index_cast %mul3A_460 : i32 to index
      %get3A_462 = tpu.vector_load %arg6[%get3A_461] {strides = array<i32>} : memref<4096xi32, #tpu.memory_space<vmem>>, vector<16xi32>,
      %shift_left3A_463 = arith.constant 12 : i32
      %shift_left3A_464 = vector.broadcast %shift_left3A_463 : i32 to vector<16xi32>
      %shift_left3A_465 = arith.shli %get3A_462, %shift_left3A_464 : vector<16xi32>
      %mul3A_466 = arith.constant 16 : i32
      %mul3A_467 = arith.muli %scan3A_457, %mul3A_466 : i32
      %add3A_468 = vector.broadcast %mul3A_467 : i32 to vector<16xi32>
      %add3A_469 = arith.addi %iota3A, %add3A_468 : vector<16xi32>
      %or3A_470 = arith.ori %shift_left3A_465, %add3A_469 : vector<16xi32>
      %sort3A_471 = arith.constant dense<true> : vector<16xi1>
      %sort3A_472, %sort3A_473, %sort3A_474 = tpu.sort %or3A_470, %or3A_470 masked %sort3A_471 : (vector<16xi32>, vector<16xi32>, vector<16xi1>) -> (vector<16xi1>, vector<16xi32>, vector<16xi32>)
      %reshape3A_475 = vector.shape_cast %and3A_50 : vector<16xi32> to vector<16x1xi32>
      %gather3A_476 = vector.shape_cast %reshape3A_475 : vector<16x1xi32> to vector<16xi32>
      %gather3A_477 = tpu.dynamic_gather %scan3A_458[%gather3A_476] in [0] : vector<16xi32>, vector<16xi32> -> vector<16xi32>
      %shift_right_arithmetic3A_478 = arith.constant 12 : i32
      %shift_right_arithmetic3A_479 = vector.broadcast %shift_right_arithmetic3A_478 : i32 to vector<16xi32>
      %shift_right_arithmetic3A_480 = arith.shrsi %scan3A_458, %shift_right_arithmetic3A_479 : vector<16xi32>
      %shift_right_arithmetic3A_481 = arith.constant 12 : i32
      %shift_right_arithmetic3A_482 = vector.broadcast %shift_right_arithmetic3A_481 : i32 to vector<16xi32>
      %shift_right_arithmetic3A_483 = arith.shrsi %gather3A_477, %shift_right_arithmetic3A_482 : vector<16xi32>
      %ne3A_484 = arith.cmpi ne, %shift_right_arithmetic3A_480, %shift_right_arithmetic3A_483 : vector<16xi32>
      %or3A_485 = arith.ori %ne3A_484, %eq3A_52 : vector<16xi1>
      %shift_right_arithmetic3A_486 = arith.constant 12 : i32
      %shift_right_arithmetic3A_487 = vector.broadcast %shift_right_arithmetic3A_486 : i32 to vector<16xi32>
      %shift_right_arithmetic3A_488 = arith.shrsi %scan3A_458, %shift_right_arithmetic3A_487 : vector<16xi32>
      %and3A_489 = arith.constant 4095 : i32
      %and3A_490 = vector.broadcast %and3A_489 : i32 to vector<16xi32>
      %and3A_491 = arith.andi %scan3A_458, %and3A_490 : vector<16xi32>
      tpu.vector_store_idx %arg5[%shift_right_arithmetic3A_488], %and3A_491 masked %or3A_485 : memref<100000xi32, #tpu.memory_space<vmem>>[vector<16xi32>], vector<16xi32>, vector<16xi1>
      %scan3A_492 = arith.constant 1 : i32
      %scan3A_493 = arith.addi %scan3A_457, %scan3A_492 : i32
      %mul3A_494 = arith.constant 16 : i32
      %mul3A_495 = arith.muli %scan3A_493, %mul3A_494 : i32
      %get3A_496 = arith.index_cast %mul3A_495 : i32 to index
      %get3A_497 = tpu.vector_load %arg6[%get3A_496] {strides = array<i32>} : memref<4096xi32, #tpu.memory_space<vmem>>, vector<16xi32>,
      %shift_left3A_498 = arith.constant 12 : i32
      %shift_left3A_499 = vector.broadcast %shift_left3A_498 : i32 to vector<16xi32>
      %shift_left3A_500 = arith.shli %get3A_497, %shift_left3A_499 : vector<16xi32>
      %mul3A_501 = arith.constant 16 : i32
      %mul3A_502 = arith.muli %scan3A_493, %mul3A_501 : i32
      %add3A_503 = vector.broadcast %mul3A_502 : i32 to vector<16xi32>
      %add3A_504 = arith.addi %iota3A, %add3A_503 : vector<16xi32>
      %or3A_505 = arith.ori %shift_left3A_500, %add3A_504 : vector<16xi32>
      %sort3A_506 = arith.constant dense<true> : vector<16xi1>
      %sort3A_507, %sort3A_508, %sort3A_509 = tpu.sort %or3A_505, %or3A_505 masked %sort3A_506 : (vector<16xi32>, vector<16xi32>, vector<16xi1>) -> (vector<16xi1>, vector<16xi32>, vector<16xi32>)
      %reshape3A_510 = vector.shape_cast %and3A_50 : vector<16xi32> to vector<16x1xi32>
      %gather3A_511 = vector.shape_cast %reshape3A_510 : vector<16x1xi32> to vector<16xi32>
      %gather3A_512 = tpu.dynamic_gather %sort3A_473[%gather3A_511] in [0] : vector<16xi32>, vector<16xi32> -> vector<16xi32>
      %shift_right_arithmetic3A_513 = arith.constant 12 : i32
      %shift_right_arithmetic3A_514 = vector.broadcast %shift_right_arithmetic3A_513 : i32 to vector<16xi32>
      %shift_right_arithmetic3A_515 = arith.shrsi %sort3A_473, %shift_right_arithmetic3A_514 : vector<16xi32>
      %shift_right_arithmetic3A_516 = arith.constant 12 : i32
      %shift_right_arithmetic3A_517 = vector.broadcast %shift_right_arithmetic3A_516 : i32 to vector<16xi32>
      %shift_right_arithmetic3A_518 = arith.shrsi %gather3A_512, %shift_right_arithmetic3A_517 : vector<16xi32>
      %ne3A_519 = arith.cmpi ne, %shift_right_arithmetic3A_515, %shift_right_arithmetic3A_518 : vector<16xi32>
      %or3A_520 = arith.ori %ne3A_519, %eq3A_52 : vector<16xi1>
      %shift_right_arithmetic3A_521 = arith.constant 12 : i32
      %shift_right_arithmetic3A_522 = vector.broadcast %shift_right_arithmetic3A_521 : i32 to vector<16xi32>
      %shift_right_arithmetic3A_523 = arith.shrsi %sort3A_473, %shift_right_arithmetic3A_522 : vector<16xi32>
      %and3A_524 = arith.constant 4095 : i32
      %and3A_525 = vector.broadcast %and3A_524 : i32 to vector<16xi32>
      %and3A_526 = arith.andi %sort3A_473, %and3A_525 : vector<16xi32>
      tpu.vector_store_idx %arg5[%shift_right_arithmetic3A_523], %and3A_526 masked %or3A_520 : memref<100000xi32, #tpu.memory_space<vmem>>[vector<16xi32>], vector<16xi32>, vector<16xi1>
      scf.yield %sort3A_508 : vector<16xi32>
    }
    %scan3A_81 = arith.constant 62 : i32
    %scan3A_82 = arith.addi %scan3A, %scan3A_81 : i32
    %mul3A_83 = arith.constant 16 : i32
    %mul3A_84 = arith.muli %scan3A_82, %mul3A_83 : i32
    %get3A_85 = arith.index_cast %mul3A_84 : i32 to index
    %get3A_86 = tpu.vector_load %arg6[%get3A_85] {strides = array<i32>} : memref<4096xi32, #tpu.memory_space<vmem>>, vector<16xi32>,
    %shift_left3A_87 = arith.constant 12 : i32
    %shift_left3A_88 = vector.broadcast %shift_left3A_87 : i32 to vector<16xi32>
    %shift_left3A_89 = arith.shli %get3A_86, %shift_left3A_88 : vector<16xi32>
    %mul3A_90 = arith.constant 16 : i32
    %mul3A_91 = arith.muli %scan3A_82, %mul3A_90 : i32
    %add3A_92 = vector.broadcast %mul3A_91 : i32 to vector<16xi32>
    %add3A_93 = arith.addi %iota3A, %add3A_92 : vector<16xi32>
    %or3A_94 = arith.ori %shift_left3A_89, %add3A_93 : vector<16xi32>
    %sort3A_95 = arith.constant dense<true> : vector<16xi1>
    %sort3A_96, %sort3A_97, %sort3A_98 = tpu.sort %or3A_94, %or3A_94 masked %sort3A_95 : (vector<16xi32>, vector<16xi32>, vector<16xi1>) -> (vector<16xi1>, vector<16xi32>, vector<16xi32>)
    %reshape3A = vector.shape_cast %and3A_50 : vector<16xi32> to vector<16x1xi32>
    %gather3A = vector.shape_cast %reshape3A : vector<16x1xi32> to vector<16xi32>
    %gather3A_99 = tpu.dynamic_gather %scan3A_80[%gather3A] in [0] : vector<16xi32>, vector<16xi32> -> vector<16xi32>
    %shift_right_arithmetic3A = arith.constant 12 : i32
    %shift_right_arithmetic3A_100 = vector.broadcast %shift_right_arithmetic3A : i32 to vector<16xi32>
    %shift_right_arithmetic3A_101 = arith.shrsi %scan3A_80, %shift_right_arithmetic3A_100 : vector<16xi32>
    %shift_right_arithmetic3A_102 = arith.constant 12 : i32
    %shift_right_arithmetic3A_103 = vector.broadcast %shift_right_arithmetic3A_102 : i32 to vector<16xi32>
    %shift_right_arithmetic3A_104 = arith.shrsi %gather3A_99, %shift_right_arithmetic3A_103 : vector<16xi32>
    %ne3A = arith.cmpi ne, %shift_right_arithmetic3A_101, %shift_right_arithmetic3A_104 : vector<16xi32>
    %or3A_105 = arith.ori %ne3A, %eq3A_52 : vector<16xi1>
    %shift_right_arithmetic3A_106 = arith.constant 12 : i32
    %shift_right_arithmetic3A_107 = vector.broadcast %shift_right_arithmetic3A_106 : i32 to vector<16xi32>
    %shift_right_arithmetic3A_108 = arith.shrsi %scan3A_80, %shift_right_arithmetic3A_107 : vector<16xi32>
    %and3A_109 = arith.constant 4095 : i32
    %and3A_110 = vector.broadcast %and3A_109 : i32 to vector<16xi32>
    %and3A_111 = arith.andi %scan3A_80, %and3A_110 : vector<16xi32>
    tpu.vector_store_idx %arg5[%shift_right_arithmetic3A_108], %and3A_111 masked %or3A_105 : memref<100000xi32, #tpu.memory_space<vmem>>[vector<16xi32>], vector<16xi32>, vector<16xi1>
    %scan3A_112 = arith.constant 63 : i32
    %dma_wait3A_113 = arith.constant 2048 : i32
    %dma_wait3A_114 = tpu.memref_slice %arg6[%dma_wait3A_113] : memref<4096xi32, #tpu.memory_space<vmem>> -> memref<1024xi32, #tpu.memory_space<vmem>>
    %dma_wait3A_115 = arith.constant 2048 : i32
    %dma_wait3A_116 = tpu.memref_slice %arg3[%dma_wait3A_115] : memref<4096xi32, #tpu.memory_space<hbm>> -> memref<1024xi32, #tpu.memory_space<hbm>>
    %dma_wait3A_117 = arith.constant 2048 : i32
    %dma_wait3A_118 = tpu.memref_slice %arg6[%dma_wait3A_117] : memref<4096xi32, #tpu.memory_space<vmem>> -> memref<1024xi32, #tpu.memory_space<vmem>>
    %dma_wait3A_119 = arith.constant 2048 : i32
    %dma_wait3A_120 = tpu.memref_slice %arg3[%dma_wait3A_119] : memref<4096xi32, #tpu.memory_space<hbm>> -> memref<1024xi32, #tpu.memory_space<hbm>>
    tpu.wait_dma2 semaphore(%arg22 : memref<!tpu.dma_semaphore, #tpu.memory_space<semaphore_mem>>) src(%dma_wait3A_120 : memref<1024xi32, #tpu.memory_space<hbm>>) dst(%dma_wait3A_118 : memref<1024xi32, #tpu.memory_space<vmem>>)
    %scan3A_121 = arith.constant 64 : i32
    %scan3A_122 = arith.constant 64 : i32
    %scan3A_123 = arith.addi %scan3A_121, %scan3A_122 : i32
    %scan3A_124 = arith.constant 2 : i32
    %scan3A_125 = scf.for %scan3A_457 = %scan3A_121 to %scan3A_123 step %scan3A_124 iter_args(%scan3A_458 = %sort3A_97) -> (vector<16xi32>)  : i32 {
      %mul3A_459 = arith.constant 16 : i32
      %mul3A_460 = arith.muli %scan3A_457, %mul3A_459 : i32
      %get3A_461 = arith.index_cast %mul3A_460 : i32 to index
      %get3A_462 = tpu.vector_load %arg6[%get3A_461] {strides = array<i32>} : memref<4096xi32, #tpu.memory_space<vmem>>, vector<16xi32>,
      %shift_left3A_463 = arith.constant 12 : i32
      %shift_left3A_464 = vector.broadcast %shift_left3A_463 : i32 to vector<16xi32>
      %shift_left3A_465 = arith.shli %get3A_462, %shift_left3A_464 : vector<16xi32>
      %mul3A_466 = arith.constant 16 : i32
      %mul3A_467 = arith.muli %scan3A_457, %mul3A_466 : i32
      %add3A_468 = vector.broadcast %mul3A_467 : i32 to vector<16xi32>
      %add3A_469 = arith.addi %iota3A, %add3A_468 : vector<16xi32>
      %or3A_470 = arith.ori %shift_left3A_465, %add3A_469 : vector<16xi32>
      %sort3A_471 = arith.constant dense<true> : vector<16xi1>
      %sort3A_472, %sort3A_473, %sort3A_474 = tpu.sort %or3A_470, %or3A_470 masked %sort3A_471 : (vector<16xi32>, vector<16xi32>, vector<16xi1>) -> (vector<16xi1>, vector<16xi32>, vector<16xi32>)
      %reshape3A_475 = vector.shape_cast %and3A_50 : vector<16xi32> to vector<16x1xi32>
      %gather3A_476 = vector.shape_cast %reshape3A_475 : vector<16x1xi32> to vector<16xi32>
      %gather3A_477 = tpu.dynamic_gather %scan3A_458[%gather3A_476] in [0] : vector<16xi32>, vector<16xi32> -> vector<16xi32>
      %shift_right_arithmetic3A_478 = arith.constant 12 : i32
      %shift_right_arithmetic3A_479 = vector.broadcast %shift_right_arithmetic3A_478 : i32 to vector<16xi32>
      %shift_right_arithmetic3A_480 = arith.shrsi %scan3A_458, %shift_right_arithmetic3A_479 : vector<16xi32>
      %shift_right_arithmetic3A_481 = arith.constant 12 : i32
      %shift_right_arithmetic3A_482 = vector.broadcast %shift_right_arithmetic3A_481 : i32 to vector<16xi32>
      %shift_right_arithmetic3A_483 = arith.shrsi %gather3A_477, %shift_right_arithmetic3A_482 : vector<16xi32>
      %ne3A_484 = arith.cmpi ne, %shift_right_arithmetic3A_480, %shift_right_arithmetic3A_483 : vector<16xi32>
      %or3A_485 = arith.ori %ne3A_484, %eq3A_52 : vector<16xi1>
      %shift_right_arithmetic3A_486 = arith.constant 12 : i32
      %shift_right_arithmetic3A_487 = vector.broadcast %shift_right_arithmetic3A_486 : i32 to vector<16xi32>
      %shift_right_arithmetic3A_488 = arith.shrsi %scan3A_458, %shift_right_arithmetic3A_487 : vector<16xi32>
      %and3A_489 = arith.constant 4095 : i32
      %and3A_490 = vector.broadcast %and3A_489 : i32 to vector<16xi32>
      %and3A_491 = arith.andi %scan3A_458, %and3A_490 : vector<16xi32>
      tpu.vector_store_idx %arg5[%shift_right_arithmetic3A_488], %and3A_491 masked %or3A_485 : memref<100000xi32, #tpu.memory_space<vmem>>[vector<16xi32>], vector<16xi32>, vector<16xi1>
      %scan3A_492 = arith.constant 1 : i32
      %scan3A_493 = arith.addi %scan3A_457, %scan3A_492 : i32
      %mul3A_494 = arith.constant 16 : i32
      %mul3A_495 = arith.muli %scan3A_493, %mul3A_494 : i32
      %get3A_496 = arith.index_cast %mul3A_495 : i32 to index
      %get3A_497 = tpu.vector_load %arg6[%get3A_496] {strides = array<i32>} : memref<4096xi32, #tpu.memory_space<vmem>>, vector<16xi32>,
      %shift_left3A_498 = arith.constant 12 : i32
      %shift_left3A_499 = vector.broadcast %shift_left3A_498 : i32 to vector<16xi32>
      %shift_left3A_500 = arith.shli %get3A_497, %shift_left3A_499 : vector<16xi32>
      %mul3A_501 = arith.constant 16 : i32
      %mul3A_502 = arith.muli %scan3A_493, %mul3A_501 : i32
      %add3A_503 = vector.broadcast %mul3A_502 : i32 to vector<16xi32>
      %add3A_504 = arith.addi %iota3A, %add3A_503 : vector<16xi32>
      %or3A_505 = arith.ori %shift_left3A_500, %add3A_504 : vector<16xi32>
      %sort3A_506 = arith.constant dense<true> : vector<16xi1>
      %sort3A_507, %sort3A_508, %sort3A_509 = tpu.sort %or3A_505, %or3A_505 masked %sort3A_506 : (vector<16xi32>, vector<16xi32>, vector<16xi1>) -> (vector<16xi1>, vector<16xi32>, vector<16xi32>)
      %reshape3A_510 = vector.shape_cast %and3A_50 : vector<16xi32> to vector<16x1xi32>
      %gather3A_511 = vector.shape_cast %reshape3A_510 : vector<16x1xi32> to vector<16xi32>
      %gather3A_512 = tpu.dynamic_gather %sort3A_473[%gather3A_511] in [0] : vector<16xi32>, vector<16xi32> -> vector<16xi32>
      %shift_right_arithmetic3A_513 = arith.constant 12 : i32
      %shift_right_arithmetic3A_514 = vector.broadcast %shift_right_arithmetic3A_513 : i32 to vector<16xi32>
      %shift_right_arithmetic3A_515 = arith.shrsi %sort3A_473, %shift_right_arithmetic3A_514 : vector<16xi32>
      %shift_right_arithmetic3A_516 = arith.constant 12 : i32
      %shift_right_arithmetic3A_517 = vector.broadcast %shift_right_arithmetic3A_516 : i32 to vector<16xi32>
      %shift_right_arithmetic3A_518 = arith.shrsi %gather3A_512, %shift_right_arithmetic3A_517 : vector<16xi32>
      %ne3A_519 = arith.cmpi ne, %shift_right_arithmetic3A_515, %shift_right_arithmetic3A_518 : vector<16xi32>
      %or3A_520 = arith.ori %ne3A_519, %eq3A_52 : vector<16xi1>
      %shift_right_arithmetic3A_521 = arith.constant 12 : i32
      %shift_right_arithmetic3A_522 = vector.broadcast %shift_right_arithmetic3A_521 : i32 to vector<16xi32>
      %shift_right_arithmetic3A_523 = arith.shrsi %sort3A_473, %shift_right_arithmetic3A_522 : vector<16xi32>
      %and3A_524 = arith.constant 4095 : i32
      %and3A_525 = vector.broadcast %and3A_524 : i32 to vector<16xi32>
      %and3A_526 = arith.andi %sort3A_473, %and3A_525 : vector<16xi32>
      tpu.vector_store_idx %arg5[%shift_right_arithmetic3A_523], %and3A_526 masked %or3A_520 : memref<100000xi32, #tpu.memory_space<vmem>>[vector<16xi32>], vector<16xi32>, vector<16xi1>
      scf.yield %sort3A_508 : vector<16xi32>
    }
    %scan3A_126 = arith.constant 64 : i32
    %dma_wait3A_127 = arith.constant 3072 : i32
    %dma_wait3A_128 = tpu.memref_slice %arg6[%dma_wait3A_127] : memref<4096xi32, #tpu.memory_space<vmem>> -> memref<1024xi32, #tpu.memory_space<vmem>>
    %dma_wait3A_129 = arith.constant 3072 : i32
    %dma_wait3A_130 = tpu.memref_slice %arg3[%dma_wait3A_129] : memref<4096xi32, #tpu.memory_space<hbm>> -> memref<1024xi32, #tpu.memory_space<hbm>>
    %dma_wait3A_131 = arith.constant 3072 : i32
    %dma_wait3A_132 = tpu.memref_slice %arg6[%dma_wait3A_131] : memref<4096xi32, #tpu.memory_space<vmem>> -> memref<1024xi32, #tpu.memory_space<vmem>>
    %dma_wait3A_133 = arith.constant 3072 : i32
    %dma_wait3A_134 = tpu.memref_slice %arg3[%dma_wait3A_133] : memref<4096xi32, #tpu.memory_space<hbm>> -> memref<1024xi32, #tpu.memory_space<hbm>>
    tpu.wait_dma2 semaphore(%arg23 : memref<!tpu.dma_semaphore, #tpu.memory_space<semaphore_mem>>) src(%dma_wait3A_134 : memref<1024xi32, #tpu.memory_space<hbm>>) dst(%dma_wait3A_132 : memref<1024xi32, #tpu.memory_space<vmem>>)
    %scan3A_135 = arith.constant 128 : i32
    %scan3A_136 = arith.constant 64 : i32
    %scan3A_137 = arith.addi %scan3A_135, %scan3A_136 : i32
    %scan3A_138 = arith.constant 2 : i32
    %scan3A_139 = scf.for %scan3A_457 = %scan3A_135 to %scan3A_137 step %scan3A_138 iter_args(%scan3A_458 = %scan3A_125) -> (vector<16xi32>)  : i32 {
      %mul3A_459 = arith.constant 16 : i32
      %mul3A_460 = arith.muli %scan3A_457, %mul3A_459 : i32
      %get3A_461 = arith.index_cast %mul3A_460 : i32 to index
      %get3A_462 = tpu.vector_load %arg6[%get3A_461] {strides = array<i32>} : memref<4096xi32, #tpu.memory_space<vmem>>, vector<16xi32>,
      %shift_left3A_463 = arith.constant 12 : i32
      %shift_left3A_464 = vector.broadcast %shift_left3A_463 : i32 to vector<16xi32>
      %shift_left3A_465 = arith.shli %get3A_462, %shift_left3A_464 : vector<16xi32>
      %mul3A_466 = arith.constant 16 : i32
      %mul3A_467 = arith.muli %scan3A_457, %mul3A_466 : i32
      %add3A_468 = vector.broadcast %mul3A_467 : i32 to vector<16xi32>
      %add3A_469 = arith.addi %iota3A, %add3A_468 : vector<16xi32>
      %or3A_470 = arith.ori %shift_left3A_465, %add3A_469 : vector<16xi32>
      %sort3A_471 = arith.constant dense<true> : vector<16xi1>
      %sort3A_472, %sort3A_473, %sort3A_474 = tpu.sort %or3A_470, %or3A_470 masked %sort3A_471 : (vector<16xi32>, vector<16xi32>, vector<16xi1>) -> (vector<16xi1>, vector<16xi32>, vector<16xi32>)
      %reshape3A_475 = vector.shape_cast %and3A_50 : vector<16xi32> to vector<16x1xi32>
      %gather3A_476 = vector.shape_cast %reshape3A_475 : vector<16x1xi32> to vector<16xi32>
      %gather3A_477 = tpu.dynamic_gather %scan3A_458[%gather3A_476] in [0] : vector<16xi32>, vector<16xi32> -> vector<16xi32>
      %shift_right_arithmetic3A_478 = arith.constant 12 : i32
      %shift_right_arithmetic3A_479 = vector.broadcast %shift_right_arithmetic3A_478 : i32 to vector<16xi32>
      %shift_right_arithmetic3A_480 = arith.shrsi %scan3A_458, %shift_right_arithmetic3A_479 : vector<16xi32>
      %shift_right_arithmetic3A_481 = arith.constant 12 : i32
      %shift_right_arithmetic3A_482 = vector.broadcast %shift_right_arithmetic3A_481 : i32 to vector<16xi32>
      %shift_right_arithmetic3A_483 = arith.shrsi %gather3A_477, %shift_right_arithmetic3A_482 : vector<16xi32>
      %ne3A_484 = arith.cmpi ne, %shift_right_arithmetic3A_480, %shift_right_arithmetic3A_483 : vector<16xi32>
      %or3A_485 = arith.ori %ne3A_484, %eq3A_52 : vector<16xi1>
      %shift_right_arithmetic3A_486 = arith.constant 12 : i32
      %shift_right_arithmetic3A_487 = vector.broadcast %shift_right_arithmetic3A_486 : i32 to vector<16xi32>
      %shift_right_arithmetic3A_488 = arith.shrsi %scan3A_458, %shift_right_arithmetic3A_487 : vector<16xi32>
      %and3A_489 = arith.constant 4095 : i32
      %and3A_490 = vector.broadcast %and3A_489 : i32 to vector<16xi32>
      %and3A_491 = arith.andi %scan3A_458, %and3A_490 : vector<16xi32>
      tpu.vector_store_idx %arg5[%shift_right_arithmetic3A_488], %and3A_491 masked %or3A_485 : memref<100000xi32, #tpu.memory_space<vmem>>[vector<16xi32>], vector<16xi32>, vector<16xi1>
      %scan3A_492 = arith.constant 1 : i32
      %scan3A_493 = arith.addi %scan3A_457, %scan3A_492 : i32
      %mul3A_494 = arith.constant 16 : i32
      %mul3A_495 = arith.muli %scan3A_493, %mul3A_494 : i32
      %get3A_496 = arith.index_cast %mul3A_495 : i32 to index
      %get3A_497 = tpu.vector_load %arg6[%get3A_496] {strides = array<i32>} : memref<4096xi32, #tpu.memory_space<vmem>>, vector<16xi32>,
      %shift_left3A_498 = arith.constant 12 : i32
      %shift_left3A_499 = vector.broadcast %shift_left3A_498 : i32 to vector<16xi32>
      %shift_left3A_500 = arith.shli %get3A_497, %shift_left3A_499 : vector<16xi32>
      %mul3A_501 = arith.constant 16 : i32
      %mul3A_502 = arith.muli %scan3A_493, %mul3A_501 : i32
      %add3A_503 = vector.broadcast %mul3A_502 : i32 to vector<16xi32>
      %add3A_504 = arith.addi %iota3A, %add3A_503 : vector<16xi32>
      %or3A_505 = arith.ori %shift_left3A_500, %add3A_504 : vector<16xi32>
      %sort3A_506 = arith.constant dense<true> : vector<16xi1>
      %sort3A_507, %sort3A_508, %sort3A_509 = tpu.sort %or3A_505, %or3A_505 masked %sort3A_506 : (vector<16xi32>, vector<16xi32>, vector<16xi1>) -> (vector<16xi1>, vector<16xi32>, vector<16xi32>)
      %reshape3A_510 = vector.shape_cast %and3A_50 : vector<16xi32> to vector<16x1xi32>
      %gather3A_511 = vector.shape_cast %reshape3A_510 : vector<16x1xi32> to vector<16xi32>
      %gather3A_512 = tpu.dynamic_gather %sort3A_473[%gather3A_511] in [0] : vector<16xi32>, vector<16xi32> -> vector<16xi32>
      %shift_right_arithmetic3A_513 = arith.constant 12 : i32
      %shift_right_arithmetic3A_514 = vector.broadcast %shift_right_arithmetic3A_513 : i32 to vector<16xi32>
      %shift_right_arithmetic3A_515 = arith.shrsi %sort3A_473, %shift_right_arithmetic3A_514 : vector<16xi32>
      %shift_right_arithmetic3A_516 = arith.constant 12 : i32
      %shift_right_arithmetic3A_517 = vector.broadcast %shift_right_arithmetic3A_516 : i32 to vector<16xi32>
      %shift_right_arithmetic3A_518 = arith.shrsi %gather3A_512, %shift_right_arithmetic3A_517 : vector<16xi32>
      %ne3A_519 = arith.cmpi ne, %shift_right_arithmetic3A_515, %shift_right_arithmetic3A_518 : vector<16xi32>
      %or3A_520 = arith.ori %ne3A_519, %eq3A_52 : vector<16xi1>
      %shift_right_arithmetic3A_521 = arith.constant 12 : i32
      %shift_right_arithmetic3A_522 = vector.broadcast %shift_right_arithmetic3A_521 : i32 to vector<16xi32>
      %shift_right_arithmetic3A_523 = arith.shrsi %sort3A_473, %shift_right_arithmetic3A_522 : vector<16xi32>
      %and3A_524 = arith.constant 4095 : i32
      %and3A_525 = vector.broadcast %and3A_524 : i32 to vector<16xi32>
      %and3A_526 = arith.andi %sort3A_473, %and3A_525 : vector<16xi32>
      tpu.vector_store_idx %arg5[%shift_right_arithmetic3A_523], %and3A_526 masked %or3A_520 : memref<100000xi32, #tpu.memory_space<vmem>>[vector<16xi32>], vector<16xi32>, vector<16xi1>
      scf.yield %sort3A_508 : vector<16xi32>
    }
    %scan3A_140 = arith.constant 64 : i32
    %scan3A_141 = arith.constant 192 : i32
    %scan3A_142 = arith.constant 64 : i32
    %scan3A_143 = arith.addi %scan3A_141, %scan3A_142 : i32
    %scan3A_144 = arith.constant 2 : i32
    %scan3A_145 = scf.for %scan3A_457 = %scan3A_141 to %scan3A_143 step %scan3A_144 iter_args(%scan3A_458 = %scan3A_139) -> (vector<16xi32>)  : i32 {
      %mul3A_459 = arith.constant 16 : i32
      %mul3A_460 = arith.muli %scan3A_457, %mul3A_459 : i32
      %get3A_461 = arith.index_cast %mul3A_460 : i32 to index
      %get3A_462 = tpu.vector_load %arg6[%get3A_461] {strides = array<i32>} : memref<4096xi32, #tpu.memory_space<vmem>>, vector<16xi32>,
      %shift_left3A_463 = arith.constant 12 : i32
      %shift_left3A_464 = vector.broadcast %shift_left3A_463 : i32 to vector<16xi32>
      %shift_left3A_465 = arith.shli %get3A_462, %shift_left3A_464 : vector<16xi32>
      %mul3A_466 = arith.constant 16 : i32
      %mul3A_467 = arith.muli %scan3A_457, %mul3A_466 : i32
      %add3A_468 = vector.broadcast %mul3A_467 : i32 to vector<16xi32>
      %add3A_469 = arith.addi %iota3A, %add3A_468 : vector<16xi32>
      %or3A_470 = arith.ori %shift_left3A_465, %add3A_469 : vector<16xi32>
      %sort3A_471 = arith.constant dense<true> : vector<16xi1>
      %sort3A_472, %sort3A_473, %sort3A_474 = tpu.sort %or3A_470, %or3A_470 masked %sort3A_471 : (vector<16xi32>, vector<16xi32>, vector<16xi1>) -> (vector<16xi1>, vector<16xi32>, vector<16xi32>)
      %reshape3A_475 = vector.shape_cast %and3A_50 : vector<16xi32> to vector<16x1xi32>
      %gather3A_476 = vector.shape_cast %reshape3A_475 : vector<16x1xi32> to vector<16xi32>
      %gather3A_477 = tpu.dynamic_gather %scan3A_458[%gather3A_476] in [0] : vector<16xi32>, vector<16xi32> -> vector<16xi32>
      %shift_right_arithmetic3A_478 = arith.constant 12 : i32
      %shift_right_arithmetic3A_479 = vector.broadcast %shift_right_arithmetic3A_478 : i32 to vector<16xi32>
      %shift_right_arithmetic3A_480 = arith.shrsi %scan3A_458, %shift_right_arithmetic3A_479 : vector<16xi32>
      %shift_right_arithmetic3A_481 = arith.constant 12 : i32
      %shift_right_arithmetic3A_482 = vector.broadcast %shift_right_arithmetic3A_481 : i32 to vector<16xi32>
      %shift_right_arithmetic3A_483 = arith.shrsi %gather3A_477, %shift_right_arithmetic3A_482 : vector<16xi32>
      %ne3A_484 = arith.cmpi ne, %shift_right_arithmetic3A_480, %shift_right_arithmetic3A_483 : vector<16xi32>
      %or3A_485 = arith.ori %ne3A_484, %eq3A_52 : vector<16xi1>
      %shift_right_arithmetic3A_486 = arith.constant 12 : i32
      %shift_right_arithmetic3A_487 = vector.broadcast %shift_right_arithmetic3A_486 : i32 to vector<16xi32>
      %shift_right_arithmetic3A_488 = arith.shrsi %scan3A_458, %shift_right_arithmetic3A_487 : vector<16xi32>
      %and3A_489 = arith.constant 4095 : i32
      %and3A_490 = vector.broadcast %and3A_489 : i32 to vector<16xi32>
      %and3A_491 = arith.andi %scan3A_458, %and3A_490 : vector<16xi32>
      tpu.vector_store_idx %arg5[%shift_right_arithmetic3A_488], %and3A_491 masked %or3A_485 : memref<100000xi32, #tpu.memory_space<vmem>>[vector<16xi32>], vector<16xi32>, vector<16xi1>
      %scan3A_492 = arith.constant 1 : i32
      %scan3A_493 = arith.addi %scan3A_457, %scan3A_492 : i32
      %mul3A_494 = arith.constant 16 : i32
      %mul3A_495 = arith.muli %scan3A_493, %mul3A_494 : i32
      %get3A_496 = arith.index_cast %mul3A_495 : i32 to index
      %get3A_497 = tpu.vector_load %arg6[%get3A_496] {strides = array<i32>} : memref<4096xi32, #tpu.memory_space<vmem>>, vector<16xi32>,
      %shift_left3A_498 = arith.constant 12 : i32
      %shift_left3A_499 = vector.broadcast %shift_left3A_498 : i32 to vector<16xi32>
      %shift_left3A_500 = arith.shli %get3A_497, %shift_left3A_499 : vector<16xi32>
      %mul3A_501 = arith.constant 16 : i32
      %mul3A_502 = arith.muli %scan3A_493, %mul3A_501 : i32
      %add3A_503 = vector.broadcast %mul3A_502 : i32 to vector<16xi32>
      %add3A_504 = arith.addi %iota3A, %add3A_503 : vector<16xi32>
      %or3A_505 = arith.ori %shift_left3A_500, %add3A_504 : vector<16xi32>
      %sort3A_506 = arith.constant dense<true> : vector<16xi1>
      %sort3A_507, %sort3A_508, %sort3A_509 = tpu.sort %or3A_505, %or3A_505 masked %sort3A_506 : (vector<16xi32>, vector<16xi32>, vector<16xi1>) -> (vector<16xi1>, vector<16xi32>, vector<16xi32>)
      %reshape3A_510 = vector.shape_cast %and3A_50 : vector<16xi32> to vector<16x1xi32>
      %gather3A_511 = vector.shape_cast %reshape3A_510 : vector<16x1xi32> to vector<16xi32>
      %gather3A_512 = tpu.dynamic_gather %sort3A_473[%gather3A_511] in [0] : vector<16xi32>, vector<16xi32> -> vector<16xi32>
      %shift_right_arithmetic3A_513 = arith.constant 12 : i32
      %shift_right_arithmetic3A_514 = vector.broadcast %shift_right_arithmetic3A_513 : i32 to vector<16xi32>
      %shift_right_arithmetic3A_515 = arith.shrsi %sort3A_473, %shift_right_arithmetic3A_514 : vector<16xi32>
      %shift_right_arithmetic3A_516 = arith.constant 12 : i32
      %shift_right_arithmetic3A_517 = vector.broadcast %shift_right_arithmetic3A_516 : i32 to vector<16xi32>
      %shift_right_arithmetic3A_518 = arith.shrsi %gather3A_512, %shift_right_arithmetic3A_517 : vector<16xi32>
      %ne3A_519 = arith.cmpi ne, %shift_right_arithmetic3A_515, %shift_right_arithmetic3A_518 : vector<16xi32>
      %or3A_520 = arith.ori %ne3A_519, %eq3A_52 : vector<16xi1>
      %shift_right_arithmetic3A_521 = arith.constant 12 : i32
      %shift_right_arithmetic3A_522 = vector.broadcast %shift_right_arithmetic3A_521 : i32 to vector<16xi32>
      %shift_right_arithmetic3A_523 = arith.shrsi %sort3A_473, %shift_right_arithmetic3A_522 : vector<16xi32>
      %and3A_524 = arith.constant 4095 : i32
      %and3A_525 = vector.broadcast %and3A_524 : i32 to vector<16xi32>
      %and3A_526 = arith.andi %sort3A_473, %and3A_525 : vector<16xi32>
      tpu.vector_store_idx %arg5[%shift_right_arithmetic3A_523], %and3A_526 masked %or3A_520 : memref<100000xi32, #tpu.memory_space<vmem>>[vector<16xi32>], vector<16xi32>, vector<16xi1>
      scf.yield %sort3A_508 : vector<16xi32>
    }
    %scan3A_146 = arith.constant 64 : i32
    %reshape3A_147 = vector.shape_cast %and3A_50 : vector<16xi32> to vector<16x1xi32>
    %gather3A_148 = vector.shape_cast %reshape3A_147 : vector<16x1xi32> to vector<16xi32>
    %gather3A_149 = tpu.dynamic_gather %scan3A_145[%gather3A_148] in [0] : vector<16xi32>, vector<16xi32> -> vector<16xi32>
    %shift_right_arithmetic3A_150 = arith.constant 12 : i32
    %shift_right_arithmetic3A_151 = vector.broadcast %shift_right_arithmetic3A_150 : i32 to vector<16xi32>
    %shift_right_arithmetic3A_152 = arith.shrsi %scan3A_145, %shift_right_arithmetic3A_151 : vector<16xi32>
    %shift_right_arithmetic3A_153 = arith.constant 12 : i32
    %shift_right_arithmetic3A_154 = vector.broadcast %shift_right_arithmetic3A_153 : i32 to vector<16xi32>
    %shift_right_arithmetic3A_155 = arith.shrsi %gather3A_149, %shift_right_arithmetic3A_154 : vector<16xi32>
    %ne3A_156 = arith.cmpi ne, %shift_right_arithmetic3A_152, %shift_right_arithmetic3A_155 : vector<16xi32>
    %or3A_157 = arith.ori %ne3A_156, %eq3A_52 : vector<16xi1>
    %shift_right_arithmetic3A_158 = arith.constant 12 : i32
    %shift_right_arithmetic3A_159 = vector.broadcast %shift_right_arithmetic3A_158 : i32 to vector<16xi32>
    %shift_right_arithmetic3A_160 = arith.shrsi %scan3A_145, %shift_right_arithmetic3A_159 : vector<16xi32>
    %and3A_161 = arith.constant 4095 : i32
    %and3A_162 = vector.broadcast %and3A_161 : i32 to vector<16xi32>
    %and3A_163 = arith.andi %scan3A_145, %and3A_162 : vector<16xi32>
    tpu.vector_store_idx %arg5[%shift_right_arithmetic3A_160], %and3A_163 masked %or3A_157 : memref<100000xi32, #tpu.memory_space<vmem>>[vector<16xi32>], vector<16xi32>, vector<16xi1>
    "tpu.trace_stop"() : () -> ()
    "tpu.trace_start"() <{level = 10 : i32, message = "p_w"}> : () -> ()
    %scan3A_164 = arith.constant 0 : i32
    %scan3A_165 = arith.constant 0 : i32
    %scan3A_166 = arith.constant 8 : i32
    %scan3A_167 = arith.addi %scan3A_165, %scan3A_166 : i32
    %scan3A_168 = arith.constant 4 : i32
    scf.for %scan3A_457 = %scan3A_165 to %scan3A_167 step %scan3A_168  : i32 {
      %mul3A_458 = arith.constant 16 : i32
      %mul3A_459 = arith.muli %scan3A_457, %mul3A_458 : i32
      %add3A_460 = arith.addi %mul3A_2, %mul3A_459 : i32
      %get3A_461 = arith.index_cast %add3A_460 : i32 to index
      %get3A_462 = tpu.vector_load %arg6[%get3A_461] {strides = array<i32>} : memref<4096xi32, #tpu.memory_space<vmem>>, vector<16xi32>,
      %gather3A_463 = tpu.vector_load_idx %arg5[%get3A_462] : memref<100000xi32, #tpu.memory_space<vmem>>[vector<16xi32>], vector<16xi32>,
      %mul3A_464 = arith.constant 16 : i32
      %mul3A_465 = arith.muli %scan3A_457, %mul3A_464 : i32
      %swap3A = arith.index_cast %mul3A_465 : i32 to index
      %swap3A_466 = tpu.vector_load %arg7[%swap3A] {strides = array<i32>} : memref<128xi32, #tpu.memory_space<vmem>>, vector<16xi32>,
      tpu.vector_store %arg7[%swap3A], %gather3A_463 {strides = array<i32>} : memref<128xi32, #tpu.memory_space<vmem>>, vector<16xi32>,
      %scan3A_467 = arith.constant 1 : i32
      %scan3A_468 = arith.addi %scan3A_457, %scan3A_467 : i32
      %mul3A_469 = arith.constant 16 : i32
      %mul3A_470 = arith.muli %scan3A_468, %mul3A_469 : i32
      %add3A_471 = arith.addi %mul3A_2, %mul3A_470 : i32
      %get3A_472 = arith.index_cast %add3A_471 : i32 to index
      %get3A_473 = tpu.vector_load %arg6[%get3A_472] {strides = array<i32>} : memref<4096xi32, #tpu.memory_space<vmem>>, vector<16xi32>,
      %gather3A_474 = tpu.vector_load_idx %arg5[%get3A_473] : memref<100000xi32, #tpu.memory_space<vmem>>[vector<16xi32>], vector<16xi32>,
      %mul3A_475 = arith.constant 16 : i32
      %mul3A_476 = arith.muli %scan3A_468, %mul3A_475 : i32
      %swap3A_477 = arith.index_cast %mul3A_476 : i32 to index
      %swap3A_478 = tpu.vector_load %arg7[%swap3A_477] {strides = array<i32>} : memref<128xi32, #tpu.memory_space<vmem>>, vector<16xi32>,
      tpu.vector_store %arg7[%swap3A_477], %gather3A_474 {strides = array<i32>} : memref<128xi32, #tpu.memory_space<vmem>>, vector<16xi32>,
      %scan3A_479 = arith.constant 2 : i32
      %scan3A_480 = arith.addi %scan3A_457, %scan3A_479 : i32
      %mul3A_481 = arith.constant 16 : i32
      %mul3A_482 = arith.muli %scan3A_480, %mul3A_481 : i32
      %add3A_483 = arith.addi %mul3A_2, %mul3A_482 : i32
      %get3A_484 = arith.index_cast %add3A_483 : i32 to index
      %get3A_485 = tpu.vector_load %arg6[%get3A_484] {strides = array<i32>} : memref<4096xi32, #tpu.memory_space<vmem>>, vector<16xi32>,
      %gather3A_486 = tpu.vector_load_idx %arg5[%get3A_485] : memref<100000xi32, #tpu.memory_space<vmem>>[vector<16xi32>], vector<16xi32>,
      %mul3A_487 = arith.constant 16 : i32
      %mul3A_488 = arith.muli %scan3A_480, %mul3A_487 : i32
      %swap3A_489 = arith.index_cast %mul3A_488 : i32 to index
      %swap3A_490 = tpu.vector_load %arg7[%swap3A_489] {strides = array<i32>} : memref<128xi32, #tpu.memory_space<vmem>>, vector<16xi32>,
      tpu.vector_store %arg7[%swap3A_489], %gather3A_486 {strides = array<i32>} : memref<128xi32, #tpu.memory_space<vmem>>, vector<16xi32>,
      %scan3A_491 = arith.constant 3 : i32
      %scan3A_492 = arith.addi %scan3A_457, %scan3A_491 : i32
      %mul3A_493 = arith.constant 16 : i32
      %mul3A_494 = arith.muli %scan3A_492, %mul3A_493 : i32
      %add3A_495 = arith.addi %mul3A_2, %mul3A_494 : i32
      %get3A_496 = arith.index_cast %add3A_495 : i32 to index
      %get3A_497 = tpu.vector_load %arg6[%get3A_496] {strides = array<i32>} : memref<4096xi32, #tpu.memory_space<vmem>>, vector<16xi32>,
      %gather3A_498 = tpu.vector_load_idx %arg5[%get3A_497] : memref<100000xi32, #tpu.memory_space<vmem>>[vector<16xi32>], vector<16xi32>,
      %mul3A_499 = arith.constant 16 : i32
      %mul3A_500 = arith.muli %scan3A_492, %mul3A_499 : i32
      %swap3A_501 = arith.index_cast %mul3A_500 : i32 to index
      %swap3A_502 = tpu.vector_load %arg7[%swap3A_501] {strides = array<i32>} : memref<128xi32, #tpu.memory_space<vmem>>, vector<16xi32>,
      tpu.vector_store %arg7[%swap3A_501], %gather3A_498 {strides = array<i32>} : memref<128xi32, #tpu.memory_space<vmem>>, vector<16xi32>,
    }
    %scan3A_169 = arith.constant 8 : i32
    "tpu.trace_stop"() : () -> ()
    %xor3A = arith.constant 1 : i32
    %xor3A_170 = vector.broadcast %xor3A : i32 to vector<16xi32>
    %xor3A_171 = arith.xori %iota3A, %xor3A_170 : vector<16xi32>
    %xor3A_172 = arith.constant 2 : i32
    %xor3A_173 = vector.broadcast %xor3A_172 : i32 to vector<16xi32>
    %xor3A_174 = arith.xori %iota3A, %xor3A_173 : vector<16xi32>
    %xor3A_175 = arith.constant 4 : i32
    %xor3A_176 = vector.broadcast %xor3A_175 : i32 to vector<16xi32>
    %xor3A_177 = arith.xori %iota3A, %xor3A_176 : vector<16xi32>
    %xor3A_178 = arith.constant 8 : i32
    %xor3A_179 = vector.broadcast %xor3A_178 : i32 to vector<16xi32>
    %xor3A_180 = arith.xori %iota3A, %xor3A_179 : vector<16xi32>
    %dma_start3A_181 = arith.constant 0 : i32
    %dma_start3A_182 = tpu.memref_slice %arg7[%dma_start3A_181] : memref<128xi32, #tpu.memory_space<vmem>> -> memref<16xi32, #tpu.memory_space<vmem>>
    %dma_start3A_183 = arith.constant 0 : i32
    %dma_start3A_184 = arith.constant 0 : i32
    %dma_start3A_185 = tpu.memref_slice %arg2[%dma_start3A_183, %dma_start3A_184] : memref<4096x128xf32, #tpu.memory_space<hbm>> -> memref<4096x128xf32, #tpu.memory_space<hbm>>
    tpu.enqueue_indirect_dma source(%dma_start3A_185 : memref<4096x128xf32, #tpu.memory_space<hbm>>) target(%arg10 : memref<16x128xf32, #tpu.memory_space<vmem>>) offsets(%dma_start3A_182 : memref<16xi32, #tpu.memory_space<vmem>>) semaphore(%arg16 : memref<!tpu.dma_semaphore, #tpu.memory_space<semaphore_mem>>)
    %dma_start3A_186 = arith.constant 16 : i32
    %dma_start3A_187 = tpu.memref_slice %arg7[%dma_start3A_186] : memref<128xi32, #tpu.memory_space<vmem>> -> memref<16xi32, #tpu.memory_space<vmem>>
    %dma_start3A_188 = arith.constant 0 : i32
    %dma_start3A_189 = arith.constant 0 : i32
    %dma_start3A_190 = tpu.memref_slice %arg2[%dma_start3A_188, %dma_start3A_189] : memref<4096x128xf32, #tpu.memory_space<hbm>> -> memref<4096x128xf32, #tpu.memory_space<hbm>>
    tpu.enqueue_indirect_dma source(%dma_start3A_190 : memref<4096x128xf32, #tpu.memory_space<hbm>>) target(%arg11 : memref<16x128xf32, #tpu.memory_space<vmem>>) offsets(%dma_start3A_187 : memref<16xi32, #tpu.memory_space<vmem>>) semaphore(%arg17 : memref<!tpu.dma_semaphore, #tpu.memory_space<semaphore_mem>>)
    %add3A_191 = arith.constant 0 : i32
    %add3A_192 = arith.addi %mul3A_2, %add3A_191 : i32
    "tpu.trace_start"() <{level = 10 : i32, message = "p_wait_in"}> : () -> ()
    %dma_wait3A_193 = arith.constant 0 : i32
    %dma_wait3A_194 = tpu.memref_slice %arg2[%add3A_4, %dma_wait3A_193] : memref<4096x128xf32, #tpu.memory_space<hbm>> -> memref<16x128xf32, #tpu.memory_space<hbm>>
    %dma_wait3A_195 = arith.constant 0 : i32
    %dma_wait3A_196 = tpu.memref_slice %arg2[%add3A_4, %dma_wait3A_195] : memref<4096x128xf32, #tpu.memory_space<hbm>> -> memref<16x128xf32, #tpu.memory_space<hbm>>
    tpu.wait_dma2 semaphore(%arg14 : memref<!tpu.dma_semaphore, #tpu.memory_space<semaphore_mem>>) src(%dma_wait3A_196 : memref<16x128xf32, #tpu.memory_space<hbm>>) dst(%arg8 : memref<16x128xf32, #tpu.memory_space<vmem>>)
    %dma_wait3A_197 = arith.constant 0 : i32
    %dma_wait3A_198 = tpu.memref_slice %arg7[%dma_wait3A_197] : memref<128xi32, #tpu.memory_space<vmem>> -> memref<16xi32, #tpu.memory_space<vmem>>
    %dma_wait3A_199 = arith.constant 0 : i32
    %dma_wait3A_200 = arith.constant 0 : i32
    %dma_wait3A_201 = tpu.memref_slice %arg2[%dma_wait3A_199, %dma_wait3A_200] : memref<4096x128xf32, #tpu.memory_space<hbm>> -> memref<4096x128xf32, #tpu.memory_space<hbm>>
    tpu.wait_indirect_dma semaphore(%arg16 : memref<!tpu.dma_semaphore, #tpu.memory_space<semaphore_mem>>) src(%dma_wait3A_201 : memref<4096x128xf32, #tpu.memory_space<hbm>>) dst(%arg10 : memref<16x128xf32, #tpu.memory_space<vmem>>)
    "tpu.trace_stop"() : () -> ()
    "tpu.trace_start"() <{level = 10 : i32, message = "p_norm"}> : () -> ()
    %scan3A_202 = arith.constant 0 : i32
    %scan3A_203 = arith.constant 0 : i32
    %scan3A_204 = arith.constant 16 : i32
    %scan3A_205 = arith.addi %scan3A_203, %scan3A_204 : i32
    %scan3A_206 = arith.constant 1 : i32
    scf.for %scan3A_457 = %scan3A_203 to %scan3A_205 step %scan3A_206  : i32 {
      %get3A_458 = arith.index_cast %scan3A_457 : i32 to index
      %get3A_459 = arith.constant 0 : index
      %get3A_460 = tpu.vector_load %arg8[%get3A_458, %get3A_459] {strides = array<i32>} : memref<16x128xf32, #tpu.memory_space<vmem>>, vector<16xf32>,
      %get3A_461 = arith.index_cast %scan3A_457 : i32 to index
      %get3A_462 = arith.constant 16 : index
      %get3A_463 = tpu.vector_load %arg8[%get3A_461, %get3A_462] {strides = array<i32>} : memref<16x128xf32, #tpu.memory_space<vmem>>, vector<16xf32>,
      %get3A_464 = arith.index_cast %scan3A_457 : i32 to index
      %get3A_465 = arith.constant 32 : index
      %get3A_466 = tpu.vector_load %arg8[%get3A_464, %get3A_465] {strides = array<i32>} : memref<16x128xf32, #tpu.memory_space<vmem>>, vector<16xf32>,
      %get3A_467 = arith.index_cast %scan3A_457 : i32 to index
      %get3A_468 = arith.constant 48 : index
      %get3A_469 = tpu.vector_load %arg8[%get3A_467, %get3A_468] {strides = array<i32>} : memref<16x128xf32, #tpu.memory_space<vmem>>, vector<16xf32>,
      %get3A_470 = arith.index_cast %scan3A_457 : i32 to index
      %get3A_471 = arith.constant 64 : index
      %get3A_472 = tpu.vector_load %arg8[%get3A_470, %get3A_471] {strides = array<i32>} : memref<16x128xf32, #tpu.memory_space<vmem>>, vector<16xf32>,
      %get3A_473 = arith.index_cast %scan3A_457 : i32 to index
      %get3A_474 = arith.constant 80 : index
      %get3A_475 = tpu.vector_load %arg8[%get3A_473, %get3A_474] {strides = array<i32>} : memref<16x128xf32, #tpu.memory_space<vmem>>, vector<16xf32>,
      %get3A_476 = arith.index_cast %scan3A_457 : i32 to index
      %get3A_477 = arith.constant 96 : index
      %get3A_478 = tpu.vector_load %arg8[%get3A_476, %get3A_477] {strides = array<i32>} : memref<16x128xf32, #tpu.memory_space<vmem>>, vector<16xf32>,
      %get3A_479 = arith.index_cast %scan3A_457 : i32 to index
      %get3A_480 = arith.constant 112 : index
      %get3A_481 = tpu.vector_load %arg8[%get3A_479, %get3A_480] {strides = array<i32>} : memref<16x128xf32, #tpu.memory_space<vmem>>, vector<16xf32>,
      %get3A_482 = arith.index_cast %scan3A_457 : i32 to index
      %get3A_483 = arith.constant 0 : index
      %get3A_484 = tpu.vector_load %arg10[%get3A_482, %get3A_483] {strides = array<i32>} : memref<16x128xf32, #tpu.memory_space<vmem>>, vector<16xf32>,
      %get3A_485 = arith.index_cast %scan3A_457 : i32 to index
      %get3A_486 = arith.constant 16 : index
      %get3A_487 = tpu.vector_load %arg10[%get3A_485, %get3A_486] {strides = array<i32>} : memref<16x128xf32, #tpu.memory_space<vmem>>, vector<16xf32>,
      %get3A_488 = arith.index_cast %scan3A_457 : i32 to index
      %get3A_489 = arith.constant 32 : index
      %get3A_490 = tpu.vector_load %arg10[%get3A_488, %get3A_489] {strides = array<i32>} : memref<16x128xf32, #tpu.memory_space<vmem>>, vector<16xf32>,
      %get3A_491 = arith.index_cast %scan3A_457 : i32 to index
      %get3A_492 = arith.constant 48 : index
      %get3A_493 = tpu.vector_load %arg10[%get3A_491, %get3A_492] {strides = array<i32>} : memref<16x128xf32, #tpu.memory_space<vmem>>, vector<16xf32>,
      %get3A_494 = arith.index_cast %scan3A_457 : i32 to index
      %get3A_495 = arith.constant 64 : index
      %get3A_496 = tpu.vector_load %arg10[%get3A_494, %get3A_495] {strides = array<i32>} : memref<16x128xf32, #tpu.memory_space<vmem>>, vector<16xf32>,
      %get3A_497 = arith.index_cast %scan3A_457 : i32 to index
      %get3A_498 = arith.constant 80 : index
      %get3A_499 = tpu.vector_load %arg10[%get3A_497, %get3A_498] {strides = array<i32>} : memref<16x128xf32, #tpu.memory_space<vmem>>, vector<16xf32>,
      %get3A_500 = arith.index_cast %scan3A_457 : i32 to index
      %get3A_501 = arith.constant 96 : index
      %get3A_502 = tpu.vector_load %arg10[%get3A_500, %get3A_501] {strides = array<i32>} : memref<16x128xf32, #tpu.memory_space<vmem>>, vector<16xf32>,
      %get3A_503 = arith.index_cast %scan3A_457 : i32 to index
      %get3A_504 = arith.constant 112 : index
      %get3A_505 = tpu.vector_load %arg10[%get3A_503, %get3A_504] {strides = array<i32>} : memref<16x128xf32, #tpu.memory_space<vmem>>, vector<16xf32>,
      %mul3A_506 = arith.mulf %get3A_460, %get3A_460 : vector<16xf32>
      %mul3A_507 = arith.mulf %get3A_472, %get3A_472 : vector<16xf32>
      %mul3A_508 = arith.mulf %get3A_484, %get3A_484 : vector<16xf32>
      %mul3A_509 = arith.mulf %get3A_496, %get3A_496 : vector<16xf32>
      %mul3A_510 = arith.mulf %get3A_463, %get3A_463 : vector<16xf32>
      %mul3A_511 = arith.mulf %get3A_475, %get3A_475 : vector<16xf32>
      %mul3A_512 = arith.mulf %get3A_487, %get3A_487 : vector<16xf32>
      %mul3A_513 = arith.mulf %get3A_499, %get3A_499 : vector<16xf32>
      %add3A_514 = arith.addf %mul3A_506, %mul3A_510 : vector<16xf32>
      %add3A_515 = arith.addf %mul3A_507, %mul3A_511 : vector<16xf32>
      %add3A_516 = arith.addf %mul3A_508, %mul3A_512 : vector<16xf32>
      %add3A_517 = arith.addf %mul3A_509, %mul3A_513 : vector<16xf32>
      %mul3A_518 = arith.mulf %get3A_466, %get3A_466 : vector<16xf32>
      %mul3A_519 = arith.mulf %get3A_478, %get3A_478 : vector<16xf32>
      %mul3A_520 = arith.mulf %get3A_490, %get3A_490 : vector<16xf32>
      %mul3A_521 = arith.mulf %get3A_502, %get3A_502 : vector<16xf32>
      %add3A_522 = arith.addf %add3A_514, %mul3A_518 : vector<16xf32>
      %add3A_523 = arith.addf %add3A_515, %mul3A_519 : vector<16xf32>
      %add3A_524 = arith.addf %add3A_516, %mul3A_520 : vector<16xf32>
      %add3A_525 = arith.addf %add3A_517, %mul3A_521 : vector<16xf32>
      %mul3A_526 = arith.mulf %get3A_469, %get3A_469 : vector<16xf32>
      %mul3A_527 = arith.mulf %get3A_481, %get3A_481 : vector<16xf32>
      %mul3A_528 = arith.mulf %get3A_493, %get3A_493 : vector<16xf32>
      %mul3A_529 = arith.mulf %get3A_505, %get3A_505 : vector<16xf32>
      %add3A_530 = arith.addf %add3A_522, %mul3A_526 : vector<16xf32>
      %add3A_531 = arith.addf %add3A_523, %mul3A_527 : vector<16xf32>
      %add3A_532 = arith.addf %add3A_524, %mul3A_528 : vector<16xf32>
      %add3A_533 = arith.addf %add3A_525, %mul3A_529 : vector<16xf32>
      %reshape3A_534 = vector.shape_cast %xor3A_171 : vector<16xi32> to vector<16x1xi32>
      %gather3A_535 = vector.shape_cast %reshape3A_534 : vector<16x1xi32> to vector<16xi32>
      %gather3A_536 = tpu.dynamic_gather %add3A_530[%gather3A_535] in [0] : vector<16xf32>, vector<16xi32> -> vector<16xf32>
      %reshape3A_537 = vector.shape_cast %xor3A_171 : vector<16xi32> to vector<16x1xi32>
      %gather3A_538 = vector.shape_cast %reshape3A_537 : vector<16x1xi32> to vector<16xi32>
      %gather3A_539 = tpu.dynamic_gather %add3A_531[%gather3A_538] in [0] : vector<16xf32>, vector<16xi32> -> vector<16xf32>
      %reshape3A_540 = vector.shape_cast %xor3A_171 : vector<16xi32> to vector<16x1xi32>
      %gather3A_541 = vector.shape_cast %reshape3A_540 : vector<16x1xi32> to vector<16xi32>
      %gather3A_542 = tpu.dynamic_gather %add3A_532[%gather3A_541] in [0] : vector<16xf32>, vector<16xi32> -> vector<16xf32>
      %reshape3A_543 = vector.shape_cast %xor3A_171 : vector<16xi32> to vector<16x1xi32>
      %gather3A_544 = vector.shape_cast %reshape3A_543 : vector<16x1xi32> to vector<16xi32>
      %gather3A_545 = tpu.dynamic_gather %add3A_533[%gather3A_544] in [0] : vector<16xf32>, vector<16xi32> -> vector<16xf32>
      %add3A_546 = arith.addf %add3A_530, %gather3A_536 : vector<16xf32>
      %add3A_547 = arith.addf %add3A_531, %gather3A_539 : vector<16xf32>
      %add3A_548 = arith.addf %add3A_532, %gather3A_542 : vector<16xf32>
      %add3A_549 = arith.addf %add3A_533, %gather3A_545 : vector<16xf32>
      %reshape3A_550 = vector.shape_cast %xor3A_174 : vector<16xi32> to vector<16x1xi32>
      %gather3A_551 = vector.shape_cast %reshape3A_550 : vector<16x1xi32> to vector<16xi32>
      %gather3A_552 = tpu.dynamic_gather %add3A_546[%gather3A_551] in [0] : vector<16xf32>, vector<16xi32> -> vector<16xf32>
      %reshape3A_553 = vector.shape_cast %xor3A_174 : vector<16xi32> to vector<16x1xi32>
      %gather3A_554 = vector.shape_cast %reshape3A_553 : vector<16x1xi32> to vector<16xi32>
      %gather3A_555 = tpu.dynamic_gather %add3A_547[%gather3A_554] in [0] : vector<16xf32>, vector<16xi32> -> vector<16xf32>
      %reshape3A_556 = vector.shape_cast %xor3A_174 : vector<16xi32> to vector<16x1xi32>
      %gather3A_557 = vector.shape_cast %reshape3A_556 : vector<16x1xi32> to vector<16xi32>
      %gather3A_558 = tpu.dynamic_gather %add3A_548[%gather3A_557] in [0] : vector<16xf32>, vector<16xi32> -> vector<16xf32>
      %reshape3A_559 = vector.shape_cast %xor3A_174 : vector<16xi32> to vector<16x1xi32>
      %gather3A_560 = vector.shape_cast %reshape3A_559 : vector<16x1xi32> to vector<16xi32>
      %gather3A_561 = tpu.dynamic_gather %add3A_549[%gather3A_560] in [0] : vector<16xf32>, vector<16xi32> -> vector<16xf32>
      %add3A_562 = arith.addf %add3A_546, %gather3A_552 : vector<16xf32>
      %add3A_563 = arith.addf %add3A_547, %gather3A_555 : vector<16xf32>
      %add3A_564 = arith.addf %add3A_548, %gather3A_558 : vector<16xf32>
      %add3A_565 = arith.addf %add3A_549, %gather3A_561 : vector<16xf32>
      %reshape3A_566 = vector.shape_cast %xor3A_177 : vector<16xi32> to vector<16x1xi32>
      %gather3A_567 = vector.shape_cast %reshape3A_566 : vector<16x1xi32> to vector<16xi32>
      %gather3A_568 = tpu.dynamic_gather %add3A_562[%gather3A_567] in [0] : vector<16xf32>, vector<16xi32> -> vector<16xf32>
      %reshape3A_569 = vector.shape_cast %xor3A_177 : vector<16xi32> to vector<16x1xi32>
      %gather3A_570 = vector.shape_cast %reshape3A_569 : vector<16x1xi32> to vector<16xi32>
      %gather3A_571 = tpu.dynamic_gather %add3A_563[%gather3A_570] in [0] : vector<16xf32>, vector<16xi32> -> vector<16xf32>
      %reshape3A_572 = vector.shape_cast %xor3A_177 : vector<16xi32> to vector<16x1xi32>
      %gather3A_573 = vector.shape_cast %reshape3A_572 : vector<16x1xi32> to vector<16xi32>
      %gather3A_574 = tpu.dynamic_gather %add3A_564[%gather3A_573] in [0] : vector<16xf32>, vector<16xi32> -> vector<16xf32>
      %reshape3A_575 = vector.shape_cast %xor3A_177 : vector<16xi32> to vector<16x1xi32>
      %gather3A_576 = vector.shape_cast %reshape3A_575 : vector<16x1xi32> to vector<16xi32>
      %gather3A_577 = tpu.dynamic_gather %add3A_565[%gather3A_576] in [0] : vector<16xf32>, vector<16xi32> -> vector<16xf32>
      %add3A_578 = arith.addf %add3A_562, %gather3A_568 : vector<16xf32>
      %add3A_579 = arith.addf %add3A_563, %gather3A_571 : vector<16xf32>
      %add3A_580 = arith.addf %add3A_564, %gather3A_574 : vector<16xf32>
      %add3A_581 = arith.addf %add3A_565, %gather3A_577 : vector<16xf32>
      %reshape3A_582 = vector.shape_cast %xor3A_180 : vector<16xi32> to vector<16x1xi32>
      %gather3A_583 = vector.shape_cast %reshape3A_582 : vector<16x1xi32> to vector<16xi32>
      %gather3A_584 = tpu.dynamic_gather %add3A_578[%gather3A_583] in [0] : vector<16xf32>, vector<16xi32> -> vector<16xf32>
      %reshape3A_585 = vector.shape_cast %xor3A_180 : vector<16xi32> to vector<16x1xi32>
      %gather3A_586 = vector.shape_cast %reshape3A_585 : vector<16x1xi32> to vector<16xi32>
      %gather3A_587 = tpu.dynamic_gather %add3A_579[%gather3A_586] in [0] : vector<16xf32>, vector<16xi32> -> vector<16xf32>
      %reshape3A_588 = vector.shape_cast %xor3A_180 : vector<16xi32> to vector<16x1xi32>
      %gather3A_589 = vector.shape_cast %reshape3A_588 : vector<16x1xi32> to vector<16xi32>
      %gather3A_590 = tpu.dynamic_gather %add3A_580[%gather3A_589] in [0] : vector<16xf32>, vector<16xi32> -> vector<16xf32>
      %reshape3A_591 = vector.shape_cast %xor3A_180 : vector<16xi32> to vector<16x1xi32>
      %gather3A_592 = vector.shape_cast %reshape3A_591 : vector<16x1xi32> to vector<16xi32>
      %gather3A_593 = tpu.dynamic_gather %add3A_581[%gather3A_592] in [0] : vector<16xf32>, vector<16xi32> -> vector<16xf32>
      %add3A_594 = arith.addf %add3A_578, %gather3A_584 : vector<16xf32>
      %add3A_595 = arith.addf %add3A_579, %gather3A_587 : vector<16xf32>
      %add3A_596 = arith.addf %add3A_580, %gather3A_590 : vector<16xf32>
      %add3A_597 = arith.addf %add3A_581, %gather3A_593 : vector<16xf32>
      %max3A = arith.constant 1.000000e-24 : f32
      %max3A_598 = vector.broadcast %max3A : f32 to vector<16xf32>
      %max3A_599 = arith.maximumf %add3A_594, %max3A_598 : vector<16xf32>
      %max3A_600 = arith.constant 1.000000e-24 : f32
      %max3A_601 = vector.broadcast %max3A_600 : f32 to vector<16xf32>
      %max3A_602 = arith.maximumf %add3A_595, %max3A_601 : vector<16xf32>
      %max3A_603 = arith.constant 1.000000e-24 : f32
      %max3A_604 = vector.broadcast %max3A_603 : f32 to vector<16xf32>
      %max3A_605 = arith.maximumf %add3A_596, %max3A_604 : vector<16xf32>
      %max3A_606 = arith.constant 1.000000e-24 : f32
      %max3A_607 = vector.broadcast %max3A_606 : f32 to vector<16xf32>
      %max3A_608 = arith.maximumf %add3A_597, %max3A_607 : vector<16xf32>
      %bitcast3A = vector.bitcast %max3A_599 : vector<16xf32> to vector<16xi32>
      %bitcast3A_609 = vector.bitcast %max3A_602 : vector<16xf32> to vector<16xi32>
      %bitcast3A_610 = vector.bitcast %max3A_605 : vector<16xf32> to vector<16xi32>
      %bitcast3A_611 = vector.bitcast %max3A_608 : vector<16xf32> to vector<16xi32>
      %shift_right_arithmetic3A_612 = arith.constant 1 : i32
      %shift_right_arithmetic3A_613 = vector.broadcast %shift_right_arithmetic3A_612 : i32 to vector<16xi32>
      %shift_right_arithmetic3A_614 = arith.shrsi %bitcast3A, %shift_right_arithmetic3A_613 : vector<16xi32>
      %sub3A = arith.constant 1597463007 : i32
      %sub3A_615 = vector.broadcast %sub3A : i32 to vector<16xi32>
      %sub3A_616 = arith.subi %sub3A_615, %shift_right_arithmetic3A_614 : vector<16xi32>
      %bitcast3A_617 = vector.bitcast %sub3A_616 : vector<16xi32> to vector<16xf32>
      %shift_right_arithmetic3A_618 = arith.constant 1 : i32
      %shift_right_arithmetic3A_619 = vector.broadcast %shift_right_arithmetic3A_618 : i32 to vector<16xi32>
      %shift_right_arithmetic3A_620 = arith.shrsi %bitcast3A_609, %shift_right_arithmetic3A_619 : vector<16xi32>
      %sub3A_621 = arith.constant 1597463007 : i32
      %sub3A_622 = vector.broadcast %sub3A_621 : i32 to vector<16xi32>
      %sub3A_623 = arith.subi %sub3A_622, %shift_right_arithmetic3A_620 : vector<16xi32>
      %bitcast3A_624 = vector.bitcast %sub3A_623 : vector<16xi32> to vector<16xf32>
      %shift_right_arithmetic3A_625 = arith.constant 1 : i32
      %shift_right_arithmetic3A_626 = vector.broadcast %shift_right_arithmetic3A_625 : i32 to vector<16xi32>
      %shift_right_arithmetic3A_627 = arith.shrsi %bitcast3A_610, %shift_right_arithmetic3A_626 : vector<16xi32>
      %sub3A_628 = arith.constant 1597463007 : i32
      %sub3A_629 = vector.broadcast %sub3A_628 : i32 to vector<16xi32>
      %sub3A_630 = arith.subi %sub3A_629, %shift_right_arithmetic3A_627 : vector<16xi32>
      %bitcast3A_631 = vector.bitcast %sub3A_630 : vector<16xi32> to vector<16xf32>
      %shift_right_arithmetic3A_632 = arith.constant 1 : i32
      %shift_right_arithmetic3A_633 = vector.broadcast %shift_right_arithmetic3A_632 : i32 to vector<16xi32>
      %shift_right_arithmetic3A_634 = arith.shrsi %bitcast3A_611, %shift_right_arithmetic3A_633 : vector<16xi32>
      %sub3A_635 = arith.constant 1597463007 : i32
      %sub3A_636 = vector.broadcast %sub3A_635 : i32 to vector<16xi32>
      %sub3A_637 = arith.subi %sub3A_636, %shift_right_arithmetic3A_634 : vector<16xi32>
      %bitcast3A_638 = vector.bitcast %sub3A_637 : vector<16xi32> to vector<16xf32>
      %mul3A_639 = arith.constant 5.000000e-01 : f32
      %mul3A_640 = vector.broadcast %mul3A_639 : f32 to vector<16xf32>
      %mul3A_641 = arith.mulf %mul3A_640, %max3A_599 : vector<16xf32>
      %mul3A_642 = arith.constant 5.000000e-01 : f32
      %mul3A_643 = vector.broadcast %mul3A_642 : f32 to vector<16xf32>
      %mul3A_644 = arith.mulf %mul3A_643, %max3A_602 : vector<16xf32>
      %mul3A_645 = arith.constant 5.000000e-01 : f32
      %mul3A_646 = vector.broadcast %mul3A_645 : f32 to vector<16xf32>
      %mul3A_647 = arith.mulf %mul3A_646, %max3A_605 : vector<16xf32>
      %mul3A_648 = arith.constant 5.000000e-01 : f32
      %mul3A_649 = vector.broadcast %mul3A_648 : f32 to vector<16xf32>
      %mul3A_650 = arith.mulf %mul3A_649, %max3A_608 : vector<16xf32>
      %mul3A_651 = arith.mulf %bitcast3A_617, %bitcast3A_617 : vector<16xf32>
      %mul3A_652 = arith.mulf %bitcast3A_624, %bitcast3A_624 : vector<16xf32>
      %mul3A_653 = arith.mulf %bitcast3A_631, %bitcast3A_631 : vector<16xf32>
      %mul3A_654 = arith.mulf %bitcast3A_638, %bitcast3A_638 : vector<16xf32>
      %mul3A_655 = arith.mulf %mul3A_641, %mul3A_651 : vector<16xf32>
      %mul3A_656 = arith.mulf %mul3A_644, %mul3A_652 : vector<16xf32>
      %mul3A_657 = arith.mulf %mul3A_647, %mul3A_653 : vector<16xf32>
      %mul3A_658 = arith.mulf %mul3A_650, %mul3A_654 : vector<16xf32>
      %sub3A_659 = arith.constant 1.500000e+00 : f32
      %sub3A_660 = vector.broadcast %sub3A_659 : f32 to vector<16xf32>
      %sub3A_661 = arith.subf %sub3A_660, %mul3A_655 : vector<16xf32>
      %sub3A_662 = arith.constant 1.500000e+00 : f32
      %sub3A_663 = vector.broadcast %sub3A_662 : f32 to vector<16xf32>
      %sub3A_664 = arith.subf %sub3A_663, %mul3A_656 : vector<16xf32>
      %sub3A_665 = arith.constant 1.500000e+00 : f32
      %sub3A_666 = vector.broadcast %sub3A_665 : f32 to vector<16xf32>
      %sub3A_667 = arith.subf %sub3A_666, %mul3A_657 : vector<16xf32>
      %sub3A_668 = arith.constant 1.500000e+00 : f32
      %sub3A_669 = vector.broadcast %sub3A_668 : f32 to vector<16xf32>
      %sub3A_670 = arith.subf %sub3A_669, %mul3A_658 : vector<16xf32>
      %mul3A_671 = arith.mulf %bitcast3A_617, %sub3A_661 : vector<16xf32>
      %mul3A_672 = arith.mulf %bitcast3A_624, %sub3A_664 : vector<16xf32>
      %mul3A_673 = arith.mulf %bitcast3A_631, %sub3A_667 : vector<16xf32>
      %mul3A_674 = arith.mulf %bitcast3A_638, %sub3A_670 : vector<16xf32>
      %mul3A_675 = arith.mulf %mul3A_671, %mul3A_671 : vector<16xf32>
      %mul3A_676 = arith.mulf %mul3A_672, %mul3A_672 : vector<16xf32>
      %mul3A_677 = arith.mulf %mul3A_673, %mul3A_673 : vector<16xf32>
      %mul3A_678 = arith.mulf %mul3A_674, %mul3A_674 : vector<16xf32>
      %mul3A_679 = arith.mulf %mul3A_641, %mul3A_675 : vector<16xf32>
      %mul3A_680 = arith.mulf %mul3A_644, %mul3A_676 : vector<16xf32>
      %mul3A_681 = arith.mulf %mul3A_647, %mul3A_677 : vector<16xf32>
      %mul3A_682 = arith.mulf %mul3A_650, %mul3A_678 : vector<16xf32>
      %sub3A_683 = arith.constant 1.500000e+00 : f32
      %sub3A_684 = vector.broadcast %sub3A_683 : f32 to vector<16xf32>
      %sub3A_685 = arith.subf %sub3A_684, %mul3A_679 : vector<16xf32>
      %sub3A_686 = arith.constant 1.500000e+00 : f32
      %sub3A_687 = vector.broadcast %sub3A_686 : f32 to vector<16xf32>
      %sub3A_688 = arith.subf %sub3A_687, %mul3A_680 : vector<16xf32>
      %sub3A_689 = arith.constant 1.500000e+00 : f32
      %sub3A_690 = vector.broadcast %sub3A_689 : f32 to vector<16xf32>
      %sub3A_691 = arith.subf %sub3A_690, %mul3A_681 : vector<16xf32>
      %sub3A_692 = arith.constant 1.500000e+00 : f32
      %sub3A_693 = vector.broadcast %sub3A_692 : f32 to vector<16xf32>
      %sub3A_694 = arith.subf %sub3A_693, %mul3A_682 : vector<16xf32>
      %mul3A_695 = arith.mulf %mul3A_671, %sub3A_685 : vector<16xf32>
      %mul3A_696 = arith.mulf %mul3A_672, %sub3A_688 : vector<16xf32>
      %mul3A_697 = arith.mulf %mul3A_673, %sub3A_691 : vector<16xf32>
      %mul3A_698 = arith.mulf %mul3A_674, %sub3A_694 : vector<16xf32>
      %mul3A_699 = arith.mulf %get3A_460, %mul3A_695 : vector<16xf32>
      %swap3A = arith.index_cast %scan3A_457 : i32 to index
      %swap3A_700 = arith.constant 0 : index
      %swap3A_701 = tpu.vector_load %arg12[%swap3A, %swap3A_700] {strides = array<i32>} : memref<16x384xf32, #tpu.memory_space<vmem>>, vector<16xf32>,
      tpu.vector_store %arg12[%swap3A, %swap3A_700], %mul3A_699 {strides = array<i32>} : memref<16x384xf32, #tpu.memory_space<vmem>>, vector<16xf32>,
      %mul3A_702 = arith.mulf %get3A_463, %mul3A_695 : vector<16xf32>
      %swap3A_703 = arith.index_cast %scan3A_457 : i32 to index
      %swap3A_704 = arith.constant 16 : index
      %swap3A_705 = tpu.vector_load %arg12[%swap3A_703, %swap3A_704] {strides = array<i32>} : memref<16x384xf32, #tpu.memory_space<vmem>>, vector<16xf32>,
      tpu.vector_store %arg12[%swap3A_703, %swap3A_704], %mul3A_702 {strides = array<i32>} : memref<16x384xf32, #tpu.memory_space<vmem>>, vector<16xf32>,
      %mul3A_706 = arith.mulf %get3A_466, %mul3A_695 : vector<16xf32>
      %swap3A_707 = arith.index_cast %scan3A_457 : i32 to index
      %swap3A_708 = arith.constant 32 : index
      %swap3A_709 = tpu.vector_load %arg12[%swap3A_707, %swap3A_708] {strides = array<i32>} : memref<16x384xf32, #tpu.memory_space<vmem>>, vector<16xf32>,
      tpu.vector_store %arg12[%swap3A_707, %swap3A_708], %mul3A_706 {strides = array<i32>} : memref<16x384xf32, #tpu.memory_space<vmem>>, vector<16xf32>,
      %mul3A_710 = arith.mulf %get3A_469, %mul3A_695 : vector<16xf32>
      %swap3A_711 = arith.index_cast %scan3A_457 : i32 to index
      %swap3A_712 = arith.constant 48 : index
      %swap3A_713 = tpu.vector_load %arg12[%swap3A_711, %swap3A_712] {strides = array<i32>} : memref<16x384xf32, #tpu.memory_space<vmem>>, vector<16xf32>,
      tpu.vector_store %arg12[%swap3A_711, %swap3A_712], %mul3A_710 {strides = array<i32>} : memref<16x384xf32, #tpu.memory_space<vmem>>, vector<16xf32>,
      %mul3A_714 = arith.mulf %get3A_472, %mul3A_696 : vector<16xf32>
      %swap3A_715 = arith.index_cast %scan3A_457 : i32 to index
      %swap3A_716 = arith.constant 64 : index
      %swap3A_717 = tpu.vector_load %arg12[%swap3A_715, %swap3A_716] {strides = array<i32>} : memref<16x384xf32, #tpu.memory_space<vmem>>, vector<16xf32>,
      tpu.vector_store %arg12[%swap3A_715, %swap3A_716], %mul3A_714 {strides = array<i32>} : memref<16x384xf32, #tpu.memory_space<vmem>>, vector<16xf32>,
      %mul3A_718 = arith.mulf %get3A_475, %mul3A_696 : vector<16xf32>
      %swap3A_719 = arith.index_cast %scan3A_457 : i32 to index
      %swap3A_720 = arith.constant 80 : index
      %swap3A_721 = tpu.vector_load %arg12[%swap3A_719, %swap3A_720] {strides = array<i32>} : memref<16x384xf32, #tpu.memory_space<vmem>>, vector<16xf32>,
      tpu.vector_store %arg12[%swap3A_719, %swap3A_720], %mul3A_718 {strides = array<i32>} : memref<16x384xf32, #tpu.memory_space<vmem>>, vector<16xf32>,
      %mul3A_722 = arith.mulf %get3A_478, %mul3A_696 : vector<16xf32>
      %swap3A_723 = arith.index_cast %scan3A_457 : i32 to index
      %swap3A_724 = arith.constant 96 : index
      %swap3A_725 = tpu.vector_load %arg12[%swap3A_723, %swap3A_724] {strides = array<i32>} : memref<16x384xf32, #tpu.memory_space<vmem>>, vector<16xf32>,
      tpu.vector_store %arg12[%swap3A_723, %swap3A_724], %mul3A_722 {strides = array<i32>} : memref<16x384xf32, #tpu.memory_space<vmem>>, vector<16xf32>,
      %mul3A_726 = arith.mulf %get3A_481, %mul3A_696 : vector<16xf32>
      %swap3A_727 = arith.index_cast %scan3A_457 : i32 to index
      %swap3A_728 = arith.constant 112 : index
      %swap3A_729 = tpu.vector_load %arg12[%swap3A_727, %swap3A_728] {strides = array<i32>} : memref<16x384xf32, #tpu.memory_space<vmem>>, vector<16xf32>,
      tpu.vector_store %arg12[%swap3A_727, %swap3A_728], %mul3A_726 {strides = array<i32>} : memref<16x384xf32, #tpu.memory_space<vmem>>, vector<16xf32>,
      %mul3A_730 = arith.mulf %get3A_484, %mul3A_697 : vector<16xf32>
      %swap3A_731 = arith.index_cast %scan3A_457 : i32 to index
      %swap3A_732 = arith.constant 128 : index
      %swap3A_733 = tpu.vector_load %arg12[%swap3A_731, %swap3A_732] {strides = array<i32>} : memref<16x384xf32, #tpu.memory_space<vmem>>, vector<16xf32>,
      tpu.vector_store %arg12[%swap3A_731, %swap3A_732], %mul3A_730 {strides = array<i32>} : memref<16x384xf32, #tpu.memory_space<vmem>>, vector<16xf32>,
      %swap3A_734 = arith.index_cast %scan3A_457 : i32 to index
      %swap3A_735 = arith.constant 256 : index
      %swap3A_736 = tpu.vector_load %arg12[%swap3A_734, %swap3A_735] {strides = array<i32>} : memref<16x384xf32, #tpu.memory_space<vmem>>, vector<16xf32>,
      tpu.vector_store %arg12[%swap3A_734, %swap3A_735], %mul3A_730 {strides = array<i32>} : memref<16x384xf32, #tpu.memory_space<vmem>>, vector<16xf32>,
      %mul3A_737 = arith.mulf %get3A_487, %mul3A_697 : vector<16xf32>
      %swap3A_738 = arith.index_cast %scan3A_457 : i32 to index
      %swap3A_739 = arith.constant 144 : index
      %swap3A_740 = tpu.vector_load %arg12[%swap3A_738, %swap3A_739] {strides = array<i32>} : memref<16x384xf32, #tpu.memory_space<vmem>>, vector<16xf32>,
      tpu.vector_store %arg12[%swap3A_738, %swap3A_739], %mul3A_737 {strides = array<i32>} : memref<16x384xf32, #tpu.memory_space<vmem>>, vector<16xf32>,
      %swap3A_741 = arith.index_cast %scan3A_457 : i32 to index
      %swap3A_742 = arith.constant 272 : index
      %swap3A_743 = tpu.vector_load %arg12[%swap3A_741, %swap3A_742] {strides = array<i32>} : memref<16x384xf32, #tpu.memory_space<vmem>>, vector<16xf32>,
      tpu.vector_store %arg12[%swap3A_741, %swap3A_742], %mul3A_737 {strides = array<i32>} : memref<16x384xf32, #tpu.memory_space<vmem>>, vector<16xf32>,
      %mul3A_744 = arith.mulf %get3A_490, %mul3A_697 : vector<16xf32>
      %swap3A_745 = arith.index_cast %scan3A_457 : i32 to index
      %swap3A_746 = arith.constant 160 : index
      %swap3A_747 = tpu.vector_load %arg12[%swap3A_745, %swap3A_746] {strides = array<i32>} : memref<16x384xf32, #tpu.memory_space<vmem>>, vector<16xf32>,
      tpu.vector_store %arg12[%swap3A_745, %swap3A_746], %mul3A_744 {strides = array<i32>} : memref<16x384xf32, #tpu.memory_space<vmem>>, vector<16xf32>,
      %swap3A_748 = arith.index_cast %scan3A_457 : i32 to index
      %swap3A_749 = arith.constant 288 : index
      %swap3A_750 = tpu.vector_load %arg12[%swap3A_748, %swap3A_749] {strides = array<i32>} : memref<16x384xf32, #tpu.memory_space<vmem>>, vector<16xf32>,
      tpu.vector_store %arg12[%swap3A_748, %swap3A_749], %mul3A_744 {strides = array<i32>} : memref<16x384xf32, #tpu.memory_space<vmem>>, vector<16xf32>,
      %mul3A_751 = arith.mulf %get3A_493, %mul3A_697 : vector<16xf32>
      %swap3A_752 = arith.index_cast %scan3A_457 : i32 to index
      %swap3A_753 = arith.constant 176 : index
      %swap3A_754 = tpu.vector_load %arg12[%swap3A_752, %swap3A_753] {strides = array<i32>} : memref<16x384xf32, #tpu.memory_space<vmem>>, vector<16xf32>,
      tpu.vector_store %arg12[%swap3A_752, %swap3A_753], %mul3A_751 {strides = array<i32>} : memref<16x384xf32, #tpu.memory_space<vmem>>, vector<16xf32>,
      %swap3A_755 = arith.index_cast %scan3A_457 : i32 to index
      %swap3A_756 = arith.constant 304 : index
      %swap3A_757 = tpu.vector_load %arg12[%swap3A_755, %swap3A_756] {strides = array<i32>} : memref<16x384xf32, #tpu.memory_space<vmem>>, vector<16xf32>,
      tpu.vector_store %arg12[%swap3A_755, %swap3A_756], %mul3A_751 {strides = array<i32>} : memref<16x384xf32, #tpu.memory_space<vmem>>, vector<16xf32>,
      %mul3A_758 = arith.mulf %get3A_496, %mul3A_698 : vector<16xf32>
      %swap3A_759 = arith.index_cast %scan3A_457 : i32 to index
      %swap3A_760 = arith.constant 192 : index
      %swap3A_761 = tpu.vector_load %arg12[%swap3A_759, %swap3A_760] {strides = array<i32>} : memref<16x384xf32, #tpu.memory_space<vmem>>, vector<16xf32>,
      tpu.vector_store %arg12[%swap3A_759, %swap3A_760], %mul3A_758 {strides = array<i32>} : memref<16x384xf32, #tpu.memory_space<vmem>>, vector<16xf32>,
      %swap3A_762 = arith.index_cast %scan3A_457 : i32 to index
      %swap3A_763 = arith.constant 320 : index
      %swap3A_764 = tpu.vector_load %arg12[%swap3A_762, %swap3A_763] {strides = array<i32>} : memref<16x384xf32, #tpu.memory_space<vmem>>, vector<16xf32>,
      tpu.vector_store %arg12[%swap3A_762, %swap3A_763], %mul3A_758 {strides = array<i32>} : memref<16x384xf32, #tpu.memory_space<vmem>>, vector<16xf32>,
      %mul3A_765 = arith.mulf %get3A_499, %mul3A_698 : vector<16xf32>
      %swap3A_766 = arith.index_cast %scan3A_457 : i32 to index
      %swap3A_767 = arith.constant 208 : index
      %swap3A_768 = tpu.vector_load %arg12[%swap3A_766, %swap3A_767] {strides = array<i32>} : memref<16x384xf32, #tpu.memory_space<vmem>>, vector<16xf32>,
      tpu.vector_store %arg12[%swap3A_766, %swap3A_767], %mul3A_765 {strides = array<i32>} : memref<16x384xf32, #tpu.memory_space<vmem>>, vector<16xf32>,
      %swap3A_769 = arith.index_cast %scan3A_457 : i32 to index
      %swap3A_770 = arith.constant 336 : index
      %swap3A_771 = tpu.vector_load %arg12[%swap3A_769, %swap3A_770] {strides = array<i32>} : memref<16x384xf32, #tpu.memory_space<vmem>>, vector<16xf32>,
      tpu.vector_store %arg12[%swap3A_769, %swap3A_770], %mul3A_765 {strides = array<i32>} : memref<16x384xf32, #tpu.memory_space<vmem>>, vector<16xf32>,
      %mul3A_772 = arith.mulf %get3A_502, %mul3A_698 : vector<16xf32>
      %swap3A_773 = arith.index_cast %scan3A_457 : i32 to index
      %swap3A_774 = arith.constant 224 : index
      %swap3A_775 = tpu.vector_load %arg12[%swap3A_773, %swap3A_774] {strides = array<i32>} : memref<16x384xf32, #tpu.memory_space<vmem>>, vector<16xf32>,
      tpu.vector_store %arg12[%swap3A_773, %swap3A_774], %mul3A_772 {strides = array<i32>} : memref<16x384xf32, #tpu.memory_space<vmem>>, vector<16xf32>,
      %swap3A_776 = arith.index_cast %scan3A_457 : i32 to index
      %swap3A_777 = arith.constant 352 : index
      %swap3A_778 = tpu.vector_load %arg12[%swap3A_776, %swap3A_777] {strides = array<i32>} : memref<16x384xf32, #tpu.memory_space<vmem>>, vector<16xf32>,
      tpu.vector_store %arg12[%swap3A_776, %swap3A_777], %mul3A_772 {strides = array<i32>} : memref<16x384xf32, #tpu.memory_space<vmem>>, vector<16xf32>,
      %mul3A_779 = arith.mulf %get3A_505, %mul3A_698 : vector<16xf32>
      %swap3A_780 = arith.index_cast %scan3A_457 : i32 to index
      %swap3A_781 = arith.constant 240 : index
      %swap3A_782 = tpu.vector_load %arg12[%swap3A_780, %swap3A_781] {strides = array<i32>} : memref<16x384xf32, #tpu.memory_space<vmem>>, vector<16xf32>,
      tpu.vector_store %arg12[%swap3A_780, %swap3A_781], %mul3A_779 {strides = array<i32>} : memref<16x384xf32, #tpu.memory_space<vmem>>, vector<16xf32>,
      %swap3A_783 = arith.index_cast %scan3A_457 : i32 to index
      %swap3A_784 = arith.constant 368 : index
      %swap3A_785 = tpu.vector_load %arg12[%swap3A_783, %swap3A_784] {strides = array<i32>} : memref<16x384xf32, #tpu.memory_space<vmem>>, vector<16xf32>,
      tpu.vector_store %arg12[%swap3A_783, %swap3A_784], %mul3A_779 {strides = array<i32>} : memref<16x384xf32, #tpu.memory_space<vmem>>, vector<16xf32>,
    }
    %scan3A_207 = arith.constant 16 : i32
    "tpu.trace_stop"() : () -> ()
    %add3A_208 = arith.constant 32 : i32
    %add3A_209 = arith.addi %add3A_192, %add3A_208 : i32
    %dma_start3A_210 = arith.constant 0 : i32
    %dma_start3A_211 = tpu.memref_slice %arg2[%add3A_209, %dma_start3A_210] : memref<4096x128xf32, #tpu.memory_space<hbm>> -> memref<16x128xf32, #tpu.memory_space<hbm>>
    %dma_start3A_212 = arith.constant 0 : i32
    %dma_start3A_213 = tpu.memref_slice %arg2[%add3A_209, %dma_start3A_212] : memref<4096x128xf32, #tpu.memory_space<hbm>> -> memref<16x128xf32, #tpu.memory_space<hbm>>
    tpu.enqueue_dma source(%dma_start3A_213 : memref<16x128xf32, #tpu.memory_space<hbm>>) target(%arg8 : memref<16x128xf32, #tpu.memory_space<vmem>>) target_semaphore(%arg14 : memref<!tpu.dma_semaphore, #tpu.memory_space<semaphore_mem>>)
    %dma_start3A_214 = arith.constant 32 : i32
    %dma_start3A_215 = tpu.memref_slice %arg7[%dma_start3A_214] : memref<128xi32, #tpu.memory_space<vmem>> -> memref<16xi32, #tpu.memory_space<vmem>>
    %dma_start3A_216 = arith.constant 0 : i32
    %dma_start3A_217 = arith.constant 0 : i32
    %dma_start3A_218 = tpu.memref_slice %arg2[%dma_start3A_216, %dma_start3A_217] : memref<4096x128xf32, #tpu.memory_space<hbm>> -> memref<4096x128xf32, #tpu.memory_space<hbm>>
    tpu.enqueue_indirect_dma source(%dma_start3A_218 : memref<4096x128xf32, #tpu.memory_space<hbm>>) target(%arg10 : memref<16x128xf32, #tpu.memory_space<vmem>>) offsets(%dma_start3A_215 : memref<16xi32, #tpu.memory_space<vmem>>) semaphore(%arg16 : memref<!tpu.dma_semaphore, #tpu.memory_space<semaphore_mem>>)
    %dma_start3A_219 = arith.constant 0 : i32
    %dma_start3A_220 = tpu.memref_slice %arg4[%add3A_192, %dma_start3A_219] : memref<4096x384xf32, #tpu.memory_space<hbm>> -> memref<16x384xf32, #tpu.memory_space<hbm>>
    %dma_start3A_221 = arith.constant 0 : i32
    %dma_start3A_222 = tpu.memref_slice %arg4[%add3A_192, %dma_start3A_221] : memref<4096x384xf32, #tpu.memory_space<hbm>> -> memref<16x384xf32, #tpu.memory_space<hbm>>
    tpu.enqueue_dma source(%arg12 : memref<16x384xf32, #tpu.memory_space<vmem>>) target(%dma_start3A_222 : memref<16x384xf32, #tpu.memory_space<hbm>>) target_semaphore(%arg18 : memref<!tpu.dma_semaphore, #tpu.memory_space<semaphore_mem>>)
    %add3A_223 = arith.constant 16 : i32
    %add3A_224 = arith.addi %mul3A_2, %add3A_223 : i32
    "tpu.trace_start"() <{level = 10 : i32, message = "p_wait_in"}> : () -> ()
    %dma_wait3A_225 = arith.constant 0 : i32
    %dma_wait3A_226 = tpu.memref_slice %arg2[%add3A_9, %dma_wait3A_225] : memref<4096x128xf32, #tpu.memory_space<hbm>> -> memref<16x128xf32, #tpu.memory_space<hbm>>
    %dma_wait3A_227 = arith.constant 0 : i32
    %dma_wait3A_228 = tpu.memref_slice %arg2[%add3A_9, %dma_wait3A_227] : memref<4096x128xf32, #tpu.memory_space<hbm>> -> memref<16x128xf32, #tpu.memory_space<hbm>>
    tpu.wait_dma2 semaphore(%arg15 : memref<!tpu.dma_semaphore, #tpu.memory_space<semaphore_mem>>) src(%dma_wait3A_228 : memref<16x128xf32, #tpu.memory_space<hbm>>) dst(%arg9 : memref<16x128xf32, #tpu.memory_space<vmem>>)
    %dma_wait3A_229 = arith.constant 16 : i32
    %dma_wait3A_230 = tpu.memref_slice %arg7[%dma_wait3A_229] : memref<128xi32, #tpu.memory_space<vmem>> -> memref<16xi32, #tpu.memory_space<vmem>>
    %dma_wait3A_231 = arith.constant 0 : i32
    %dma_wait3A_232 = arith.constant 0 : i32
    %dma_wait3A_233 = tpu.memref_slice %arg2[%dma_wait3A_231, %dma_wait3A_232] : memref<4096x128xf32, #tpu.memory_space<hbm>> -> memref<4096x128xf32, #tpu.memory_space<hbm>>
    tpu.wait_indirect_dma semaphore(%arg17 : memref<!tpu.dma_semaphore, #tpu.memory_space<semaphore_mem>>) src(%dma_wait3A_233 : memref<4096x128xf32, #tpu.memory_space<hbm>>) dst(%arg11 : memref<16x128xf32, #tpu.memory_space<vmem>>)
    "tpu.trace_stop"() : () -> ()
    "tpu.trace_start"() <{level = 10 : i32, message = "p_norm"}> : () -> ()
    %scan3A_234 = arith.constant 0 : i32
    %scan3A_235 = arith.constant 0 : i32
    %scan3A_236 = arith.constant 16 : i32
    %scan3A_237 = arith.addi %scan3A_235, %scan3A_236 : i32
    %scan3A_238 = arith.constant 1 : i32
    scf.for %scan3A_457 = %scan3A_235 to %scan3A_237 step %scan3A_238  : i32 {
      %get3A_458 = arith.index_cast %scan3A_457 : i32 to index
      %get3A_459 = arith.constant 0 : index
      %get3A_460 = tpu.vector_load %arg9[%get3A_458, %get3A_459] {strides = array<i32>} : memref<16x128xf32, #tpu.memory_space<vmem>>, vector<16xf32>,
      %get3A_461 = arith.index_cast %scan3A_457 : i32 to index
      %get3A_462 = arith.constant 16 : index
      %get3A_463 = tpu.vector_load %arg9[%get3A_461, %get3A_462] {strides = array<i32>} : memref<16x128xf32, #tpu.memory_space<vmem>>, vector<16xf32>,
      %get3A_464 = arith.index_cast %scan3A_457 : i32 to index
      %get3A_465 = arith.constant 32 : index
      %get3A_466 = tpu.vector_load %arg9[%get3A_464, %get3A_465] {strides = array<i32>} : memref<16x128xf32, #tpu.memory_space<vmem>>, vector<16xf32>,
      %get3A_467 = arith.index_cast %scan3A_457 : i32 to index
      %get3A_468 = arith.constant 48 : index
      %get3A_469 = tpu.vector_load %arg9[%get3A_467, %get3A_468] {strides = array<i32>} : memref<16x128xf32, #tpu.memory_space<vmem>>, vector<16xf32>,
      %get3A_470 = arith.index_cast %scan3A_457 : i32 to index
      %get3A_471 = arith.constant 64 : index
      %get3A_472 = tpu.vector_load %arg9[%get3A_470, %get3A_471] {strides = array<i32>} : memref<16x128xf32, #tpu.memory_space<vmem>>, vector<16xf32>,
      %get3A_473 = arith.index_cast %scan3A_457 : i32 to index
      %get3A_474 = arith.constant 80 : index
      %get3A_475 = tpu.vector_load %arg9[%get3A_473, %get3A_474] {strides = array<i32>} : memref<16x128xf32, #tpu.memory_space<vmem>>, vector<16xf32>,
      %get3A_476 = arith.index_cast %scan3A_457 : i32 to index
      %get3A_477 = arith.constant 96 : index
      %get3A_478 = tpu.vector_load %arg9[%get3A_476, %get3A_477] {strides = array<i32>} : memref<16x128xf32, #tpu.memory_space<vmem>>, vector<16xf32>,
      %get3A_479 = arith.index_cast %scan3A_457 : i32 to index
      %get3A_480 = arith.constant 112 : index
      %get3A_481 = tpu.vector_load %arg9[%get3A_479, %get3A_480] {strides = array<i32>} : memref<16x128xf32, #tpu.memory_space<vmem>>, vector<16xf32>,
      %get3A_482 = arith.index_cast %scan3A_457 : i32 to index
      %get3A_483 = arith.constant 0 : index
      %get3A_484 = tpu.vector_load %arg11[%get3A_482, %get3A_483] {strides = array<i32>} : memref<16x128xf32, #tpu.memory_space<vmem>>, vector<16xf32>,
      %get3A_485 = arith.index_cast %scan3A_457 : i32 to index
      %get3A_486 = arith.constant 16 : index
      %get3A_487 = tpu.vector_load %arg11[%get3A_485, %get3A_486] {strides = array<i32>} : memref<16x128xf32, #tpu.memory_space<vmem>>, vector<16xf32>,
      %get3A_488 = arith.index_cast %scan3A_457 : i32 to index
      %get3A_489 = arith.constant 32 : index
      %get3A_490 = tpu.vector_load %arg11[%get3A_488, %get3A_489] {strides = array<i32>} : memref<16x128xf32, #tpu.memory_space<vmem>>, vector<16xf32>,
      %get3A_491 = arith.index_cast %scan3A_457 : i32 to index
      %get3A_492 = arith.constant 48 : index
      %get3A_493 = tpu.vector_load %arg11[%get3A_491, %get3A_492] {strides = array<i32>} : memref<16x128xf32, #tpu.memory_space<vmem>>, vector<16xf32>,
      %get3A_494 = arith.index_cast %scan3A_457 : i32 to index
      %get3A_495 = arith.constant 64 : index
      %get3A_496 = tpu.vector_load %arg11[%get3A_494, %get3A_495] {strides = array<i32>} : memref<16x128xf32, #tpu.memory_space<vmem>>, vector<16xf32>,
      %get3A_497 = arith.index_cast %scan3A_457 : i32 to index
      %get3A_498 = arith.constant 80 : index
      %get3A_499 = tpu.vector_load %arg11[%get3A_497, %get3A_498] {strides = array<i32>} : memref<16x128xf32, #tpu.memory_space<vmem>>, vector<16xf32>,
      %get3A_500 = arith.index_cast %scan3A_457 : i32 to index
      %get3A_501 = arith.constant 96 : index
      %get3A_502 = tpu.vector_load %arg11[%get3A_500, %get3A_501] {strides = array<i32>} : memref<16x128xf32, #tpu.memory_space<vmem>>, vector<16xf32>,
      %get3A_503 = arith.index_cast %scan3A_457 : i32 to index
      %get3A_504 = arith.constant 112 : index
      %get3A_505 = tpu.vector_load %arg11[%get3A_503, %get3A_504] {strides = array<i32>} : memref<16x128xf32, #tpu.memory_space<vmem>>, vector<16xf32>,
      %mul3A_506 = arith.mulf %get3A_460, %get3A_460 : vector<16xf32>
      %mul3A_507 = arith.mulf %get3A_472, %get3A_472 : vector<16xf32>
      %mul3A_508 = arith.mulf %get3A_484, %get3A_484 : vector<16xf32>
      %mul3A_509 = arith.mulf %get3A_496, %get3A_496 : vector<16xf32>
      %mul3A_510 = arith.mulf %get3A_463, %get3A_463 : vector<16xf32>
      %mul3A_511 = arith.mulf %get3A_475, %get3A_475 : vector<16xf32>
      %mul3A_512 = arith.mulf %get3A_487, %get3A_487 : vector<16xf32>
      %mul3A_513 = arith.mulf %get3A_499, %get3A_499 : vector<16xf32>
      %add3A_514 = arith.addf %mul3A_506, %mul3A_510 : vector<16xf32>
      %add3A_515 = arith.addf %mul3A_507, %mul3A_511 : vector<16xf32>
      %add3A_516 = arith.addf %mul3A_508, %mul3A_512 : vector<16xf32>
      %add3A_517 = arith.addf %mul3A_509, %mul3A_513 : vector<16xf32>
      %mul3A_518 = arith.mulf %get3A_466, %get3A_466 : vector<16xf32>
      %mul3A_519 = arith.mulf %get3A_478, %get3A_478 : vector<16xf32>
      %mul3A_520 = arith.mulf %get3A_490, %get3A_490 : vector<16xf32>
      %mul3A_521 = arith.mulf %get3A_502, %get3A_502 : vector<16xf32>
      %add3A_522 = arith.addf %add3A_514, %mul3A_518 : vector<16xf32>
      %add3A_523 = arith.addf %add3A_515, %mul3A_519 : vector<16xf32>
      %add3A_524 = arith.addf %add3A_516, %mul3A_520 : vector<16xf32>
      %add3A_525 = arith.addf %add3A_517, %mul3A_521 : vector<16xf32>
      %mul3A_526 = arith.mulf %get3A_469, %get3A_469 : vector<16xf32>
      %mul3A_527 = arith.mulf %get3A_481, %get3A_481 : vector<16xf32>
      %mul3A_528 = arith.mulf %get3A_493, %get3A_493 : vector<16xf32>
      %mul3A_529 = arith.mulf %get3A_505, %get3A_505 : vector<16xf32>
      %add3A_530 = arith.addf %add3A_522, %mul3A_526 : vector<16xf32>
      %add3A_531 = arith.addf %add3A_523, %mul3A_527 : vector<16xf32>
      %add3A_532 = arith.addf %add3A_524, %mul3A_528 : vector<16xf32>
      %add3A_533 = arith.addf %add3A_525, %mul3A_529 : vector<16xf32>
      %reshape3A_534 = vector.shape_cast %xor3A_171 : vector<16xi32> to vector<16x1xi32>
      %gather3A_535 = vector.shape_cast %reshape3A_534 : vector<16x1xi32> to vector<16xi32>
      %gather3A_536 = tpu.dynamic_gather %add3A_530[%gather3A_535] in [0] : vector<16xf32>, vector<16xi32> -> vector<16xf32>
      %reshape3A_537 = vector.shape_cast %xor3A_171 : vector<16xi32> to vector<16x1xi32>
      %gather3A_538 = vector.shape_cast %reshape3A_537 : vector<16x1xi32> to vector<16xi32>
      %gather3A_539 = tpu.dynamic_gather %add3A_531[%gather3A_538] in [0] : vector<16xf32>, vector<16xi32> -> vector<16xf32>
      %reshape3A_540 = vector.shape_cast %xor3A_171 : vector<16xi32> to vector<16x1xi32>
      %gather3A_541 = vector.shape_cast %reshape3A_540 : vector<16x1xi32> to vector<16xi32>
      %gather3A_542 = tpu.dynamic_gather %add3A_532[%gather3A_541] in [0] : vector<16xf32>, vector<16xi32> -> vector<16xf32>
      %reshape3A_543 = vector.shape_cast %xor3A_171 : vector<16xi32> to vector<16x1xi32>
      %gather3A_544 = vector.shape_cast %reshape3A_543 : vector<16x1xi32> to vector<16xi32>
      %gather3A_545 = tpu.dynamic_gather %add3A_533[%gather3A_544] in [0] : vector<16xf32>, vector<16xi32> -> vector<16xf32>
      %add3A_546 = arith.addf %add3A_530, %gather3A_536 : vector<16xf32>
      %add3A_547 = arith.addf %add3A_531, %gather3A_539 : vector<16xf32>
      %add3A_548 = arith.addf %add3A_532, %gather3A_542 : vector<16xf32>
      %add3A_549 = arith.addf %add3A_533, %gather3A_545 : vector<16xf32>
      %reshape3A_550 = vector.shape_cast %xor3A_174 : vector<16xi32> to vector<16x1xi32>
      %gather3A_551 = vector.shape_cast %reshape3A_550 : vector<16x1xi32> to vector<16xi32>
      %gather3A_552 = tpu.dynamic_gather %add3A_546[%gather3A_551] in [0] : vector<16xf32>, vector<16xi32> -> vector<16xf32>
      %reshape3A_553 = vector.shape_cast %xor3A_174 : vector<16xi32> to vector<16x1xi32>
      %gather3A_554 = vector.shape_cast %reshape3A_553 : vector<16x1xi32> to vector<16xi32>
      %gather3A_555 = tpu.dynamic_gather %add3A_547[%gather3A_554] in [0] : vector<16xf32>, vector<16xi32> -> vector<16xf32>
      %reshape3A_556 = vector.shape_cast %xor3A_174 : vector<16xi32> to vector<16x1xi32>
      %gather3A_557 = vector.shape_cast %reshape3A_556 : vector<16x1xi32> to vector<16xi32>
      %gather3A_558 = tpu.dynamic_gather %add3A_548[%gather3A_557] in [0] : vector<16xf32>, vector<16xi32> -> vector<16xf32>
      %reshape3A_559 = vector.shape_cast %xor3A_174 : vector<16xi32> to vector<16x1xi32>
      %gather3A_560 = vector.shape_cast %reshape3A_559 : vector<16x1xi32> to vector<16xi32>
      %gather3A_561 = tpu.dynamic_gather %add3A_549[%gather3A_560] in [0] : vector<16xf32>, vector<16xi32> -> vector<16xf32>
      %add3A_562 = arith.addf %add3A_546, %gather3A_552 : vector<16xf32>
      %add3A_563 = arith.addf %add3A_547, %gather3A_555 : vector<16xf32>
      %add3A_564 = arith.addf %add3A_548, %gather3A_558 : vector<16xf32>
      %add3A_565 = arith.addf %add3A_549, %gather3A_561 : vector<16xf32>
      %reshape3A_566 = vector.shape_cast %xor3A_177 : vector<16xi32> to vector<16x1xi32>
      %gather3A_567 = vector.shape_cast %reshape3A_566 : vector<16x1xi32> to vector<16xi32>
      %gather3A_568 = tpu.dynamic_gather %add3A_562[%gather3A_567] in [0] : vector<16xf32>, vector<16xi32> -> vector<16xf32>
      %reshape3A_569 = vector.shape_cast %xor3A_177 : vector<16xi32> to vector<16x1xi32>
      %gather3A_570 = vector.shape_cast %reshape3A_569 : vector<16x1xi32> to vector<16xi32>
      %gather3A_571 = tpu.dynamic_gather %add3A_563[%gather3A_570] in [0] : vector<16xf32>, vector<16xi32> -> vector<16xf32>
      %reshape3A_572 = vector.shape_cast %xor3A_177 : vector<16xi32> to vector<16x1xi32>
      %gather3A_573 = vector.shape_cast %reshape3A_572 : vector<16x1xi32> to vector<16xi32>
      %gather3A_574 = tpu.dynamic_gather %add3A_564[%gather3A_573] in [0] : vector<16xf32>, vector<16xi32> -> vector<16xf32>
      %reshape3A_575 = vector.shape_cast %xor3A_177 : vector<16xi32> to vector<16x1xi32>
      %gather3A_576 = vector.shape_cast %reshape3A_575 : vector<16x1xi32> to vector<16xi32>
      %gather3A_577 = tpu.dynamic_gather %add3A_565[%gather3A_576] in [0] : vector<16xf32>, vector<16xi32> -> vector<16xf32>
      %add3A_578 = arith.addf %add3A_562, %gather3A_568 : vector<16xf32>
      %add3A_579 = arith.addf %add3A_563, %gather3A_571 : vector<16xf32>
      %add3A_580 = arith.addf %add3A_564, %gather3A_574 : vector<16xf32>
      %add3A_581 = arith.addf %add3A_565, %gather3A_577 : vector<16xf32>
      %reshape3A_582 = vector.shape_cast %xor3A_180 : vector<16xi32> to vector<16x1xi32>
      %gather3A_583 = vector.shape_cast %reshape3A_582 : vector<16x1xi32> to vector<16xi32>
      %gather3A_584 = tpu.dynamic_gather %add3A_578[%gather3A_583] in [0] : vector<16xf32>, vector<16xi32> -> vector<16xf32>
      %reshape3A_585 = vector.shape_cast %xor3A_180 : vector<16xi32> to vector<16x1xi32>
      %gather3A_586 = vector.shape_cast %reshape3A_585 : vector<16x1xi32> to vector<16xi32>
      %gather3A_587 = tpu.dynamic_gather %add3A_579[%gather3A_586] in [0] : vector<16xf32>, vector<16xi32> -> vector<16xf32>
      %reshape3A_588 = vector.shape_cast %xor3A_180 : vector<16xi32> to vector<16x1xi32>
      %gather3A_589 = vector.shape_cast %reshape3A_588 : vector<16x1xi32> to vector<16xi32>
      %gather3A_590 = tpu.dynamic_gather %add3A_580[%gather3A_589] in [0] : vector<16xf32>, vector<16xi32> -> vector<16xf32>
      %reshape3A_591 = vector.shape_cast %xor3A_180 : vector<16xi32> to vector<16x1xi32>
      %gather3A_592 = vector.shape_cast %reshape3A_591 : vector<16x1xi32> to vector<16xi32>
      %gather3A_593 = tpu.dynamic_gather %add3A_581[%gather3A_592] in [0] : vector<16xf32>, vector<16xi32> -> vector<16xf32>
      %add3A_594 = arith.addf %add3A_578, %gather3A_584 : vector<16xf32>
      %add3A_595 = arith.addf %add3A_579, %gather3A_587 : vector<16xf32>
      %add3A_596 = arith.addf %add3A_580, %gather3A_590 : vector<16xf32>
      %add3A_597 = arith.addf %add3A_581, %gather3A_593 : vector<16xf32>
      %max3A = arith.constant 1.000000e-24 : f32
      %max3A_598 = vector.broadcast %max3A : f32 to vector<16xf32>
      %max3A_599 = arith.maximumf %add3A_594, %max3A_598 : vector<16xf32>
      %max3A_600 = arith.constant 1.000000e-24 : f32
      %max3A_601 = vector.broadcast %max3A_600 : f32 to vector<16xf32>
      %max3A_602 = arith.maximumf %add3A_595, %max3A_601 : vector<16xf32>
      %max3A_603 = arith.constant 1.000000e-24 : f32
      %max3A_604 = vector.broadcast %max3A_603 : f32 to vector<16xf32>
      %max3A_605 = arith.maximumf %add3A_596, %max3A_604 : vector<16xf32>
      %max3A_606 = arith.constant 1.000000e-24 : f32
      %max3A_607 = vector.broadcast %max3A_606 : f32 to vector<16xf32>
      %max3A_608 = arith.maximumf %add3A_597, %max3A_607 : vector<16xf32>
      %bitcast3A = vector.bitcast %max3A_599 : vector<16xf32> to vector<16xi32>
      %bitcast3A_609 = vector.bitcast %max3A_602 : vector<16xf32> to vector<16xi32>
      %bitcast3A_610 = vector.bitcast %max3A_605 : vector<16xf32> to vector<16xi32>
      %bitcast3A_611 = vector.bitcast %max3A_608 : vector<16xf32> to vector<16xi32>
      %shift_right_arithmetic3A_612 = arith.constant 1 : i32
      %shift_right_arithmetic3A_613 = vector.broadcast %shift_right_arithmetic3A_612 : i32 to vector<16xi32>
      %shift_right_arithmetic3A_614 = arith.shrsi %bitcast3A, %shift_right_arithmetic3A_613 : vector<16xi32>
      %sub3A = arith.constant 1597463007 : i32
      %sub3A_615 = vector.broadcast %sub3A : i32 to vector<16xi32>
      %sub3A_616 = arith.subi %sub3A_615, %shift_right_arithmetic3A_614 : vector<16xi32>
      %bitcast3A_617 = vector.bitcast %sub3A_616 : vector<16xi32> to vector<16xf32>
      %shift_right_arithmetic3A_618 = arith.constant 1 : i32
      %shift_right_arithmetic3A_619 = vector.broadcast %shift_right_arithmetic3A_618 : i32 to vector<16xi32>
      %shift_right_arithmetic3A_620 = arith.shrsi %bitcast3A_609, %shift_right_arithmetic3A_619 : vector<16xi32>
      %sub3A_621 = arith.constant 1597463007 : i32
      %sub3A_622 = vector.broadcast %sub3A_621 : i32 to vector<16xi32>
      %sub3A_623 = arith.subi %sub3A_622, %shift_right_arithmetic3A_620 : vector<16xi32>
      %bitcast3A_624 = vector.bitcast %sub3A_623 : vector<16xi32> to vector<16xf32>
      %shift_right_arithmetic3A_625 = arith.constant 1 : i32
      %shift_right_arithmetic3A_626 = vector.broadcast %shift_right_arithmetic3A_625 : i32 to vector<16xi32>
      %shift_right_arithmetic3A_627 = arith.shrsi %bitcast3A_610, %shift_right_arithmetic3A_626 : vector<16xi32>
      %sub3A_628 = arith.constant 1597463007 : i32
      %sub3A_629 = vector.broadcast %sub3A_628 : i32 to vector<16xi32>
      %sub3A_630 = arith.subi %sub3A_629, %shift_right_arithmetic3A_627 : vector<16xi32>
      %bitcast3A_631 = vector.bitcast %sub3A_630 : vector<16xi32> to vector<16xf32>
      %shift_right_arithmetic3A_632 = arith.constant 1 : i32
      %shift_right_arithmetic3A_633 = vector.broadcast %shift_right_arithmetic3A_632 : i32 to vector<16xi32>
      %shift_right_arithmetic3A_634 = arith.shrsi %bitcast3A_611, %shift_right_arithmetic3A_633 : vector<16xi32>
      %sub3A_635 = arith.constant 1597463007 : i32
      %sub3A_636 = vector.broadcast %sub3A_635 : i32 to vector<16xi32>
      %sub3A_637 = arith.subi %sub3A_636, %shift_right_arithmetic3A_634 : vector<16xi32>
      %bitcast3A_638 = vector.bitcast %sub3A_637 : vector<16xi32> to vector<16xf32>
      %mul3A_639 = arith.constant 5.000000e-01 : f32
      %mul3A_640 = vector.broadcast %mul3A_639 : f32 to vector<16xf32>
      %mul3A_641 = arith.mulf %mul3A_640, %max3A_599 : vector<16xf32>
      %mul3A_642 = arith.constant 5.000000e-01 : f32
      %mul3A_643 = vector.broadcast %mul3A_642 : f32 to vector<16xf32>
      %mul3A_644 = arith.mulf %mul3A_643, %max3A_602 : vector<16xf32>
      %mul3A_645 = arith.constant 5.000000e-01 : f32
      %mul3A_646 = vector.broadcast %mul3A_645 : f32 to vector<16xf32>
      %mul3A_647 = arith.mulf %mul3A_646, %max3A_605 : vector<16xf32>
      %mul3A_648 = arith.constant 5.000000e-01 : f32
      %mul3A_649 = vector.broadcast %mul3A_648 : f32 to vector<16xf32>
      %mul3A_650 = arith.mulf %mul3A_649, %max3A_608 : vector<16xf32>
      %mul3A_651 = arith.mulf %bitcast3A_617, %bitcast3A_617 : vector<16xf32>
      %mul3A_652 = arith.mulf %bitcast3A_624, %bitcast3A_624 : vector<16xf32>
      %mul3A_653 = arith.mulf %bitcast3A_631, %bitcast3A_631 : vector<16xf32>
      %mul3A_654 = arith.mulf %bitcast3A_638, %bitcast3A_638 : vector<16xf32>
      %mul3A_655 = arith.mulf %mul3A_641, %mul3A_651 : vector<16xf32>
      %mul3A_656 = arith.mulf %mul3A_644, %mul3A_652 : vector<16xf32>
      %mul3A_657 = arith.mulf %mul3A_647, %mul3A_653 : vector<16xf32>
      %mul3A_658 = arith.mulf %mul3A_650, %mul3A_654 : vector<16xf32>
      %sub3A_659 = arith.constant 1.500000e+00 : f32
      %sub3A_660 = vector.broadcast %sub3A_659 : f32 to vector<16xf32>
      %sub3A_661 = arith.subf %sub3A_660, %mul3A_655 : vector<16xf32>
      %sub3A_662 = arith.constant 1.500000e+00 : f32
      %sub3A_663 = vector.broadcast %sub3A_662 : f32 to vector<16xf32>
      %sub3A_664 = arith.subf %sub3A_663, %mul3A_656 : vector<16xf32>
      %sub3A_665 = arith.constant 1.500000e+00 : f32
      %sub3A_666 = vector.broadcast %sub3A_665 : f32 to vector<16xf32>
      %sub3A_667 = arith.subf %sub3A_666, %mul3A_657 : vector<16xf32>
      %sub3A_668 = arith.constant 1.500000e+00 : f32
      %sub3A_669 = vector.broadcast %sub3A_668 : f32 to vector<16xf32>
      %sub3A_670 = arith.subf %sub3A_669, %mul3A_658 : vector<16xf32>
      %mul3A_671 = arith.mulf %bitcast3A_617, %sub3A_661 : vector<16xf32>
      %mul3A_672 = arith.mulf %bitcast3A_624, %sub3A_664 : vector<16xf32>
      %mul3A_673 = arith.mulf %bitcast3A_631, %sub3A_667 : vector<16xf32>
      %mul3A_674 = arith.mulf %bitcast3A_638, %sub3A_670 : vector<16xf32>
      %mul3A_675 = arith.mulf %mul3A_671, %mul3A_671 : vector<16xf32>
      %mul3A_676 = arith.mulf %mul3A_672, %mul3A_672 : vector<16xf32>
      %mul3A_677 = arith.mulf %mul3A_673, %mul3A_673 : vector<16xf32>
      %mul3A_678 = arith.mulf %mul3A_674, %mul3A_674 : vector<16xf32>
      %mul3A_679 = arith.mulf %mul3A_641, %mul3A_675 : vector<16xf32>
      %mul3A_680 = arith.mulf %mul3A_644, %mul3A_676 : vector<16xf32>
      %mul3A_681 = arith.mulf %mul3A_647, %mul3A_677 : vector<16xf32>
      %mul3A_682 = arith.mulf %mul3A_650, %mul3A_678 : vector<16xf32>
      %sub3A_683 = arith.constant 1.500000e+00 : f32
      %sub3A_684 = vector.broadcast %sub3A_683 : f32 to vector<16xf32>
      %sub3A_685 = arith.subf %sub3A_684, %mul3A_679 : vector<16xf32>
      %sub3A_686 = arith.constant 1.500000e+00 : f32
      %sub3A_687 = vector.broadcast %sub3A_686 : f32 to vector<16xf32>
      %sub3A_688 = arith.subf %sub3A_687, %mul3A_680 : vector<16xf32>
      %sub3A_689 = arith.constant 1.500000e+00 : f32
      %sub3A_690 = vector.broadcast %sub3A_689 : f32 to vector<16xf32>
      %sub3A_691 = arith.subf %sub3A_690, %mul3A_681 : vector<16xf32>
      %sub3A_692 = arith.constant 1.500000e+00 : f32
      %sub3A_693 = vector.broadcast %sub3A_692 : f32 to vector<16xf32>
      %sub3A_694 = arith.subf %sub3A_693, %mul3A_682 : vector<16xf32>
      %mul3A_695 = arith.mulf %mul3A_671, %sub3A_685 : vector<16xf32>
      %mul3A_696 = arith.mulf %mul3A_672, %sub3A_688 : vector<16xf32>
      %mul3A_697 = arith.mulf %mul3A_673, %sub3A_691 : vector<16xf32>
      %mul3A_698 = arith.mulf %mul3A_674, %sub3A_694 : vector<16xf32>
      %mul3A_699 = arith.mulf %get3A_460, %mul3A_695 : vector<16xf32>
      %swap3A = arith.index_cast %scan3A_457 : i32 to index
      %swap3A_700 = arith.constant 0 : index
      %swap3A_701 = tpu.vector_load %arg13[%swap3A, %swap3A_700] {strides = array<i32>} : memref<16x384xf32, #tpu.memory_space<vmem>>, vector<16xf32>,
      tpu.vector_store %arg13[%swap3A, %swap3A_700], %mul3A_699 {strides = array<i32>} : memref<16x384xf32, #tpu.memory_space<vmem>>, vector<16xf32>,
      %mul3A_702 = arith.mulf %get3A_463, %mul3A_695 : vector<16xf32>
      %swap3A_703 = arith.index_cast %scan3A_457 : i32 to index
      %swap3A_704 = arith.constant 16 : index
      %swap3A_705 = tpu.vector_load %arg13[%swap3A_703, %swap3A_704] {strides = array<i32>} : memref<16x384xf32, #tpu.memory_space<vmem>>, vector<16xf32>,
      tpu.vector_store %arg13[%swap3A_703, %swap3A_704], %mul3A_702 {strides = array<i32>} : memref<16x384xf32, #tpu.memory_space<vmem>>, vector<16xf32>,
      %mul3A_706 = arith.mulf %get3A_466, %mul3A_695 : vector<16xf32>
      %swap3A_707 = arith.index_cast %scan3A_457 : i32 to index
      %swap3A_708 = arith.constant 32 : index
      %swap3A_709 = tpu.vector_load %arg13[%swap3A_707, %swap3A_708] {strides = array<i32>} : memref<16x384xf32, #tpu.memory_space<vmem>>, vector<16xf32>,
      tpu.vector_store %arg13[%swap3A_707, %swap3A_708], %mul3A_706 {strides = array<i32>} : memref<16x384xf32, #tpu.memory_space<vmem>>, vector<16xf32>,
      %mul3A_710 = arith.mulf %get3A_469, %mul3A_695 : vector<16xf32>
      %swap3A_711 = arith.index_cast %scan3A_457 : i32 to index
      %swap3A_712 = arith.constant 48 : index
      %swap3A_713 = tpu.vector_load %arg13[%swap3A_711, %swap3A_712] {strides = array<i32>} : memref<16x384xf32, #tpu.memory_space<vmem>>, vector<16xf32>,
      tpu.vector_store %arg13[%swap3A_711, %swap3A_712], %mul3A_710 {strides = array<i32>} : memref<16x384xf32, #tpu.memory_space<vmem>>, vector<16xf32>,
      %mul3A_714 = arith.mulf %get3A_472, %mul3A_696 : vector<16xf32>
      %swap3A_715 = arith.index_cast %scan3A_457 : i32 to index
      %swap3A_716 = arith.constant 64 : index
      %swap3A_717 = tpu.vector_load %arg13[%swap3A_715, %swap3A_716] {strides = array<i32>} : memref<16x384xf32, #tpu.memory_space<vmem>>, vector<16xf32>,
      tpu.vector_store %arg13[%swap3A_715, %swap3A_716], %mul3A_714 {strides = array<i32>} : memref<16x384xf32, #tpu.memory_space<vmem>>, vector<16xf32>,
      %mul3A_718 = arith.mulf %get3A_475, %mul3A_696 : vector<16xf32>
      %swap3A_719 = arith.index_cast %scan3A_457 : i32 to index
      %swap3A_720 = arith.constant 80 : index
      %swap3A_721 = tpu.vector_load %arg13[%swap3A_719, %swap3A_720] {strides = array<i32>} : memref<16x384xf32, #tpu.memory_space<vmem>>, vector<16xf32>,
      tpu.vector_store %arg13[%swap3A_719, %swap3A_720], %mul3A_718 {strides = array<i32>} : memref<16x384xf32, #tpu.memory_space<vmem>>, vector<16xf32>,
      %mul3A_722 = arith.mulf %get3A_478, %mul3A_696 : vector<16xf32>
      %swap3A_723 = arith.index_cast %scan3A_457 : i32 to index
      %swap3A_724 = arith.constant 96 : index
      %swap3A_725 = tpu.vector_load %arg13[%swap3A_723, %swap3A_724] {strides = array<i32>} : memref<16x384xf32, #tpu.memory_space<vmem>>, vector<16xf32>,
      tpu.vector_store %arg13[%swap3A_723, %swap3A_724], %mul3A_722 {strides = array<i32>} : memref<16x384xf32, #tpu.memory_space<vmem>>, vector<16xf32>,
      %mul3A_726 = arith.mulf %get3A_481, %mul3A_696 : vector<16xf32>
      %swap3A_727 = arith.index_cast %scan3A_457 : i32 to index
      %swap3A_728 = arith.constant 112 : index
      %swap3A_729 = tpu.vector_load %arg13[%swap3A_727, %swap3A_728] {strides = array<i32>} : memref<16x384xf32, #tpu.memory_space<vmem>>, vector<16xf32>,
      tpu.vector_store %arg13[%swap3A_727, %swap3A_728], %mul3A_726 {strides = array<i32>} : memref<16x384xf32, #tpu.memory_space<vmem>>, vector<16xf32>,
      %mul3A_730 = arith.mulf %get3A_484, %mul3A_697 : vector<16xf32>
      %swap3A_731 = arith.index_cast %scan3A_457 : i32 to index
      %swap3A_732 = arith.constant 128 : index
      %swap3A_733 = tpu.vector_load %arg13[%swap3A_731, %swap3A_732] {strides = array<i32>} : memref<16x384xf32, #tpu.memory_space<vmem>>, vector<16xf32>,
      tpu.vector_store %arg13[%swap3A_731, %swap3A_732], %mul3A_730 {strides = array<i32>} : memref<16x384xf32, #tpu.memory_space<vmem>>, vector<16xf32>,
      %swap3A_734 = arith.index_cast %scan3A_457 : i32 to index
      %swap3A_735 = arith.constant 256 : index
      %swap3A_736 = tpu.vector_load %arg13[%swap3A_734, %swap3A_735] {strides = array<i32>} : memref<16x384xf32, #tpu.memory_space<vmem>>, vector<16xf32>,
      tpu.vector_store %arg13[%swap3A_734, %swap3A_735], %mul3A_730 {strides = array<i32>} : memref<16x384xf32, #tpu.memory_space<vmem>>, vector<16xf32>,
      %mul3A_737 = arith.mulf %get3A_487, %mul3A_697 : vector<16xf32>
      %swap3A_738 = arith.index_cast %scan3A_457 : i32 to index
      %swap3A_739 = arith.constant 144 : index
      %swap3A_740 = tpu.vector_load %arg13[%swap3A_738, %swap3A_739] {strides = array<i32>} : memref<16x384xf32, #tpu.memory_space<vmem>>, vector<16xf32>,
      tpu.vector_store %arg13[%swap3A_738, %swap3A_739], %mul3A_737 {strides = array<i32>} : memref<16x384xf32, #tpu.memory_space<vmem>>, vector<16xf32>,
      %swap3A_741 = arith.index_cast %scan3A_457 : i32 to index
      %swap3A_742 = arith.constant 272 : index
      %swap3A_743 = tpu.vector_load %arg13[%swap3A_741, %swap3A_742] {strides = array<i32>} : memref<16x384xf32, #tpu.memory_space<vmem>>, vector<16xf32>,
      tpu.vector_store %arg13[%swap3A_741, %swap3A_742], %mul3A_737 {strides = array<i32>} : memref<16x384xf32, #tpu.memory_space<vmem>>, vector<16xf32>,
      %mul3A_744 = arith.mulf %get3A_490, %mul3A_697 : vector<16xf32>
      %swap3A_745 = arith.index_cast %scan3A_457 : i32 to index
      %swap3A_746 = arith.constant 160 : index
      %swap3A_747 = tpu.vector_load %arg13[%swap3A_745, %swap3A_746] {strides = array<i32>} : memref<16x384xf32, #tpu.memory_space<vmem>>, vector<16xf32>,
      tpu.vector_store %arg13[%swap3A_745, %swap3A_746], %mul3A_744 {strides = array<i32>} : memref<16x384xf32, #tpu.memory_space<vmem>>, vector<16xf32>,
      %swap3A_748 = arith.index_cast %scan3A_457 : i32 to index
      %swap3A_749 = arith.constant 288 : index
      %swap3A_750 = tpu.vector_load %arg13[%swap3A_748, %swap3A_749] {strides = array<i32>} : memref<16x384xf32, #tpu.memory_space<vmem>>, vector<16xf32>,
      tpu.vector_store %arg13[%swap3A_748, %swap3A_749], %mul3A_744 {strides = array<i32>} : memref<16x384xf32, #tpu.memory_space<vmem>>, vector<16xf32>,
      %mul3A_751 = arith.mulf %get3A_493, %mul3A_697 : vector<16xf32>
      %swap3A_752 = arith.index_cast %scan3A_457 : i32 to index
      %swap3A_753 = arith.constant 176 : index
      %swap3A_754 = tpu.vector_load %arg13[%swap3A_752, %swap3A_753] {strides = array<i32>} : memref<16x384xf32, #tpu.memory_space<vmem>>, vector<16xf32>,
      tpu.vector_store %arg13[%swap3A_752, %swap3A_753], %mul3A_751 {strides = array<i32>} : memref<16x384xf32, #tpu.memory_space<vmem>>, vector<16xf32>,
      %swap3A_755 = arith.index_cast %scan3A_457 : i32 to index
      %swap3A_756 = arith.constant 304 : index
      %swap3A_757 = tpu.vector_load %arg13[%swap3A_755, %swap3A_756] {strides = array<i32>} : memref<16x384xf32, #tpu.memory_space<vmem>>, vector<16xf32>,
      tpu.vector_store %arg13[%swap3A_755, %swap3A_756], %mul3A_751 {strides = array<i32>} : memref<16x384xf32, #tpu.memory_space<vmem>>, vector<16xf32>,
      %mul3A_758 = arith.mulf %get3A_496, %mul3A_698 : vector<16xf32>
      %swap3A_759 = arith.index_cast %scan3A_457 : i32 to index
      %swap3A_760 = arith.constant 192 : index
      %swap3A_761 = tpu.vector_load %arg13[%swap3A_759, %swap3A_760] {strides = array<i32>} : memref<16x384xf32, #tpu.memory_space<vmem>>, vector<16xf32>,
      tpu.vector_store %arg13[%swap3A_759, %swap3A_760], %mul3A_758 {strides = array<i32>} : memref<16x384xf32, #tpu.memory_space<vmem>>, vector<16xf32>,
      %swap3A_762 = arith.index_cast %scan3A_457 : i32 to index
      %swap3A_763 = arith.constant 320 : index
      %swap3A_764 = tpu.vector_load %arg13[%swap3A_762, %swap3A_763] {strides = array<i32>} : memref<16x384xf32, #tpu.memory_space<vmem>>, vector<16xf32>,
      tpu.vector_store %arg13[%swap3A_762, %swap3A_763], %mul3A_758 {strides = array<i32>} : memref<16x384xf32, #tpu.memory_space<vmem>>, vector<16xf32>,
      %mul3A_765 = arith.mulf %get3A_499, %mul3A_698 : vector<16xf32>
      %swap3A_766 = arith.index_cast %scan3A_457 : i32 to index
      %swap3A_767 = arith.constant 208 : index
      %swap3A_768 = tpu.vector_load %arg13[%swap3A_766, %swap3A_767] {strides = array<i32>} : memref<16x384xf32, #tpu.memory_space<vmem>>, vector<16xf32>,
      tpu.vector_store %arg13[%swap3A_766, %swap3A_767], %mul3A_765 {strides = array<i32>} : memref<16x384xf32, #tpu.memory_space<vmem>>, vector<16xf32>,
      %swap3A_769 = arith.index_cast %scan3A_457 : i32 to index
      %swap3A_770 = arith.constant 336 : index
      %swap3A_771 = tpu.vector_load %arg13[%swap3A_769, %swap3A_770] {strides = array<i32>} : memref<16x384xf32, #tpu.memory_space<vmem>>, vector<16xf32>,
      tpu.vector_store %arg13[%swap3A_769, %swap3A_770], %mul3A_765 {strides = array<i32>} : memref<16x384xf32, #tpu.memory_space<vmem>>, vector<16xf32>,
      %mul3A_772 = arith.mulf %get3A_502, %mul3A_698 : vector<16xf32>
      %swap3A_773 = arith.index_cast %scan3A_457 : i32 to index
      %swap3A_774 = arith.constant 224 : index
      %swap3A_775 = tpu.vector_load %arg13[%swap3A_773, %swap3A_774] {strides = array<i32>} : memref<16x384xf32, #tpu.memory_space<vmem>>, vector<16xf32>,
      tpu.vector_store %arg13[%swap3A_773, %swap3A_774], %mul3A_772 {strides = array<i32>} : memref<16x384xf32, #tpu.memory_space<vmem>>, vector<16xf32>,
      %swap3A_776 = arith.index_cast %scan3A_457 : i32 to index
      %swap3A_777 = arith.constant 352 : index
      %swap3A_778 = tpu.vector_load %arg13[%swap3A_776, %swap3A_777] {strides = array<i32>} : memref<16x384xf32, #tpu.memory_space<vmem>>, vector<16xf32>,
      tpu.vector_store %arg13[%swap3A_776, %swap3A_777], %mul3A_772 {strides = array<i32>} : memref<16x384xf32, #tpu.memory_space<vmem>>, vector<16xf32>,
      %mul3A_779 = arith.mulf %get3A_505, %mul3A_698 : vector<16xf32>
      %swap3A_780 = arith.index_cast %scan3A_457 : i32 to index
      %swap3A_781 = arith.constant 240 : index
      %swap3A_782 = tpu.vector_load %arg13[%swap3A_780, %swap3A_781] {strides = array<i32>} : memref<16x384xf32, #tpu.memory_space<vmem>>, vector<16xf32>,
      tpu.vector_store %arg13[%swap3A_780, %swap3A_781], %mul3A_779 {strides = array<i32>} : memref<16x384xf32, #tpu.memory_space<vmem>>, vector<16xf32>,
      %swap3A_783 = arith.index_cast %scan3A_457 : i32 to index
      %swap3A_784 = arith.constant 368 : index
      %swap3A_785 = tpu.vector_load %arg13[%swap3A_783, %swap3A_784] {strides = array<i32>} : memref<16x384xf32, #tpu.memory_space<vmem>>, vector<16xf32>,
      tpu.vector_store %arg13[%swap3A_783, %swap3A_784], %mul3A_779 {strides = array<i32>} : memref<16x384xf32, #tpu.memory_space<vmem>>, vector<16xf32>,
    }
    %scan3A_239 = arith.constant 16 : i32
    "tpu.trace_stop"() : () -> ()
    %add3A_240 = arith.constant 32 : i32
    %add3A_241 = arith.addi %add3A_224, %add3A_240 : i32
    %dma_start3A_242 = arith.constant 0 : i32
    %dma_start3A_243 = tpu.memref_slice %arg2[%add3A_241, %dma_start3A_242] : memref<4096x128xf32, #tpu.memory_space<hbm>> -> memref<16x128xf32, #tpu.memory_space<hbm>>
    %dma_start3A_244 = arith.constant 0 : i32
    %dma_start3A_245 = tpu.memref_slice %arg2[%add3A_241, %dma_start3A_244] : memref<4096x128xf32, #tpu.memory_space<hbm>> -> memref<16x128xf32, #tpu.memory_space<hbm>>
    tpu.enqueue_dma source(%dma_start3A_245 : memref<16x128xf32, #tpu.memory_space<hbm>>) target(%arg9 : memref<16x128xf32, #tpu.memory_space<vmem>>) target_semaphore(%arg15 : memref<!tpu.dma_semaphore, #tpu.memory_space<semaphore_mem>>)
    %dma_start3A_246 = arith.constant 48 : i32
    %dma_start3A_247 = tpu.memref_slice %arg7[%dma_start3A_246] : memref<128xi32, #tpu.memory_space<vmem>> -> memref<16xi32, #tpu.memory_space<vmem>>
    %dma_start3A_248 = arith.constant 0 : i32
    %dma_start3A_249 = arith.constant 0 : i32
    %dma_start3A_250 = tpu.memref_slice %arg2[%dma_start3A_248, %dma_start3A_249] : memref<4096x128xf32, #tpu.memory_space<hbm>> -> memref<4096x128xf32, #tpu.memory_space<hbm>>
    tpu.enqueue_indirect_dma source(%dma_start3A_250 : memref<4096x128xf32, #tpu.memory_space<hbm>>) target(%arg11 : memref<16x128xf32, #tpu.memory_space<vmem>>) offsets(%dma_start3A_247 : memref<16xi32, #tpu.memory_space<vmem>>) semaphore(%arg17 : memref<!tpu.dma_semaphore, #tpu.memory_space<semaphore_mem>>)
    %dma_start3A_251 = arith.constant 0 : i32
    %dma_start3A_252 = tpu.memref_slice %arg4[%add3A_224, %dma_start3A_251] : memref<4096x384xf32, #tpu.memory_space<hbm>> -> memref<16x384xf32, #tpu.memory_space<hbm>>
    %dma_start3A_253 = arith.constant 0 : i32
    %dma_start3A_254 = tpu.memref_slice %arg4[%add3A_224, %dma_start3A_253] : memref<4096x384xf32, #tpu.memory_space<hbm>> -> memref<16x384xf32, #tpu.memory_space<hbm>>
    tpu.enqueue_dma source(%arg13 : memref<16x384xf32, #tpu.memory_space<vmem>>) target(%dma_start3A_254 : memref<16x384xf32, #tpu.memory_space<hbm>>) target_semaphore(%arg19 : memref<!tpu.dma_semaphore, #tpu.memory_space<semaphore_mem>>)
    %add3A_255 = arith.constant 32 : i32
    %add3A_256 = arith.addi %mul3A_2, %add3A_255 : i32
    "tpu.trace_start"() <{level = 10 : i32, message = "p_wait_in"}> : () -> ()
    %dma_wait3A_257 = arith.constant 0 : i32
    %dma_wait3A_258 = tpu.memref_slice %arg2[%add3A_209, %dma_wait3A_257] : memref<4096x128xf32, #tpu.memory_space<hbm>> -> memref<16x128xf32, #tpu.memory_space<hbm>>
    %dma_wait3A_259 = arith.constant 0 : i32
    %dma_wait3A_260 = tpu.memref_slice %arg2[%add3A_209, %dma_wait3A_259] : memref<4096x128xf32, #tpu.memory_space<hbm>> -> memref<16x128xf32, #tpu.memory_space<hbm>>
    tpu.wait_dma2 semaphore(%arg14 : memref<!tpu.dma_semaphore, #tpu.memory_space<semaphore_mem>>) src(%dma_wait3A_260 : memref<16x128xf32, #tpu.memory_space<hbm>>) dst(%arg8 : memref<16x128xf32, #tpu.memory_space<vmem>>)
    %dma_wait3A_261 = arith.constant 32 : i32
    %dma_wait3A_262 = tpu.memref_slice %arg7[%dma_wait3A_261] : memref<128xi32, #tpu.memory_space<vmem>> -> memref<16xi32, #tpu.memory_space<vmem>>
    %dma_wait3A_263 = arith.constant 0 : i32
    %dma_wait3A_264 = arith.constant 0 : i32
    %dma_wait3A_265 = tpu.memref_slice %arg2[%dma_wait3A_263, %dma_wait3A_264] : memref<4096x128xf32, #tpu.memory_space<hbm>> -> memref<4096x128xf32, #tpu.memory_space<hbm>>
    tpu.wait_indirect_dma semaphore(%arg16 : memref<!tpu.dma_semaphore, #tpu.memory_space<semaphore_mem>>) src(%dma_wait3A_265 : memref<4096x128xf32, #tpu.memory_space<hbm>>) dst(%arg10 : memref<16x128xf32, #tpu.memory_space<vmem>>)
    "tpu.trace_stop"() : () -> ()
    %dma_wait3A_266 = arith.constant 0 : i32
    %dma_wait3A_267 = tpu.memref_slice %arg4[%add3A_192, %dma_wait3A_266] : memref<4096x384xf32, #tpu.memory_space<hbm>> -> memref<16x384xf32, #tpu.memory_space<hbm>>
    %dma_wait3A_268 = arith.constant 0 : i32
    %dma_wait3A_269 = tpu.memref_slice %arg4[%add3A_192, %dma_wait3A_268] : memref<4096x384xf32, #tpu.memory_space<hbm>> -> memref<16x384xf32, #tpu.memory_space<hbm>>
    tpu.wait_dma2 semaphore(%arg18 : memref<!tpu.dma_semaphore, #tpu.memory_space<semaphore_mem>>) src(%arg12 : memref<16x384xf32, #tpu.memory_space<vmem>>) dst(%dma_wait3A_269 : memref<16x384xf32, #tpu.memory_space<hbm>>)
    "tpu.trace_start"() <{level = 10 : i32, message = "p_norm"}> : () -> ()
    %scan3A_270 = arith.constant 0 : i32
    %scan3A_271 = arith.constant 0 : i32
    %scan3A_272 = arith.constant 16 : i32
    %scan3A_273 = arith.addi %scan3A_271, %scan3A_272 : i32
    %scan3A_274 = arith.constant 1 : i32
    scf.for %scan3A_457 = %scan3A_271 to %scan3A_273 step %scan3A_274  : i32 {
      %get3A_458 = arith.index_cast %scan3A_457 : i32 to index
      %get3A_459 = arith.constant 0 : index
      %get3A_460 = tpu.vector_load %arg8[%get3A_458, %get3A_459] {strides = array<i32>} : memref<16x128xf32, #tpu.memory_space<vmem>>, vector<16xf32>,
      %get3A_461 = arith.index_cast %scan3A_457 : i32 to index
      %get3A_462 = arith.constant 16 : index
      %get3A_463 = tpu.vector_load %arg8[%get3A_461, %get3A_462] {strides = array<i32>} : memref<16x128xf32, #tpu.memory_space<vmem>>, vector<16xf32>,
      %get3A_464 = arith.index_cast %scan3A_457 : i32 to index
      %get3A_465 = arith.constant 32 : index
      %get3A_466 = tpu.vector_load %arg8[%get3A_464, %get3A_465] {strides = array<i32>} : memref<16x128xf32, #tpu.memory_space<vmem>>, vector<16xf32>,
      %get3A_467 = arith.index_cast %scan3A_457 : i32 to index
      %get3A_468 = arith.constant 48 : index
      %get3A_469 = tpu.vector_load %arg8[%get3A_467, %get3A_468] {strides = array<i32>} : memref<16x128xf32, #tpu.memory_space<vmem>>, vector<16xf32>,
      %get3A_470 = arith.index_cast %scan3A_457 : i32 to index
      %get3A_471 = arith.constant 64 : index
      %get3A_472 = tpu.vector_load %arg8[%get3A_470, %get3A_471] {strides = array<i32>} : memref<16x128xf32, #tpu.memory_space<vmem>>, vector<16xf32>,
      %get3A_473 = arith.index_cast %scan3A_457 : i32 to index
      %get3A_474 = arith.constant 80 : index
      %get3A_475 = tpu.vector_load %arg8[%get3A_473, %get3A_474] {strides = array<i32>} : memref<16x128xf32, #tpu.memory_space<vmem>>, vector<16xf32>,
      %get3A_476 = arith.index_cast %scan3A_457 : i32 to index
      %get3A_477 = arith.constant 96 : index
      %get3A_478 = tpu.vector_load %arg8[%get3A_476, %get3A_477] {strides = array<i32>} : memref<16x128xf32, #tpu.memory_space<vmem>>, vector<16xf32>,
      %get3A_479 = arith.index_cast %scan3A_457 : i32 to index
      %get3A_480 = arith.constant 112 : index
      %get3A_481 = tpu.vector_load %arg8[%get3A_479, %get3A_480] {strides = array<i32>} : memref<16x128xf32, #tpu.memory_space<vmem>>, vector<16xf32>,
      %get3A_482 = arith.index_cast %scan3A_457 : i32 to index
      %get3A_483 = arith.constant 0 : index
      %get3A_484 = tpu.vector_load %arg10[%get3A_482, %get3A_483] {strides = array<i32>} : memref<16x128xf32, #tpu.memory_space<vmem>>, vector<16xf32>,
      %get3A_485 = arith.index_cast %scan3A_457 : i32 to index
      %get3A_486 = arith.constant 16 : index
      %get3A_487 = tpu.vector_load %arg10[%get3A_485, %get3A_486] {strides = array<i32>} : memref<16x128xf32, #tpu.memory_space<vmem>>, vector<16xf32>,
      %get3A_488 = arith.index_cast %scan3A_457 : i32 to index
      %get3A_489 = arith.constant 32 : index
      %get3A_490 = tpu.vector_load %arg10[%get3A_488, %get3A_489] {strides = array<i32>} : memref<16x128xf32, #tpu.memory_space<vmem>>, vector<16xf32>,
      %get3A_491 = arith.index_cast %scan3A_457 : i32 to index
      %get3A_492 = arith.constant 48 : index
      %get3A_493 = tpu.vector_load %arg10[%get3A_491, %get3A_492] {strides = array<i32>} : memref<16x128xf32, #tpu.memory_space<vmem>>, vector<16xf32>,
      %get3A_494 = arith.index_cast %scan3A_457 : i32 to index
      %get3A_495 = arith.constant 64 : index
      %get3A_496 = tpu.vector_load %arg10[%get3A_494, %get3A_495] {strides = array<i32>} : memref<16x128xf32, #tpu.memory_space<vmem>>, vector<16xf32>,
      %get3A_497 = arith.index_cast %scan3A_457 : i32 to index
      %get3A_498 = arith.constant 80 : index
      %get3A_499 = tpu.vector_load %arg10[%get3A_497, %get3A_498] {strides = array<i32>} : memref<16x128xf32, #tpu.memory_space<vmem>>, vector<16xf32>,
      %get3A_500 = arith.index_cast %scan3A_457 : i32 to index
      %get3A_501 = arith.constant 96 : index
      %get3A_502 = tpu.vector_load %arg10[%get3A_500, %get3A_501] {strides = array<i32>} : memref<16x128xf32, #tpu.memory_space<vmem>>, vector<16xf32>,
      %get3A_503 = arith.index_cast %scan3A_457 : i32 to index
      %get3A_504 = arith.constant 112 : index
      %get3A_505 = tpu.vector_load %arg10[%get3A_503, %get3A_504] {strides = array<i32>} : memref<16x128xf32, #tpu.memory_space<vmem>>, vector<16xf32>,
      %mul3A_506 = arith.mulf %get3A_460, %get3A_460 : vector<16xf32>
      %mul3A_507 = arith.mulf %get3A_472, %get3A_472 : vector<16xf32>
      %mul3A_508 = arith.mulf %get3A_484, %get3A_484 : vector<16xf32>
      %mul3A_509 = arith.mulf %get3A_496, %get3A_496 : vector<16xf32>
      %mul3A_510 = arith.mulf %get3A_463, %get3A_463 : vector<16xf32>
      %mul3A_511 = arith.mulf %get3A_475, %get3A_475 : vector<16xf32>
      %mul3A_512 = arith.mulf %get3A_487, %get3A_487 : vector<16xf32>
      %mul3A_513 = arith.mulf %get3A_499, %get3A_499 : vector<16xf32>
      %add3A_514 = arith.addf %mul3A_506, %mul3A_510 : vector<16xf32>
      %add3A_515 = arith.addf %mul3A_507, %mul3A_511 : vector<16xf32>
      %add3A_516 = arith.addf %mul3A_508, %mul3A_512 : vector<16xf32>
      %add3A_517 = arith.addf %mul3A_509, %mul3A_513 : vector<16xf32>
      %mul3A_518 = arith.mulf %get3A_466, %get3A_466 : vector<16xf32>
      %mul3A_519 = arith.mulf %get3A_478, %get3A_478 : vector<16xf32>
      %mul3A_520 = arith.mulf %get3A_490, %get3A_490 : vector<16xf32>
      %mul3A_521 = arith.mulf %get3A_502, %get3A_502 : vector<16xf32>
      %add3A_522 = arith.addf %add3A_514, %mul3A_518 : vector<16xf32>
      %add3A_523 = arith.addf %add3A_515, %mul3A_519 : vector<16xf32>
      %add3A_524 = arith.addf %add3A_516, %mul3A_520 : vector<16xf32>
      %add3A_525 = arith.addf %add3A_517, %mul3A_521 : vector<16xf32>
      %mul3A_526 = arith.mulf %get3A_469, %get3A_469 : vector<16xf32>
      %mul3A_527 = arith.mulf %get3A_481, %get3A_481 : vector<16xf32>
      %mul3A_528 = arith.mulf %get3A_493, %get3A_493 : vector<16xf32>
      %mul3A_529 = arith.mulf %get3A_505, %get3A_505 : vector<16xf32>
      %add3A_530 = arith.addf %add3A_522, %mul3A_526 : vector<16xf32>
      %add3A_531 = arith.addf %add3A_523, %mul3A_527 : vector<16xf32>
      %add3A_532 = arith.addf %add3A_524, %mul3A_528 : vector<16xf32>
      %add3A_533 = arith.addf %add3A_525, %mul3A_529 : vector<16xf32>
      %reshape3A_534 = vector.shape_cast %xor3A_171 : vector<16xi32> to vector<16x1xi32>
      %gather3A_535 = vector.shape_cast %reshape3A_534 : vector<16x1xi32> to vector<16xi32>
      %gather3A_536 = tpu.dynamic_gather %add3A_530[%gather3A_535] in [0] : vector<16xf32>, vector<16xi32> -> vector<16xf32>
      %reshape3A_537 = vector.shape_cast %xor3A_171 : vector<16xi32> to vector<16x1xi32>
      %gather3A_538 = vector.shape_cast %reshape3A_537 : vector<16x1xi32> to vector<16xi32>
      %gather3A_539 = tpu.dynamic_gather %add3A_531[%gather3A_538] in [0] : vector<16xf32>, vector<16xi32> -> vector<16xf32>
      %reshape3A_540 = vector.shape_cast %xor3A_171 : vector<16xi32> to vector<16x1xi32>
      %gather3A_541 = vector.shape_cast %reshape3A_540 : vector<16x1xi32> to vector<16xi32>
      %gather3A_542 = tpu.dynamic_gather %add3A_532[%gather3A_541] in [0] : vector<16xf32>, vector<16xi32> -> vector<16xf32>
      %reshape3A_543 = vector.shape_cast %xor3A_171 : vector<16xi32> to vector<16x1xi32>
      %gather3A_544 = vector.shape_cast %reshape3A_543 : vector<16x1xi32> to vector<16xi32>
      %gather3A_545 = tpu.dynamic_gather %add3A_533[%gather3A_544] in [0] : vector<16xf32>, vector<16xi32> -> vector<16xf32>
      %add3A_546 = arith.addf %add3A_530, %gather3A_536 : vector<16xf32>
      %add3A_547 = arith.addf %add3A_531, %gather3A_539 : vector<16xf32>
      %add3A_548 = arith.addf %add3A_532, %gather3A_542 : vector<16xf32>
      %add3A_549 = arith.addf %add3A_533, %gather3A_545 : vector<16xf32>
      %reshape3A_550 = vector.shape_cast %xor3A_174 : vector<16xi32> to vector<16x1xi32>
      %gather3A_551 = vector.shape_cast %reshape3A_550 : vector<16x1xi32> to vector<16xi32>
      %gather3A_552 = tpu.dynamic_gather %add3A_546[%gather3A_551] in [0] : vector<16xf32>, vector<16xi32> -> vector<16xf32>
      %reshape3A_553 = vector.shape_cast %xor3A_174 : vector<16xi32> to vector<16x1xi32>
      %gather3A_554 = vector.shape_cast %reshape3A_553 : vector<16x1xi32> to vector<16xi32>
      %gather3A_555 = tpu.dynamic_gather %add3A_547[%gather3A_554] in [0] : vector<16xf32>, vector<16xi32> -> vector<16xf32>
      %reshape3A_556 = vector.shape_cast %xor3A_174 : vector<16xi32> to vector<16x1xi32>
      %gather3A_557 = vector.shape_cast %reshape3A_556 : vector<16x1xi32> to vector<16xi32>
      %gather3A_558 = tpu.dynamic_gather %add3A_548[%gather3A_557] in [0] : vector<16xf32>, vector<16xi32> -> vector<16xf32>
      %reshape3A_559 = vector.shape_cast %xor3A_174 : vector<16xi32> to vector<16x1xi32>
      %gather3A_560 = vector.shape_cast %reshape3A_559 : vector<16x1xi32> to vector<16xi32>
      %gather3A_561 = tpu.dynamic_gather %add3A_549[%gather3A_560] in [0] : vector<16xf32>, vector<16xi32> -> vector<16xf32>
      %add3A_562 = arith.addf %add3A_546, %gather3A_552 : vector<16xf32>
      %add3A_563 = arith.addf %add3A_547, %gather3A_555 : vector<16xf32>
      %add3A_564 = arith.addf %add3A_548, %gather3A_558 : vector<16xf32>
      %add3A_565 = arith.addf %add3A_549, %gather3A_561 : vector<16xf32>
      %reshape3A_566 = vector.shape_cast %xor3A_177 : vector<16xi32> to vector<16x1xi32>
      %gather3A_567 = vector.shape_cast %reshape3A_566 : vector<16x1xi32> to vector<16xi32>
      %gather3A_568 = tpu.dynamic_gather %add3A_562[%gather3A_567] in [0] : vector<16xf32>, vector<16xi32> -> vector<16xf32>
      %reshape3A_569 = vector.shape_cast %xor3A_177 : vector<16xi32> to vector<16x1xi32>
      %gather3A_570 = vector.shape_cast %reshape3A_569 : vector<16x1xi32> to vector<16xi32>
      %gather3A_571 = tpu.dynamic_gather %add3A_563[%gather3A_570] in [0] : vector<16xf32>, vector<16xi32> -> vector<16xf32>
      %reshape3A_572 = vector.shape_cast %xor3A_177 : vector<16xi32> to vector<16x1xi32>
      %gather3A_573 = vector.shape_cast %reshape3A_572 : vector<16x1xi32> to vector<16xi32>
      %gather3A_574 = tpu.dynamic_gather %add3A_564[%gather3A_573] in [0] : vector<16xf32>, vector<16xi32> -> vector<16xf32>
      %reshape3A_575 = vector.shape_cast %xor3A_177 : vector<16xi32> to vector<16x1xi32>
      %gather3A_576 = vector.shape_cast %reshape3A_575 : vector<16x1xi32> to vector<16xi32>
      %gather3A_577 = tpu.dynamic_gather %add3A_565[%gather3A_576] in [0] : vector<16xf32>, vector<16xi32> -> vector<16xf32>
      %add3A_578 = arith.addf %add3A_562, %gather3A_568 : vector<16xf32>
      %add3A_579 = arith.addf %add3A_563, %gather3A_571 : vector<16xf32>
      %add3A_580 = arith.addf %add3A_564, %gather3A_574 : vector<16xf32>
      %add3A_581 = arith.addf %add3A_565, %gather3A_577 : vector<16xf32>
      %reshape3A_582 = vector.shape_cast %xor3A_180 : vector<16xi32> to vector<16x1xi32>
      %gather3A_583 = vector.shape_cast %reshape3A_582 : vector<16x1xi32> to vector<16xi32>
      %gather3A_584 = tpu.dynamic_gather %add3A_578[%gather3A_583] in [0] : vector<16xf32>, vector<16xi32> -> vector<16xf32>
      %reshape3A_585 = vector.shape_cast %xor3A_180 : vector<16xi32> to vector<16x1xi32>
      %gather3A_586 = vector.shape_cast %reshape3A_585 : vector<16x1xi32> to vector<16xi32>
      %gather3A_587 = tpu.dynamic_gather %add3A_579[%gather3A_586] in [0] : vector<16xf32>, vector<16xi32> -> vector<16xf32>
      %reshape3A_588 = vector.shape_cast %xor3A_180 : vector<16xi32> to vector<16x1xi32>
      %gather3A_589 = vector.shape_cast %reshape3A_588 : vector<16x1xi32> to vector<16xi32>
      %gather3A_590 = tpu.dynamic_gather %add3A_580[%gather3A_589] in [0] : vector<16xf32>, vector<16xi32> -> vector<16xf32>
      %reshape3A_591 = vector.shape_cast %xor3A_180 : vector<16xi32> to vector<16x1xi32>
      %gather3A_592 = vector.shape_cast %reshape3A_591 : vector<16x1xi32> to vector<16xi32>
      %gather3A_593 = tpu.dynamic_gather %add3A_581[%gather3A_592] in [0] : vector<16xf32>, vector<16xi32> -> vector<16xf32>
      %add3A_594 = arith.addf %add3A_578, %gather3A_584 : vector<16xf32>
      %add3A_595 = arith.addf %add3A_579, %gather3A_587 : vector<16xf32>
      %add3A_596 = arith.addf %add3A_580, %gather3A_590 : vector<16xf32>
      %add3A_597 = arith.addf %add3A_581, %gather3A_593 : vector<16xf32>
      %max3A = arith.constant 1.000000e-24 : f32
      %max3A_598 = vector.broadcast %max3A : f32 to vector<16xf32>
      %max3A_599 = arith.maximumf %add3A_594, %max3A_598 : vector<16xf32>
      %max3A_600 = arith.constant 1.000000e-24 : f32
      %max3A_601 = vector.broadcast %max3A_600 : f32 to vector<16xf32>
      %max3A_602 = arith.maximumf %add3A_595, %max3A_601 : vector<16xf32>
      %max3A_603 = arith.constant 1.000000e-24 : f32
      %max3A_604 = vector.broadcast %max3A_603 : f32 to vector<16xf32>
      %max3A_605 = arith.maximumf %add3A_596, %max3A_604 : vector<16xf32>
      %max3A_606 = arith.constant 1.000000e-24 : f32
      %max3A_607 = vector.broadcast %max3A_606 : f32 to vector<16xf32>
      %max3A_608 = arith.maximumf %add3A_597, %max3A_607 : vector<16xf32>
      %bitcast3A = vector.bitcast %max3A_599 : vector<16xf32> to vector<16xi32>
      %bitcast3A_609 = vector.bitcast %max3A_602 : vector<16xf32> to vector<16xi32>
      %bitcast3A_610 = vector.bitcast %max3A_605 : vector<16xf32> to vector<16xi32>
      %bitcast3A_611 = vector.bitcast %max3A_608 : vector<16xf32> to vector<16xi32>
      %shift_right_arithmetic3A_612 = arith.constant 1 : i32
      %shift_right_arithmetic3A_613 = vector.broadcast %shift_right_arithmetic3A_612 : i32 to vector<16xi32>
      %shift_right_arithmetic3A_614 = arith.shrsi %bitcast3A, %shift_right_arithmetic3A_613 : vector<16xi32>
      %sub3A = arith.constant 1597463007 : i32
      %sub3A_615 = vector.broadcast %sub3A : i32 to vector<16xi32>
      %sub3A_616 = arith.subi %sub3A_615, %shift_right_arithmetic3A_614 : vector<16xi32>
      %bitcast3A_617 = vector.bitcast %sub3A_616 : vector<16xi32> to vector<16xf32>
      %shift_right_arithmetic3A_618 = arith.constant 1 : i32
      %shift_right_arithmetic3A_619 = vector.broadcast %shift_right_arithmetic3A_618 : i32 to vector<16xi32>
      %shift_right_arithmetic3A_620 = arith.shrsi %bitcast3A_609, %shift_right_arithmetic3A_619 : vector<16xi32>
      %sub3A_621 = arith.constant 1597463007 : i32
      %sub3A_622 = vector.broadcast %sub3A_621 : i32 to vector<16xi32>
      %sub3A_623 = arith.subi %sub3A_622, %shift_right_arithmetic3A_620 : vector<16xi32>
      %bitcast3A_624 = vector.bitcast %sub3A_623 : vector<16xi32> to vector<16xf32>
      %shift_right_arithmetic3A_625 = arith.constant 1 : i32
      %shift_right_arithmetic3A_626 = vector.broadcast %shift_right_arithmetic3A_625 : i32 to vector<16xi32>
      %shift_right_arithmetic3A_627 = arith.shrsi %bitcast3A_610, %shift_right_arithmetic3A_626 : vector<16xi32>
      %sub3A_628 = arith.constant 1597463007 : i32
      %sub3A_629 = vector.broadcast %sub3A_628 : i32 to vector<16xi32>
      %sub3A_630 = arith.subi %sub3A_629, %shift_right_arithmetic3A_627 : vector<16xi32>
      %bitcast3A_631 = vector.bitcast %sub3A_630 : vector<16xi32> to vector<16xf32>
      %shift_right_arithmetic3A_632 = arith.constant 1 : i32
      %shift_right_arithmetic3A_633 = vector.broadcast %shift_right_arithmetic3A_632 : i32 to vector<16xi32>
      %shift_right_arithmetic3A_634 = arith.shrsi %bitcast3A_611, %shift_right_arithmetic3A_633 : vector<16xi32>
      %sub3A_635 = arith.constant 1597463007 : i32
      %sub3A_636 = vector.broadcast %sub3A_635 : i32 to vector<16xi32>
      %sub3A_637 = arith.subi %sub3A_636, %shift_right_arithmetic3A_634 : vector<16xi32>
      %bitcast3A_638 = vector.bitcast %sub3A_637 : vector<16xi32> to vector<16xf32>
      %mul3A_639 = arith.constant 5.000000e-01 : f32
      %mul3A_640 = vector.broadcast %mul3A_639 : f32 to vector<16xf32>
      %mul3A_641 = arith.mulf %mul3A_640, %max3A_599 : vector<16xf32>
      %mul3A_642 = arith.constant 5.000000e-01 : f32
      %mul3A_643 = vector.broadcast %mul3A_642 : f32 to vector<16xf32>
      %mul3A_644 = arith.mulf %mul3A_643, %max3A_602 : vector<16xf32>
      %mul3A_645 = arith.constant 5.000000e-01 : f32
      %mul3A_646 = vector.broadcast %mul3A_645 : f32 to vector<16xf32>
      %mul3A_647 = arith.mulf %mul3A_646, %max3A_605 : vector<16xf32>
      %mul3A_648 = arith.constant 5.000000e-01 : f32
      %mul3A_649 = vector.broadcast %mul3A_648 : f32 to vector<16xf32>
      %mul3A_650 = arith.mulf %mul3A_649, %max3A_608 : vector<16xf32>
      %mul3A_651 = arith.mulf %bitcast3A_617, %bitcast3A_617 : vector<16xf32>
      %mul3A_652 = arith.mulf %bitcast3A_624, %bitcast3A_624 : vector<16xf32>
      %mul3A_653 = arith.mulf %bitcast3A_631, %bitcast3A_631 : vector<16xf32>
      %mul3A_654 = arith.mulf %bitcast3A_638, %bitcast3A_638 : vector<16xf32>
      %mul3A_655 = arith.mulf %mul3A_641, %mul3A_651 : vector<16xf32>
      %mul3A_656 = arith.mulf %mul3A_644, %mul3A_652 : vector<16xf32>
      %mul3A_657 = arith.mulf %mul3A_647, %mul3A_653 : vector<16xf32>
      %mul3A_658 = arith.mulf %mul3A_650, %mul3A_654 : vector<16xf32>
      %sub3A_659 = arith.constant 1.500000e+00 : f32
      %sub3A_660 = vector.broadcast %sub3A_659 : f32 to vector<16xf32>
      %sub3A_661 = arith.subf %sub3A_660, %mul3A_655 : vector<16xf32>
      %sub3A_662 = arith.constant 1.500000e+00 : f32
      %sub3A_663 = vector.broadcast %sub3A_662 : f32 to vector<16xf32>
      %sub3A_664 = arith.subf %sub3A_663, %mul3A_656 : vector<16xf32>
      %sub3A_665 = arith.constant 1.500000e+00 : f32
      %sub3A_666 = vector.broadcast %sub3A_665 : f32 to vector<16xf32>
      %sub3A_667 = arith.subf %sub3A_666, %mul3A_657 : vector<16xf32>
      %sub3A_668 = arith.constant 1.500000e+00 : f32
      %sub3A_669 = vector.broadcast %sub3A_668 : f32 to vector<16xf32>
      %sub3A_670 = arith.subf %sub3A_669, %mul3A_658 : vector<16xf32>
      %mul3A_671 = arith.mulf %bitcast3A_617, %sub3A_661 : vector<16xf32>
      %mul3A_672 = arith.mulf %bitcast3A_624, %sub3A_664 : vector<16xf32>
      %mul3A_673 = arith.mulf %bitcast3A_631, %sub3A_667 : vector<16xf32>
      %mul3A_674 = arith.mulf %bitcast3A_638, %sub3A_670 : vector<16xf32>
      %mul3A_675 = arith.mulf %mul3A_671, %mul3A_671 : vector<16xf32>
      %mul3A_676 = arith.mulf %mul3A_672, %mul3A_672 : vector<16xf32>
      %mul3A_677 = arith.mulf %mul3A_673, %mul3A_673 : vector<16xf32>
      %mul3A_678 = arith.mulf %mul3A_674, %mul3A_674 : vector<16xf32>
      %mul3A_679 = arith.mulf %mul3A_641, %mul3A_675 : vector<16xf32>
      %mul3A_680 = arith.mulf %mul3A_644, %mul3A_676 : vector<16xf32>
      %mul3A_681 = arith.mulf %mul3A_647, %mul3A_677 : vector<16xf32>
      %mul3A_682 = arith.mulf %mul3A_650, %mul3A_678 : vector<16xf32>
      %sub3A_683 = arith.constant 1.500000e+00 : f32
      %sub3A_684 = vector.broadcast %sub3A_683 : f32 to vector<16xf32>
      %sub3A_685 = arith.subf %sub3A_684, %mul3A_679 : vector<16xf32>
      %sub3A_686 = arith.constant 1.500000e+00 : f32
      %sub3A_687 = vector.broadcast %sub3A_686 : f32 to vector<16xf32>
      %sub3A_688 = arith.subf %sub3A_687, %mul3A_680 : vector<16xf32>
      %sub3A_689 = arith.constant 1.500000e+00 : f32
      %sub3A_690 = vector.broadcast %sub3A_689 : f32 to vector<16xf32>
      %sub3A_691 = arith.subf %sub3A_690, %mul3A_681 : vector<16xf32>
      %sub3A_692 = arith.constant 1.500000e+00 : f32
      %sub3A_693 = vector.broadcast %sub3A_692 : f32 to vector<16xf32>
      %sub3A_694 = arith.subf %sub3A_693, %mul3A_682 : vector<16xf32>
      %mul3A_695 = arith.mulf %mul3A_671, %sub3A_685 : vector<16xf32>
      %mul3A_696 = arith.mulf %mul3A_672, %sub3A_688 : vector<16xf32>
      %mul3A_697 = arith.mulf %mul3A_673, %sub3A_691 : vector<16xf32>
      %mul3A_698 = arith.mulf %mul3A_674, %sub3A_694 : vector<16xf32>
      %mul3A_699 = arith.mulf %get3A_460, %mul3A_695 : vector<16xf32>
      %swap3A = arith.index_cast %scan3A_457 : i32 to index
      %swap3A_700 = arith.constant 0 : index
      %swap3A_701 = tpu.vector_load %arg12[%swap3A, %swap3A_700] {strides = array<i32>} : memref<16x384xf32, #tpu.memory_space<vmem>>, vector<16xf32>,
      tpu.vector_store %arg12[%swap3A, %swap3A_700], %mul3A_699 {strides = array<i32>} : memref<16x384xf32, #tpu.memory_space<vmem>>, vector<16xf32>,
      %mul3A_702 = arith.mulf %get3A_463, %mul3A_695 : vector<16xf32>
      %swap3A_703 = arith.index_cast %scan3A_457 : i32 to index
      %swap3A_704 = arith.constant 16 : index
      %swap3A_705 = tpu.vector_load %arg12[%swap3A_703, %swap3A_704] {strides = array<i32>} : memref<16x384xf32, #tpu.memory_space<vmem>>, vector<16xf32>,
      tpu.vector_store %arg12[%swap3A_703, %swap3A_704], %mul3A_702 {strides = array<i32>} : memref<16x384xf32, #tpu.memory_space<vmem>>, vector<16xf32>,
      %mul3A_706 = arith.mulf %get3A_466, %mul3A_695 : vector<16xf32>
      %swap3A_707 = arith.index_cast %scan3A_457 : i32 to index
      %swap3A_708 = arith.constant 32 : index
      %swap3A_709 = tpu.vector_load %arg12[%swap3A_707, %swap3A_708] {strides = array<i32>} : memref<16x384xf32, #tpu.memory_space<vmem>>, vector<16xf32>,
      tpu.vector_store %arg12[%swap3A_707, %swap3A_708], %mul3A_706 {strides = array<i32>} : memref<16x384xf32, #tpu.memory_space<vmem>>, vector<16xf32>,
      %mul3A_710 = arith.mulf %get3A_469, %mul3A_695 : vector<16xf32>
      %swap3A_711 = arith.index_cast %scan3A_457 : i32 to index
      %swap3A_712 = arith.constant 48 : index
      %swap3A_713 = tpu.vector_load %arg12[%swap3A_711, %swap3A_712] {strides = array<i32>} : memref<16x384xf32, #tpu.memory_space<vmem>>, vector<16xf32>,
      tpu.vector_store %arg12[%swap3A_711, %swap3A_712], %mul3A_710 {strides = array<i32>} : memref<16x384xf32, #tpu.memory_space<vmem>>, vector<16xf32>,
      %mul3A_714 = arith.mulf %get3A_472, %mul3A_696 : vector<16xf32>
      %swap3A_715 = arith.index_cast %scan3A_457 : i32 to index
      %swap3A_716 = arith.constant 64 : index
      %swap3A_717 = tpu.vector_load %arg12[%swap3A_715, %swap3A_716] {strides = array<i32>} : memref<16x384xf32, #tpu.memory_space<vmem>>, vector<16xf32>,
      tpu.vector_store %arg12[%swap3A_715, %swap3A_716], %mul3A_714 {strides = array<i32>} : memref<16x384xf32, #tpu.memory_space<vmem>>, vector<16xf32>,
      %mul3A_718 = arith.mulf %get3A_475, %mul3A_696 : vector<16xf32>
      %swap3A_719 = arith.index_cast %scan3A_457 : i32 to index
      %swap3A_720 = arith.constant 80 : index
      %swap3A_721 = tpu.vector_load %arg12[%swap3A_719, %swap3A_720] {strides = array<i32>} : memref<16x384xf32, #tpu.memory_space<vmem>>, vector<16xf32>,
      tpu.vector_store %arg12[%swap3A_719, %swap3A_720], %mul3A_718 {strides = array<i32>} : memref<16x384xf32, #tpu.memory_space<vmem>>, vector<16xf32>,
      %mul3A_722 = arith.mulf %get3A_478, %mul3A_696 : vector<16xf32>
      %swap3A_723 = arith.index_cast %scan3A_457 : i32 to index
      %swap3A_724 = arith.constant 96 : index
      %swap3A_725 = tpu.vector_load %arg12[%swap3A_723, %swap3A_724] {strides = array<i32>} : memref<16x384xf32, #tpu.memory_space<vmem>>, vector<16xf32>,
      tpu.vector_store %arg12[%swap3A_723, %swap3A_724], %mul3A_722 {strides = array<i32>} : memref<16x384xf32, #tpu.memory_space<vmem>>, vector<16xf32>,
      %mul3A_726 = arith.mulf %get3A_481, %mul3A_696 : vector<16xf32>
      %swap3A_727 = arith.index_cast %scan3A_457 : i32 to index
      %swap3A_728 = arith.constant 112 : index
      %swap3A_729 = tpu.vector_load %arg12[%swap3A_727, %swap3A_728] {strides = array<i32>} : memref<16x384xf32, #tpu.memory_space<vmem>>, vector<16xf32>,
      tpu.vector_store %arg12[%swap3A_727, %swap3A_728], %mul3A_726 {strides = array<i32>} : memref<16x384xf32, #tpu.memory_space<vmem>>, vector<16xf32>,
      %mul3A_730 = arith.mulf %get3A_484, %mul3A_697 : vector<16xf32>
      %swap3A_731 = arith.index_cast %scan3A_457 : i32 to index
      %swap3A_732 = arith.constant 128 : index
      %swap3A_733 = tpu.vector_load %arg12[%swap3A_731, %swap3A_732] {strides = array<i32>} : memref<16x384xf32, #tpu.memory_space<vmem>>, vector<16xf32>,
      tpu.vector_store %arg12[%swap3A_731, %swap3A_732], %mul3A_730 {strides = array<i32>} : memref<16x384xf32, #tpu.memory_space<vmem>>, vector<16xf32>,
      %swap3A_734 = arith.index_cast %scan3A_457 : i32 to index
      %swap3A_735 = arith.constant 256 : index
      %swap3A_736 = tpu.vector_load %arg12[%swap3A_734, %swap3A_735] {strides = array<i32>} : memref<16x384xf32, #tpu.memory_space<vmem>>, vector<16xf32>,
      tpu.vector_store %arg12[%swap3A_734, %swap3A_735], %mul3A_730 {strides = array<i32>} : memref<16x384xf32, #tpu.memory_space<vmem>>, vector<16xf32>,
      %mul3A_737 = arith.mulf %get3A_487, %mul3A_697 : vector<16xf32>
      %swap3A_738 = arith.index_cast %scan3A_457 : i32 to index
      %swap3A_739 = arith.constant 144 : index
      %swap3A_740 = tpu.vector_load %arg12[%swap3A_738, %swap3A_739] {strides = array<i32>} : memref<16x384xf32, #tpu.memory_space<vmem>>, vector<16xf32>,
      tpu.vector_store %arg12[%swap3A_738, %swap3A_739], %mul3A_737 {strides = array<i32>} : memref<16x384xf32, #tpu.memory_space<vmem>>, vector<16xf32>,
      %swap3A_741 = arith.index_cast %scan3A_457 : i32 to index
      %swap3A_742 = arith.constant 272 : index
      %swap3A_743 = tpu.vector_load %arg12[%swap3A_741, %swap3A_742] {strides = array<i32>} : memref<16x384xf32, #tpu.memory_space<vmem>>, vector<16xf32>,
      tpu.vector_store %arg12[%swap3A_741, %swap3A_742], %mul3A_737 {strides = array<i32>} : memref<16x384xf32, #tpu.memory_space<vmem>>, vector<16xf32>,
      %mul3A_744 = arith.mulf %get3A_490, %mul3A_697 : vector<16xf32>
      %swap3A_745 = arith.index_cast %scan3A_457 : i32 to index
      %swap3A_746 = arith.constant 160 : index
      %swap3A_747 = tpu.vector_load %arg12[%swap3A_745, %swap3A_746] {strides = array<i32>} : memref<16x384xf32, #tpu.memory_space<vmem>>, vector<16xf32>,
      tpu.vector_store %arg12[%swap3A_745, %swap3A_746], %mul3A_744 {strides = array<i32>} : memref<16x384xf32, #tpu.memory_space<vmem>>, vector<16xf32>,
      %swap3A_748 = arith.index_cast %scan3A_457 : i32 to index
      %swap3A_749 = arith.constant 288 : index
      %swap3A_750 = tpu.vector_load %arg12[%swap3A_748, %swap3A_749] {strides = array<i32>} : memref<16x384xf32, #tpu.memory_space<vmem>>, vector<16xf32>,
      tpu.vector_store %arg12[%swap3A_748, %swap3A_749], %mul3A_744 {strides = array<i32>} : memref<16x384xf32, #tpu.memory_space<vmem>>, vector<16xf32>,
      %mul3A_751 = arith.mulf %get3A_493, %mul3A_697 : vector<16xf32>
      %swap3A_752 = arith.index_cast %scan3A_457 : i32 to index
      %swap3A_753 = arith.constant 176 : index
      %swap3A_754 = tpu.vector_load %arg12[%swap3A_752, %swap3A_753] {strides = array<i32>} : memref<16x384xf32, #tpu.memory_space<vmem>>, vector<16xf32>,
      tpu.vector_store %arg12[%swap3A_752, %swap3A_753], %mul3A_751 {strides = array<i32>} : memref<16x384xf32, #tpu.memory_space<vmem>>, vector<16xf32>,
      %swap3A_755 = arith.index_cast %scan3A_457 : i32 to index
      %swap3A_756 = arith.constant 304 : index
      %swap3A_757 = tpu.vector_load %arg12[%swap3A_755, %swap3A_756] {strides = array<i32>} : memref<16x384xf32, #tpu.memory_space<vmem>>, vector<16xf32>,
      tpu.vector_store %arg12[%swap3A_755, %swap3A_756], %mul3A_751 {strides = array<i32>} : memref<16x384xf32, #tpu.memory_space<vmem>>, vector<16xf32>,
      %mul3A_758 = arith.mulf %get3A_496, %mul3A_698 : vector<16xf32>
      %swap3A_759 = arith.index_cast %scan3A_457 : i32 to index
      %swap3A_760 = arith.constant 192 : index
      %swap3A_761 = tpu.vector_load %arg12[%swap3A_759, %swap3A_760] {strides = array<i32>} : memref<16x384xf32, #tpu.memory_space<vmem>>, vector<16xf32>,
      tpu.vector_store %arg12[%swap3A_759, %swap3A_760], %mul3A_758 {strides = array<i32>} : memref<16x384xf32, #tpu.memory_space<vmem>>, vector<16xf32>,
      %swap3A_762 = arith.index_cast %scan3A_457 : i32 to index
      %swap3A_763 = arith.constant 320 : index
      %swap3A_764 = tpu.vector_load %arg12[%swap3A_762, %swap3A_763] {strides = array<i32>} : memref<16x384xf32, #tpu.memory_space<vmem>>, vector<16xf32>,
      tpu.vector_store %arg12[%swap3A_762, %swap3A_763], %mul3A_758 {strides = array<i32>} : memref<16x384xf32, #tpu.memory_space<vmem>>, vector<16xf32>,
      %mul3A_765 = arith.mulf %get3A_499, %mul3A_698 : vector<16xf32>
      %swap3A_766 = arith.index_cast %scan3A_457 : i32 to index
      %swap3A_767 = arith.constant 208 : index
      %swap3A_768 = tpu.vector_load %arg12[%swap3A_766, %swap3A_767] {strides = array<i32>} : memref<16x384xf32, #tpu.memory_space<vmem>>, vector<16xf32>,
      tpu.vector_store %arg12[%swap3A_766, %swap3A_767], %mul3A_765 {strides = array<i32>} : memref<16x384xf32, #tpu.memory_space<vmem>>, vector<16xf32>,
      %swap3A_769 = arith.index_cast %scan3A_457 : i32 to index
      %swap3A_770 = arith.constant 336 : index
      %swap3A_771 = tpu.vector_load %arg12[%swap3A_769, %swap3A_770] {strides = array<i32>} : memref<16x384xf32, #tpu.memory_space<vmem>>, vector<16xf32>,
      tpu.vector_store %arg12[%swap3A_769, %swap3A_770], %mul3A_765 {strides = array<i32>} : memref<16x384xf32, #tpu.memory_space<vmem>>, vector<16xf32>,
      %mul3A_772 = arith.mulf %get3A_502, %mul3A_698 : vector<16xf32>
      %swap3A_773 = arith.index_cast %scan3A_457 : i32 to index
      %swap3A_774 = arith.constant 224 : index
      %swap3A_775 = tpu.vector_load %arg12[%swap3A_773, %swap3A_774] {strides = array<i32>} : memref<16x384xf32, #tpu.memory_space<vmem>>, vector<16xf32>,
      tpu.vector_store %arg12[%swap3A_773, %swap3A_774], %mul3A_772 {strides = array<i32>} : memref<16x384xf32, #tpu.memory_space<vmem>>, vector<16xf32>,
      %swap3A_776 = arith.index_cast %scan3A_457 : i32 to index
      %swap3A_777 = arith.constant 352 : index
      %swap3A_778 = tpu.vector_load %arg12[%swap3A_776, %swap3A_777] {strides = array<i32>} : memref<16x384xf32, #tpu.memory_space<vmem>>, vector<16xf32>,
      tpu.vector_store %arg12[%swap3A_776, %swap3A_777], %mul3A_772 {strides = array<i32>} : memref<16x384xf32, #tpu.memory_space<vmem>>, vector<16xf32>,
      %mul3A_779 = arith.mulf %get3A_505, %mul3A_698 : vector<16xf32>
      %swap3A_780 = arith.index_cast %scan3A_457 : i32 to index
      %swap3A_781 = arith.constant 240 : index
      %swap3A_782 = tpu.vector_load %arg12[%swap3A_780, %swap3A_781] {strides = array<i32>} : memref<16x384xf32, #tpu.memory_space<vmem>>, vector<16xf32>,
      tpu.vector_store %arg12[%swap3A_780, %swap3A_781], %mul3A_779 {strides = array<i32>} : memref<16x384xf32, #tpu.memory_space<vmem>>, vector<16xf32>,
      %swap3A_783 = arith.index_cast %scan3A_457 : i32 to index
      %swap3A_784 = arith.constant 368 : index
      %swap3A_785 = tpu.vector_load %arg12[%swap3A_783, %swap3A_784] {strides = array<i32>} : memref<16x384xf32, #tpu.memory_space<vmem>>, vector<16xf32>,
      tpu.vector_store %arg12[%swap3A_783, %swap3A_784], %mul3A_779 {strides = array<i32>} : memref<16x384xf32, #tpu.memory_space<vmem>>, vector<16xf32>,
    }
    %scan3A_275 = arith.constant 16 : i32
    "tpu.trace_stop"() : () -> ()
    %add3A_276 = arith.constant 32 : i32
    %add3A_277 = arith.addi %add3A_256, %add3A_276 : i32
    %dma_start3A_278 = arith.constant 0 : i32
    %dma_start3A_279 = tpu.memref_slice %arg2[%add3A_277, %dma_start3A_278] : memref<4096x128xf32, #tpu.memory_space<hbm>> -> memref<16x128xf32, #tpu.memory_space<hbm>>
    %dma_start3A_280 = arith.constant 0 : i32
    %dma_start3A_281 = tpu.memref_slice %arg2[%add3A_277, %dma_start3A_280] : memref<4096x128xf32, #tpu.memory_space<hbm>> -> memref<16x128xf32, #tpu.memory_space<hbm>>
    tpu.enqueue_dma source(%dma_start3A_281 : memref<16x128xf32, #tpu.memory_space<hbm>>) target(%arg8 : memref<16x128xf32, #tpu.memory_space<vmem>>) target_semaphore(%arg14 : memref<!tpu.dma_semaphore, #tpu.memory_space<semaphore_mem>>)
    %dma_start3A_282 = arith.constant 64 : i32
    %dma_start3A_283 = tpu.memref_slice %arg7[%dma_start3A_282] : memref<128xi32, #tpu.memory_space<vmem>> -> memref<16xi32, #tpu.memory_space<vmem>>
    %dma_start3A_284 = arith.constant 0 : i32
    %dma_start3A_285 = arith.constant 0 : i32
    %dma_start3A_286 = tpu.memref_slice %arg2[%dma_start3A_284, %dma_start3A_285] : memref<4096x128xf32, #tpu.memory_space<hbm>> -> memref<4096x128xf32, #tpu.memory_space<hbm>>
    tpu.enqueue_indirect_dma source(%dma_start3A_286 : memref<4096x128xf32, #tpu.memory_space<hbm>>) target(%arg10 : memref<16x128xf32, #tpu.memory_space<vmem>>) offsets(%dma_start3A_283 : memref<16xi32, #tpu.memory_space<vmem>>) semaphore(%arg16 : memref<!tpu.dma_semaphore, #tpu.memory_space<semaphore_mem>>)
    %dma_start3A_287 = arith.constant 0 : i32
    %dma_start3A_288 = tpu.memref_slice %arg4[%add3A_256, %dma_start3A_287] : memref<4096x384xf32, #tpu.memory_space<hbm>> -> memref<16x384xf32, #tpu.memory_space<hbm>>
    %dma_start3A_289 = arith.constant 0 : i32
    %dma_start3A_290 = tpu.memref_slice %arg4[%add3A_256, %dma_start3A_289] : memref<4096x384xf32, #tpu.memory_space<hbm>> -> memref<16x384xf32, #tpu.memory_space<hbm>>
    tpu.enqueue_dma source(%arg12 : memref<16x384xf32, #tpu.memory_space<vmem>>) target(%dma_start3A_290 : memref<16x384xf32, #tpu.memory_space<hbm>>) target_semaphore(%arg18 : memref<!tpu.dma_semaphore, #tpu.memory_space<semaphore_mem>>)
    %add3A_291 = arith.constant 48 : i32
    %add3A_292 = arith.addi %mul3A_2, %add3A_291 : i32
    "tpu.trace_start"() <{level = 10 : i32, message = "p_wait_in"}> : () -> ()
    %dma_wait3A_293 = arith.constant 0 : i32
    %dma_wait3A_294 = tpu.memref_slice %arg2[%add3A_241, %dma_wait3A_293] : memref<4096x128xf32, #tpu.memory_space<hbm>> -> memref<16x128xf32, #tpu.memory_space<hbm>>
    %dma_wait3A_295 = arith.constant 0 : i32
    %dma_wait3A_296 = tpu.memref_slice %arg2[%add3A_241, %dma_wait3A_295] : memref<4096x128xf32, #tpu.memory_space<hbm>> -> memref<16x128xf32, #tpu.memory_space<hbm>>
    tpu.wait_dma2 semaphore(%arg15 : memref<!tpu.dma_semaphore, #tpu.memory_space<semaphore_mem>>) src(%dma_wait3A_296 : memref<16x128xf32, #tpu.memory_space<hbm>>) dst(%arg9 : memref<16x128xf32, #tpu.memory_space<vmem>>)
    %dma_wait3A_297 = arith.constant 48 : i32
    %dma_wait3A_298 = tpu.memref_slice %arg7[%dma_wait3A_297] : memref<128xi32, #tpu.memory_space<vmem>> -> memref<16xi32, #tpu.memory_space<vmem>>
    %dma_wait3A_299 = arith.constant 0 : i32
    %dma_wait3A_300 = arith.constant 0 : i32
    %dma_wait3A_301 = tpu.memref_slice %arg2[%dma_wait3A_299, %dma_wait3A_300] : memref<4096x128xf32, #tpu.memory_space<hbm>> -> memref<4096x128xf32, #tpu.memory_space<hbm>>
    tpu.wait_indirect_dma semaphore(%arg17 : memref<!tpu.dma_semaphore, #tpu.memory_space<semaphore_mem>>) src(%dma_wait3A_301 : memref<4096x128xf32, #tpu.memory_space<hbm>>) dst(%arg11 : memref<16x128xf32, #tpu.memory_space<vmem>>)
    "tpu.trace_stop"() : () -> ()
    %dma_wait3A_302 = arith.constant 0 : i32
    %dma_wait3A_303 = tpu.memref_slice %arg4[%add3A_224, %dma_wait3A_302] : memref<4096x384xf32, #tpu.memory_space<hbm>> -> memref<16x384xf32, #tpu.memory_space<hbm>>
    %dma_wait3A_304 = arith.constant 0 : i32
    %dma_wait3A_305 = tpu.memref_slice %arg4[%add3A_224, %dma_wait3A_304] : memref<4096x384xf32, #tpu.memory_space<hbm>> -> memref<16x384xf32, #tpu.memory_space<hbm>>
    tpu.wait_dma2 semaphore(%arg19 : memref<!tpu.dma_semaphore, #tpu.memory_space<semaphore_mem>>) src(%arg13 : memref<16x384xf32, #tpu.memory_space<vmem>>) dst(%dma_wait3A_305 : memref<16x384xf32, #tpu.memory_space<hbm>>)
    "tpu.trace_start"() <{level = 10 : i32, message = "p_norm"}> : () -> ()
    %scan3A_306 = arith.constant 0 : i32
    %scan3A_307 = arith.constant 0 : i32
    %scan3A_308 = arith.constant 16 : i32
    %scan3A_309 = arith.addi %scan3A_307, %scan3A_308 : i32
    %scan3A_310 = arith.constant 1 : i32
    scf.for %scan3A_457 = %scan3A_307 to %scan3A_309 step %scan3A_310  : i32 {
      %get3A_458 = arith.index_cast %scan3A_457 : i32 to index
      %get3A_459 = arith.constant 0 : index
      %get3A_460 = tpu.vector_load %arg9[%get3A_458, %get3A_459] {strides = array<i32>} : memref<16x128xf32, #tpu.memory_space<vmem>>, vector<16xf32>,
      %get3A_461 = arith.index_cast %scan3A_457 : i32 to index
      %get3A_462 = arith.constant 16 : index
      %get3A_463 = tpu.vector_load %arg9[%get3A_461, %get3A_462] {strides = array<i32>} : memref<16x128xf32, #tpu.memory_space<vmem>>, vector<16xf32>,
      %get3A_464 = arith.index_cast %scan3A_457 : i32 to index
      %get3A_465 = arith.constant 32 : index
      %get3A_466 = tpu.vector_load %arg9[%get3A_464, %get3A_465] {strides = array<i32>} : memref<16x128xf32, #tpu.memory_space<vmem>>, vector<16xf32>,
      %get3A_467 = arith.index_cast %scan3A_457 : i32 to index
      %get3A_468 = arith.constant 48 : index
      %get3A_469 = tpu.vector_load %arg9[%get3A_467, %get3A_468] {strides = array<i32>} : memref<16x128xf32, #tpu.memory_space<vmem>>, vector<16xf32>,
      %get3A_470 = arith.index_cast %scan3A_457 : i32 to index
      %get3A_471 = arith.constant 64 : index
      %get3A_472 = tpu.vector_load %arg9[%get3A_470, %get3A_471] {strides = array<i32>} : memref<16x128xf32, #tpu.memory_space<vmem>>, vector<16xf32>,
      %get3A_473 = arith.index_cast %scan3A_457 : i32 to index
      %get3A_474 = arith.constant 80 : index
      %get3A_475 = tpu.vector_load %arg9[%get3A_473, %get3A_474] {strides = array<i32>} : memref<16x128xf32, #tpu.memory_space<vmem>>, vector<16xf32>,
      %get3A_476 = arith.index_cast %scan3A_457 : i32 to index
      %get3A_477 = arith.constant 96 : index
      %get3A_478 = tpu.vector_load %arg9[%get3A_476, %get3A_477] {strides = array<i32>} : memref<16x128xf32, #tpu.memory_space<vmem>>, vector<16xf32>,
      %get3A_479 = arith.index_cast %scan3A_457 : i32 to index
      %get3A_480 = arith.constant 112 : index
      %get3A_481 = tpu.vector_load %arg9[%get3A_479, %get3A_480] {strides = array<i32>} : memref<16x128xf32, #tpu.memory_space<vmem>>, vector<16xf32>,
      %get3A_482 = arith.index_cast %scan3A_457 : i32 to index
      %get3A_483 = arith.constant 0 : index
      %get3A_484 = tpu.vector_load %arg11[%get3A_482, %get3A_483] {strides = array<i32>} : memref<16x128xf32, #tpu.memory_space<vmem>>, vector<16xf32>,
      %get3A_485 = arith.index_cast %scan3A_457 : i32 to index
      %get3A_486 = arith.constant 16 : index
      %get3A_487 = tpu.vector_load %arg11[%get3A_485, %get3A_486] {strides = array<i32>} : memref<16x128xf32, #tpu.memory_space<vmem>>, vector<16xf32>,
      %get3A_488 = arith.index_cast %scan3A_457 : i32 to index
      %get3A_489 = arith.constant 32 : index
      %get3A_490 = tpu.vector_load %arg11[%get3A_488, %get3A_489] {strides = array<i32>} : memref<16x128xf32, #tpu.memory_space<vmem>>, vector<16xf32>,
      %get3A_491 = arith.index_cast %scan3A_457 : i32 to index
      %get3A_492 = arith.constant 48 : index
      %get3A_493 = tpu.vector_load %arg11[%get3A_491, %get3A_492] {strides = array<i32>} : memref<16x128xf32, #tpu.memory_space<vmem>>, vector<16xf32>,
      %get3A_494 = arith.index_cast %scan3A_457 : i32 to index
      %get3A_495 = arith.constant 64 : index
      %get3A_496 = tpu.vector_load %arg11[%get3A_494, %get3A_495] {strides = array<i32>} : memref<16x128xf32, #tpu.memory_space<vmem>>, vector<16xf32>,
      %get3A_497 = arith.index_cast %scan3A_457 : i32 to index
      %get3A_498 = arith.constant 80 : index
      %get3A_499 = tpu.vector_load %arg11[%get3A_497, %get3A_498] {strides = array<i32>} : memref<16x128xf32, #tpu.memory_space<vmem>>, vector<16xf32>,
      %get3A_500 = arith.index_cast %scan3A_457 : i32 to index
      %get3A_501 = arith.constant 96 : index
      %get3A_502 = tpu.vector_load %arg11[%get3A_500, %get3A_501] {strides = array<i32>} : memref<16x128xf32, #tpu.memory_space<vmem>>, vector<16xf32>,
      %get3A_503 = arith.index_cast %scan3A_457 : i32 to index
      %get3A_504 = arith.constant 112 : index
      %get3A_505 = tpu.vector_load %arg11[%get3A_503, %get3A_504] {strides = array<i32>} : memref<16x128xf32, #tpu.memory_space<vmem>>, vector<16xf32>,
      %mul3A_506 = arith.mulf %get3A_460, %get3A_460 : vector<16xf32>
      %mul3A_507 = arith.mulf %get3A_472, %get3A_472 : vector<16xf32>
      %mul3A_508 = arith.mulf %get3A_484, %get3A_484 : vector<16xf32>
      %mul3A_509 = arith.mulf %get3A_496, %get3A_496 : vector<16xf32>
      %mul3A_510 = arith.mulf %get3A_463, %get3A_463 : vector<16xf32>
      %mul3A_511 = arith.mulf %get3A_475, %get3A_475 : vector<16xf32>
      %mul3A_512 = arith.mulf %get3A_487, %get3A_487 : vector<16xf32>
      %mul3A_513 = arith.mulf %get3A_499, %get3A_499 : vector<16xf32>
      %add3A_514 = arith.addf %mul3A_506, %mul3A_510 : vector<16xf32>
      %add3A_515 = arith.addf %mul3A_507, %mul3A_511 : vector<16xf32>
      %add3A_516 = arith.addf %mul3A_508, %mul3A_512 : vector<16xf32>
      %add3A_517 = arith.addf %mul3A_509, %mul3A_513 : vector<16xf32>
      %mul3A_518 = arith.mulf %get3A_466, %get3A_466 : vector<16xf32>
      %mul3A_519 = arith.mulf %get3A_478, %get3A_478 : vector<16xf32>
      %mul3A_520 = arith.mulf %get3A_490, %get3A_490 : vector<16xf32>
      %mul3A_521 = arith.mulf %get3A_502, %get3A_502 : vector<16xf32>
      %add3A_522 = arith.addf %add3A_514, %mul3A_518 : vector<16xf32>
      %add3A_523 = arith.addf %add3A_515, %mul3A_519 : vector<16xf32>
      %add3A_524 = arith.addf %add3A_516, %mul3A_520 : vector<16xf32>
      %add3A_525 = arith.addf %add3A_517, %mul3A_521 : vector<16xf32>
      %mul3A_526 = arith.mulf %get3A_469, %get3A_469 : vector<16xf32>
      %mul3A_527 = arith.mulf %get3A_481, %get3A_481 : vector<16xf32>
      %mul3A_528 = arith.mulf %get3A_493, %get3A_493 : vector<16xf32>
      %mul3A_529 = arith.mulf %get3A_505, %get3A_505 : vector<16xf32>
      %add3A_530 = arith.addf %add3A_522, %mul3A_526 : vector<16xf32>
      %add3A_531 = arith.addf %add3A_523, %mul3A_527 : vector<16xf32>
      %add3A_532 = arith.addf %add3A_524, %mul3A_528 : vector<16xf32>
      %add3A_533 = arith.addf %add3A_525, %mul3A_529 : vector<16xf32>
      %reshape3A_534 = vector.shape_cast %xor3A_171 : vector<16xi32> to vector<16x1xi32>
      %gather3A_535 = vector.shape_cast %reshape3A_534 : vector<16x1xi32> to vector<16xi32>
      %gather3A_536 = tpu.dynamic_gather %add3A_530[%gather3A_535] in [0] : vector<16xf32>, vector<16xi32> -> vector<16xf32>
      %reshape3A_537 = vector.shape_cast %xor3A_171 : vector<16xi32> to vector<16x1xi32>
      %gather3A_538 = vector.shape_cast %reshape3A_537 : vector<16x1xi32> to vector<16xi32>
      %gather3A_539 = tpu.dynamic_gather %add3A_531[%gather3A_538] in [0] : vector<16xf32>, vector<16xi32> -> vector<16xf32>
      %reshape3A_540 = vector.shape_cast %xor3A_171 : vector<16xi32> to vector<16x1xi32>
      %gather3A_541 = vector.shape_cast %reshape3A_540 : vector<16x1xi32> to vector<16xi32>
      %gather3A_542 = tpu.dynamic_gather %add3A_532[%gather3A_541] in [0] : vector<16xf32>, vector<16xi32> -> vector<16xf32>
      %reshape3A_543 = vector.shape_cast %xor3A_171 : vector<16xi32> to vector<16x1xi32>
      %gather3A_544 = vector.shape_cast %reshape3A_543 : vector<16x1xi32> to vector<16xi32>
      %gather3A_545 = tpu.dynamic_gather %add3A_533[%gather3A_544] in [0] : vector<16xf32>, vector<16xi32> -> vector<16xf32>
      %add3A_546 = arith.addf %add3A_530, %gather3A_536 : vector<16xf32>
      %add3A_547 = arith.addf %add3A_531, %gather3A_539 : vector<16xf32>
      %add3A_548 = arith.addf %add3A_532, %gather3A_542 : vector<16xf32>
      %add3A_549 = arith.addf %add3A_533, %gather3A_545 : vector<16xf32>
      %reshape3A_550 = vector.shape_cast %xor3A_174 : vector<16xi32> to vector<16x1xi32>
      %gather3A_551 = vector.shape_cast %reshape3A_550 : vector<16x1xi32> to vector<16xi32>
      %gather3A_552 = tpu.dynamic_gather %add3A_546[%gather3A_551] in [0] : vector<16xf32>, vector<16xi32> -> vector<16xf32>
      %reshape3A_553 = vector.shape_cast %xor3A_174 : vector<16xi32> to vector<16x1xi32>
      %gather3A_554 = vector.shape_cast %reshape3A_553 : vector<16x1xi32> to vector<16xi32>
      %gather3A_555 = tpu.dynamic_gather %add3A_547[%gather3A_554] in [0] : vector<16xf32>, vector<16xi32> -> vector<16xf32>
      %reshape3A_556 = vector.shape_cast %xor3A_174 : vector<16xi32> to vector<16x1xi32>
      %gather3A_557 = vector.shape_cast %reshape3A_556 : vector<16x1xi32> to vector<16xi32>
      %gather3A_558 = tpu.dynamic_gather %add3A_548[%gather3A_557] in [0] : vector<16xf32>, vector<16xi32> -> vector<16xf32>
      %reshape3A_559 = vector.shape_cast %xor3A_174 : vector<16xi32> to vector<16x1xi32>
      %gather3A_560 = vector.shape_cast %reshape3A_559 : vector<16x1xi32> to vector<16xi32>
      %gather3A_561 = tpu.dynamic_gather %add3A_549[%gather3A_560] in [0] : vector<16xf32>, vector<16xi32> -> vector<16xf32>
      %add3A_562 = arith.addf %add3A_546, %gather3A_552 : vector<16xf32>
      %add3A_563 = arith.addf %add3A_547, %gather3A_555 : vector<16xf32>
      %add3A_564 = arith.addf %add3A_548, %gather3A_558 : vector<16xf32>
      %add3A_565 = arith.addf %add3A_549, %gather3A_561 : vector<16xf32>
      %reshape3A_566 = vector.shape_cast %xor3A_177 : vector<16xi32> to vector<16x1xi32>
      %gather3A_567 = vector.shape_cast %reshape3A_566 : vector<16x1xi32> to vector<16xi32>
      %gather3A_568 = tpu.dynamic_gather %add3A_562[%gather3A_567] in [0] : vector<16xf32>, vector<16xi32> -> vector<16xf32>
      %reshape3A_569 = vector.shape_cast %xor3A_177 : vector<16xi32> to vector<16x1xi32>
      %gather3A_570 = vector.shape_cast %reshape3A_569 : vector<16x1xi32> to vector<16xi32>
      %gather3A_571 = tpu.dynamic_gather %add3A_563[%gather3A_570] in [0] : vector<16xf32>, vector<16xi32> -> vector<16xf32>
      %reshape3A_572 = vector.shape_cast %xor3A_177 : vector<16xi32> to vector<16x1xi32>
      %gather3A_573 = vector.shape_cast %reshape3A_572 : vector<16x1xi32> to vector<16xi32>
      %gather3A_574 = tpu.dynamic_gather %add3A_564[%gather3A_573] in [0] : vector<16xf32>, vector<16xi32> -> vector<16xf32>
      %reshape3A_575 = vector.shape_cast %xor3A_177 : vector<16xi32> to vector<16x1xi32>
      %gather3A_576 = vector.shape_cast %reshape3A_575 : vector<16x1xi32> to vector<16xi32>
      %gather3A_577 = tpu.dynamic_gather %add3A_565[%gather3A_576] in [0] : vector<16xf32>, vector<16xi32> -> vector<16xf32>
      %add3A_578 = arith.addf %add3A_562, %gather3A_568 : vector<16xf32>
      %add3A_579 = arith.addf %add3A_563, %gather3A_571 : vector<16xf32>
      %add3A_580 = arith.addf %add3A_564, %gather3A_574 : vector<16xf32>
      %add3A_581 = arith.addf %add3A_565, %gather3A_577 : vector<16xf32>
      %reshape3A_582 = vector.shape_cast %xor3A_180 : vector<16xi32> to vector<16x1xi32>
      %gather3A_583 = vector.shape_cast %reshape3A_582 : vector<16x1xi32> to vector<16xi32>
      %gather3A_584 = tpu.dynamic_gather %add3A_578[%gather3A_583] in [0] : vector<16xf32>, vector<16xi32> -> vector<16xf32>
      %reshape3A_585 = vector.shape_cast %xor3A_180 : vector<16xi32> to vector<16x1xi32>
      %gather3A_586 = vector.shape_cast %reshape3A_585 : vector<16x1xi32> to vector<16xi32>
      %gather3A_587 = tpu.dynamic_gather %add3A_579[%gather3A_586] in [0] : vector<16xf32>, vector<16xi32> -> vector<16xf32>
      %reshape3A_588 = vector.shape_cast %xor3A_180 : vector<16xi32> to vector<16x1xi32>
      %gather3A_589 = vector.shape_cast %reshape3A_588 : vector<16x1xi32> to vector<16xi32>
      %gather3A_590 = tpu.dynamic_gather %add3A_580[%gather3A_589] in [0] : vector<16xf32>, vector<16xi32> -> vector<16xf32>
      %reshape3A_591 = vector.shape_cast %xor3A_180 : vector<16xi32> to vector<16x1xi32>
      %gather3A_592 = vector.shape_cast %reshape3A_591 : vector<16x1xi32> to vector<16xi32>
      %gather3A_593 = tpu.dynamic_gather %add3A_581[%gather3A_592] in [0] : vector<16xf32>, vector<16xi32> -> vector<16xf32>
      %add3A_594 = arith.addf %add3A_578, %gather3A_584 : vector<16xf32>
      %add3A_595 = arith.addf %add3A_579, %gather3A_587 : vector<16xf32>
      %add3A_596 = arith.addf %add3A_580, %gather3A_590 : vector<16xf32>
      %add3A_597 = arith.addf %add3A_581, %gather3A_593 : vector<16xf32>
      %max3A = arith.constant 1.000000e-24 : f32
      %max3A_598 = vector.broadcast %max3A : f32 to vector<16xf32>
      %max3A_599 = arith.maximumf %add3A_594, %max3A_598 : vector<16xf32>
      %max3A_600 = arith.constant 1.000000e-24 : f32
      %max3A_601 = vector.broadcast %max3A_600 : f32 to vector<16xf32>
      %max3A_602 = arith.maximumf %add3A_595, %max3A_601 : vector<16xf32>
      %max3A_603 = arith.constant 1.000000e-24 : f32
      %max3A_604 = vector.broadcast %max3A_603 : f32 to vector<16xf32>
      %max3A_605 = arith.maximumf %add3A_596, %max3A_604 : vector<16xf32>
      %max3A_606 = arith.constant 1.000000e-24 : f32
      %max3A_607 = vector.broadcast %max3A_606 : f32 to vector<16xf32>
      %max3A_608 = arith.maximumf %add3A_597, %max3A_607 : vector<16xf32>
      %bitcast3A = vector.bitcast %max3A_599 : vector<16xf32> to vector<16xi32>
      %bitcast3A_609 = vector.bitcast %max3A_602 : vector<16xf32> to vector<16xi32>
      %bitcast3A_610 = vector.bitcast %max3A_605 : vector<16xf32> to vector<16xi32>
      %bitcast3A_611 = vector.bitcast %max3A_608 : vector<16xf32> to vector<16xi32>
      %shift_right_arithmetic3A_612 = arith.constant 1 : i32
      %shift_right_arithmetic3A_613 = vector.broadcast %shift_right_arithmetic3A_612 : i32 to vector<16xi32>
      %shift_right_arithmetic3A_614 = arith.shrsi %bitcast3A, %shift_right_arithmetic3A_613 : vector<16xi32>
      %sub3A = arith.constant 1597463007 : i32
      %sub3A_615 = vector.broadcast %sub3A : i32 to vector<16xi32>
      %sub3A_616 = arith.subi %sub3A_615, %shift_right_arithmetic3A_614 : vector<16xi32>
      %bitcast3A_617 = vector.bitcast %sub3A_616 : vector<16xi32> to vector<16xf32>
      %shift_right_arithmetic3A_618 = arith.constant 1 : i32
      %shift_right_arithmetic3A_619 = vector.broadcast %shift_right_arithmetic3A_618 : i32 to vector<16xi32>
      %shift_right_arithmetic3A_620 = arith.shrsi %bitcast3A_609, %shift_right_arithmetic3A_619 : vector<16xi32>
      %sub3A_621 = arith.constant 1597463007 : i32
      %sub3A_622 = vector.broadcast %sub3A_621 : i32 to vector<16xi32>
      %sub3A_623 = arith.subi %sub3A_622, %shift_right_arithmetic3A_620 : vector<16xi32>
      %bitcast3A_624 = vector.bitcast %sub3A_623 : vector<16xi32> to vector<16xf32>
      %shift_right_arithmetic3A_625 = arith.constant 1 : i32
      %shift_right_arithmetic3A_626 = vector.broadcast %shift_right_arithmetic3A_625 : i32 to vector<16xi32>
      %shift_right_arithmetic3A_627 = arith.shrsi %bitcast3A_610, %shift_right_arithmetic3A_626 : vector<16xi32>
      %sub3A_628 = arith.constant 1597463007 : i32
      %sub3A_629 = vector.broadcast %sub3A_628 : i32 to vector<16xi32>
      %sub3A_630 = arith.subi %sub3A_629, %shift_right_arithmetic3A_627 : vector<16xi32>
      %bitcast3A_631 = vector.bitcast %sub3A_630 : vector<16xi32> to vector<16xf32>
      %shift_right_arithmetic3A_632 = arith.constant 1 : i32
      %shift_right_arithmetic3A_633 = vector.broadcast %shift_right_arithmetic3A_632 : i32 to vector<16xi32>
      %shift_right_arithmetic3A_634 = arith.shrsi %bitcast3A_611, %shift_right_arithmetic3A_633 : vector<16xi32>
      %sub3A_635 = arith.constant 1597463007 : i32
      %sub3A_636 = vector.broadcast %sub3A_635 : i32 to vector<16xi32>
      %sub3A_637 = arith.subi %sub3A_636, %shift_right_arithmetic3A_634 : vector<16xi32>
      %bitcast3A_638 = vector.bitcast %sub3A_637 : vector<16xi32> to vector<16xf32>
      %mul3A_639 = arith.constant 5.000000e-01 : f32
      %mul3A_640 = vector.broadcast %mul3A_639 : f32 to vector<16xf32>
      %mul3A_641 = arith.mulf %mul3A_640, %max3A_599 : vector<16xf32>
      %mul3A_642 = arith.constant 5.000000e-01 : f32
      %mul3A_643 = vector.broadcast %mul3A_642 : f32 to vector<16xf32>
      %mul3A_644 = arith.mulf %mul3A_643, %max3A_602 : vector<16xf32>
      %mul3A_645 = arith.constant 5.000000e-01 : f32
      %mul3A_646 = vector.broadcast %mul3A_645 : f32 to vector<16xf32>
      %mul3A_647 = arith.mulf %mul3A_646, %max3A_605 : vector<16xf32>
      %mul3A_648 = arith.constant 5.000000e-01 : f32
      %mul3A_649 = vector.broadcast %mul3A_648 : f32 to vector<16xf32>
      %mul3A_650 = arith.mulf %mul3A_649, %max3A_608 : vector<16xf32>
      %mul3A_651 = arith.mulf %bitcast3A_617, %bitcast3A_617 : vector<16xf32>
      %mul3A_652 = arith.mulf %bitcast3A_624, %bitcast3A_624 : vector<16xf32>
      %mul3A_653 = arith.mulf %bitcast3A_631, %bitcast3A_631 : vector<16xf32>
      %mul3A_654 = arith.mulf %bitcast3A_638, %bitcast3A_638 : vector<16xf32>
      %mul3A_655 = arith.mulf %mul3A_641, %mul3A_651 : vector<16xf32>
      %mul3A_656 = arith.mulf %mul3A_644, %mul3A_652 : vector<16xf32>
      %mul3A_657 = arith.mulf %mul3A_647, %mul3A_653 : vector<16xf32>
      %mul3A_658 = arith.mulf %mul3A_650, %mul3A_654 : vector<16xf32>
      %sub3A_659 = arith.constant 1.500000e+00 : f32
      %sub3A_660 = vector.broadcast %sub3A_659 : f32 to vector<16xf32>
      %sub3A_661 = arith.subf %sub3A_660, %mul3A_655 : vector<16xf32>
      %sub3A_662 = arith.constant 1.500000e+00 : f32
      %sub3A_663 = vector.broadcast %sub3A_662 : f32 to vector<16xf32>
      %sub3A_664 = arith.subf %sub3A_663, %mul3A_656 : vector<16xf32>
      %sub3A_665 = arith.constant 1.500000e+00 : f32
      %sub3A_666 = vector.broadcast %sub3A_665 : f32 to vector<16xf32>
      %sub3A_667 = arith.subf %sub3A_666, %mul3A_657 : vector<16xf32>
      %sub3A_668 = arith.constant 1.500000e+00 : f32
      %sub3A_669 = vector.broadcast %sub3A_668 : f32 to vector<16xf32>
      %sub3A_670 = arith.subf %sub3A_669, %mul3A_658 : vector<16xf32>
      %mul3A_671 = arith.mulf %bitcast3A_617, %sub3A_661 : vector<16xf32>
      %mul3A_672 = arith.mulf %bitcast3A_624, %sub3A_664 : vector<16xf32>
      %mul3A_673 = arith.mulf %bitcast3A_631, %sub3A_667 : vector<16xf32>
      %mul3A_674 = arith.mulf %bitcast3A_638, %sub3A_670 : vector<16xf32>
      %mul3A_675 = arith.mulf %mul3A_671, %mul3A_671 : vector<16xf32>
      %mul3A_676 = arith.mulf %mul3A_672, %mul3A_672 : vector<16xf32>
      %mul3A_677 = arith.mulf %mul3A_673, %mul3A_673 : vector<16xf32>
      %mul3A_678 = arith.mulf %mul3A_674, %mul3A_674 : vector<16xf32>
      %mul3A_679 = arith.mulf %mul3A_641, %mul3A_675 : vector<16xf32>
      %mul3A_680 = arith.mulf %mul3A_644, %mul3A_676 : vector<16xf32>
      %mul3A_681 = arith.mulf %mul3A_647, %mul3A_677 : vector<16xf32>
      %mul3A_682 = arith.mulf %mul3A_650, %mul3A_678 : vector<16xf32>
      %sub3A_683 = arith.constant 1.500000e+00 : f32
      %sub3A_684 = vector.broadcast %sub3A_683 : f32 to vector<16xf32>
      %sub3A_685 = arith.subf %sub3A_684, %mul3A_679 : vector<16xf32>
      %sub3A_686 = arith.constant 1.500000e+00 : f32
      %sub3A_687 = vector.broadcast %sub3A_686 : f32 to vector<16xf32>
      %sub3A_688 = arith.subf %sub3A_687, %mul3A_680 : vector<16xf32>
      %sub3A_689 = arith.constant 1.500000e+00 : f32
      %sub3A_690 = vector.broadcast %sub3A_689 : f32 to vector<16xf32>
      %sub3A_691 = arith.subf %sub3A_690, %mul3A_681 : vector<16xf32>
      %sub3A_692 = arith.constant 1.500000e+00 : f32
      %sub3A_693 = vector.broadcast %sub3A_692 : f32 to vector<16xf32>
      %sub3A_694 = arith.subf %sub3A_693, %mul3A_682 : vector<16xf32>
      %mul3A_695 = arith.mulf %mul3A_671, %sub3A_685 : vector<16xf32>
      %mul3A_696 = arith.mulf %mul3A_672, %sub3A_688 : vector<16xf32>
      %mul3A_697 = arith.mulf %mul3A_673, %sub3A_691 : vector<16xf32>
      %mul3A_698 = arith.mulf %mul3A_674, %sub3A_694 : vector<16xf32>
      %mul3A_699 = arith.mulf %get3A_460, %mul3A_695 : vector<16xf32>
      %swap3A = arith.index_cast %scan3A_457 : i32 to index
      %swap3A_700 = arith.constant 0 : index
      %swap3A_701 = tpu.vector_load %arg13[%swap3A, %swap3A_700] {strides = array<i32>} : memref<16x384xf32, #tpu.memory_space<vmem>>, vector<16xf32>,
      tpu.vector_store %arg13[%swap3A, %swap3A_700], %mul3A_699 {strides = array<i32>} : memref<16x384xf32, #tpu.memory_space<vmem>>, vector<16xf32>,
      %mul3A_702 = arith.mulf %get3A_463, %mul3A_695 : vector<16xf32>
      %swap3A_703 = arith.index_cast %scan3A_457 : i32 to index
      %swap3A_704 = arith.constant 16 : index
      %swap3A_705 = tpu.vector_load %arg13[%swap3A_703, %swap3A_704] {strides = array<i32>} : memref<16x384xf32, #tpu.memory_space<vmem>>, vector<16xf32>,
      tpu.vector_store %arg13[%swap3A_703, %swap3A_704], %mul3A_702 {strides = array<i32>} : memref<16x384xf32, #tpu.memory_space<vmem>>, vector<16xf32>,
      %mul3A_706 = arith.mulf %get3A_466, %mul3A_695 : vector<16xf32>
      %swap3A_707 = arith.index_cast %scan3A_457 : i32 to index
      %swap3A_708 = arith.constant 32 : index
      %swap3A_709 = tpu.vector_load %arg13[%swap3A_707, %swap3A_708] {strides = array<i32>} : memref<16x384xf32, #tpu.memory_space<vmem>>, vector<16xf32>,
      tpu.vector_store %arg13[%swap3A_707, %swap3A_708], %mul3A_706 {strides = array<i32>} : memref<16x384xf32, #tpu.memory_space<vmem>>, vector<16xf32>,
      %mul3A_710 = arith.mulf %get3A_469, %mul3A_695 : vector<16xf32>
      %swap3A_711 = arith.index_cast %scan3A_457 : i32 to index
      %swap3A_712 = arith.constant 48 : index
      %swap3A_713 = tpu.vector_load %arg13[%swap3A_711, %swap3A_712] {strides = array<i32>} : memref<16x384xf32, #tpu.memory_space<vmem>>, vector<16xf32>,
      tpu.vector_store %arg13[%swap3A_711, %swap3A_712], %mul3A_710 {strides = array<i32>} : memref<16x384xf32, #tpu.memory_space<vmem>>, vector<16xf32>,
      %mul3A_714 = arith.mulf %get3A_472, %mul3A_696 : vector<16xf32>
      %swap3A_715 = arith.index_cast %scan3A_457 : i32 to index
      %swap3A_716 = arith.constant 64 : index
      %swap3A_717 = tpu.vector_load %arg13[%swap3A_715, %swap3A_716] {strides = array<i32>} : memref<16x384xf32, #tpu.memory_space<vmem>>, vector<16xf32>,
      tpu.vector_store %arg13[%swap3A_715, %swap3A_716], %mul3A_714 {strides = array<i32>} : memref<16x384xf32, #tpu.memory_space<vmem>>, vector<16xf32>,
      %mul3A_718 = arith.mulf %get3A_475, %mul3A_696 : vector<16xf32>
      %swap3A_719 = arith.index_cast %scan3A_457 : i32 to index
      %swap3A_720 = arith.constant 80 : index
      %swap3A_721 = tpu.vector_load %arg13[%swap3A_719, %swap3A_720] {strides = array<i32>} : memref<16x384xf32, #tpu.memory_space<vmem>>, vector<16xf32>,
      tpu.vector_store %arg13[%swap3A_719, %swap3A_720], %mul3A_718 {strides = array<i32>} : memref<16x384xf32, #tpu.memory_space<vmem>>, vector<16xf32>,
      %mul3A_722 = arith.mulf %get3A_478, %mul3A_696 : vector<16xf32>
      %swap3A_723 = arith.index_cast %scan3A_457 : i32 to index
      %swap3A_724 = arith.constant 96 : index
      %swap3A_725 = tpu.vector_load %arg13[%swap3A_723, %swap3A_724] {strides = array<i32>} : memref<16x384xf32, #tpu.memory_space<vmem>>, vector<16xf32>,
      tpu.vector_store %arg13[%swap3A_723, %swap3A_724], %mul3A_722 {strides = array<i32>} : memref<16x384xf32, #tpu.memory_space<vmem>>, vector<16xf32>,
      %mul3A_726 = arith.mulf %get3A_481, %mul3A_696 : vector<16xf32>
      %swap3A_727 = arith.index_cast %scan3A_457 : i32 to index
      %swap3A_728 = arith.constant 112 : index
      %swap3A_729 = tpu.vector_load %arg13[%swap3A_727, %swap3A_728] {strides = array<i32>} : memref<16x384xf32, #tpu.memory_space<vmem>>, vector<16xf32>,
      tpu.vector_store %arg13[%swap3A_727, %swap3A_728], %mul3A_726 {strides = array<i32>} : memref<16x384xf32, #tpu.memory_space<vmem>>, vector<16xf32>,
      %mul3A_730 = arith.mulf %get3A_484, %mul3A_697 : vector<16xf32>
      %swap3A_731 = arith.index_cast %scan3A_457 : i32 to index
      %swap3A_732 = arith.constant 128 : index
      %swap3A_733 = tpu.vector_load %arg13[%swap3A_731, %swap3A_732] {strides = array<i32>} : memref<16x384xf32, #tpu.memory_space<vmem>>, vector<16xf32>,
      tpu.vector_store %arg13[%swap3A_731, %swap3A_732], %mul3A_730 {strides = array<i32>} : memref<16x384xf32, #tpu.memory_space<vmem>>, vector<16xf32>,
      %swap3A_734 = arith.index_cast %scan3A_457 : i32 to index
      %swap3A_735 = arith.constant 256 : index
      %swap3A_736 = tpu.vector_load %arg13[%swap3A_734, %swap3A_735] {strides = array<i32>} : memref<16x384xf32, #tpu.memory_space<vmem>>, vector<16xf32>,
      tpu.vector_store %arg13[%swap3A_734, %swap3A_735], %mul3A_730 {strides = array<i32>} : memref<16x384xf32, #tpu.memory_space<vmem>>, vector<16xf32>,
      %mul3A_737 = arith.mulf %get3A_487, %mul3A_697 : vector<16xf32>
      %swap3A_738 = arith.index_cast %scan3A_457 : i32 to index
      %swap3A_739 = arith.constant 144 : index
      %swap3A_740 = tpu.vector_load %arg13[%swap3A_738, %swap3A_739] {strides = array<i32>} : memref<16x384xf32, #tpu.memory_space<vmem>>, vector<16xf32>,
      tpu.vector_store %arg13[%swap3A_738, %swap3A_739], %mul3A_737 {strides = array<i32>} : memref<16x384xf32, #tpu.memory_space<vmem>>, vector<16xf32>,
      %swap3A_741 = arith.index_cast %scan3A_457 : i32 to index
      %swap3A_742 = arith.constant 272 : index
      %swap3A_743 = tpu.vector_load %arg13[%swap3A_741, %swap3A_742] {strides = array<i32>} : memref<16x384xf32, #tpu.memory_space<vmem>>, vector<16xf32>,
      tpu.vector_store %arg13[%swap3A_741, %swap3A_742], %mul3A_737 {strides = array<i32>} : memref<16x384xf32, #tpu.memory_space<vmem>>, vector<16xf32>,
      %mul3A_744 = arith.mulf %get3A_490, %mul3A_697 : vector<16xf32>
      %swap3A_745 = arith.index_cast %scan3A_457 : i32 to index
      %swap3A_746 = arith.constant 160 : index
      %swap3A_747 = tpu.vector_load %arg13[%swap3A_745, %swap3A_746] {strides = array<i32>} : memref<16x384xf32, #tpu.memory_space<vmem>>, vector<16xf32>,
      tpu.vector_store %arg13[%swap3A_745, %swap3A_746], %mul3A_744 {strides = array<i32>} : memref<16x384xf32, #tpu.memory_space<vmem>>, vector<16xf32>,
      %swap3A_748 = arith.index_cast %scan3A_457 : i32 to index
      %swap3A_749 = arith.constant 288 : index
      %swap3A_750 = tpu.vector_load %arg13[%swap3A_748, %swap3A_749] {strides = array<i32>} : memref<16x384xf32, #tpu.memory_space<vmem>>, vector<16xf32>,
      tpu.vector_store %arg13[%swap3A_748, %swap3A_749], %mul3A_744 {strides = array<i32>} : memref<16x384xf32, #tpu.memory_space<vmem>>, vector<16xf32>,
      %mul3A_751 = arith.mulf %get3A_493, %mul3A_697 : vector<16xf32>
      %swap3A_752 = arith.index_cast %scan3A_457 : i32 to index
      %swap3A_753 = arith.constant 176 : index
      %swap3A_754 = tpu.vector_load %arg13[%swap3A_752, %swap3A_753] {strides = array<i32>} : memref<16x384xf32, #tpu.memory_space<vmem>>, vector<16xf32>,
      tpu.vector_store %arg13[%swap3A_752, %swap3A_753], %mul3A_751 {strides = array<i32>} : memref<16x384xf32, #tpu.memory_space<vmem>>, vector<16xf32>,
      %swap3A_755 = arith.index_cast %scan3A_457 : i32 to index
      %swap3A_756 = arith.constant 304 : index
      %swap3A_757 = tpu.vector_load %arg13[%swap3A_755, %swap3A_756] {strides = array<i32>} : memref<16x384xf32, #tpu.memory_space<vmem>>, vector<16xf32>,
      tpu.vector_store %arg13[%swap3A_755, %swap3A_756], %mul3A_751 {strides = array<i32>} : memref<16x384xf32, #tpu.memory_space<vmem>>, vector<16xf32>,
      %mul3A_758 = arith.mulf %get3A_496, %mul3A_698 : vector<16xf32>
      %swap3A_759 = arith.index_cast %scan3A_457 : i32 to index
      %swap3A_760 = arith.constant 192 : index
      %swap3A_761 = tpu.vector_load %arg13[%swap3A_759, %swap3A_760] {strides = array<i32>} : memref<16x384xf32, #tpu.memory_space<vmem>>, vector<16xf32>,
      tpu.vector_store %arg13[%swap3A_759, %swap3A_760], %mul3A_758 {strides = array<i32>} : memref<16x384xf32, #tpu.memory_space<vmem>>, vector<16xf32>,
      %swap3A_762 = arith.index_cast %scan3A_457 : i32 to index
      %swap3A_763 = arith.constant 320 : index
      %swap3A_764 = tpu.vector_load %arg13[%swap3A_762, %swap3A_763] {strides = array<i32>} : memref<16x384xf32, #tpu.memory_space<vmem>>, vector<16xf32>,
      tpu.vector_store %arg13[%swap3A_762, %swap3A_763], %mul3A_758 {strides = array<i32>} : memref<16x384xf32, #tpu.memory_space<vmem>>, vector<16xf32>,
      %mul3A_765 = arith.mulf %get3A_499, %mul3A_698 : vector<16xf32>
      %swap3A_766 = arith.index_cast %scan3A_457 : i32 to index
      %swap3A_767 = arith.constant 208 : index
      %swap3A_768 = tpu.vector_load %arg13[%swap3A_766, %swap3A_767] {strides = array<i32>} : memref<16x384xf32, #tpu.memory_space<vmem>>, vector<16xf32>,
      tpu.vector_store %arg13[%swap3A_766, %swap3A_767], %mul3A_765 {strides = array<i32>} : memref<16x384xf32, #tpu.memory_space<vmem>>, vector<16xf32>,
      %swap3A_769 = arith.index_cast %scan3A_457 : i32 to index
      %swap3A_770 = arith.constant 336 : index
      %swap3A_771 = tpu.vector_load %arg13[%swap3A_769, %swap3A_770] {strides = array<i32>} : memref<16x384xf32, #tpu.memory_space<vmem>>, vector<16xf32>,
      tpu.vector_store %arg13[%swap3A_769, %swap3A_770], %mul3A_765 {strides = array<i32>} : memref<16x384xf32, #tpu.memory_space<vmem>>, vector<16xf32>,
      %mul3A_772 = arith.mulf %get3A_502, %mul3A_698 : vector<16xf32>
      %swap3A_773 = arith.index_cast %scan3A_457 : i32 to index
      %swap3A_774 = arith.constant 224 : index
      %swap3A_775 = tpu.vector_load %arg13[%swap3A_773, %swap3A_774] {strides = array<i32>} : memref<16x384xf32, #tpu.memory_space<vmem>>, vector<16xf32>,
      tpu.vector_store %arg13[%swap3A_773, %swap3A_774], %mul3A_772 {strides = array<i32>} : memref<16x384xf32, #tpu.memory_space<vmem>>, vector<16xf32>,
      %swap3A_776 = arith.index_cast %scan3A_457 : i32 to index
      %swap3A_777 = arith.constant 352 : index
      %swap3A_778 = tpu.vector_load %arg13[%swap3A_776, %swap3A_777] {strides = array<i32>} : memref<16x384xf32, #tpu.memory_space<vmem>>, vector<16xf32>,
      tpu.vector_store %arg13[%swap3A_776, %swap3A_777], %mul3A_772 {strides = array<i32>} : memref<16x384xf32, #tpu.memory_space<vmem>>, vector<16xf32>,
      %mul3A_779 = arith.mulf %get3A_505, %mul3A_698 : vector<16xf32>
      %swap3A_780 = arith.index_cast %scan3A_457 : i32 to index
      %swap3A_781 = arith.constant 240 : index
      %swap3A_782 = tpu.vector_load %arg13[%swap3A_780, %swap3A_781] {strides = array<i32>} : memref<16x384xf32, #tpu.memory_space<vmem>>, vector<16xf32>,
      tpu.vector_store %arg13[%swap3A_780, %swap3A_781], %mul3A_779 {strides = array<i32>} : memref<16x384xf32, #tpu.memory_space<vmem>>, vector<16xf32>,
      %swap3A_783 = arith.index_cast %scan3A_457 : i32 to index
      %swap3A_784 = arith.constant 368 : index
      %swap3A_785 = tpu.vector_load %arg13[%swap3A_783, %swap3A_784] {strides = array<i32>} : memref<16x384xf32, #tpu.memory_space<vmem>>, vector<16xf32>,
      tpu.vector_store %arg13[%swap3A_783, %swap3A_784], %mul3A_779 {strides = array<i32>} : memref<16x384xf32, #tpu.memory_space<vmem>>, vector<16xf32>,
    }
    %scan3A_311 = arith.constant 16 : i32
    "tpu.trace_stop"() : () -> ()
    %add3A_312 = arith.constant 32 : i32
    %add3A_313 = arith.addi %add3A_292, %add3A_312 : i32
    %dma_start3A_314 = arith.constant 0 : i32
    %dma_start3A_315 = tpu.memref_slice %arg2[%add3A_313, %dma_start3A_314] : memref<4096x128xf32, #tpu.memory_space<hbm>> -> memref<16x128xf32, #tpu.memory_space<hbm>>
    %dma_start3A_316 = arith.constant 0 : i32
    %dma_start3A_317 = tpu.memref_slice %arg2[%add3A_313, %dma_start3A_316] : memref<4096x128xf32, #tpu.memory_space<hbm>> -> memref<16x128xf32, #tpu.memory_space<hbm>>
    tpu.enqueue_dma source(%dma_start3A_317 : memref<16x128xf32, #tpu.memory_space<hbm>>) target(%arg9 : memref<16x128xf32, #tpu.memory_space<vmem>>) target_semaphore(%arg15 : memref<!tpu.dma_semaphore, #tpu.memory_space<semaphore_mem>>)
    %dma_start3A_318 = arith.constant 80 : i32
    %dma_start3A_319 = tpu.memref_slice %arg7[%dma_start3A_318] : memref<128xi32, #tpu.memory_space<vmem>> -> memref<16xi32, #tpu.memory_space<vmem>>
    %dma_start3A_320 = arith.constant 0 : i32
    %dma_start3A_321 = arith.constant 0 : i32
    %dma_start3A_322 = tpu.memref_slice %arg2[%dma_start3A_320, %dma_start3A_321] : memref<4096x128xf32, #tpu.memory_space<hbm>> -> memref<4096x128xf32, #tpu.memory_space<hbm>>
    tpu.enqueue_indirect_dma source(%dma_start3A_322 : memref<4096x128xf32, #tpu.memory_space<hbm>>) target(%arg11 : memref<16x128xf32, #tpu.memory_space<vmem>>) offsets(%dma_start3A_319 : memref<16xi32, #tpu.memory_space<vmem>>) semaphore(%arg17 : memref<!tpu.dma_semaphore, #tpu.memory_space<semaphore_mem>>)
    %dma_start3A_323 = arith.constant 0 : i32
    %dma_start3A_324 = tpu.memref_slice %arg4[%add3A_292, %dma_start3A_323] : memref<4096x384xf32, #tpu.memory_space<hbm>> -> memref<16x384xf32, #tpu.memory_space<hbm>>
    %dma_start3A_325 = arith.constant 0 : i32
    %dma_start3A_326 = tpu.memref_slice %arg4[%add3A_292, %dma_start3A_325] : memref<4096x384xf32, #tpu.memory_space<hbm>> -> memref<16x384xf32, #tpu.memory_space<hbm>>
    tpu.enqueue_dma source(%arg13 : memref<16x384xf32, #tpu.memory_space<vmem>>) target(%dma_start3A_326 : memref<16x384xf32, #tpu.memory_space<hbm>>) target_semaphore(%arg19 : memref<!tpu.dma_semaphore, #tpu.memory_space<semaphore_mem>>)
    %add3A_327 = arith.constant 64 : i32
    %add3A_328 = arith.addi %mul3A_2, %add3A_327 : i32
    "tpu.trace_start"() <{level = 10 : i32, message = "p_wait_in"}> : () -> ()
    %dma_wait3A_329 = arith.constant 0 : i32
    %dma_wait3A_330 = tpu.memref_slice %arg2[%add3A_277, %dma_wait3A_329] : memref<4096x128xf32, #tpu.memory_space<hbm>> -> memref<16x128xf32, #tpu.memory_space<hbm>>
    %dma_wait3A_331 = arith.constant 0 : i32
    %dma_wait3A_332 = tpu.memref_slice %arg2[%add3A_277, %dma_wait3A_331] : memref<4096x128xf32, #tpu.memory_space<hbm>> -> memref<16x128xf32, #tpu.memory_space<hbm>>
    tpu.wait_dma2 semaphore(%arg14 : memref<!tpu.dma_semaphore, #tpu.memory_space<semaphore_mem>>) src(%dma_wait3A_332 : memref<16x128xf32, #tpu.memory_space<hbm>>) dst(%arg8 : memref<16x128xf32, #tpu.memory_space<vmem>>)
    %dma_wait3A_333 = arith.constant 64 : i32
    %dma_wait3A_334 = tpu.memref_slice %arg7[%dma_wait3A_333] : memref<128xi32, #tpu.memory_space<vmem>> -> memref<16xi32, #tpu.memory_space<vmem>>
    %dma_wait3A_335 = arith.constant 0 : i32
    %dma_wait3A_336 = arith.constant 0 : i32
    %dma_wait3A_337 = tpu.memref_slice %arg2[%dma_wait3A_335, %dma_wait3A_336] : memref<4096x128xf32, #tpu.memory_space<hbm>> -> memref<4096x128xf32, #tpu.memory_space<hbm>>
    tpu.wait_indirect_dma semaphore(%arg16 : memref<!tpu.dma_semaphore, #tpu.memory_space<semaphore_mem>>) src(%dma_wait3A_337 : memref<4096x128xf32, #tpu.memory_space<hbm>>) dst(%arg10 : memref<16x128xf32, #tpu.memory_space<vmem>>)
    "tpu.trace_stop"() : () -> ()
    %dma_wait3A_338 = arith.constant 0 : i32
    %dma_wait3A_339 = tpu.memref_slice %arg4[%add3A_256, %dma_wait3A_338] : memref<4096x384xf32, #tpu.memory_space<hbm>> -> memref<16x384xf32, #tpu.memory_space<hbm>>
    %dma_wait3A_340 = arith.constant 0 : i32
    %dma_wait3A_341 = tpu.memref_slice %arg4[%add3A_256, %dma_wait3A_340] : memref<4096x384xf32, #tpu.memory_space<hbm>> -> memref<16x384xf32, #tpu.memory_space<hbm>>
    tpu.wait_dma2 semaphore(%arg18 : memref<!tpu.dma_semaphore, #tpu.memory_space<semaphore_mem>>) src(%arg12 : memref<16x384xf32, #tpu.memory_space<vmem>>) dst(%dma_wait3A_341 : memref<16x384xf32, #tpu.memory_space<hbm>>)
    "tpu.trace_start"() <{level = 10 : i32, message = "p_norm"}> : () -> ()
    %scan3A_342 = arith.constant 0 : i32
    %scan3A_343 = arith.constant 0 : i32
    %scan3A_344 = arith.constant 16 : i32
    %scan3A_345 = arith.addi %scan3A_343, %scan3A_344 : i32
    %scan3A_346 = arith.constant 1 : i32
    scf.for %scan3A_457 = %scan3A_343 to %scan3A_345 step %scan3A_346  : i32 {
      %get3A_458 = arith.index_cast %scan3A_457 : i32 to index
      %get3A_459 = arith.constant 0 : index
      %get3A_460 = tpu.vector_load %arg8[%get3A_458, %get3A_459] {strides = array<i32>} : memref<16x128xf32, #tpu.memory_space<vmem>>, vector<16xf32>,
      %get3A_461 = arith.index_cast %scan3A_457 : i32 to index
      %get3A_462 = arith.constant 16 : index
      %get3A_463 = tpu.vector_load %arg8[%get3A_461, %get3A_462] {strides = array<i32>} : memref<16x128xf32, #tpu.memory_space<vmem>>, vector<16xf32>,
      %get3A_464 = arith.index_cast %scan3A_457 : i32 to index
      %get3A_465 = arith.constant 32 : index
      %get3A_466 = tpu.vector_load %arg8[%get3A_464, %get3A_465] {strides = array<i32>} : memref<16x128xf32, #tpu.memory_space<vmem>>, vector<16xf32>,
      %get3A_467 = arith.index_cast %scan3A_457 : i32 to index
      %get3A_468 = arith.constant 48 : index
      %get3A_469 = tpu.vector_load %arg8[%get3A_467, %get3A_468] {strides = array<i32>} : memref<16x128xf32, #tpu.memory_space<vmem>>, vector<16xf32>,
      %get3A_470 = arith.index_cast %scan3A_457 : i32 to index
      %get3A_471 = arith.constant 64 : index
      %get3A_472 = tpu.vector_load %arg8[%get3A_470, %get3A_471] {strides = array<i32>} : memref<16x128xf32, #tpu.memory_space<vmem>>, vector<16xf32>,
      %get3A_473 = arith.index_cast %scan3A_457 : i32 to index
      %get3A_474 = arith.constant 80 : index
      %get3A_475 = tpu.vector_load %arg8[%get3A_473, %get3A_474] {strides = array<i32>} : memref<16x128xf32, #tpu.memory_space<vmem>>, vector<16xf32>,
      %get3A_476 = arith.index_cast %scan3A_457 : i32 to index
      %get3A_477 = arith.constant 96 : index
      %get3A_478 = tpu.vector_load %arg8[%get3A_476, %get3A_477] {strides = array<i32>} : memref<16x128xf32, #tpu.memory_space<vmem>>, vector<16xf32>,
      %get3A_479 = arith.index_cast %scan3A_457 : i32 to index
      %get3A_480 = arith.constant 112 : index
      %get3A_481 = tpu.vector_load %arg8[%get3A_479, %get3A_480] {strides = array<i32>} : memref<16x128xf32, #tpu.memory_space<vmem>>, vector<16xf32>,
      %get3A_482 = arith.index_cast %scan3A_457 : i32 to index
      %get3A_483 = arith.constant 0 : index
      %get3A_484 = tpu.vector_load %arg10[%get3A_482, %get3A_483] {strides = array<i32>} : memref<16x128xf32, #tpu.memory_space<vmem>>, vector<16xf32>,
      %get3A_485 = arith.index_cast %scan3A_457 : i32 to index
      %get3A_486 = arith.constant 16 : index
      %get3A_487 = tpu.vector_load %arg10[%get3A_485, %get3A_486] {strides = array<i32>} : memref<16x128xf32, #tpu.memory_space<vmem>>, vector<16xf32>,
      %get3A_488 = arith.index_cast %scan3A_457 : i32 to index
      %get3A_489 = arith.constant 32 : index
      %get3A_490 = tpu.vector_load %arg10[%get3A_488, %get3A_489] {strides = array<i32>} : memref<16x128xf32, #tpu.memory_space<vmem>>, vector<16xf32>,
      %get3A_491 = arith.index_cast %scan3A_457 : i32 to index
      %get3A_492 = arith.constant 48 : index
      %get3A_493 = tpu.vector_load %arg10[%get3A_491, %get3A_492] {strides = array<i32>} : memref<16x128xf32, #tpu.memory_space<vmem>>, vector<16xf32>,
      %get3A_494 = arith.index_cast %scan3A_457 : i32 to index
      %get3A_495 = arith.constant 64 : index
      %get3A_496 = tpu.vector_load %arg10[%get3A_494, %get3A_495] {strides = array<i32>} : memref<16x128xf32, #tpu.memory_space<vmem>>, vector<16xf32>,
      %get3A_497 = arith.index_cast %scan3A_457 : i32 to index
      %get3A_498 = arith.constant 80 : index
      %get3A_499 = tpu.vector_load %arg10[%get3A_497, %get3A_498] {strides = array<i32>} : memref<16x128xf32, #tpu.memory_space<vmem>>, vector<16xf32>,
      %get3A_500 = arith.index_cast %scan3A_457 : i32 to index
      %get3A_501 = arith.constant 96 : index
      %get3A_502 = tpu.vector_load %arg10[%get3A_500, %get3A_501] {strides = array<i32>} : memref<16x128xf32, #tpu.memory_space<vmem>>, vector<16xf32>,
      %get3A_503 = arith.index_cast %scan3A_457 : i32 to index
      %get3A_504 = arith.constant 112 : index
      %get3A_505 = tpu.vector_load %arg10[%get3A_503, %get3A_504] {strides = array<i32>} : memref<16x128xf32, #tpu.memory_space<vmem>>, vector<16xf32>,
      %mul3A_506 = arith.mulf %get3A_460, %get3A_460 : vector<16xf32>
      %mul3A_507 = arith.mulf %get3A_472, %get3A_472 : vector<16xf32>
      %mul3A_508 = arith.mulf %get3A_484, %get3A_484 : vector<16xf32>
      %mul3A_509 = arith.mulf %get3A_496, %get3A_496 : vector<16xf32>
      %mul3A_510 = arith.mulf %get3A_463, %get3A_463 : vector<16xf32>
      %mul3A_511 = arith.mulf %get3A_475, %get3A_475 : vector<16xf32>
      %mul3A_512 = arith.mulf %get3A_487, %get3A_487 : vector<16xf32>
      %mul3A_513 = arith.mulf %get3A_499, %get3A_499 : vector<16xf32>
      %add3A_514 = arith.addf %mul3A_506, %mul3A_510 : vector<16xf32>
      %add3A_515 = arith.addf %mul3A_507, %mul3A_511 : vector<16xf32>
      %add3A_516 = arith.addf %mul3A_508, %mul3A_512 : vector<16xf32>
      %add3A_517 = arith.addf %mul3A_509, %mul3A_513 : vector<16xf32>
      %mul3A_518 = arith.mulf %get3A_466, %get3A_466 : vector<16xf32>
      %mul3A_519 = arith.mulf %get3A_478, %get3A_478 : vector<16xf32>
      %mul3A_520 = arith.mulf %get3A_490, %get3A_490 : vector<16xf32>
      %mul3A_521 = arith.mulf %get3A_502, %get3A_502 : vector<16xf32>
      %add3A_522 = arith.addf %add3A_514, %mul3A_518 : vector<16xf32>
      %add3A_523 = arith.addf %add3A_515, %mul3A_519 : vector<16xf32>
      %add3A_524 = arith.addf %add3A_516, %mul3A_520 : vector<16xf32>
      %add3A_525 = arith.addf %add3A_517, %mul3A_521 : vector<16xf32>
      %mul3A_526 = arith.mulf %get3A_469, %get3A_469 : vector<16xf32>
      %mul3A_527 = arith.mulf %get3A_481, %get3A_481 : vector<16xf32>
      %mul3A_528 = arith.mulf %get3A_493, %get3A_493 : vector<16xf32>
      %mul3A_529 = arith.mulf %get3A_505, %get3A_505 : vector<16xf32>
      %add3A_530 = arith.addf %add3A_522, %mul3A_526 : vector<16xf32>
      %add3A_531 = arith.addf %add3A_523, %mul3A_527 : vector<16xf32>
      %add3A_532 = arith.addf %add3A_524, %mul3A_528 : vector<16xf32>
      %add3A_533 = arith.addf %add3A_525, %mul3A_529 : vector<16xf32>
      %reshape3A_534 = vector.shape_cast %xor3A_171 : vector<16xi32> to vector<16x1xi32>
      %gather3A_535 = vector.shape_cast %reshape3A_534 : vector<16x1xi32> to vector<16xi32>
      %gather3A_536 = tpu.dynamic_gather %add3A_530[%gather3A_535] in [0] : vector<16xf32>, vector<16xi32> -> vector<16xf32>
      %reshape3A_537 = vector.shape_cast %xor3A_171 : vector<16xi32> to vector<16x1xi32>
      %gather3A_538 = vector.shape_cast %reshape3A_537 : vector<16x1xi32> to vector<16xi32>
      %gather3A_539 = tpu.dynamic_gather %add3A_531[%gather3A_538] in [0] : vector<16xf32>, vector<16xi32> -> vector<16xf32>
      %reshape3A_540 = vector.shape_cast %xor3A_171 : vector<16xi32> to vector<16x1xi32>
      %gather3A_541 = vector.shape_cast %reshape3A_540 : vector<16x1xi32> to vector<16xi32>
      %gather3A_542 = tpu.dynamic_gather %add3A_532[%gather3A_541] in [0] : vector<16xf32>, vector<16xi32> -> vector<16xf32>
      %reshape3A_543 = vector.shape_cast %xor3A_171 : vector<16xi32> to vector<16x1xi32>
      %gather3A_544 = vector.shape_cast %reshape3A_543 : vector<16x1xi32> to vector<16xi32>
      %gather3A_545 = tpu.dynamic_gather %add3A_533[%gather3A_544] in [0] : vector<16xf32>, vector<16xi32> -> vector<16xf32>
      %add3A_546 = arith.addf %add3A_530, %gather3A_536 : vector<16xf32>
      %add3A_547 = arith.addf %add3A_531, %gather3A_539 : vector<16xf32>
      %add3A_548 = arith.addf %add3A_532, %gather3A_542 : vector<16xf32>
      %add3A_549 = arith.addf %add3A_533, %gather3A_545 : vector<16xf32>
      %reshape3A_550 = vector.shape_cast %xor3A_174 : vector<16xi32> to vector<16x1xi32>
      %gather3A_551 = vector.shape_cast %reshape3A_550 : vector<16x1xi32> to vector<16xi32>
      %gather3A_552 = tpu.dynamic_gather %add3A_546[%gather3A_551] in [0] : vector<16xf32>, vector<16xi32> -> vector<16xf32>
      %reshape3A_553 = vector.shape_cast %xor3A_174 : vector<16xi32> to vector<16x1xi32>
      %gather3A_554 = vector.shape_cast %reshape3A_553 : vector<16x1xi32> to vector<16xi32>
      %gather3A_555 = tpu.dynamic_gather %add3A_547[%gather3A_554] in [0] : vector<16xf32>, vector<16xi32> -> vector<16xf32>
      %reshape3A_556 = vector.shape_cast %xor3A_174 : vector<16xi32> to vector<16x1xi32>
      %gather3A_557 = vector.shape_cast %reshape3A_556 : vector<16x1xi32> to vector<16xi32>
      %gather3A_558 = tpu.dynamic_gather %add3A_548[%gather3A_557] in [0] : vector<16xf32>, vector<16xi32> -> vector<16xf32>
      %reshape3A_559 = vector.shape_cast %xor3A_174 : vector<16xi32> to vector<16x1xi32>
      %gather3A_560 = vector.shape_cast %reshape3A_559 : vector<16x1xi32> to vector<16xi32>
      %gather3A_561 = tpu.dynamic_gather %add3A_549[%gather3A_560] in [0] : vector<16xf32>, vector<16xi32> -> vector<16xf32>
      %add3A_562 = arith.addf %add3A_546, %gather3A_552 : vector<16xf32>
      %add3A_563 = arith.addf %add3A_547, %gather3A_555 : vector<16xf32>
      %add3A_564 = arith.addf %add3A_548, %gather3A_558 : vector<16xf32>
      %add3A_565 = arith.addf %add3A_549, %gather3A_561 : vector<16xf32>
      %reshape3A_566 = vector.shape_cast %xor3A_177 : vector<16xi32> to vector<16x1xi32>
      %gather3A_567 = vector.shape_cast %reshape3A_566 : vector<16x1xi32> to vector<16xi32>
      %gather3A_568 = tpu.dynamic_gather %add3A_562[%gather3A_567] in [0] : vector<16xf32>, vector<16xi32> -> vector<16xf32>
      %reshape3A_569 = vector.shape_cast %xor3A_177 : vector<16xi32> to vector<16x1xi32>
      %gather3A_570 = vector.shape_cast %reshape3A_569 : vector<16x1xi32> to vector<16xi32>
      %gather3A_571 = tpu.dynamic_gather %add3A_563[%gather3A_570] in [0] : vector<16xf32>, vector<16xi32> -> vector<16xf32>
      %reshape3A_572 = vector.shape_cast %xor3A_177 : vector<16xi32> to vector<16x1xi32>
      %gather3A_573 = vector.shape_cast %reshape3A_572 : vector<16x1xi32> to vector<16xi32>
      %gather3A_574 = tpu.dynamic_gather %add3A_564[%gather3A_573] in [0] : vector<16xf32>, vector<16xi32> -> vector<16xf32>
      %reshape3A_575 = vector.shape_cast %xor3A_177 : vector<16xi32> to vector<16x1xi32>
      %gather3A_576 = vector.shape_cast %reshape3A_575 : vector<16x1xi32> to vector<16xi32>
      %gather3A_577 = tpu.dynamic_gather %add3A_565[%gather3A_576] in [0] : vector<16xf32>, vector<16xi32> -> vector<16xf32>
      %add3A_578 = arith.addf %add3A_562, %gather3A_568 : vector<16xf32>
      %add3A_579 = arith.addf %add3A_563, %gather3A_571 : vector<16xf32>
      %add3A_580 = arith.addf %add3A_564, %gather3A_574 : vector<16xf32>
      %add3A_581 = arith.addf %add3A_565, %gather3A_577 : vector<16xf32>
      %reshape3A_582 = vector.shape_cast %xor3A_180 : vector<16xi32> to vector<16x1xi32>
      %gather3A_583 = vector.shape_cast %reshape3A_582 : vector<16x1xi32> to vector<16xi32>
      %gather3A_584 = tpu.dynamic_gather %add3A_578[%gather3A_583] in [0] : vector<16xf32>, vector<16xi32> -> vector<16xf32>
      %reshape3A_585 = vector.shape_cast %xor3A_180 : vector<16xi32> to vector<16x1xi32>
      %gather3A_586 = vector.shape_cast %reshape3A_585 : vector<16x1xi32> to vector<16xi32>
      %gather3A_587 = tpu.dynamic_gather %add3A_579[%gather3A_586] in [0] : vector<16xf32>, vector<16xi32> -> vector<16xf32>
      %reshape3A_588 = vector.shape_cast %xor3A_180 : vector<16xi32> to vector<16x1xi32>
      %gather3A_589 = vector.shape_cast %reshape3A_588 : vector<16x1xi32> to vector<16xi32>
      %gather3A_590 = tpu.dynamic_gather %add3A_580[%gather3A_589] in [0] : vector<16xf32>, vector<16xi32> -> vector<16xf32>
      %reshape3A_591 = vector.shape_cast %xor3A_180 : vector<16xi32> to vector<16x1xi32>
      %gather3A_592 = vector.shape_cast %reshape3A_591 : vector<16x1xi32> to vector<16xi32>
      %gather3A_593 = tpu.dynamic_gather %add3A_581[%gather3A_592] in [0] : vector<16xf32>, vector<16xi32> -> vector<16xf32>
      %add3A_594 = arith.addf %add3A_578, %gather3A_584 : vector<16xf32>
      %add3A_595 = arith.addf %add3A_579, %gather3A_587 : vector<16xf32>
      %add3A_596 = arith.addf %add3A_580, %gather3A_590 : vector<16xf32>
      %add3A_597 = arith.addf %add3A_581, %gather3A_593 : vector<16xf32>
      %max3A = arith.constant 1.000000e-24 : f32
      %max3A_598 = vector.broadcast %max3A : f32 to vector<16xf32>
      %max3A_599 = arith.maximumf %add3A_594, %max3A_598 : vector<16xf32>
      %max3A_600 = arith.constant 1.000000e-24 : f32
      %max3A_601 = vector.broadcast %max3A_600 : f32 to vector<16xf32>
      %max3A_602 = arith.maximumf %add3A_595, %max3A_601 : vector<16xf32>
      %max3A_603 = arith.constant 1.000000e-24 : f32
      %max3A_604 = vector.broadcast %max3A_603 : f32 to vector<16xf32>
      %max3A_605 = arith.maximumf %add3A_596, %max3A_604 : vector<16xf32>
      %max3A_606 = arith.constant 1.000000e-24 : f32
      %max3A_607 = vector.broadcast %max3A_606 : f32 to vector<16xf32>
      %max3A_608 = arith.maximumf %add3A_597, %max3A_607 : vector<16xf32>
      %bitcast3A = vector.bitcast %max3A_599 : vector<16xf32> to vector<16xi32>
      %bitcast3A_609 = vector.bitcast %max3A_602 : vector<16xf32> to vector<16xi32>
      %bitcast3A_610 = vector.bitcast %max3A_605 : vector<16xf32> to vector<16xi32>
      %bitcast3A_611 = vector.bitcast %max3A_608 : vector<16xf32> to vector<16xi32>
      %shift_right_arithmetic3A_612 = arith.constant 1 : i32
      %shift_right_arithmetic3A_613 = vector.broadcast %shift_right_arithmetic3A_612 : i32 to vector<16xi32>
      %shift_right_arithmetic3A_614 = arith.shrsi %bitcast3A, %shift_right_arithmetic3A_613 : vector<16xi32>
      %sub3A = arith.constant 1597463007 : i32
      %sub3A_615 = vector.broadcast %sub3A : i32 to vector<16xi32>
      %sub3A_616 = arith.subi %sub3A_615, %shift_right_arithmetic3A_614 : vector<16xi32>
      %bitcast3A_617 = vector.bitcast %sub3A_616 : vector<16xi32> to vector<16xf32>
      %shift_right_arithmetic3A_618 = arith.constant 1 : i32
      %shift_right_arithmetic3A_619 = vector.broadcast %shift_right_arithmetic3A_618 : i32 to vector<16xi32>
      %shift_right_arithmetic3A_620 = arith.shrsi %bitcast3A_609, %shift_right_arithmetic3A_619 : vector<16xi32>
      %sub3A_621 = arith.constant 1597463007 : i32
      %sub3A_622 = vector.broadcast %sub3A_621 : i32 to vector<16xi32>
      %sub3A_623 = arith.subi %sub3A_622, %shift_right_arithmetic3A_620 : vector<16xi32>
      %bitcast3A_624 = vector.bitcast %sub3A_623 : vector<16xi32> to vector<16xf32>
      %shift_right_arithmetic3A_625 = arith.constant 1 : i32
      %shift_right_arithmetic3A_626 = vector.broadcast %shift_right_arithmetic3A_625 : i32 to vector<16xi32>
      %shift_right_arithmetic3A_627 = arith.shrsi %bitcast3A_610, %shift_right_arithmetic3A_626 : vector<16xi32>
      %sub3A_628 = arith.constant 1597463007 : i32
      %sub3A_629 = vector.broadcast %sub3A_628 : i32 to vector<16xi32>
      %sub3A_630 = arith.subi %sub3A_629, %shift_right_arithmetic3A_627 : vector<16xi32>
      %bitcast3A_631 = vector.bitcast %sub3A_630 : vector<16xi32> to vector<16xf32>
      %shift_right_arithmetic3A_632 = arith.constant 1 : i32
      %shift_right_arithmetic3A_633 = vector.broadcast %shift_right_arithmetic3A_632 : i32 to vector<16xi32>
      %shift_right_arithmetic3A_634 = arith.shrsi %bitcast3A_611, %shift_right_arithmetic3A_633 : vector<16xi32>
      %sub3A_635 = arith.constant 1597463007 : i32
      %sub3A_636 = vector.broadcast %sub3A_635 : i32 to vector<16xi32>
      %sub3A_637 = arith.subi %sub3A_636, %shift_right_arithmetic3A_634 : vector<16xi32>
      %bitcast3A_638 = vector.bitcast %sub3A_637 : vector<16xi32> to vector<16xf32>
      %mul3A_639 = arith.constant 5.000000e-01 : f32
      %mul3A_640 = vector.broadcast %mul3A_639 : f32 to vector<16xf32>
      %mul3A_641 = arith.mulf %mul3A_640, %max3A_599 : vector<16xf32>
      %mul3A_642 = arith.constant 5.000000e-01 : f32
      %mul3A_643 = vector.broadcast %mul3A_642 : f32 to vector<16xf32>
      %mul3A_644 = arith.mulf %mul3A_643, %max3A_602 : vector<16xf32>
      %mul3A_645 = arith.constant 5.000000e-01 : f32
      %mul3A_646 = vector.broadcast %mul3A_645 : f32 to vector<16xf32>
      %mul3A_647 = arith.mulf %mul3A_646, %max3A_605 : vector<16xf32>
      %mul3A_648 = arith.constant 5.000000e-01 : f32
      %mul3A_649 = vector.broadcast %mul3A_648 : f32 to vector<16xf32>
      %mul3A_650 = arith.mulf %mul3A_649, %max3A_608 : vector<16xf32>
      %mul3A_651 = arith.mulf %bitcast3A_617, %bitcast3A_617 : vector<16xf32>
      %mul3A_652 = arith.mulf %bitcast3A_624, %bitcast3A_624 : vector<16xf32>
      %mul3A_653 = arith.mulf %bitcast3A_631, %bitcast3A_631 : vector<16xf32>
      %mul3A_654 = arith.mulf %bitcast3A_638, %bitcast3A_638 : vector<16xf32>
      %mul3A_655 = arith.mulf %mul3A_641, %mul3A_651 : vector<16xf32>
      %mul3A_656 = arith.mulf %mul3A_644, %mul3A_652 : vector<16xf32>
      %mul3A_657 = arith.mulf %mul3A_647, %mul3A_653 : vector<16xf32>
      %mul3A_658 = arith.mulf %mul3A_650, %mul3A_654 : vector<16xf32>
      %sub3A_659 = arith.constant 1.500000e+00 : f32
      %sub3A_660 = vector.broadcast %sub3A_659 : f32 to vector<16xf32>
      %sub3A_661 = arith.subf %sub3A_660, %mul3A_655 : vector<16xf32>
      %sub3A_662 = arith.constant 1.500000e+00 : f32
      %sub3A_663 = vector.broadcast %sub3A_662 : f32 to vector<16xf32>
      %sub3A_664 = arith.subf %sub3A_663, %mul3A_656 : vector<16xf32>
      %sub3A_665 = arith.constant 1.500000e+00 : f32
      %sub3A_666 = vector.broadcast %sub3A_665 : f32 to vector<16xf32>
      %sub3A_667 = arith.subf %sub3A_666, %mul3A_657 : vector<16xf32>
      %sub3A_668 = arith.constant 1.500000e+00 : f32
      %sub3A_669 = vector.broadcast %sub3A_668 : f32 to vector<16xf32>
      %sub3A_670 = arith.subf %sub3A_669, %mul3A_658 : vector<16xf32>
      %mul3A_671 = arith.mulf %bitcast3A_617, %sub3A_661 : vector<16xf32>
      %mul3A_672 = arith.mulf %bitcast3A_624, %sub3A_664 : vector<16xf32>
      %mul3A_673 = arith.mulf %bitcast3A_631, %sub3A_667 : vector<16xf32>
      %mul3A_674 = arith.mulf %bitcast3A_638, %sub3A_670 : vector<16xf32>
      %mul3A_675 = arith.mulf %mul3A_671, %mul3A_671 : vector<16xf32>
      %mul3A_676 = arith.mulf %mul3A_672, %mul3A_672 : vector<16xf32>
      %mul3A_677 = arith.mulf %mul3A_673, %mul3A_673 : vector<16xf32>
      %mul3A_678 = arith.mulf %mul3A_674, %mul3A_674 : vector<16xf32>
      %mul3A_679 = arith.mulf %mul3A_641, %mul3A_675 : vector<16xf32>
      %mul3A_680 = arith.mulf %mul3A_644, %mul3A_676 : vector<16xf32>
      %mul3A_681 = arith.mulf %mul3A_647, %mul3A_677 : vector<16xf32>
      %mul3A_682 = arith.mulf %mul3A_650, %mul3A_678 : vector<16xf32>
      %sub3A_683 = arith.constant 1.500000e+00 : f32
      %sub3A_684 = vector.broadcast %sub3A_683 : f32 to vector<16xf32>
      %sub3A_685 = arith.subf %sub3A_684, %mul3A_679 : vector<16xf32>
      %sub3A_686 = arith.constant 1.500000e+00 : f32
      %sub3A_687 = vector.broadcast %sub3A_686 : f32 to vector<16xf32>
      %sub3A_688 = arith.subf %sub3A_687, %mul3A_680 : vector<16xf32>
      %sub3A_689 = arith.constant 1.500000e+00 : f32
      %sub3A_690 = vector.broadcast %sub3A_689 : f32 to vector<16xf32>
      %sub3A_691 = arith.subf %sub3A_690, %mul3A_681 : vector<16xf32>
      %sub3A_692 = arith.constant 1.500000e+00 : f32
      %sub3A_693 = vector.broadcast %sub3A_692 : f32 to vector<16xf32>
      %sub3A_694 = arith.subf %sub3A_693, %mul3A_682 : vector<16xf32>
      %mul3A_695 = arith.mulf %mul3A_671, %sub3A_685 : vector<16xf32>
      %mul3A_696 = arith.mulf %mul3A_672, %sub3A_688 : vector<16xf32>
      %mul3A_697 = arith.mulf %mul3A_673, %sub3A_691 : vector<16xf32>
      %mul3A_698 = arith.mulf %mul3A_674, %sub3A_694 : vector<16xf32>
      %mul3A_699 = arith.mulf %get3A_460, %mul3A_695 : vector<16xf32>
      %swap3A = arith.index_cast %scan3A_457 : i32 to index
      %swap3A_700 = arith.constant 0 : index
      %swap3A_701 = tpu.vector_load %arg12[%swap3A, %swap3A_700] {strides = array<i32>} : memref<16x384xf32, #tpu.memory_space<vmem>>, vector<16xf32>,
      tpu.vector_store %arg12[%swap3A, %swap3A_700], %mul3A_699 {strides = array<i32>} : memref<16x384xf32, #tpu.memory_space<vmem>>, vector<16xf32>,
      %mul3A_702 = arith.mulf %get3A_463, %mul3A_695 : vector<16xf32>
      %swap3A_703 = arith.index_cast %scan3A_457 : i32 to index
      %swap3A_704 = arith.constant 16 : index
      %swap3A_705 = tpu.vector_load %arg12[%swap3A_703, %swap3A_704] {strides = array<i32>} : memref<16x384xf32, #tpu.memory_space<vmem>>, vector<16xf32>,
      tpu.vector_store %arg12[%swap3A_703, %swap3A_704], %mul3A_702 {strides = array<i32>} : memref<16x384xf32, #tpu.memory_space<vmem>>, vector<16xf32>,
      %mul3A_706 = arith.mulf %get3A_466, %mul3A_695 : vector<16xf32>
      %swap3A_707 = arith.index_cast %scan3A_457 : i32 to index
      %swap3A_708 = arith.constant 32 : index
      %swap3A_709 = tpu.vector_load %arg12[%swap3A_707, %swap3A_708] {strides = array<i32>} : memref<16x384xf32, #tpu.memory_space<vmem>>, vector<16xf32>,
      tpu.vector_store %arg12[%swap3A_707, %swap3A_708], %mul3A_706 {strides = array<i32>} : memref<16x384xf32, #tpu.memory_space<vmem>>, vector<16xf32>,
      %mul3A_710 = arith.mulf %get3A_469, %mul3A_695 : vector<16xf32>
      %swap3A_711 = arith.index_cast %scan3A_457 : i32 to index
      %swap3A_712 = arith.constant 48 : index
      %swap3A_713 = tpu.vector_load %arg12[%swap3A_711, %swap3A_712] {strides = array<i32>} : memref<16x384xf32, #tpu.memory_space<vmem>>, vector<16xf32>,
      tpu.vector_store %arg12[%swap3A_711, %swap3A_712], %mul3A_710 {strides = array<i32>} : memref<16x384xf32, #tpu.memory_space<vmem>>, vector<16xf32>,
      %mul3A_714 = arith.mulf %get3A_472, %mul3A_696 : vector<16xf32>
      %swap3A_715 = arith.index_cast %scan3A_457 : i32 to index
      %swap3A_716 = arith.constant 64 : index
      %swap3A_717 = tpu.vector_load %arg12[%swap3A_715, %swap3A_716] {strides = array<i32>} : memref<16x384xf32, #tpu.memory_space<vmem>>, vector<16xf32>,
      tpu.vector_store %arg12[%swap3A_715, %swap3A_716], %mul3A_714 {strides = array<i32>} : memref<16x384xf32, #tpu.memory_space<vmem>>, vector<16xf32>,
      %mul3A_718 = arith.mulf %get3A_475, %mul3A_696 : vector<16xf32>
      %swap3A_719 = arith.index_cast %scan3A_457 : i32 to index
      %swap3A_720 = arith.constant 80 : index
      %swap3A_721 = tpu.vector_load %arg12[%swap3A_719, %swap3A_720] {strides = array<i32>} : memref<16x384xf32, #tpu.memory_space<vmem>>, vector<16xf32>,
      tpu.vector_store %arg12[%swap3A_719, %swap3A_720], %mul3A_718 {strides = array<i32>} : memref<16x384xf32, #tpu.memory_space<vmem>>, vector<16xf32>,
      %mul3A_722 = arith.mulf %get3A_478, %mul3A_696 : vector<16xf32>
      %swap3A_723 = arith.index_cast %scan3A_457 : i32 to index
      %swap3A_724 = arith.constant 96 : index
      %swap3A_725 = tpu.vector_load %arg12[%swap3A_723, %swap3A_724] {strides = array<i32>} : memref<16x384xf32, #tpu.memory_space<vmem>>, vector<16xf32>,
      tpu.vector_store %arg12[%swap3A_723, %swap3A_724], %mul3A_722 {strides = array<i32>} : memref<16x384xf32, #tpu.memory_space<vmem>>, vector<16xf32>,
      %mul3A_726 = arith.mulf %get3A_481, %mul3A_696 : vector<16xf32>
      %swap3A_727 = arith.index_cast %scan3A_457 : i32 to index
      %swap3A_728 = arith.constant 112 : index
      %swap3A_729 = tpu.vector_load %arg12[%swap3A_727, %swap3A_728] {strides = array<i32>} : memref<16x384xf32, #tpu.memory_space<vmem>>, vector<16xf32>,
      tpu.vector_store %arg12[%swap3A_727, %swap3A_728], %mul3A_726 {strides = array<i32>} : memref<16x384xf32, #tpu.memory_space<vmem>>, vector<16xf32>,
      %mul3A_730 = arith.mulf %get3A_484, %mul3A_697 : vector<16xf32>
      %swap3A_731 = arith.index_cast %scan3A_457 : i32 to index
      %swap3A_732 = arith.constant 128 : index
      %swap3A_733 = tpu.vector_load %arg12[%swap3A_731, %swap3A_732] {strides = array<i32>} : memref<16x384xf32, #tpu.memory_space<vmem>>, vector<16xf32>,
      tpu.vector_store %arg12[%swap3A_731, %swap3A_732], %mul3A_730 {strides = array<i32>} : memref<16x384xf32, #tpu.memory_space<vmem>>, vector<16xf32>,
      %swap3A_734 = arith.index_cast %scan3A_457 : i32 to index
      %swap3A_735 = arith.constant 256 : index
      %swap3A_736 = tpu.vector_load %arg12[%swap3A_734, %swap3A_735] {strides = array<i32>} : memref<16x384xf32, #tpu.memory_space<vmem>>, vector<16xf32>,
      tpu.vector_store %arg12[%swap3A_734, %swap3A_735], %mul3A_730 {strides = array<i32>} : memref<16x384xf32, #tpu.memory_space<vmem>>, vector<16xf32>,
      %mul3A_737 = arith.mulf %get3A_487, %mul3A_697 : vector<16xf32>
      %swap3A_738 = arith.index_cast %scan3A_457 : i32 to index
      %swap3A_739 = arith.constant 144 : index
      %swap3A_740 = tpu.vector_load %arg12[%swap3A_738, %swap3A_739] {strides = array<i32>} : memref<16x384xf32, #tpu.memory_space<vmem>>, vector<16xf32>,
      tpu.vector_store %arg12[%swap3A_738, %swap3A_739], %mul3A_737 {strides = array<i32>} : memref<16x384xf32, #tpu.memory_space<vmem>>, vector<16xf32>,
      %swap3A_741 = arith.index_cast %scan3A_457 : i32 to index
      %swap3A_742 = arith.constant 272 : index
      %swap3A_743 = tpu.vector_load %arg12[%swap3A_741, %swap3A_742] {strides = array<i32>} : memref<16x384xf32, #tpu.memory_space<vmem>>, vector<16xf32>,
      tpu.vector_store %arg12[%swap3A_741, %swap3A_742], %mul3A_737 {strides = array<i32>} : memref<16x384xf32, #tpu.memory_space<vmem>>, vector<16xf32>,
      %mul3A_744 = arith.mulf %get3A_490, %mul3A_697 : vector<16xf32>
      %swap3A_745 = arith.index_cast %scan3A_457 : i32 to index
      %swap3A_746 = arith.constant 160 : index
      %swap3A_747 = tpu.vector_load %arg12[%swap3A_745, %swap3A_746] {strides = array<i32>} : memref<16x384xf32, #tpu.memory_space<vmem>>, vector<16xf32>,
      tpu.vector_store %arg12[%swap3A_745, %swap3A_746], %mul3A_744 {strides = array<i32>} : memref<16x384xf32, #tpu.memory_space<vmem>>, vector<16xf32>,
      %swap3A_748 = arith.index_cast %scan3A_457 : i32 to index
      %swap3A_749 = arith.constant 288 : index
      %swap3A_750 = tpu.vector_load %arg12[%swap3A_748, %swap3A_749] {strides = array<i32>} : memref<16x384xf32, #tpu.memory_space<vmem>>, vector<16xf32>,
      tpu.vector_store %arg12[%swap3A_748, %swap3A_749], %mul3A_744 {strides = array<i32>} : memref<16x384xf32, #tpu.memory_space<vmem>>, vector<16xf32>,
      %mul3A_751 = arith.mulf %get3A_493, %mul3A_697 : vector<16xf32>
      %swap3A_752 = arith.index_cast %scan3A_457 : i32 to index
      %swap3A_753 = arith.constant 176 : index
      %swap3A_754 = tpu.vector_load %arg12[%swap3A_752, %swap3A_753] {strides = array<i32>} : memref<16x384xf32, #tpu.memory_space<vmem>>, vector<16xf32>,
      tpu.vector_store %arg12[%swap3A_752, %swap3A_753], %mul3A_751 {strides = array<i32>} : memref<16x384xf32, #tpu.memory_space<vmem>>, vector<16xf32>,
      %swap3A_755 = arith.index_cast %scan3A_457 : i32 to index
      %swap3A_756 = arith.constant 304 : index
      %swap3A_757 = tpu.vector_load %arg12[%swap3A_755, %swap3A_756] {strides = array<i32>} : memref<16x384xf32, #tpu.memory_space<vmem>>, vector<16xf32>,
      tpu.vector_store %arg12[%swap3A_755, %swap3A_756], %mul3A_751 {strides = array<i32>} : memref<16x384xf32, #tpu.memory_space<vmem>>, vector<16xf32>,
      %mul3A_758 = arith.mulf %get3A_496, %mul3A_698 : vector<16xf32>
      %swap3A_759 = arith.index_cast %scan3A_457 : i32 to index
      %swap3A_760 = arith.constant 192 : index
      %swap3A_761 = tpu.vector_load %arg12[%swap3A_759, %swap3A_760] {strides = array<i32>} : memref<16x384xf32, #tpu.memory_space<vmem>>, vector<16xf32>,
      tpu.vector_store %arg12[%swap3A_759, %swap3A_760], %mul3A_758 {strides = array<i32>} : memref<16x384xf32, #tpu.memory_space<vmem>>, vector<16xf32>,
      %swap3A_762 = arith.index_cast %scan3A_457 : i32 to index
      %swap3A_763 = arith.constant 320 : index
      %swap3A_764 = tpu.vector_load %arg12[%swap3A_762, %swap3A_763] {strides = array<i32>} : memref<16x384xf32, #tpu.memory_space<vmem>>, vector<16xf32>,
      tpu.vector_store %arg12[%swap3A_762, %swap3A_763], %mul3A_758 {strides = array<i32>} : memref<16x384xf32, #tpu.memory_space<vmem>>, vector<16xf32>,
      %mul3A_765 = arith.mulf %get3A_499, %mul3A_698 : vector<16xf32>
      %swap3A_766 = arith.index_cast %scan3A_457 : i32 to index
      %swap3A_767 = arith.constant 208 : index
      %swap3A_768 = tpu.vector_load %arg12[%swap3A_766, %swap3A_767] {strides = array<i32>} : memref<16x384xf32, #tpu.memory_space<vmem>>, vector<16xf32>,
      tpu.vector_store %arg12[%swap3A_766, %swap3A_767], %mul3A_765 {strides = array<i32>} : memref<16x384xf32, #tpu.memory_space<vmem>>, vector<16xf32>,
      %swap3A_769 = arith.index_cast %scan3A_457 : i32 to index
      %swap3A_770 = arith.constant 336 : index
      %swap3A_771 = tpu.vector_load %arg12[%swap3A_769, %swap3A_770] {strides = array<i32>} : memref<16x384xf32, #tpu.memory_space<vmem>>, vector<16xf32>,
      tpu.vector_store %arg12[%swap3A_769, %swap3A_770], %mul3A_765 {strides = array<i32>} : memref<16x384xf32, #tpu.memory_space<vmem>>, vector<16xf32>,
      %mul3A_772 = arith.mulf %get3A_502, %mul3A_698 : vector<16xf32>
      %swap3A_773 = arith.index_cast %scan3A_457 : i32 to index
      %swap3A_774 = arith.constant 224 : index
      %swap3A_775 = tpu.vector_load %arg12[%swap3A_773, %swap3A_774] {strides = array<i32>} : memref<16x384xf32, #tpu.memory_space<vmem>>, vector<16xf32>,
      tpu.vector_store %arg12[%swap3A_773, %swap3A_774], %mul3A_772 {strides = array<i32>} : memref<16x384xf32, #tpu.memory_space<vmem>>, vector<16xf32>,
      %swap3A_776 = arith.index_cast %scan3A_457 : i32 to index
      %swap3A_777 = arith.constant 352 : index
      %swap3A_778 = tpu.vector_load %arg12[%swap3A_776, %swap3A_777] {strides = array<i32>} : memref<16x384xf32, #tpu.memory_space<vmem>>, vector<16xf32>,
      tpu.vector_store %arg12[%swap3A_776, %swap3A_777], %mul3A_772 {strides = array<i32>} : memref<16x384xf32, #tpu.memory_space<vmem>>, vector<16xf32>,
      %mul3A_779 = arith.mulf %get3A_505, %mul3A_698 : vector<16xf32>
      %swap3A_780 = arith.index_cast %scan3A_457 : i32 to index
      %swap3A_781 = arith.constant 240 : index
      %swap3A_782 = tpu.vector_load %arg12[%swap3A_780, %swap3A_781] {strides = array<i32>} : memref<16x384xf32, #tpu.memory_space<vmem>>, vector<16xf32>,
      tpu.vector_store %arg12[%swap3A_780, %swap3A_781], %mul3A_779 {strides = array<i32>} : memref<16x384xf32, #tpu.memory_space<vmem>>, vector<16xf32>,
      %swap3A_783 = arith.index_cast %scan3A_457 : i32 to index
      %swap3A_784 = arith.constant 368 : index
      %swap3A_785 = tpu.vector_load %arg12[%swap3A_783, %swap3A_784] {strides = array<i32>} : memref<16x384xf32, #tpu.memory_space<vmem>>, vector<16xf32>,
      tpu.vector_store %arg12[%swap3A_783, %swap3A_784], %mul3A_779 {strides = array<i32>} : memref<16x384xf32, #tpu.memory_space<vmem>>, vector<16xf32>,
    }
    %scan3A_347 = arith.constant 16 : i32
    "tpu.trace_stop"() : () -> ()
    %add3A_348 = arith.constant 32 : i32
    %add3A_349 = arith.addi %add3A_328, %add3A_348 : i32
    %dma_start3A_350 = arith.constant 0 : i32
    %dma_start3A_351 = tpu.memref_slice %arg2[%add3A_349, %dma_start3A_350] : memref<4096x128xf32, #tpu.memory_space<hbm>> -> memref<16x128xf32, #tpu.memory_space<hbm>>
    %dma_start3A_352 = arith.constant 0 : i32
    %dma_start3A_353 = tpu.memref_slice %arg2[%add3A_349, %dma_start3A_352] : memref<4096x128xf32, #tpu.memory_space<hbm>> -> memref<16x128xf32, #tpu.memory_space<hbm>>
    tpu.enqueue_dma source(%dma_start3A_353 : memref<16x128xf32, #tpu.memory_space<hbm>>) target(%arg8 : memref<16x128xf32, #tpu.memory_space<vmem>>) target_semaphore(%arg14 : memref<!tpu.dma_semaphore, #tpu.memory_space<semaphore_mem>>)
    %dma_start3A_354 = arith.constant 96 : i32
    %dma_start3A_355 = tpu.memref_slice %arg7[%dma_start3A_354] : memref<128xi32, #tpu.memory_space<vmem>> -> memref<16xi32, #tpu.memory_space<vmem>>
    %dma_start3A_356 = arith.constant 0 : i32
    %dma_start3A_357 = arith.constant 0 : i32
    %dma_start3A_358 = tpu.memref_slice %arg2[%dma_start3A_356, %dma_start3A_357] : memref<4096x128xf32, #tpu.memory_space<hbm>> -> memref<4096x128xf32, #tpu.memory_space<hbm>>
    tpu.enqueue_indirect_dma source(%dma_start3A_358 : memref<4096x128xf32, #tpu.memory_space<hbm>>) target(%arg10 : memref<16x128xf32, #tpu.memory_space<vmem>>) offsets(%dma_start3A_355 : memref<16xi32, #tpu.memory_space<vmem>>) semaphore(%arg16 : memref<!tpu.dma_semaphore, #tpu.memory_space<semaphore_mem>>)
    %dma_start3A_359 = arith.constant 0 : i32
    %dma_start3A_360 = tpu.memref_slice %arg4[%add3A_328, %dma_start3A_359] : memref<4096x384xf32, #tpu.memory_space<hbm>> -> memref<16x384xf32, #tpu.memory_space<hbm>>
    %dma_start3A_361 = arith.constant 0 : i32
    %dma_start3A_362 = tpu.memref_slice %arg4[%add3A_328, %dma_start3A_361] : memref<4096x384xf32, #tpu.memory_space<hbm>> -> memref<16x384xf32, #tpu.memory_space<hbm>>
    tpu.enqueue_dma source(%arg12 : memref<16x384xf32, #tpu.memory_space<vmem>>) target(%dma_start3A_362 : memref<16x384xf32, #tpu.memory_space<hbm>>) target_semaphore(%arg18 : memref<!tpu.dma_semaphore, #tpu.memory_space<semaphore_mem>>)
    %add3A_363 = arith.constant 80 : i32
    %add3A_364 = arith.addi %mul3A_2, %add3A_363 : i32
    "tpu.trace_start"() <{level = 10 : i32, message = "p_wait_in"}> : () -> ()
    %dma_wait3A_365 = arith.constant 0 : i32
    %dma_wait3A_366 = tpu.memref_slice %arg2[%add3A_313, %dma_wait3A_365] : memref<4096x128xf32, #tpu.memory_space<hbm>> -> memref<16x128xf32, #tpu.memory_space<hbm>>
    %dma_wait3A_367 = arith.constant 0 : i32
    %dma_wait3A_368 = tpu.memref_slice %arg2[%add3A_313, %dma_wait3A_367] : memref<4096x128xf32, #tpu.memory_space<hbm>> -> memref<16x128xf32, #tpu.memory_space<hbm>>
    tpu.wait_dma2 semaphore(%arg15 : memref<!tpu.dma_semaphore, #tpu.memory_space<semaphore_mem>>) src(%dma_wait3A_368 : memref<16x128xf32, #tpu.memory_space<hbm>>) dst(%arg9 : memref<16x128xf32, #tpu.memory_space<vmem>>)
    %dma_wait3A_369 = arith.constant 80 : i32
    %dma_wait3A_370 = tpu.memref_slice %arg7[%dma_wait3A_369] : memref<128xi32, #tpu.memory_space<vmem>> -> memref<16xi32, #tpu.memory_space<vmem>>
    %dma_wait3A_371 = arith.constant 0 : i32
    %dma_wait3A_372 = arith.constant 0 : i32
    %dma_wait3A_373 = tpu.memref_slice %arg2[%dma_wait3A_371, %dma_wait3A_372] : memref<4096x128xf32, #tpu.memory_space<hbm>> -> memref<4096x128xf32, #tpu.memory_space<hbm>>
    tpu.wait_indirect_dma semaphore(%arg17 : memref<!tpu.dma_semaphore, #tpu.memory_space<semaphore_mem>>) src(%dma_wait3A_373 : memref<4096x128xf32, #tpu.memory_space<hbm>>) dst(%arg11 : memref<16x128xf32, #tpu.memory_space<vmem>>)
    "tpu.trace_stop"() : () -> ()
    %dma_wait3A_374 = arith.constant 0 : i32
    %dma_wait3A_375 = tpu.memref_slice %arg4[%add3A_292, %dma_wait3A_374] : memref<4096x384xf32, #tpu.memory_space<hbm>> -> memref<16x384xf32, #tpu.memory_space<hbm>>
    %dma_wait3A_376 = arith.constant 0 : i32
    %dma_wait3A_377 = tpu.memref_slice %arg4[%add3A_292, %dma_wait3A_376] : memref<4096x384xf32, #tpu.memory_space<hbm>> -> memref<16x384xf32, #tpu.memory_space<hbm>>
    tpu.wait_dma2 semaphore(%arg19 : memref<!tpu.dma_semaphore, #tpu.memory_space<semaphore_mem>>) src(%arg13 : memref<16x384xf32, #tpu.memory_space<vmem>>) dst(%dma_wait3A_377 : memref<16x384xf32, #tpu.memory_space<hbm>>)
    "tpu.trace_start"() <{level = 10 : i32, message = "p_norm"}> : () -> ()
    %scan3A_378 = arith.constant 0 : i32
    %scan3A_379 = arith.constant 0 : i32
    %scan3A_380 = arith.constant 16 : i32
    %scan3A_381 = arith.addi %scan3A_379, %scan3A_380 : i32
    %scan3A_382 = arith.constant 1 : i32
    scf.for %scan3A_457 = %scan3A_379 to %scan3A_381 step %scan3A_382  : i32 {
      %get3A_458 = arith.index_cast %scan3A_457 : i32 to index
      %get3A_459 = arith.constant 0 : index
      %get3A_460 = tpu.vector_load %arg9[%get3A_458, %get3A_459] {strides = array<i32>} : memref<16x128xf32, #tpu.memory_space<vmem>>, vector<16xf32>,
      %get3A_461 = arith.index_cast %scan3A_457 : i32 to index
      %get3A_462 = arith.constant 16 : index
      %get3A_463 = tpu.vector_load %arg9[%get3A_461, %get3A_462] {strides = array<i32>} : memref<16x128xf32, #tpu.memory_space<vmem>>, vector<16xf32>,
      %get3A_464 = arith.index_cast %scan3A_457 : i32 to index
      %get3A_465 = arith.constant 32 : index
      %get3A_466 = tpu.vector_load %arg9[%get3A_464, %get3A_465] {strides = array<i32>} : memref<16x128xf32, #tpu.memory_space<vmem>>, vector<16xf32>,
      %get3A_467 = arith.index_cast %scan3A_457 : i32 to index
      %get3A_468 = arith.constant 48 : index
      %get3A_469 = tpu.vector_load %arg9[%get3A_467, %get3A_468] {strides = array<i32>} : memref<16x128xf32, #tpu.memory_space<vmem>>, vector<16xf32>,
      %get3A_470 = arith.index_cast %scan3A_457 : i32 to index
      %get3A_471 = arith.constant 64 : index
      %get3A_472 = tpu.vector_load %arg9[%get3A_470, %get3A_471] {strides = array<i32>} : memref<16x128xf32, #tpu.memory_space<vmem>>, vector<16xf32>,
      %get3A_473 = arith.index_cast %scan3A_457 : i32 to index
      %get3A_474 = arith.constant 80 : index
      %get3A_475 = tpu.vector_load %arg9[%get3A_473, %get3A_474] {strides = array<i32>} : memref<16x128xf32, #tpu.memory_space<vmem>>, vector<16xf32>,
      %get3A_476 = arith.index_cast %scan3A_457 : i32 to index
      %get3A_477 = arith.constant 96 : index
      %get3A_478 = tpu.vector_load %arg9[%get3A_476, %get3A_477] {strides = array<i32>} : memref<16x128xf32, #tpu.memory_space<vmem>>, vector<16xf32>,
      %get3A_479 = arith.index_cast %scan3A_457 : i32 to index
      %get3A_480 = arith.constant 112 : index
      %get3A_481 = tpu.vector_load %arg9[%get3A_479, %get3A_480] {strides = array<i32>} : memref<16x128xf32, #tpu.memory_space<vmem>>, vector<16xf32>,
      %get3A_482 = arith.index_cast %scan3A_457 : i32 to index
      %get3A_483 = arith.constant 0 : index
      %get3A_484 = tpu.vector_load %arg11[%get3A_482, %get3A_483] {strides = array<i32>} : memref<16x128xf32, #tpu.memory_space<vmem>>, vector<16xf32>,
      %get3A_485 = arith.index_cast %scan3A_457 : i32 to index
      %get3A_486 = arith.constant 16 : index
      %get3A_487 = tpu.vector_load %arg11[%get3A_485, %get3A_486] {strides = array<i32>} : memref<16x128xf32, #tpu.memory_space<vmem>>, vector<16xf32>,
      %get3A_488 = arith.index_cast %scan3A_457 : i32 to index
      %get3A_489 = arith.constant 32 : index
      %get3A_490 = tpu.vector_load %arg11[%get3A_488, %get3A_489] {strides = array<i32>} : memref<16x128xf32, #tpu.memory_space<vmem>>, vector<16xf32>,
      %get3A_491 = arith.index_cast %scan3A_457 : i32 to index
      %get3A_492 = arith.constant 48 : index
      %get3A_493 = tpu.vector_load %arg11[%get3A_491, %get3A_492] {strides = array<i32>} : memref<16x128xf32, #tpu.memory_space<vmem>>, vector<16xf32>,
      %get3A_494 = arith.index_cast %scan3A_457 : i32 to index
      %get3A_495 = arith.constant 64 : index
      %get3A_496 = tpu.vector_load %arg11[%get3A_494, %get3A_495] {strides = array<i32>} : memref<16x128xf32, #tpu.memory_space<vmem>>, vector<16xf32>,
      %get3A_497 = arith.index_cast %scan3A_457 : i32 to index
      %get3A_498 = arith.constant 80 : index
      %get3A_499 = tpu.vector_load %arg11[%get3A_497, %get3A_498] {strides = array<i32>} : memref<16x128xf32, #tpu.memory_space<vmem>>, vector<16xf32>,
      %get3A_500 = arith.index_cast %scan3A_457 : i32 to index
      %get3A_501 = arith.constant 96 : index
      %get3A_502 = tpu.vector_load %arg11[%get3A_500, %get3A_501] {strides = array<i32>} : memref<16x128xf32, #tpu.memory_space<vmem>>, vector<16xf32>,
      %get3A_503 = arith.index_cast %scan3A_457 : i32 to index
      %get3A_504 = arith.constant 112 : index
      %get3A_505 = tpu.vector_load %arg11[%get3A_503, %get3A_504] {strides = array<i32>} : memref<16x128xf32, #tpu.memory_space<vmem>>, vector<16xf32>,
      %mul3A_506 = arith.mulf %get3A_460, %get3A_460 : vector<16xf32>
      %mul3A_507 = arith.mulf %get3A_472, %get3A_472 : vector<16xf32>
      %mul3A_508 = arith.mulf %get3A_484, %get3A_484 : vector<16xf32>
      %mul3A_509 = arith.mulf %get3A_496, %get3A_496 : vector<16xf32>
      %mul3A_510 = arith.mulf %get3A_463, %get3A_463 : vector<16xf32>
      %mul3A_511 = arith.mulf %get3A_475, %get3A_475 : vector<16xf32>
      %mul3A_512 = arith.mulf %get3A_487, %get3A_487 : vector<16xf32>
      %mul3A_513 = arith.mulf %get3A_499, %get3A_499 : vector<16xf32>
      %add3A_514 = arith.addf %mul3A_506, %mul3A_510 : vector<16xf32>
      %add3A_515 = arith.addf %mul3A_507, %mul3A_511 : vector<16xf32>
      %add3A_516 = arith.addf %mul3A_508, %mul3A_512 : vector<16xf32>
      %add3A_517 = arith.addf %mul3A_509, %mul3A_513 : vector<16xf32>
      %mul3A_518 = arith.mulf %get3A_466, %get3A_466 : vector<16xf32>
      %mul3A_519 = arith.mulf %get3A_478, %get3A_478 : vector<16xf32>
      %mul3A_520 = arith.mulf %get3A_490, %get3A_490 : vector<16xf32>
      %mul3A_521 = arith.mulf %get3A_502, %get3A_502 : vector<16xf32>
      %add3A_522 = arith.addf %add3A_514, %mul3A_518 : vector<16xf32>
      %add3A_523 = arith.addf %add3A_515, %mul3A_519 : vector<16xf32>
      %add3A_524 = arith.addf %add3A_516, %mul3A_520 : vector<16xf32>
      %add3A_525 = arith.addf %add3A_517, %mul3A_521 : vector<16xf32>
      %mul3A_526 = arith.mulf %get3A_469, %get3A_469 : vector<16xf32>
      %mul3A_527 = arith.mulf %get3A_481, %get3A_481 : vector<16xf32>
      %mul3A_528 = arith.mulf %get3A_493, %get3A_493 : vector<16xf32>
      %mul3A_529 = arith.mulf %get3A_505, %get3A_505 : vector<16xf32>
      %add3A_530 = arith.addf %add3A_522, %mul3A_526 : vector<16xf32>
      %add3A_531 = arith.addf %add3A_523, %mul3A_527 : vector<16xf32>
      %add3A_532 = arith.addf %add3A_524, %mul3A_528 : vector<16xf32>
      %add3A_533 = arith.addf %add3A_525, %mul3A_529 : vector<16xf32>
      %reshape3A_534 = vector.shape_cast %xor3A_171 : vector<16xi32> to vector<16x1xi32>
      %gather3A_535 = vector.shape_cast %reshape3A_534 : vector<16x1xi32> to vector<16xi32>
      %gather3A_536 = tpu.dynamic_gather %add3A_530[%gather3A_535] in [0] : vector<16xf32>, vector<16xi32> -> vector<16xf32>
      %reshape3A_537 = vector.shape_cast %xor3A_171 : vector<16xi32> to vector<16x1xi32>
      %gather3A_538 = vector.shape_cast %reshape3A_537 : vector<16x1xi32> to vector<16xi32>
      %gather3A_539 = tpu.dynamic_gather %add3A_531[%gather3A_538] in [0] : vector<16xf32>, vector<16xi32> -> vector<16xf32>
      %reshape3A_540 = vector.shape_cast %xor3A_171 : vector<16xi32> to vector<16x1xi32>
      %gather3A_541 = vector.shape_cast %reshape3A_540 : vector<16x1xi32> to vector<16xi32>
      %gather3A_542 = tpu.dynamic_gather %add3A_532[%gather3A_541] in [0] : vector<16xf32>, vector<16xi32> -> vector<16xf32>
      %reshape3A_543 = vector.shape_cast %xor3A_171 : vector<16xi32> to vector<16x1xi32>
      %gather3A_544 = vector.shape_cast %reshape3A_543 : vector<16x1xi32> to vector<16xi32>
      %gather3A_545 = tpu.dynamic_gather %add3A_533[%gather3A_544] in [0] : vector<16xf32>, vector<16xi32> -> vector<16xf32>
      %add3A_546 = arith.addf %add3A_530, %gather3A_536 : vector<16xf32>
      %add3A_547 = arith.addf %add3A_531, %gather3A_539 : vector<16xf32>
      %add3A_548 = arith.addf %add3A_532, %gather3A_542 : vector<16xf32>
      %add3A_549 = arith.addf %add3A_533, %gather3A_545 : vector<16xf32>
      %reshape3A_550 = vector.shape_cast %xor3A_174 : vector<16xi32> to vector<16x1xi32>
      %gather3A_551 = vector.shape_cast %reshape3A_550 : vector<16x1xi32> to vector<16xi32>
      %gather3A_552 = tpu.dynamic_gather %add3A_546[%gather3A_551] in [0] : vector<16xf32>, vector<16xi32> -> vector<16xf32>
      %reshape3A_553 = vector.shape_cast %xor3A_174 : vector<16xi32> to vector<16x1xi32>
      %gather3A_554 = vector.shape_cast %reshape3A_553 : vector<16x1xi32> to vector<16xi32>
      %gather3A_555 = tpu.dynamic_gather %add3A_547[%gather3A_554] in [0] : vector<16xf32>, vector<16xi32> -> vector<16xf32>
      %reshape3A_556 = vector.shape_cast %xor3A_174 : vector<16xi32> to vector<16x1xi32>
      %gather3A_557 = vector.shape_cast %reshape3A_556 : vector<16x1xi32> to vector<16xi32>
      %gather3A_558 = tpu.dynamic_gather %add3A_548[%gather3A_557] in [0] : vector<16xf32>, vector<16xi32> -> vector<16xf32>
      %reshape3A_559 = vector.shape_cast %xor3A_174 : vector<16xi32> to vector<16x1xi32>
      %gather3A_560 = vector.shape_cast %reshape3A_559 : vector<16x1xi32> to vector<16xi32>
      %gather3A_561 = tpu.dynamic_gather %add3A_549[%gather3A_560] in [0] : vector<16xf32>, vector<16xi32> -> vector<16xf32>
      %add3A_562 = arith.addf %add3A_546, %gather3A_552 : vector<16xf32>
      %add3A_563 = arith.addf %add3A_547, %gather3A_555 : vector<16xf32>
      %add3A_564 = arith.addf %add3A_548, %gather3A_558 : vector<16xf32>
      %add3A_565 = arith.addf %add3A_549, %gather3A_561 : vector<16xf32>
      %reshape3A_566 = vector.shape_cast %xor3A_177 : vector<16xi32> to vector<16x1xi32>
      %gather3A_567 = vector.shape_cast %reshape3A_566 : vector<16x1xi32> to vector<16xi32>
      %gather3A_568 = tpu.dynamic_gather %add3A_562[%gather3A_567] in [0] : vector<16xf32>, vector<16xi32> -> vector<16xf32>
      %reshape3A_569 = vector.shape_cast %xor3A_177 : vector<16xi32> to vector<16x1xi32>
      %gather3A_570 = vector.shape_cast %reshape3A_569 : vector<16x1xi32> to vector<16xi32>
      %gather3A_571 = tpu.dynamic_gather %add3A_563[%gather3A_570] in [0] : vector<16xf32>, vector<16xi32> -> vector<16xf32>
      %reshape3A_572 = vector.shape_cast %xor3A_177 : vector<16xi32> to vector<16x1xi32>
      %gather3A_573 = vector.shape_cast %reshape3A_572 : vector<16x1xi32> to vector<16xi32>
      %gather3A_574 = tpu.dynamic_gather %add3A_564[%gather3A_573] in [0] : vector<16xf32>, vector<16xi32> -> vector<16xf32>
      %reshape3A_575 = vector.shape_cast %xor3A_177 : vector<16xi32> to vector<16x1xi32>
      %gather3A_576 = vector.shape_cast %reshape3A_575 : vector<16x1xi32> to vector<16xi32>
      %gather3A_577 = tpu.dynamic_gather %add3A_565[%gather3A_576] in [0] : vector<16xf32>, vector<16xi32> -> vector<16xf32>
      %add3A_578 = arith.addf %add3A_562, %gather3A_568 : vector<16xf32>
      %add3A_579 = arith.addf %add3A_563, %gather3A_571 : vector<16xf32>
      %add3A_580 = arith.addf %add3A_564, %gather3A_574 : vector<16xf32>
      %add3A_581 = arith.addf %add3A_565, %gather3A_577 : vector<16xf32>
      %reshape3A_582 = vector.shape_cast %xor3A_180 : vector<16xi32> to vector<16x1xi32>
      %gather3A_583 = vector.shape_cast %reshape3A_582 : vector<16x1xi32> to vector<16xi32>
      %gather3A_584 = tpu.dynamic_gather %add3A_578[%gather3A_583] in [0] : vector<16xf32>, vector<16xi32> -> vector<16xf32>
      %reshape3A_585 = vector.shape_cast %xor3A_180 : vector<16xi32> to vector<16x1xi32>
      %gather3A_586 = vector.shape_cast %reshape3A_585 : vector<16x1xi32> to vector<16xi32>
      %gather3A_587 = tpu.dynamic_gather %add3A_579[%gather3A_586] in [0] : vector<16xf32>, vector<16xi32> -> vector<16xf32>
      %reshape3A_588 = vector.shape_cast %xor3A_180 : vector<16xi32> to vector<16x1xi32>
      %gather3A_589 = vector.shape_cast %reshape3A_588 : vector<16x1xi32> to vector<16xi32>
      %gather3A_590 = tpu.dynamic_gather %add3A_580[%gather3A_589] in [0] : vector<16xf32>, vector<16xi32> -> vector<16xf32>
      %reshape3A_591 = vector.shape_cast %xor3A_180 : vector<16xi32> to vector<16x1xi32>
      %gather3A_592 = vector.shape_cast %reshape3A_591 : vector<16x1xi32> to vector<16xi32>
      %gather3A_593 = tpu.dynamic_gather %add3A_581[%gather3A_592] in [0] : vector<16xf32>, vector<16xi32> -> vector<16xf32>
      %add3A_594 = arith.addf %add3A_578, %gather3A_584 : vector<16xf32>
      %add3A_595 = arith.addf %add3A_579, %gather3A_587 : vector<16xf32>
      %add3A_596 = arith.addf %add3A_580, %gather3A_590 : vector<16xf32>
      %add3A_597 = arith.addf %add3A_581, %gather3A_593 : vector<16xf32>
      %max3A = arith.constant 1.000000e-24 : f32
      %max3A_598 = vector.broadcast %max3A : f32 to vector<16xf32>
      %max3A_599 = arith.maximumf %add3A_594, %max3A_598 : vector<16xf32>
      %max3A_600 = arith.constant 1.000000e-24 : f32
      %max3A_601 = vector.broadcast %max3A_600 : f32 to vector<16xf32>
      %max3A_602 = arith.maximumf %add3A_595, %max3A_601 : vector<16xf32>
      %max3A_603 = arith.constant 1.000000e-24 : f32
      %max3A_604 = vector.broadcast %max3A_603 : f32 to vector<16xf32>
      %max3A_605 = arith.maximumf %add3A_596, %max3A_604 : vector<16xf32>
      %max3A_606 = arith.constant 1.000000e-24 : f32
      %max3A_607 = vector.broadcast %max3A_606 : f32 to vector<16xf32>
      %max3A_608 = arith.maximumf %add3A_597, %max3A_607 : vector<16xf32>
      %bitcast3A = vector.bitcast %max3A_599 : vector<16xf32> to vector<16xi32>
      %bitcast3A_609 = vector.bitcast %max3A_602 : vector<16xf32> to vector<16xi32>
      %bitcast3A_610 = vector.bitcast %max3A_605 : vector<16xf32> to vector<16xi32>
      %bitcast3A_611 = vector.bitcast %max3A_608 : vector<16xf32> to vector<16xi32>
      %shift_right_arithmetic3A_612 = arith.constant 1 : i32
      %shift_right_arithmetic3A_613 = vector.broadcast %shift_right_arithmetic3A_612 : i32 to vector<16xi32>
      %shift_right_arithmetic3A_614 = arith.shrsi %bitcast3A, %shift_right_arithmetic3A_613 : vector<16xi32>
      %sub3A = arith.constant 1597463007 : i32
      %sub3A_615 = vector.broadcast %sub3A : i32 to vector<16xi32>
      %sub3A_616 = arith.subi %sub3A_615, %shift_right_arithmetic3A_614 : vector<16xi32>
      %bitcast3A_617 = vector.bitcast %sub3A_616 : vector<16xi32> to vector<16xf32>
      %shift_right_arithmetic3A_618 = arith.constant 1 : i32
      %shift_right_arithmetic3A_619 = vector.broadcast %shift_right_arithmetic3A_618 : i32 to vector<16xi32>
      %shift_right_arithmetic3A_620 = arith.shrsi %bitcast3A_609, %shift_right_arithmetic3A_619 : vector<16xi32>
      %sub3A_621 = arith.constant 1597463007 : i32
      %sub3A_622 = vector.broadcast %sub3A_621 : i32 to vector<16xi32>
      %sub3A_623 = arith.subi %sub3A_622, %shift_right_arithmetic3A_620 : vector<16xi32>
      %bitcast3A_624 = vector.bitcast %sub3A_623 : vector<16xi32> to vector<16xf32>
      %shift_right_arithmetic3A_625 = arith.constant 1 : i32
      %shift_right_arithmetic3A_626 = vector.broadcast %shift_right_arithmetic3A_625 : i32 to vector<16xi32>
      %shift_right_arithmetic3A_627 = arith.shrsi %bitcast3A_610, %shift_right_arithmetic3A_626 : vector<16xi32>
      %sub3A_628 = arith.constant 1597463007 : i32
      %sub3A_629 = vector.broadcast %sub3A_628 : i32 to vector<16xi32>
      %sub3A_630 = arith.subi %sub3A_629, %shift_right_arithmetic3A_627 : vector<16xi32>
      %bitcast3A_631 = vector.bitcast %sub3A_630 : vector<16xi32> to vector<16xf32>
      %shift_right_arithmetic3A_632 = arith.constant 1 : i32
      %shift_right_arithmetic3A_633 = vector.broadcast %shift_right_arithmetic3A_632 : i32 to vector<16xi32>
      %shift_right_arithmetic3A_634 = arith.shrsi %bitcast3A_611, %shift_right_arithmetic3A_633 : vector<16xi32>
      %sub3A_635 = arith.constant 1597463007 : i32
      %sub3A_636 = vector.broadcast %sub3A_635 : i32 to vector<16xi32>
      %sub3A_637 = arith.subi %sub3A_636, %shift_right_arithmetic3A_634 : vector<16xi32>
      %bitcast3A_638 = vector.bitcast %sub3A_637 : vector<16xi32> to vector<16xf32>
      %mul3A_639 = arith.constant 5.000000e-01 : f32
      %mul3A_640 = vector.broadcast %mul3A_639 : f32 to vector<16xf32>
      %mul3A_641 = arith.mulf %mul3A_640, %max3A_599 : vector<16xf32>
      %mul3A_642 = arith.constant 5.000000e-01 : f32
      %mul3A_643 = vector.broadcast %mul3A_642 : f32 to vector<16xf32>
      %mul3A_644 = arith.mulf %mul3A_643, %max3A_602 : vector<16xf32>
      %mul3A_645 = arith.constant 5.000000e-01 : f32
      %mul3A_646 = vector.broadcast %mul3A_645 : f32 to vector<16xf32>
      %mul3A_647 = arith.mulf %mul3A_646, %max3A_605 : vector<16xf32>
      %mul3A_648 = arith.constant 5.000000e-01 : f32
      %mul3A_649 = vector.broadcast %mul3A_648 : f32 to vector<16xf32>
      %mul3A_650 = arith.mulf %mul3A_649, %max3A_608 : vector<16xf32>
      %mul3A_651 = arith.mulf %bitcast3A_617, %bitcast3A_617 : vector<16xf32>
      %mul3A_652 = arith.mulf %bitcast3A_624, %bitcast3A_624 : vector<16xf32>
      %mul3A_653 = arith.mulf %bitcast3A_631, %bitcast3A_631 : vector<16xf32>
      %mul3A_654 = arith.mulf %bitcast3A_638, %bitcast3A_638 : vector<16xf32>
      %mul3A_655 = arith.mulf %mul3A_641, %mul3A_651 : vector<16xf32>
      %mul3A_656 = arith.mulf %mul3A_644, %mul3A_652 : vector<16xf32>
      %mul3A_657 = arith.mulf %mul3A_647, %mul3A_653 : vector<16xf32>
      %mul3A_658 = arith.mulf %mul3A_650, %mul3A_654 : vector<16xf32>
      %sub3A_659 = arith.constant 1.500000e+00 : f32
      %sub3A_660 = vector.broadcast %sub3A_659 : f32 to vector<16xf32>
      %sub3A_661 = arith.subf %sub3A_660, %mul3A_655 : vector<16xf32>
      %sub3A_662 = arith.constant 1.500000e+00 : f32
      %sub3A_663 = vector.broadcast %sub3A_662 : f32 to vector<16xf32>
      %sub3A_664 = arith.subf %sub3A_663, %mul3A_656 : vector<16xf32>
      %sub3A_665 = arith.constant 1.500000e+00 : f32
      %sub3A_666 = vector.broadcast %sub3A_665 : f32 to vector<16xf32>
      %sub3A_667 = arith.subf %sub3A_666, %mul3A_657 : vector<16xf32>
      %sub3A_668 = arith.constant 1.500000e+00 : f32
      %sub3A_669 = vector.broadcast %sub3A_668 : f32 to vector<16xf32>
      %sub3A_670 = arith.subf %sub3A_669, %mul3A_658 : vector<16xf32>
      %mul3A_671 = arith.mulf %bitcast3A_617, %sub3A_661 : vector<16xf32>
      %mul3A_672 = arith.mulf %bitcast3A_624, %sub3A_664 : vector<16xf32>
      %mul3A_673 = arith.mulf %bitcast3A_631, %sub3A_667 : vector<16xf32>
      %mul3A_674 = arith.mulf %bitcast3A_638, %sub3A_670 : vector<16xf32>
      %mul3A_675 = arith.mulf %mul3A_671, %mul3A_671 : vector<16xf32>
      %mul3A_676 = arith.mulf %mul3A_672, %mul3A_672 : vector<16xf32>
      %mul3A_677 = arith.mulf %mul3A_673, %mul3A_673 : vector<16xf32>
      %mul3A_678 = arith.mulf %mul3A_674, %mul3A_674 : vector<16xf32>
      %mul3A_679 = arith.mulf %mul3A_641, %mul3A_675 : vector<16xf32>
      %mul3A_680 = arith.mulf %mul3A_644, %mul3A_676 : vector<16xf32>
      %mul3A_681 = arith.mulf %mul3A_647, %mul3A_677 : vector<16xf32>
      %mul3A_682 = arith.mulf %mul3A_650, %mul3A_678 : vector<16xf32>
      %sub3A_683 = arith.constant 1.500000e+00 : f32
      %sub3A_684 = vector.broadcast %sub3A_683 : f32 to vector<16xf32>
      %sub3A_685 = arith.subf %sub3A_684, %mul3A_679 : vector<16xf32>
      %sub3A_686 = arith.constant 1.500000e+00 : f32
      %sub3A_687 = vector.broadcast %sub3A_686 : f32 to vector<16xf32>
      %sub3A_688 = arith.subf %sub3A_687, %mul3A_680 : vector<16xf32>
      %sub3A_689 = arith.constant 1.500000e+00 : f32
      %sub3A_690 = vector.broadcast %sub3A_689 : f32 to vector<16xf32>
      %sub3A_691 = arith.subf %sub3A_690, %mul3A_681 : vector<16xf32>
      %sub3A_692 = arith.constant 1.500000e+00 : f32
      %sub3A_693 = vector.broadcast %sub3A_692 : f32 to vector<16xf32>
      %sub3A_694 = arith.subf %sub3A_693, %mul3A_682 : vector<16xf32>
      %mul3A_695 = arith.mulf %mul3A_671, %sub3A_685 : vector<16xf32>
      %mul3A_696 = arith.mulf %mul3A_672, %sub3A_688 : vector<16xf32>
      %mul3A_697 = arith.mulf %mul3A_673, %sub3A_691 : vector<16xf32>
      %mul3A_698 = arith.mulf %mul3A_674, %sub3A_694 : vector<16xf32>
      %mul3A_699 = arith.mulf %get3A_460, %mul3A_695 : vector<16xf32>
      %swap3A = arith.index_cast %scan3A_457 : i32 to index
      %swap3A_700 = arith.constant 0 : index
      %swap3A_701 = tpu.vector_load %arg13[%swap3A, %swap3A_700] {strides = array<i32>} : memref<16x384xf32, #tpu.memory_space<vmem>>, vector<16xf32>,
      tpu.vector_store %arg13[%swap3A, %swap3A_700], %mul3A_699 {strides = array<i32>} : memref<16x384xf32, #tpu.memory_space<vmem>>, vector<16xf32>,
      %mul3A_702 = arith.mulf %get3A_463, %mul3A_695 : vector<16xf32>
      %swap3A_703 = arith.index_cast %scan3A_457 : i32 to index
      %swap3A_704 = arith.constant 16 : index
      %swap3A_705 = tpu.vector_load %arg13[%swap3A_703, %swap3A_704] {strides = array<i32>} : memref<16x384xf32, #tpu.memory_space<vmem>>, vector<16xf32>,
      tpu.vector_store %arg13[%swap3A_703, %swap3A_704], %mul3A_702 {strides = array<i32>} : memref<16x384xf32, #tpu.memory_space<vmem>>, vector<16xf32>,
      %mul3A_706 = arith.mulf %get3A_466, %mul3A_695 : vector<16xf32>
      %swap3A_707 = arith.index_cast %scan3A_457 : i32 to index
      %swap3A_708 = arith.constant 32 : index
      %swap3A_709 = tpu.vector_load %arg13[%swap3A_707, %swap3A_708] {strides = array<i32>} : memref<16x384xf32, #tpu.memory_space<vmem>>, vector<16xf32>,
      tpu.vector_store %arg13[%swap3A_707, %swap3A_708], %mul3A_706 {strides = array<i32>} : memref<16x384xf32, #tpu.memory_space<vmem>>, vector<16xf32>,
      %mul3A_710 = arith.mulf %get3A_469, %mul3A_695 : vector<16xf32>
      %swap3A_711 = arith.index_cast %scan3A_457 : i32 to index
      %swap3A_712 = arith.constant 48 : index
      %swap3A_713 = tpu.vector_load %arg13[%swap3A_711, %swap3A_712] {strides = array<i32>} : memref<16x384xf32, #tpu.memory_space<vmem>>, vector<16xf32>,
      tpu.vector_store %arg13[%swap3A_711, %swap3A_712], %mul3A_710 {strides = array<i32>} : memref<16x384xf32, #tpu.memory_space<vmem>>, vector<16xf32>,
      %mul3A_714 = arith.mulf %get3A_472, %mul3A_696 : vector<16xf32>
      %swap3A_715 = arith.index_cast %scan3A_457 : i32 to index
      %swap3A_716 = arith.constant 64 : index
      %swap3A_717 = tpu.vector_load %arg13[%swap3A_715, %swap3A_716] {strides = array<i32>} : memref<16x384xf32, #tpu.memory_space<vmem>>, vector<16xf32>,
      tpu.vector_store %arg13[%swap3A_715, %swap3A_716], %mul3A_714 {strides = array<i32>} : memref<16x384xf32, #tpu.memory_space<vmem>>, vector<16xf32>,
      %mul3A_718 = arith.mulf %get3A_475, %mul3A_696 : vector<16xf32>
      %swap3A_719 = arith.index_cast %scan3A_457 : i32 to index
      %swap3A_720 = arith.constant 80 : index
      %swap3A_721 = tpu.vector_load %arg13[%swap3A_719, %swap3A_720] {strides = array<i32>} : memref<16x384xf32, #tpu.memory_space<vmem>>, vector<16xf32>,
      tpu.vector_store %arg13[%swap3A_719, %swap3A_720], %mul3A_718 {strides = array<i32>} : memref<16x384xf32, #tpu.memory_space<vmem>>, vector<16xf32>,
      %mul3A_722 = arith.mulf %get3A_478, %mul3A_696 : vector<16xf32>
      %swap3A_723 = arith.index_cast %scan3A_457 : i32 to index
      %swap3A_724 = arith.constant 96 : index
      %swap3A_725 = tpu.vector_load %arg13[%swap3A_723, %swap3A_724] {strides = array<i32>} : memref<16x384xf32, #tpu.memory_space<vmem>>, vector<16xf32>,
      tpu.vector_store %arg13[%swap3A_723, %swap3A_724], %mul3A_722 {strides = array<i32>} : memref<16x384xf32, #tpu.memory_space<vmem>>, vector<16xf32>,
      %mul3A_726 = arith.mulf %get3A_481, %mul3A_696 : vector<16xf32>
      %swap3A_727 = arith.index_cast %scan3A_457 : i32 to index
      %swap3A_728 = arith.constant 112 : index
      %swap3A_729 = tpu.vector_load %arg13[%swap3A_727, %swap3A_728] {strides = array<i32>} : memref<16x384xf32, #tpu.memory_space<vmem>>, vector<16xf32>,
      tpu.vector_store %arg13[%swap3A_727, %swap3A_728], %mul3A_726 {strides = array<i32>} : memref<16x384xf32, #tpu.memory_space<vmem>>, vector<16xf32>,
      %mul3A_730 = arith.mulf %get3A_484, %mul3A_697 : vector<16xf32>
      %swap3A_731 = arith.index_cast %scan3A_457 : i32 to index
      %swap3A_732 = arith.constant 128 : index
      %swap3A_733 = tpu.vector_load %arg13[%swap3A_731, %swap3A_732] {strides = array<i32>} : memref<16x384xf32, #tpu.memory_space<vmem>>, vector<16xf32>,
      tpu.vector_store %arg13[%swap3A_731, %swap3A_732], %mul3A_730 {strides = array<i32>} : memref<16x384xf32, #tpu.memory_space<vmem>>, vector<16xf32>,
      %swap3A_734 = arith.index_cast %scan3A_457 : i32 to index
      %swap3A_735 = arith.constant 256 : index
      %swap3A_736 = tpu.vector_load %arg13[%swap3A_734, %swap3A_735] {strides = array<i32>} : memref<16x384xf32, #tpu.memory_space<vmem>>, vector<16xf32>,
      tpu.vector_store %arg13[%swap3A_734, %swap3A_735], %mul3A_730 {strides = array<i32>} : memref<16x384xf32, #tpu.memory_space<vmem>>, vector<16xf32>,
      %mul3A_737 = arith.mulf %get3A_487, %mul3A_697 : vector<16xf32>
      %swap3A_738 = arith.index_cast %scan3A_457 : i32 to index
      %swap3A_739 = arith.constant 144 : index
      %swap3A_740 = tpu.vector_load %arg13[%swap3A_738, %swap3A_739] {strides = array<i32>} : memref<16x384xf32, #tpu.memory_space<vmem>>, vector<16xf32>,
      tpu.vector_store %arg13[%swap3A_738, %swap3A_739], %mul3A_737 {strides = array<i32>} : memref<16x384xf32, #tpu.memory_space<vmem>>, vector<16xf32>,
      %swap3A_741 = arith.index_cast %scan3A_457 : i32 to index
      %swap3A_742 = arith.constant 272 : index
      %swap3A_743 = tpu.vector_load %arg13[%swap3A_741, %swap3A_742] {strides = array<i32>} : memref<16x384xf32, #tpu.memory_space<vmem>>, vector<16xf32>,
      tpu.vector_store %arg13[%swap3A_741, %swap3A_742], %mul3A_737 {strides = array<i32>} : memref<16x384xf32, #tpu.memory_space<vmem>>, vector<16xf32>,
      %mul3A_744 = arith.mulf %get3A_490, %mul3A_697 : vector<16xf32>
      %swap3A_745 = arith.index_cast %scan3A_457 : i32 to index
      %swap3A_746 = arith.constant 160 : index
      %swap3A_747 = tpu.vector_load %arg13[%swap3A_745, %swap3A_746] {strides = array<i32>} : memref<16x384xf32, #tpu.memory_space<vmem>>, vector<16xf32>,
      tpu.vector_store %arg13[%swap3A_745, %swap3A_746], %mul3A_744 {strides = array<i32>} : memref<16x384xf32, #tpu.memory_space<vmem>>, vector<16xf32>,
      %swap3A_748 = arith.index_cast %scan3A_457 : i32 to index
      %swap3A_749 = arith.constant 288 : index
      %swap3A_750 = tpu.vector_load %arg13[%swap3A_748, %swap3A_749] {strides = array<i32>} : memref<16x384xf32, #tpu.memory_space<vmem>>, vector<16xf32>,
      tpu.vector_store %arg13[%swap3A_748, %swap3A_749], %mul3A_744 {strides = array<i32>} : memref<16x384xf32, #tpu.memory_space<vmem>>, vector<16xf32>,
      %mul3A_751 = arith.mulf %get3A_493, %mul3A_697 : vector<16xf32>
      %swap3A_752 = arith.index_cast %scan3A_457 : i32 to index
      %swap3A_753 = arith.constant 176 : index
      %swap3A_754 = tpu.vector_load %arg13[%swap3A_752, %swap3A_753] {strides = array<i32>} : memref<16x384xf32, #tpu.memory_space<vmem>>, vector<16xf32>,
      tpu.vector_store %arg13[%swap3A_752, %swap3A_753], %mul3A_751 {strides = array<i32>} : memref<16x384xf32, #tpu.memory_space<vmem>>, vector<16xf32>,
      %swap3A_755 = arith.index_cast %scan3A_457 : i32 to index
      %swap3A_756 = arith.constant 304 : index
      %swap3A_757 = tpu.vector_load %arg13[%swap3A_755, %swap3A_756] {strides = array<i32>} : memref<16x384xf32, #tpu.memory_space<vmem>>, vector<16xf32>,
      tpu.vector_store %arg13[%swap3A_755, %swap3A_756], %mul3A_751 {strides = array<i32>} : memref<16x384xf32, #tpu.memory_space<vmem>>, vector<16xf32>,
      %mul3A_758 = arith.mulf %get3A_496, %mul3A_698 : vector<16xf32>
      %swap3A_759 = arith.index_cast %scan3A_457 : i32 to index
      %swap3A_760 = arith.constant 192 : index
      %swap3A_761 = tpu.vector_load %arg13[%swap3A_759, %swap3A_760] {strides = array<i32>} : memref<16x384xf32, #tpu.memory_space<vmem>>, vector<16xf32>,
      tpu.vector_store %arg13[%swap3A_759, %swap3A_760], %mul3A_758 {strides = array<i32>} : memref<16x384xf32, #tpu.memory_space<vmem>>, vector<16xf32>,
      %swap3A_762 = arith.index_cast %scan3A_457 : i32 to index
      %swap3A_763 = arith.constant 320 : index
      %swap3A_764 = tpu.vector_load %arg13[%swap3A_762, %swap3A_763] {strides = array<i32>} : memref<16x384xf32, #tpu.memory_space<vmem>>, vector<16xf32>,
      tpu.vector_store %arg13[%swap3A_762, %swap3A_763], %mul3A_758 {strides = array<i32>} : memref<16x384xf32, #tpu.memory_space<vmem>>, vector<16xf32>,
      %mul3A_765 = arith.mulf %get3A_499, %mul3A_698 : vector<16xf32>
      %swap3A_766 = arith.index_cast %scan3A_457 : i32 to index
      %swap3A_767 = arith.constant 208 : index
      %swap3A_768 = tpu.vector_load %arg13[%swap3A_766, %swap3A_767] {strides = array<i32>} : memref<16x384xf32, #tpu.memory_space<vmem>>, vector<16xf32>,
      tpu.vector_store %arg13[%swap3A_766, %swap3A_767], %mul3A_765 {strides = array<i32>} : memref<16x384xf32, #tpu.memory_space<vmem>>, vector<16xf32>,
      %swap3A_769 = arith.index_cast %scan3A_457 : i32 to index
      %swap3A_770 = arith.constant 336 : index
      %swap3A_771 = tpu.vector_load %arg13[%swap3A_769, %swap3A_770] {strides = array<i32>} : memref<16x384xf32, #tpu.memory_space<vmem>>, vector<16xf32>,
      tpu.vector_store %arg13[%swap3A_769, %swap3A_770], %mul3A_765 {strides = array<i32>} : memref<16x384xf32, #tpu.memory_space<vmem>>, vector<16xf32>,
      %mul3A_772 = arith.mulf %get3A_502, %mul3A_698 : vector<16xf32>
      %swap3A_773 = arith.index_cast %scan3A_457 : i32 to index
      %swap3A_774 = arith.constant 224 : index
      %swap3A_775 = tpu.vector_load %arg13[%swap3A_773, %swap3A_774] {strides = array<i32>} : memref<16x384xf32, #tpu.memory_space<vmem>>, vector<16xf32>,
      tpu.vector_store %arg13[%swap3A_773, %swap3A_774], %mul3A_772 {strides = array<i32>} : memref<16x384xf32, #tpu.memory_space<vmem>>, vector<16xf32>,
      %swap3A_776 = arith.index_cast %scan3A_457 : i32 to index
      %swap3A_777 = arith.constant 352 : index
      %swap3A_778 = tpu.vector_load %arg13[%swap3A_776, %swap3A_777] {strides = array<i32>} : memref<16x384xf32, #tpu.memory_space<vmem>>, vector<16xf32>,
      tpu.vector_store %arg13[%swap3A_776, %swap3A_777], %mul3A_772 {strides = array<i32>} : memref<16x384xf32, #tpu.memory_space<vmem>>, vector<16xf32>,
      %mul3A_779 = arith.mulf %get3A_505, %mul3A_698 : vector<16xf32>
      %swap3A_780 = arith.index_cast %scan3A_457 : i32 to index
      %swap3A_781 = arith.constant 240 : index
      %swap3A_782 = tpu.vector_load %arg13[%swap3A_780, %swap3A_781] {strides = array<i32>} : memref<16x384xf32, #tpu.memory_space<vmem>>, vector<16xf32>,
      tpu.vector_store %arg13[%swap3A_780, %swap3A_781], %mul3A_779 {strides = array<i32>} : memref<16x384xf32, #tpu.memory_space<vmem>>, vector<16xf32>,
      %swap3A_783 = arith.index_cast %scan3A_457 : i32 to index
      %swap3A_784 = arith.constant 368 : index
      %swap3A_785 = tpu.vector_load %arg13[%swap3A_783, %swap3A_784] {strides = array<i32>} : memref<16x384xf32, #tpu.memory_space<vmem>>, vector<16xf32>,
      tpu.vector_store %arg13[%swap3A_783, %swap3A_784], %mul3A_779 {strides = array<i32>} : memref<16x384xf32, #tpu.memory_space<vmem>>, vector<16xf32>,
    }
    %scan3A_383 = arith.constant 16 : i32
    "tpu.trace_stop"() : () -> ()
    %add3A_384 = arith.constant 32 : i32
    %add3A_385 = arith.addi %add3A_364, %add3A_384 : i32
    %dma_start3A_386 = arith.constant 0 : i32
    %dma_start3A_387 = tpu.memref_slice %arg2[%add3A_385, %dma_start3A_386] : memref<4096x128xf32, #tpu.memory_space<hbm>> -> memref<16x128xf32, #tpu.memory_space<hbm>>
    %dma_start3A_388 = arith.constant 0 : i32
    %dma_start3A_389 = tpu.memref_slice %arg2[%add3A_385, %dma_start3A_388] : memref<4096x128xf32, #tpu.memory_space<hbm>> -> memref<16x128xf32, #tpu.memory_space<hbm>>
    tpu.enqueue_dma source(%dma_start3A_389 : memref<16x128xf32, #tpu.memory_space<hbm>>) target(%arg9 : memref<16x128xf32, #tpu.memory_space<vmem>>) target_semaphore(%arg15 : memref<!tpu.dma_semaphore, #tpu.memory_space<semaphore_mem>>)
    %dma_start3A_390 = arith.constant 112 : i32
    %dma_start3A_391 = tpu.memref_slice %arg7[%dma_start3A_390] : memref<128xi32, #tpu.memory_space<vmem>> -> memref<16xi32, #tpu.memory_space<vmem>>
    %dma_start3A_392 = arith.constant 0 : i32
    %dma_start3A_393 = arith.constant 0 : i32
    %dma_start3A_394 = tpu.memref_slice %arg2[%dma_start3A_392, %dma_start3A_393] : memref<4096x128xf32, #tpu.memory_space<hbm>> -> memref<4096x128xf32, #tpu.memory_space<hbm>>
    tpu.enqueue_indirect_dma source(%dma_start3A_394 : memref<4096x128xf32, #tpu.memory_space<hbm>>) target(%arg11 : memref<16x128xf32, #tpu.memory_space<vmem>>) offsets(%dma_start3A_391 : memref<16xi32, #tpu.memory_space<vmem>>) semaphore(%arg17 : memref<!tpu.dma_semaphore, #tpu.memory_space<semaphore_mem>>)
    %dma_start3A_395 = arith.constant 0 : i32
    %dma_start3A_396 = tpu.memref_slice %arg4[%add3A_364, %dma_start3A_395] : memref<4096x384xf32, #tpu.memory_space<hbm>> -> memref<16x384xf32, #tpu.memory_space<hbm>>
    %dma_start3A_397 = arith.constant 0 : i32
    %dma_start3A_398 = tpu.memref_slice %arg4[%add3A_364, %dma_start3A_397] : memref<4096x384xf32, #tpu.memory_space<hbm>> -> memref<16x384xf32, #tpu.memory_space<hbm>>
    tpu.enqueue_dma source(%arg13 : memref<16x384xf32, #tpu.memory_space<vmem>>) target(%dma_start3A_398 : memref<16x384xf32, #tpu.memory_space<hbm>>) target_semaphore(%arg19 : memref<!tpu.dma_semaphore, #tpu.memory_space<semaphore_mem>>)
    %add3A_399 = arith.constant 96 : i32
    %add3A_400 = arith.addi %mul3A_2, %add3A_399 : i32
    "tpu.trace_start"() <{level = 10 : i32, message = "p_wait_in"}> : () -> ()
    %dma_wait3A_401 = arith.constant 0 : i32
    %dma_wait3A_402 = tpu.memref_slice %arg2[%add3A_349, %dma_wait3A_401] : memref<4096x128xf32, #tpu.memory_space<hbm>> -> memref<16x128xf32, #tpu.memory_space<hbm>>
    %dma_wait3A_403 = arith.constant 0 : i32
    %dma_wait3A_404 = tpu.memref_slice %arg2[%add3A_349, %dma_wait3A_403] : memref<4096x128xf32, #tpu.memory_space<hbm>> -> memref<16x128xf32, #tpu.memory_space<hbm>>
    tpu.wait_dma2 semaphore(%arg14 : memref<!tpu.dma_semaphore, #tpu.memory_space<semaphore_mem>>) src(%dma_wait3A_404 : memref<16x128xf32, #tpu.memory_space<hbm>>) dst(%arg8 : memref<16x128xf32, #tpu.memory_space<vmem>>)
    %dma_wait3A_405 = arith.constant 96 : i32
    %dma_wait3A_406 = tpu.memref_slice %arg7[%dma_wait3A_405] : memref<128xi32, #tpu.memory_space<vmem>> -> memref<16xi32, #tpu.memory_space<vmem>>
    %dma_wait3A_407 = arith.constant 0 : i32
    %dma_wait3A_408 = arith.constant 0 : i32
    %dma_wait3A_409 = tpu.memref_slice %arg2[%dma_wait3A_407, %dma_wait3A_408] : memref<4096x128xf32, #tpu.memory_space<hbm>> -> memref<4096x128xf32, #tpu.memory_space<hbm>>
    tpu.wait_indirect_dma semaphore(%arg16 : memref<!tpu.dma_semaphore, #tpu.memory_space<semaphore_mem>>) src(%dma_wait3A_409 : memref<4096x128xf32, #tpu.memory_space<hbm>>) dst(%arg10 : memref<16x128xf32, #tpu.memory_space<vmem>>)
    "tpu.trace_stop"() : () -> ()
    %dma_wait3A_410 = arith.constant 0 : i32
    %dma_wait3A_411 = tpu.memref_slice %arg4[%add3A_328, %dma_wait3A_410] : memref<4096x384xf32, #tpu.memory_space<hbm>> -> memref<16x384xf32, #tpu.memory_space<hbm>>
    %dma_wait3A_412 = arith.constant 0 : i32
    %dma_wait3A_413 = tpu.memref_slice %arg4[%add3A_328, %dma_wait3A_412] : memref<4096x384xf32, #tpu.memory_space<hbm>> -> memref<16x384xf32, #tpu.memory_space<hbm>>
    tpu.wait_dma2 semaphore(%arg18 : memref<!tpu.dma_semaphore, #tpu.memory_space<semaphore_mem>>) src(%arg12 : memref<16x384xf32, #tpu.memory_space<vmem>>) dst(%dma_wait3A_413 : memref<16x384xf32, #tpu.memory_space<hbm>>)
    "tpu.trace_start"() <{level = 10 : i32, message = "p_norm"}> : () -> ()
    %scan3A_414 = arith.constant 0 : i32
    %scan3A_415 = arith.constant 0 : i32
    %scan3A_416 = arith.constant 16 : i32
    %scan3A_417 = arith.addi %scan3A_415, %scan3A_416 : i32
    %scan3A_418 = arith.constant 1 : i32
    scf.for %scan3A_457 = %scan3A_415 to %scan3A_417 step %scan3A_418  : i32 {
      %get3A_458 = arith.index_cast %scan3A_457 : i32 to index
      %get3A_459 = arith.constant 0 : index
      %get3A_460 = tpu.vector_load %arg8[%get3A_458, %get3A_459] {strides = array<i32>} : memref<16x128xf32, #tpu.memory_space<vmem>>, vector<16xf32>,
      %get3A_461 = arith.index_cast %scan3A_457 : i32 to index
      %get3A_462 = arith.constant 16 : index
      %get3A_463 = tpu.vector_load %arg8[%get3A_461, %get3A_462] {strides = array<i32>} : memref<16x128xf32, #tpu.memory_space<vmem>>, vector<16xf32>,
      %get3A_464 = arith.index_cast %scan3A_457 : i32 to index
      %get3A_465 = arith.constant 32 : index
      %get3A_466 = tpu.vector_load %arg8[%get3A_464, %get3A_465] {strides = array<i32>} : memref<16x128xf32, #tpu.memory_space<vmem>>, vector<16xf32>,
      %get3A_467 = arith.index_cast %scan3A_457 : i32 to index
      %get3A_468 = arith.constant 48 : index
      %get3A_469 = tpu.vector_load %arg8[%get3A_467, %get3A_468] {strides = array<i32>} : memref<16x128xf32, #tpu.memory_space<vmem>>, vector<16xf32>,
      %get3A_470 = arith.index_cast %scan3A_457 : i32 to index
      %get3A_471 = arith.constant 64 : index
      %get3A_472 = tpu.vector_load %arg8[%get3A_470, %get3A_471] {strides = array<i32>} : memref<16x128xf32, #tpu.memory_space<vmem>>, vector<16xf32>,
      %get3A_473 = arith.index_cast %scan3A_457 : i32 to index
      %get3A_474 = arith.constant 80 : index
      %get3A_475 = tpu.vector_load %arg8[%get3A_473, %get3A_474] {strides = array<i32>} : memref<16x128xf32, #tpu.memory_space<vmem>>, vector<16xf32>,
      %get3A_476 = arith.index_cast %scan3A_457 : i32 to index
      %get3A_477 = arith.constant 96 : index
      %get3A_478 = tpu.vector_load %arg8[%get3A_476, %get3A_477] {strides = array<i32>} : memref<16x128xf32, #tpu.memory_space<vmem>>, vector<16xf32>,
      %get3A_479 = arith.index_cast %scan3A_457 : i32 to index
      %get3A_480 = arith.constant 112 : index
      %get3A_481 = tpu.vector_load %arg8[%get3A_479, %get3A_480] {strides = array<i32>} : memref<16x128xf32, #tpu.memory_space<vmem>>, vector<16xf32>,
      %get3A_482 = arith.index_cast %scan3A_457 : i32 to index
      %get3A_483 = arith.constant 0 : index
      %get3A_484 = tpu.vector_load %arg10[%get3A_482, %get3A_483] {strides = array<i32>} : memref<16x128xf32, #tpu.memory_space<vmem>>, vector<16xf32>,
      %get3A_485 = arith.index_cast %scan3A_457 : i32 to index
      %get3A_486 = arith.constant 16 : index
      %get3A_487 = tpu.vector_load %arg10[%get3A_485, %get3A_486] {strides = array<i32>} : memref<16x128xf32, #tpu.memory_space<vmem>>, vector<16xf32>,
      %get3A_488 = arith.index_cast %scan3A_457 : i32 to index
      %get3A_489 = arith.constant 32 : index
      %get3A_490 = tpu.vector_load %arg10[%get3A_488, %get3A_489] {strides = array<i32>} : memref<16x128xf32, #tpu.memory_space<vmem>>, vector<16xf32>,
      %get3A_491 = arith.index_cast %scan3A_457 : i32 to index
      %get3A_492 = arith.constant 48 : index
      %get3A_493 = tpu.vector_load %arg10[%get3A_491, %get3A_492] {strides = array<i32>} : memref<16x128xf32, #tpu.memory_space<vmem>>, vector<16xf32>,
      %get3A_494 = arith.index_cast %scan3A_457 : i32 to index
      %get3A_495 = arith.constant 64 : index
      %get3A_496 = tpu.vector_load %arg10[%get3A_494, %get3A_495] {strides = array<i32>} : memref<16x128xf32, #tpu.memory_space<vmem>>, vector<16xf32>,
      %get3A_497 = arith.index_cast %scan3A_457 : i32 to index
      %get3A_498 = arith.constant 80 : index
      %get3A_499 = tpu.vector_load %arg10[%get3A_497, %get3A_498] {strides = array<i32>} : memref<16x128xf32, #tpu.memory_space<vmem>>, vector<16xf32>,
      %get3A_500 = arith.index_cast %scan3A_457 : i32 to index
      %get3A_501 = arith.constant 96 : index
      %get3A_502 = tpu.vector_load %arg10[%get3A_500, %get3A_501] {strides = array<i32>} : memref<16x128xf32, #tpu.memory_space<vmem>>, vector<16xf32>,
      %get3A_503 = arith.index_cast %scan3A_457 : i32 to index
      %get3A_504 = arith.constant 112 : index
      %get3A_505 = tpu.vector_load %arg10[%get3A_503, %get3A_504] {strides = array<i32>} : memref<16x128xf32, #tpu.memory_space<vmem>>, vector<16xf32>,
      %mul3A_506 = arith.mulf %get3A_460, %get3A_460 : vector<16xf32>
      %mul3A_507 = arith.mulf %get3A_472, %get3A_472 : vector<16xf32>
      %mul3A_508 = arith.mulf %get3A_484, %get3A_484 : vector<16xf32>
      %mul3A_509 = arith.mulf %get3A_496, %get3A_496 : vector<16xf32>
      %mul3A_510 = arith.mulf %get3A_463, %get3A_463 : vector<16xf32>
      %mul3A_511 = arith.mulf %get3A_475, %get3A_475 : vector<16xf32>
      %mul3A_512 = arith.mulf %get3A_487, %get3A_487 : vector<16xf32>
      %mul3A_513 = arith.mulf %get3A_499, %get3A_499 : vector<16xf32>
      %add3A_514 = arith.addf %mul3A_506, %mul3A_510 : vector<16xf32>
      %add3A_515 = arith.addf %mul3A_507, %mul3A_511 : vector<16xf32>
      %add3A_516 = arith.addf %mul3A_508, %mul3A_512 : vector<16xf32>
      %add3A_517 = arith.addf %mul3A_509, %mul3A_513 : vector<16xf32>
      %mul3A_518 = arith.mulf %get3A_466, %get3A_466 : vector<16xf32>
      %mul3A_519 = arith.mulf %get3A_478, %get3A_478 : vector<16xf32>
      %mul3A_520 = arith.mulf %get3A_490, %get3A_490 : vector<16xf32>
      %mul3A_521 = arith.mulf %get3A_502, %get3A_502 : vector<16xf32>
      %add3A_522 = arith.addf %add3A_514, %mul3A_518 : vector<16xf32>
      %add3A_523 = arith.addf %add3A_515, %mul3A_519 : vector<16xf32>
      %add3A_524 = arith.addf %add3A_516, %mul3A_520 : vector<16xf32>
      %add3A_525 = arith.addf %add3A_517, %mul3A_521 : vector<16xf32>
      %mul3A_526 = arith.mulf %get3A_469, %get3A_469 : vector<16xf32>
      %mul3A_527 = arith.mulf %get3A_481, %get3A_481 : vector<16xf32>
      %mul3A_528 = arith.mulf %get3A_493, %get3A_493 : vector<16xf32>
      %mul3A_529 = arith.mulf %get3A_505, %get3A_505 : vector<16xf32>
      %add3A_530 = arith.addf %add3A_522, %mul3A_526 : vector<16xf32>
      %add3A_531 = arith.addf %add3A_523, %mul3A_527 : vector<16xf32>
      %add3A_532 = arith.addf %add3A_524, %mul3A_528 : vector<16xf32>
      %add3A_533 = arith.addf %add3A_525, %mul3A_529 : vector<16xf32>
      %reshape3A_534 = vector.shape_cast %xor3A_171 : vector<16xi32> to vector<16x1xi32>
      %gather3A_535 = vector.shape_cast %reshape3A_534 : vector<16x1xi32> to vector<16xi32>
      %gather3A_536 = tpu.dynamic_gather %add3A_530[%gather3A_535] in [0] : vector<16xf32>, vector<16xi32> -> vector<16xf32>
      %reshape3A_537 = vector.shape_cast %xor3A_171 : vector<16xi32> to vector<16x1xi32>
      %gather3A_538 = vector.shape_cast %reshape3A_537 : vector<16x1xi32> to vector<16xi32>
      %gather3A_539 = tpu.dynamic_gather %add3A_531[%gather3A_538] in [0] : vector<16xf32>, vector<16xi32> -> vector<16xf32>
      %reshape3A_540 = vector.shape_cast %xor3A_171 : vector<16xi32> to vector<16x1xi32>
      %gather3A_541 = vector.shape_cast %reshape3A_540 : vector<16x1xi32> to vector<16xi32>
      %gather3A_542 = tpu.dynamic_gather %add3A_532[%gather3A_541] in [0] : vector<16xf32>, vector<16xi32> -> vector<16xf32>
      %reshape3A_543 = vector.shape_cast %xor3A_171 : vector<16xi32> to vector<16x1xi32>
      %gather3A_544 = vector.shape_cast %reshape3A_543 : vector<16x1xi32> to vector<16xi32>
      %gather3A_545 = tpu.dynamic_gather %add3A_533[%gather3A_544] in [0] : vector<16xf32>, vector<16xi32> -> vector<16xf32>
      %add3A_546 = arith.addf %add3A_530, %gather3A_536 : vector<16xf32>
      %add3A_547 = arith.addf %add3A_531, %gather3A_539 : vector<16xf32>
      %add3A_548 = arith.addf %add3A_532, %gather3A_542 : vector<16xf32>
      %add3A_549 = arith.addf %add3A_533, %gather3A_545 : vector<16xf32>
      %reshape3A_550 = vector.shape_cast %xor3A_174 : vector<16xi32> to vector<16x1xi32>
      %gather3A_551 = vector.shape_cast %reshape3A_550 : vector<16x1xi32> to vector<16xi32>
      %gather3A_552 = tpu.dynamic_gather %add3A_546[%gather3A_551] in [0] : vector<16xf32>, vector<16xi32> -> vector<16xf32>
      %reshape3A_553 = vector.shape_cast %xor3A_174 : vector<16xi32> to vector<16x1xi32>
      %gather3A_554 = vector.shape_cast %reshape3A_553 : vector<16x1xi32> to vector<16xi32>
      %gather3A_555 = tpu.dynamic_gather %add3A_547[%gather3A_554] in [0] : vector<16xf32>, vector<16xi32> -> vector<16xf32>
      %reshape3A_556 = vector.shape_cast %xor3A_174 : vector<16xi32> to vector<16x1xi32>
      %gather3A_557 = vector.shape_cast %reshape3A_556 : vector<16x1xi32> to vector<16xi32>
      %gather3A_558 = tpu.dynamic_gather %add3A_548[%gather3A_557] in [0] : vector<16xf32>, vector<16xi32> -> vector<16xf32>
      %reshape3A_559 = vector.shape_cast %xor3A_174 : vector<16xi32> to vector<16x1xi32>
      %gather3A_560 = vector.shape_cast %reshape3A_559 : vector<16x1xi32> to vector<16xi32>
      %gather3A_561 = tpu.dynamic_gather %add3A_549[%gather3A_560] in [0] : vector<16xf32>, vector<16xi32> -> vector<16xf32>
      %add3A_562 = arith.addf %add3A_546, %gather3A_552 : vector<16xf32>
      %add3A_563 = arith.addf %add3A_547, %gather3A_555 : vector<16xf32>
      %add3A_564 = arith.addf %add3A_548, %gather3A_558 : vector<16xf32>
      %add3A_565 = arith.addf %add3A_549, %gather3A_561 : vector<16xf32>
      %reshape3A_566 = vector.shape_cast %xor3A_177 : vector<16xi32> to vector<16x1xi32>
      %gather3A_567 = vector.shape_cast %reshape3A_566 : vector<16x1xi32> to vector<16xi32>
      %gather3A_568 = tpu.dynamic_gather %add3A_562[%gather3A_567] in [0] : vector<16xf32>, vector<16xi32> -> vector<16xf32>
      %reshape3A_569 = vector.shape_cast %xor3A_177 : vector<16xi32> to vector<16x1xi32>
      %gather3A_570 = vector.shape_cast %reshape3A_569 : vector<16x1xi32> to vector<16xi32>
      %gather3A_571 = tpu.dynamic_gather %add3A_563[%gather3A_570] in [0] : vector<16xf32>, vector<16xi32> -> vector<16xf32>
      %reshape3A_572 = vector.shape_cast %xor3A_177 : vector<16xi32> to vector<16x1xi32>
      %gather3A_573 = vector.shape_cast %reshape3A_572 : vector<16x1xi32> to vector<16xi32>
      %gather3A_574 = tpu.dynamic_gather %add3A_564[%gather3A_573] in [0] : vector<16xf32>, vector<16xi32> -> vector<16xf32>
      %reshape3A_575 = vector.shape_cast %xor3A_177 : vector<16xi32> to vector<16x1xi32>
      %gather3A_576 = vector.shape_cast %reshape3A_575 : vector<16x1xi32> to vector<16xi32>
      %gather3A_577 = tpu.dynamic_gather %add3A_565[%gather3A_576] in [0] : vector<16xf32>, vector<16xi32> -> vector<16xf32>
      %add3A_578 = arith.addf %add3A_562, %gather3A_568 : vector<16xf32>
      %add3A_579 = arith.addf %add3A_563, %gather3A_571 : vector<16xf32>
      %add3A_580 = arith.addf %add3A_564, %gather3A_574 : vector<16xf32>
      %add3A_581 = arith.addf %add3A_565, %gather3A_577 : vector<16xf32>
      %reshape3A_582 = vector.shape_cast %xor3A_180 : vector<16xi32> to vector<16x1xi32>
      %gather3A_583 = vector.shape_cast %reshape3A_582 : vector<16x1xi32> to vector<16xi32>
      %gather3A_584 = tpu.dynamic_gather %add3A_578[%gather3A_583] in [0] : vector<16xf32>, vector<16xi32> -> vector<16xf32>
      %reshape3A_585 = vector.shape_cast %xor3A_180 : vector<16xi32> to vector<16x1xi32>
      %gather3A_586 = vector.shape_cast %reshape3A_585 : vector<16x1xi32> to vector<16xi32>
      %gather3A_587 = tpu.dynamic_gather %add3A_579[%gather3A_586] in [0] : vector<16xf32>, vector<16xi32> -> vector<16xf32>
      %reshape3A_588 = vector.shape_cast %xor3A_180 : vector<16xi32> to vector<16x1xi32>
      %gather3A_589 = vector.shape_cast %reshape3A_588 : vector<16x1xi32> to vector<16xi32>
      %gather3A_590 = tpu.dynamic_gather %add3A_580[%gather3A_589] in [0] : vector<16xf32>, vector<16xi32> -> vector<16xf32>
      %reshape3A_591 = vector.shape_cast %xor3A_180 : vector<16xi32> to vector<16x1xi32>
      %gather3A_592 = vector.shape_cast %reshape3A_591 : vector<16x1xi32> to vector<16xi32>
      %gather3A_593 = tpu.dynamic_gather %add3A_581[%gather3A_592] in [0] : vector<16xf32>, vector<16xi32> -> vector<16xf32>
      %add3A_594 = arith.addf %add3A_578, %gather3A_584 : vector<16xf32>
      %add3A_595 = arith.addf %add3A_579, %gather3A_587 : vector<16xf32>
      %add3A_596 = arith.addf %add3A_580, %gather3A_590 : vector<16xf32>
      %add3A_597 = arith.addf %add3A_581, %gather3A_593 : vector<16xf32>
      %max3A = arith.constant 1.000000e-24 : f32
      %max3A_598 = vector.broadcast %max3A : f32 to vector<16xf32>
      %max3A_599 = arith.maximumf %add3A_594, %max3A_598 : vector<16xf32>
      %max3A_600 = arith.constant 1.000000e-24 : f32
      %max3A_601 = vector.broadcast %max3A_600 : f32 to vector<16xf32>
      %max3A_602 = arith.maximumf %add3A_595, %max3A_601 : vector<16xf32>
      %max3A_603 = arith.constant 1.000000e-24 : f32
      %max3A_604 = vector.broadcast %max3A_603 : f32 to vector<16xf32>
      %max3A_605 = arith.maximumf %add3A_596, %max3A_604 : vector<16xf32>
      %max3A_606 = arith.constant 1.000000e-24 : f32
      %max3A_607 = vector.broadcast %max3A_606 : f32 to vector<16xf32>
      %max3A_608 = arith.maximumf %add3A_597, %max3A_607 : vector<16xf32>
      %bitcast3A = vector.bitcast %max3A_599 : vector<16xf32> to vector<16xi32>
      %bitcast3A_609 = vector.bitcast %max3A_602 : vector<16xf32> to vector<16xi32>
      %bitcast3A_610 = vector.bitcast %max3A_605 : vector<16xf32> to vector<16xi32>
      %bitcast3A_611 = vector.bitcast %max3A_608 : vector<16xf32> to vector<16xi32>
      %shift_right_arithmetic3A_612 = arith.constant 1 : i32
      %shift_right_arithmetic3A_613 = vector.broadcast %shift_right_arithmetic3A_612 : i32 to vector<16xi32>
      %shift_right_arithmetic3A_614 = arith.shrsi %bitcast3A, %shift_right_arithmetic3A_613 : vector<16xi32>
      %sub3A = arith.constant 1597463007 : i32
      %sub3A_615 = vector.broadcast %sub3A : i32 to vector<16xi32>
      %sub3A_616 = arith.subi %sub3A_615, %shift_right_arithmetic3A_614 : vector<16xi32>
      %bitcast3A_617 = vector.bitcast %sub3A_616 : vector<16xi32> to vector<16xf32>
      %shift_right_arithmetic3A_618 = arith.constant 1 : i32
      %shift_right_arithmetic3A_619 = vector.broadcast %shift_right_arithmetic3A_618 : i32 to vector<16xi32>
      %shift_right_arithmetic3A_620 = arith.shrsi %bitcast3A_609, %shift_right_arithmetic3A_619 : vector<16xi32>
      %sub3A_621 = arith.constant 1597463007 : i32
      %sub3A_622 = vector.broadcast %sub3A_621 : i32 to vector<16xi32>
      %sub3A_623 = arith.subi %sub3A_622, %shift_right_arithmetic3A_620 : vector<16xi32>
      %bitcast3A_624 = vector.bitcast %sub3A_623 : vector<16xi32> to vector<16xf32>
      %shift_right_arithmetic3A_625 = arith.constant 1 : i32
      %shift_right_arithmetic3A_626 = vector.broadcast %shift_right_arithmetic3A_625 : i32 to vector<16xi32>
      %shift_right_arithmetic3A_627 = arith.shrsi %bitcast3A_610, %shift_right_arithmetic3A_626 : vector<16xi32>
      %sub3A_628 = arith.constant 1597463007 : i32
      %sub3A_629 = vector.broadcast %sub3A_628 : i32 to vector<16xi32>
      %sub3A_630 = arith.subi %sub3A_629, %shift_right_arithmetic3A_627 : vector<16xi32>
      %bitcast3A_631 = vector.bitcast %sub3A_630 : vector<16xi32> to vector<16xf32>
      %shift_right_arithmetic3A_632 = arith.constant 1 : i32
      %shift_right_arithmetic3A_633 = vector.broadcast %shift_right_arithmetic3A_632 : i32 to vector<16xi32>
      %shift_right_arithmetic3A_634 = arith.shrsi %bitcast3A_611, %shift_right_arithmetic3A_633 : vector<16xi32>
      %sub3A_635 = arith.constant 1597463007 : i32
      %sub3A_636 = vector.broadcast %sub3A_635 : i32 to vector<16xi32>
      %sub3A_637 = arith.subi %sub3A_636, %shift_right_arithmetic3A_634 : vector<16xi32>
      %bitcast3A_638 = vector.bitcast %sub3A_637 : vector<16xi32> to vector<16xf32>
      %mul3A_639 = arith.constant 5.000000e-01 : f32
      %mul3A_640 = vector.broadcast %mul3A_639 : f32 to vector<16xf32>
      %mul3A_641 = arith.mulf %mul3A_640, %max3A_599 : vector<16xf32>
      %mul3A_642 = arith.constant 5.000000e-01 : f32
      %mul3A_643 = vector.broadcast %mul3A_642 : f32 to vector<16xf32>
      %mul3A_644 = arith.mulf %mul3A_643, %max3A_602 : vector<16xf32>
      %mul3A_645 = arith.constant 5.000000e-01 : f32
      %mul3A_646 = vector.broadcast %mul3A_645 : f32 to vector<16xf32>
      %mul3A_647 = arith.mulf %mul3A_646, %max3A_605 : vector<16xf32>
      %mul3A_648 = arith.constant 5.000000e-01 : f32
      %mul3A_649 = vector.broadcast %mul3A_648 : f32 to vector<16xf32>
      %mul3A_650 = arith.mulf %mul3A_649, %max3A_608 : vector<16xf32>
      %mul3A_651 = arith.mulf %bitcast3A_617, %bitcast3A_617 : vector<16xf32>
      %mul3A_652 = arith.mulf %bitcast3A_624, %bitcast3A_624 : vector<16xf32>
      %mul3A_653 = arith.mulf %bitcast3A_631, %bitcast3A_631 : vector<16xf32>
      %mul3A_654 = arith.mulf %bitcast3A_638, %bitcast3A_638 : vector<16xf32>
      %mul3A_655 = arith.mulf %mul3A_641, %mul3A_651 : vector<16xf32>
      %mul3A_656 = arith.mulf %mul3A_644, %mul3A_652 : vector<16xf32>
      %mul3A_657 = arith.mulf %mul3A_647, %mul3A_653 : vector<16xf32>
      %mul3A_658 = arith.mulf %mul3A_650, %mul3A_654 : vector<16xf32>
      %sub3A_659 = arith.constant 1.500000e+00 : f32
      %sub3A_660 = vector.broadcast %sub3A_659 : f32 to vector<16xf32>
      %sub3A_661 = arith.subf %sub3A_660, %mul3A_655 : vector<16xf32>
      %sub3A_662 = arith.constant 1.500000e+00 : f32
      %sub3A_663 = vector.broadcast %sub3A_662 : f32 to vector<16xf32>
      %sub3A_664 = arith.subf %sub3A_663, %mul3A_656 : vector<16xf32>
      %sub3A_665 = arith.constant 1.500000e+00 : f32
      %sub3A_666 = vector.broadcast %sub3A_665 : f32 to vector<16xf32>
      %sub3A_667 = arith.subf %sub3A_666, %mul3A_657 : vector<16xf32>
      %sub3A_668 = arith.constant 1.500000e+00 : f32
      %sub3A_669 = vector.broadcast %sub3A_668 : f32 to vector<16xf32>
      %sub3A_670 = arith.subf %sub3A_669, %mul3A_658 : vector<16xf32>
      %mul3A_671 = arith.mulf %bitcast3A_617, %sub3A_661 : vector<16xf32>
      %mul3A_672 = arith.mulf %bitcast3A_624, %sub3A_664 : vector<16xf32>
      %mul3A_673 = arith.mulf %bitcast3A_631, %sub3A_667 : vector<16xf32>
      %mul3A_674 = arith.mulf %bitcast3A_638, %sub3A_670 : vector<16xf32>
      %mul3A_675 = arith.mulf %mul3A_671, %mul3A_671 : vector<16xf32>
      %mul3A_676 = arith.mulf %mul3A_672, %mul3A_672 : vector<16xf32>
      %mul3A_677 = arith.mulf %mul3A_673, %mul3A_673 : vector<16xf32>
      %mul3A_678 = arith.mulf %mul3A_674, %mul3A_674 : vector<16xf32>
      %mul3A_679 = arith.mulf %mul3A_641, %mul3A_675 : vector<16xf32>
      %mul3A_680 = arith.mulf %mul3A_644, %mul3A_676 : vector<16xf32>
      %mul3A_681 = arith.mulf %mul3A_647, %mul3A_677 : vector<16xf32>
      %mul3A_682 = arith.mulf %mul3A_650, %mul3A_678 : vector<16xf32>
      %sub3A_683 = arith.constant 1.500000e+00 : f32
      %sub3A_684 = vector.broadcast %sub3A_683 : f32 to vector<16xf32>
      %sub3A_685 = arith.subf %sub3A_684, %mul3A_679 : vector<16xf32>
      %sub3A_686 = arith.constant 1.500000e+00 : f32
      %sub3A_687 = vector.broadcast %sub3A_686 : f32 to vector<16xf32>
      %sub3A_688 = arith.subf %sub3A_687, %mul3A_680 : vector<16xf32>
      %sub3A_689 = arith.constant 1.500000e+00 : f32
      %sub3A_690 = vector.broadcast %sub3A_689 : f32 to vector<16xf32>
      %sub3A_691 = arith.subf %sub3A_690, %mul3A_681 : vector<16xf32>
      %sub3A_692 = arith.constant 1.500000e+00 : f32
      %sub3A_693 = vector.broadcast %sub3A_692 : f32 to vector<16xf32>
      %sub3A_694 = arith.subf %sub3A_693, %mul3A_682 : vector<16xf32>
      %mul3A_695 = arith.mulf %mul3A_671, %sub3A_685 : vector<16xf32>
      %mul3A_696 = arith.mulf %mul3A_672, %sub3A_688 : vector<16xf32>
      %mul3A_697 = arith.mulf %mul3A_673, %sub3A_691 : vector<16xf32>
      %mul3A_698 = arith.mulf %mul3A_674, %sub3A_694 : vector<16xf32>
      %mul3A_699 = arith.mulf %get3A_460, %mul3A_695 : vector<16xf32>
      %swap3A = arith.index_cast %scan3A_457 : i32 to index
      %swap3A_700 = arith.constant 0 : index
      %swap3A_701 = tpu.vector_load %arg12[%swap3A, %swap3A_700] {strides = array<i32>} : memref<16x384xf32, #tpu.memory_space<vmem>>, vector<16xf32>,
      tpu.vector_store %arg12[%swap3A, %swap3A_700], %mul3A_699 {strides = array<i32>} : memref<16x384xf32, #tpu.memory_space<vmem>>, vector<16xf32>,
      %mul3A_702 = arith.mulf %get3A_463, %mul3A_695 : vector<16xf32>
      %swap3A_703 = arith.index_cast %scan3A_457 : i32 to index
      %swap3A_704 = arith.constant 16 : index
      %swap3A_705 = tpu.vector_load %arg12[%swap3A_703, %swap3A_704] {strides = array<i32>} : memref<16x384xf32, #tpu.memory_space<vmem>>, vector<16xf32>,
      tpu.vector_store %arg12[%swap3A_703, %swap3A_704], %mul3A_702 {strides = array<i32>} : memref<16x384xf32, #tpu.memory_space<vmem>>, vector<16xf32>,
      %mul3A_706 = arith.mulf %get3A_466, %mul3A_695 : vector<16xf32>
      %swap3A_707 = arith.index_cast %scan3A_457 : i32 to index
      %swap3A_708 = arith.constant 32 : index
      %swap3A_709 = tpu.vector_load %arg12[%swap3A_707, %swap3A_708] {strides = array<i32>} : memref<16x384xf32, #tpu.memory_space<vmem>>, vector<16xf32>,
      tpu.vector_store %arg12[%swap3A_707, %swap3A_708], %mul3A_706 {strides = array<i32>} : memref<16x384xf32, #tpu.memory_space<vmem>>, vector<16xf32>,
      %mul3A_710 = arith.mulf %get3A_469, %mul3A_695 : vector<16xf32>
      %swap3A_711 = arith.index_cast %scan3A_457 : i32 to index
      %swap3A_712 = arith.constant 48 : index
      %swap3A_713 = tpu.vector_load %arg12[%swap3A_711, %swap3A_712] {strides = array<i32>} : memref<16x384xf32, #tpu.memory_space<vmem>>, vector<16xf32>,
      tpu.vector_store %arg12[%swap3A_711, %swap3A_712], %mul3A_710 {strides = array<i32>} : memref<16x384xf32, #tpu.memory_space<vmem>>, vector<16xf32>,
      %mul3A_714 = arith.mulf %get3A_472, %mul3A_696 : vector<16xf32>
      %swap3A_715 = arith.index_cast %scan3A_457 : i32 to index
      %swap3A_716 = arith.constant 64 : index
      %swap3A_717 = tpu.vector_load %arg12[%swap3A_715, %swap3A_716] {strides = array<i32>} : memref<16x384xf32, #tpu.memory_space<vmem>>, vector<16xf32>,
      tpu.vector_store %arg12[%swap3A_715, %swap3A_716], %mul3A_714 {strides = array<i32>} : memref<16x384xf32, #tpu.memory_space<vmem>>, vector<16xf32>,
      %mul3A_718 = arith.mulf %get3A_475, %mul3A_696 : vector<16xf32>
      %swap3A_719 = arith.index_cast %scan3A_457 : i32 to index
      %swap3A_720 = arith.constant 80 : index
      %swap3A_721 = tpu.vector_load %arg12[%swap3A_719, %swap3A_720] {strides = array<i32>} : memref<16x384xf32, #tpu.memory_space<vmem>>, vector<16xf32>,
      tpu.vector_store %arg12[%swap3A_719, %swap3A_720], %mul3A_718 {strides = array<i32>} : memref<16x384xf32, #tpu.memory_space<vmem>>, vector<16xf32>,
      %mul3A_722 = arith.mulf %get3A_478, %mul3A_696 : vector<16xf32>
      %swap3A_723 = arith.index_cast %scan3A_457 : i32 to index
      %swap3A_724 = arith.constant 96 : index
      %swap3A_725 = tpu.vector_load %arg12[%swap3A_723, %swap3A_724] {strides = array<i32>} : memref<16x384xf32, #tpu.memory_space<vmem>>, vector<16xf32>,
      tpu.vector_store %arg12[%swap3A_723, %swap3A_724], %mul3A_722 {strides = array<i32>} : memref<16x384xf32, #tpu.memory_space<vmem>>, vector<16xf32>,
      %mul3A_726 = arith.mulf %get3A_481, %mul3A_696 : vector<16xf32>
      %swap3A_727 = arith.index_cast %scan3A_457 : i32 to index
      %swap3A_728 = arith.constant 112 : index
      %swap3A_729 = tpu.vector_load %arg12[%swap3A_727, %swap3A_728] {strides = array<i32>} : memref<16x384xf32, #tpu.memory_space<vmem>>, vector<16xf32>,
      tpu.vector_store %arg12[%swap3A_727, %swap3A_728], %mul3A_726 {strides = array<i32>} : memref<16x384xf32, #tpu.memory_space<vmem>>, vector<16xf32>,
      %mul3A_730 = arith.mulf %get3A_484, %mul3A_697 : vector<16xf32>
      %swap3A_731 = arith.index_cast %scan3A_457 : i32 to index
      %swap3A_732 = arith.constant 128 : index
      %swap3A_733 = tpu.vector_load %arg12[%swap3A_731, %swap3A_732] {strides = array<i32>} : memref<16x384xf32, #tpu.memory_space<vmem>>, vector<16xf32>,
      tpu.vector_store %arg12[%swap3A_731, %swap3A_732], %mul3A_730 {strides = array<i32>} : memref<16x384xf32, #tpu.memory_space<vmem>>, vector<16xf32>,
      %swap3A_734 = arith.index_cast %scan3A_457 : i32 to index
      %swap3A_735 = arith.constant 256 : index
      %swap3A_736 = tpu.vector_load %arg12[%swap3A_734, %swap3A_735] {strides = array<i32>} : memref<16x384xf32, #tpu.memory_space<vmem>>, vector<16xf32>,
      tpu.vector_store %arg12[%swap3A_734, %swap3A_735], %mul3A_730 {strides = array<i32>} : memref<16x384xf32, #tpu.memory_space<vmem>>, vector<16xf32>,
      %mul3A_737 = arith.mulf %get3A_487, %mul3A_697 : vector<16xf32>
      %swap3A_738 = arith.index_cast %scan3A_457 : i32 to index
      %swap3A_739 = arith.constant 144 : index
      %swap3A_740 = tpu.vector_load %arg12[%swap3A_738, %swap3A_739] {strides = array<i32>} : memref<16x384xf32, #tpu.memory_space<vmem>>, vector<16xf32>,
      tpu.vector_store %arg12[%swap3A_738, %swap3A_739], %mul3A_737 {strides = array<i32>} : memref<16x384xf32, #tpu.memory_space<vmem>>, vector<16xf32>,
      %swap3A_741 = arith.index_cast %scan3A_457 : i32 to index
      %swap3A_742 = arith.constant 272 : index
      %swap3A_743 = tpu.vector_load %arg12[%swap3A_741, %swap3A_742] {strides = array<i32>} : memref<16x384xf32, #tpu.memory_space<vmem>>, vector<16xf32>,
      tpu.vector_store %arg12[%swap3A_741, %swap3A_742], %mul3A_737 {strides = array<i32>} : memref<16x384xf32, #tpu.memory_space<vmem>>, vector<16xf32>,
      %mul3A_744 = arith.mulf %get3A_490, %mul3A_697 : vector<16xf32>
      %swap3A_745 = arith.index_cast %scan3A_457 : i32 to index
      %swap3A_746 = arith.constant 160 : index
      %swap3A_747 = tpu.vector_load %arg12[%swap3A_745, %swap3A_746] {strides = array<i32>} : memref<16x384xf32, #tpu.memory_space<vmem>>, vector<16xf32>,
      tpu.vector_store %arg12[%swap3A_745, %swap3A_746], %mul3A_744 {strides = array<i32>} : memref<16x384xf32, #tpu.memory_space<vmem>>, vector<16xf32>,
      %swap3A_748 = arith.index_cast %scan3A_457 : i32 to index
      %swap3A_749 = arith.constant 288 : index
      %swap3A_750 = tpu.vector_load %arg12[%swap3A_748, %swap3A_749] {strides = array<i32>} : memref<16x384xf32, #tpu.memory_space<vmem>>, vector<16xf32>,
      tpu.vector_store %arg12[%swap3A_748, %swap3A_749], %mul3A_744 {strides = array<i32>} : memref<16x384xf32, #tpu.memory_space<vmem>>, vector<16xf32>,
      %mul3A_751 = arith.mulf %get3A_493, %mul3A_697 : vector<16xf32>
      %swap3A_752 = arith.index_cast %scan3A_457 : i32 to index
      %swap3A_753 = arith.constant 176 : index
      %swap3A_754 = tpu.vector_load %arg12[%swap3A_752, %swap3A_753] {strides = array<i32>} : memref<16x384xf32, #tpu.memory_space<vmem>>, vector<16xf32>,
      tpu.vector_store %arg12[%swap3A_752, %swap3A_753], %mul3A_751 {strides = array<i32>} : memref<16x384xf32, #tpu.memory_space<vmem>>, vector<16xf32>,
      %swap3A_755 = arith.index_cast %scan3A_457 : i32 to index
      %swap3A_756 = arith.constant 304 : index
      %swap3A_757 = tpu.vector_load %arg12[%swap3A_755, %swap3A_756] {strides = array<i32>} : memref<16x384xf32, #tpu.memory_space<vmem>>, vector<16xf32>,
      tpu.vector_store %arg12[%swap3A_755, %swap3A_756], %mul3A_751 {strides = array<i32>} : memref<16x384xf32, #tpu.memory_space<vmem>>, vector<16xf32>,
      %mul3A_758 = arith.mulf %get3A_496, %mul3A_698 : vector<16xf32>
      %swap3A_759 = arith.index_cast %scan3A_457 : i32 to index
      %swap3A_760 = arith.constant 192 : index
      %swap3A_761 = tpu.vector_load %arg12[%swap3A_759, %swap3A_760] {strides = array<i32>} : memref<16x384xf32, #tpu.memory_space<vmem>>, vector<16xf32>,
      tpu.vector_store %arg12[%swap3A_759, %swap3A_760], %mul3A_758 {strides = array<i32>} : memref<16x384xf32, #tpu.memory_space<vmem>>, vector<16xf32>,
      %swap3A_762 = arith.index_cast %scan3A_457 : i32 to index
      %swap3A_763 = arith.constant 320 : index
      %swap3A_764 = tpu.vector_load %arg12[%swap3A_762, %swap3A_763] {strides = array<i32>} : memref<16x384xf32, #tpu.memory_space<vmem>>, vector<16xf32>,
      tpu.vector_store %arg12[%swap3A_762, %swap3A_763], %mul3A_758 {strides = array<i32>} : memref<16x384xf32, #tpu.memory_space<vmem>>, vector<16xf32>,
      %mul3A_765 = arith.mulf %get3A_499, %mul3A_698 : vector<16xf32>
      %swap3A_766 = arith.index_cast %scan3A_457 : i32 to index
      %swap3A_767 = arith.constant 208 : index
      %swap3A_768 = tpu.vector_load %arg12[%swap3A_766, %swap3A_767] {strides = array<i32>} : memref<16x384xf32, #tpu.memory_space<vmem>>, vector<16xf32>,
      tpu.vector_store %arg12[%swap3A_766, %swap3A_767], %mul3A_765 {strides = array<i32>} : memref<16x384xf32, #tpu.memory_space<vmem>>, vector<16xf32>,
      %swap3A_769 = arith.index_cast %scan3A_457 : i32 to index
      %swap3A_770 = arith.constant 336 : index
      %swap3A_771 = tpu.vector_load %arg12[%swap3A_769, %swap3A_770] {strides = array<i32>} : memref<16x384xf32, #tpu.memory_space<vmem>>, vector<16xf32>,
      tpu.vector_store %arg12[%swap3A_769, %swap3A_770], %mul3A_765 {strides = array<i32>} : memref<16x384xf32, #tpu.memory_space<vmem>>, vector<16xf32>,
      %mul3A_772 = arith.mulf %get3A_502, %mul3A_698 : vector<16xf32>
      %swap3A_773 = arith.index_cast %scan3A_457 : i32 to index
      %swap3A_774 = arith.constant 224 : index
      %swap3A_775 = tpu.vector_load %arg12[%swap3A_773, %swap3A_774] {strides = array<i32>} : memref<16x384xf32, #tpu.memory_space<vmem>>, vector<16xf32>,
      tpu.vector_store %arg12[%swap3A_773, %swap3A_774], %mul3A_772 {strides = array<i32>} : memref<16x384xf32, #tpu.memory_space<vmem>>, vector<16xf32>,
      %swap3A_776 = arith.index_cast %scan3A_457 : i32 to index
      %swap3A_777 = arith.constant 352 : index
      %swap3A_778 = tpu.vector_load %arg12[%swap3A_776, %swap3A_777] {strides = array<i32>} : memref<16x384xf32, #tpu.memory_space<vmem>>, vector<16xf32>,
      tpu.vector_store %arg12[%swap3A_776, %swap3A_777], %mul3A_772 {strides = array<i32>} : memref<16x384xf32, #tpu.memory_space<vmem>>, vector<16xf32>,
      %mul3A_779 = arith.mulf %get3A_505, %mul3A_698 : vector<16xf32>
      %swap3A_780 = arith.index_cast %scan3A_457 : i32 to index
      %swap3A_781 = arith.constant 240 : index
      %swap3A_782 = tpu.vector_load %arg12[%swap3A_780, %swap3A_781] {strides = array<i32>} : memref<16x384xf32, #tpu.memory_space<vmem>>, vector<16xf32>,
      tpu.vector_store %arg12[%swap3A_780, %swap3A_781], %mul3A_779 {strides = array<i32>} : memref<16x384xf32, #tpu.memory_space<vmem>>, vector<16xf32>,
      %swap3A_783 = arith.index_cast %scan3A_457 : i32 to index
      %swap3A_784 = arith.constant 368 : index
      %swap3A_785 = tpu.vector_load %arg12[%swap3A_783, %swap3A_784] {strides = array<i32>} : memref<16x384xf32, #tpu.memory_space<vmem>>, vector<16xf32>,
      tpu.vector_store %arg12[%swap3A_783, %swap3A_784], %mul3A_779 {strides = array<i32>} : memref<16x384xf32, #tpu.memory_space<vmem>>, vector<16xf32>,
    }
    %scan3A_419 = arith.constant 16 : i32
    "tpu.trace_stop"() : () -> ()
    %dma_start3A_420 = arith.constant 0 : i32
    %dma_start3A_421 = tpu.memref_slice %arg4[%add3A_400, %dma_start3A_420] : memref<4096x384xf32, #tpu.memory_space<hbm>> -> memref<16x384xf32, #tpu.memory_space<hbm>>
    %dma_start3A_422 = arith.constant 0 : i32
    %dma_start3A_423 = tpu.memref_slice %arg4[%add3A_400, %dma_start3A_422] : memref<4096x384xf32, #tpu.memory_space<hbm>> -> memref<16x384xf32, #tpu.memory_space<hbm>>
    tpu.enqueue_dma source(%arg12 : memref<16x384xf32, #tpu.memory_space<vmem>>) target(%dma_start3A_423 : memref<16x384xf32, #tpu.memory_space<hbm>>) target_semaphore(%arg18 : memref<!tpu.dma_semaphore, #tpu.memory_space<semaphore_mem>>)
    %add3A_424 = arith.constant 112 : i32
    %add3A_425 = arith.addi %mul3A_2, %add3A_424 : i32
    "tpu.trace_start"() <{level = 10 : i32, message = "p_wait_in"}> : () -> ()
    %dma_wait3A_426 = arith.constant 0 : i32
    %dma_wait3A_427 = tpu.memref_slice %arg2[%add3A_385, %dma_wait3A_426] : memref<4096x128xf32, #tpu.memory_space<hbm>> -> memref<16x128xf32, #tpu.memory_space<hbm>>
    %dma_wait3A_428 = arith.constant 0 : i32
    %dma_wait3A_429 = tpu.memref_slice %arg2[%add3A_385, %dma_wait3A_428] : memref<4096x128xf32, #tpu.memory_space<hbm>> -> memref<16x128xf32, #tpu.memory_space<hbm>>
    tpu.wait_dma2 semaphore(%arg15 : memref<!tpu.dma_semaphore, #tpu.memory_space<semaphore_mem>>) src(%dma_wait3A_429 : memref<16x128xf32, #tpu.memory_space<hbm>>) dst(%arg9 : memref<16x128xf32, #tpu.memory_space<vmem>>)
    %dma_wait3A_430 = arith.constant 112 : i32
    %dma_wait3A_431 = tpu.memref_slice %arg7[%dma_wait3A_430] : memref<128xi32, #tpu.memory_space<vmem>> -> memref<16xi32, #tpu.memory_space<vmem>>
    %dma_wait3A_432 = arith.constant 0 : i32
    %dma_wait3A_433 = arith.constant 0 : i32
    %dma_wait3A_434 = tpu.memref_slice %arg2[%dma_wait3A_432, %dma_wait3A_433] : memref<4096x128xf32, #tpu.memory_space<hbm>> -> memref<4096x128xf32, #tpu.memory_space<hbm>>
    tpu.wait_indirect_dma semaphore(%arg17 : memref<!tpu.dma_semaphore, #tpu.memory_space<semaphore_mem>>) src(%dma_wait3A_434 : memref<4096x128xf32, #tpu.memory_space<hbm>>) dst(%arg11 : memref<16x128xf32, #tpu.memory_space<vmem>>)
    "tpu.trace_stop"() : () -> ()
    %dma_wait3A_435 = arith.constant 0 : i32
    %dma_wait3A_436 = tpu.memref_slice %arg4[%add3A_364, %dma_wait3A_435] : memref<4096x384xf32, #tpu.memory_space<hbm>> -> memref<16x384xf32, #tpu.memory_space<hbm>>
    %dma_wait3A_437 = arith.constant 0 : i32
    %dma_wait3A_438 = tpu.memref_slice %arg4[%add3A_364, %dma_wait3A_437] : memref<4096x384xf32, #tpu.memory_space<hbm>> -> memref<16x384xf32, #tpu.memory_space<hbm>>
    tpu.wait_dma2 semaphore(%arg19 : memref<!tpu.dma_semaphore, #tpu.memory_space<semaphore_mem>>) src(%arg13 : memref<16x384xf32, #tpu.memory_space<vmem>>) dst(%dma_wait3A_438 : memref<16x384xf32, #tpu.memory_space<hbm>>)
    "tpu.trace_start"() <{level = 10 : i32, message = "p_norm"}> : () -> ()
    %scan3A_439 = arith.constant 0 : i32
    %scan3A_440 = arith.constant 0 : i32
    %scan3A_441 = arith.constant 16 : i32
    %scan3A_442 = arith.addi %scan3A_440, %scan3A_441 : i32
    %scan3A_443 = arith.constant 1 : i32
    scf.for %scan3A_457 = %scan3A_440 to %scan3A_442 step %scan3A_443  : i32 {
      %get3A_458 = arith.index_cast %scan3A_457 : i32 to index
      %get3A_459 = arith.constant 0 : index
      %get3A_460 = tpu.vector_load %arg9[%get3A_458, %get3A_459] {strides = array<i32>} : memref<16x128xf32, #tpu.memory_space<vmem>>, vector<16xf32>,
      %get3A_461 = arith.index_cast %scan3A_457 : i32 to index
      %get3A_462 = arith.constant 16 : index
      %get3A_463 = tpu.vector_load %arg9[%get3A_461, %get3A_462] {strides = array<i32>} : memref<16x128xf32, #tpu.memory_space<vmem>>, vector<16xf32>,
      %get3A_464 = arith.index_cast %scan3A_457 : i32 to index
      %get3A_465 = arith.constant 32 : index
      %get3A_466 = tpu.vector_load %arg9[%get3A_464, %get3A_465] {strides = array<i32>} : memref<16x128xf32, #tpu.memory_space<vmem>>, vector<16xf32>,
      %get3A_467 = arith.index_cast %scan3A_457 : i32 to index
      %get3A_468 = arith.constant 48 : index
      %get3A_469 = tpu.vector_load %arg9[%get3A_467, %get3A_468] {strides = array<i32>} : memref<16x128xf32, #tpu.memory_space<vmem>>, vector<16xf32>,
      %get3A_470 = arith.index_cast %scan3A_457 : i32 to index
      %get3A_471 = arith.constant 64 : index
      %get3A_472 = tpu.vector_load %arg9[%get3A_470, %get3A_471] {strides = array<i32>} : memref<16x128xf32, #tpu.memory_space<vmem>>, vector<16xf32>,
      %get3A_473 = arith.index_cast %scan3A_457 : i32 to index
      %get3A_474 = arith.constant 80 : index
      %get3A_475 = tpu.vector_load %arg9[%get3A_473, %get3A_474] {strides = array<i32>} : memref<16x128xf32, #tpu.memory_space<vmem>>, vector<16xf32>,
      %get3A_476 = arith.index_cast %scan3A_457 : i32 to index
      %get3A_477 = arith.constant 96 : index
      %get3A_478 = tpu.vector_load %arg9[%get3A_476, %get3A_477] {strides = array<i32>} : memref<16x128xf32, #tpu.memory_space<vmem>>, vector<16xf32>,
      %get3A_479 = arith.index_cast %scan3A_457 : i32 to index
      %get3A_480 = arith.constant 112 : index
      %get3A_481 = tpu.vector_load %arg9[%get3A_479, %get3A_480] {strides = array<i32>} : memref<16x128xf32, #tpu.memory_space<vmem>>, vector<16xf32>,
      %get3A_482 = arith.index_cast %scan3A_457 : i32 to index
      %get3A_483 = arith.constant 0 : index
      %get3A_484 = tpu.vector_load %arg11[%get3A_482, %get3A_483] {strides = array<i32>} : memref<16x128xf32, #tpu.memory_space<vmem>>, vector<16xf32>,
      %get3A_485 = arith.index_cast %scan3A_457 : i32 to index
      %get3A_486 = arith.constant 16 : index
      %get3A_487 = tpu.vector_load %arg11[%get3A_485, %get3A_486] {strides = array<i32>} : memref<16x128xf32, #tpu.memory_space<vmem>>, vector<16xf32>,
      %get3A_488 = arith.index_cast %scan3A_457 : i32 to index
      %get3A_489 = arith.constant 32 : index
      %get3A_490 = tpu.vector_load %arg11[%get3A_488, %get3A_489] {strides = array<i32>} : memref<16x128xf32, #tpu.memory_space<vmem>>, vector<16xf32>,
      %get3A_491 = arith.index_cast %scan3A_457 : i32 to index
      %get3A_492 = arith.constant 48 : index
      %get3A_493 = tpu.vector_load %arg11[%get3A_491, %get3A_492] {strides = array<i32>} : memref<16x128xf32, #tpu.memory_space<vmem>>, vector<16xf32>,
      %get3A_494 = arith.index_cast %scan3A_457 : i32 to index
      %get3A_495 = arith.constant 64 : index
      %get3A_496 = tpu.vector_load %arg11[%get3A_494, %get3A_495] {strides = array<i32>} : memref<16x128xf32, #tpu.memory_space<vmem>>, vector<16xf32>,
      %get3A_497 = arith.index_cast %scan3A_457 : i32 to index
      %get3A_498 = arith.constant 80 : index
      %get3A_499 = tpu.vector_load %arg11[%get3A_497, %get3A_498] {strides = array<i32>} : memref<16x128xf32, #tpu.memory_space<vmem>>, vector<16xf32>,
      %get3A_500 = arith.index_cast %scan3A_457 : i32 to index
      %get3A_501 = arith.constant 96 : index
      %get3A_502 = tpu.vector_load %arg11[%get3A_500, %get3A_501] {strides = array<i32>} : memref<16x128xf32, #tpu.memory_space<vmem>>, vector<16xf32>,
      %get3A_503 = arith.index_cast %scan3A_457 : i32 to index
      %get3A_504 = arith.constant 112 : index
      %get3A_505 = tpu.vector_load %arg11[%get3A_503, %get3A_504] {strides = array<i32>} : memref<16x128xf32, #tpu.memory_space<vmem>>, vector<16xf32>,
      %mul3A_506 = arith.mulf %get3A_460, %get3A_460 : vector<16xf32>
      %mul3A_507 = arith.mulf %get3A_472, %get3A_472 : vector<16xf32>
      %mul3A_508 = arith.mulf %get3A_484, %get3A_484 : vector<16xf32>
      %mul3A_509 = arith.mulf %get3A_496, %get3A_496 : vector<16xf32>
      %mul3A_510 = arith.mulf %get3A_463, %get3A_463 : vector<16xf32>
      %mul3A_511 = arith.mulf %get3A_475, %get3A_475 : vector<16xf32>
      %mul3A_512 = arith.mulf %get3A_487, %get3A_487 : vector<16xf32>
      %mul3A_513 = arith.mulf %get3A_499, %get3A_499 : vector<16xf32>
      %add3A_514 = arith.addf %mul3A_506, %mul3A_510 : vector<16xf32>
      %add3A_515 = arith.addf %mul3A_507, %mul3A_511 : vector<16xf32>
      %add3A_516 = arith.addf %mul3A_508, %mul3A_512 : vector<16xf32>
      %add3A_517 = arith.addf %mul3A_509, %mul3A_513 : vector<16xf32>
      %mul3A_518 = arith.mulf %get3A_466, %get3A_466 : vector<16xf32>
      %mul3A_519 = arith.mulf %get3A_478, %get3A_478 : vector<16xf32>
      %mul3A_520 = arith.mulf %get3A_490, %get3A_490 : vector<16xf32>
      %mul3A_521 = arith.mulf %get3A_502, %get3A_502 : vector<16xf32>
      %add3A_522 = arith.addf %add3A_514, %mul3A_518 : vector<16xf32>
      %add3A_523 = arith.addf %add3A_515, %mul3A_519 : vector<16xf32>
      %add3A_524 = arith.addf %add3A_516, %mul3A_520 : vector<16xf32>
      %add3A_525 = arith.addf %add3A_517, %mul3A_521 : vector<16xf32>
      %mul3A_526 = arith.mulf %get3A_469, %get3A_469 : vector<16xf32>
      %mul3A_527 = arith.mulf %get3A_481, %get3A_481 : vector<16xf32>
      %mul3A_528 = arith.mulf %get3A_493, %get3A_493 : vector<16xf32>
      %mul3A_529 = arith.mulf %get3A_505, %get3A_505 : vector<16xf32>
      %add3A_530 = arith.addf %add3A_522, %mul3A_526 : vector<16xf32>
      %add3A_531 = arith.addf %add3A_523, %mul3A_527 : vector<16xf32>
      %add3A_532 = arith.addf %add3A_524, %mul3A_528 : vector<16xf32>
      %add3A_533 = arith.addf %add3A_525, %mul3A_529 : vector<16xf32>
      %reshape3A_534 = vector.shape_cast %xor3A_171 : vector<16xi32> to vector<16x1xi32>
      %gather3A_535 = vector.shape_cast %reshape3A_534 : vector<16x1xi32> to vector<16xi32>
      %gather3A_536 = tpu.dynamic_gather %add3A_530[%gather3A_535] in [0] : vector<16xf32>, vector<16xi32> -> vector<16xf32>
      %reshape3A_537 = vector.shape_cast %xor3A_171 : vector<16xi32> to vector<16x1xi32>
      %gather3A_538 = vector.shape_cast %reshape3A_537 : vector<16x1xi32> to vector<16xi32>
      %gather3A_539 = tpu.dynamic_gather %add3A_531[%gather3A_538] in [0] : vector<16xf32>, vector<16xi32> -> vector<16xf32>
      %reshape3A_540 = vector.shape_cast %xor3A_171 : vector<16xi32> to vector<16x1xi32>
      %gather3A_541 = vector.shape_cast %reshape3A_540 : vector<16x1xi32> to vector<16xi32>
      %gather3A_542 = tpu.dynamic_gather %add3A_532[%gather3A_541] in [0] : vector<16xf32>, vector<16xi32> -> vector<16xf32>
      %reshape3A_543 = vector.shape_cast %xor3A_171 : vector<16xi32> to vector<16x1xi32>
      %gather3A_544 = vector.shape_cast %reshape3A_543 : vector<16x1xi32> to vector<16xi32>
      %gather3A_545 = tpu.dynamic_gather %add3A_533[%gather3A_544] in [0] : vector<16xf32>, vector<16xi32> -> vector<16xf32>
      %add3A_546 = arith.addf %add3A_530, %gather3A_536 : vector<16xf32>
      %add3A_547 = arith.addf %add3A_531, %gather3A_539 : vector<16xf32>
      %add3A_548 = arith.addf %add3A_532, %gather3A_542 : vector<16xf32>
      %add3A_549 = arith.addf %add3A_533, %gather3A_545 : vector<16xf32>
      %reshape3A_550 = vector.shape_cast %xor3A_174 : vector<16xi32> to vector<16x1xi32>
      %gather3A_551 = vector.shape_cast %reshape3A_550 : vector<16x1xi32> to vector<16xi32>
      %gather3A_552 = tpu.dynamic_gather %add3A_546[%gather3A_551] in [0] : vector<16xf32>, vector<16xi32> -> vector<16xf32>
      %reshape3A_553 = vector.shape_cast %xor3A_174 : vector<16xi32> to vector<16x1xi32>
      %gather3A_554 = vector.shape_cast %reshape3A_553 : vector<16x1xi32> to vector<16xi32>
      %gather3A_555 = tpu.dynamic_gather %add3A_547[%gather3A_554] in [0] : vector<16xf32>, vector<16xi32> -> vector<16xf32>
      %reshape3A_556 = vector.shape_cast %xor3A_174 : vector<16xi32> to vector<16x1xi32>
      %gather3A_557 = vector.shape_cast %reshape3A_556 : vector<16x1xi32> to vector<16xi32>
      %gather3A_558 = tpu.dynamic_gather %add3A_548[%gather3A_557] in [0] : vector<16xf32>, vector<16xi32> -> vector<16xf32>
      %reshape3A_559 = vector.shape_cast %xor3A_174 : vector<16xi32> to vector<16x1xi32>
      %gather3A_560 = vector.shape_cast %reshape3A_559 : vector<16x1xi32> to vector<16xi32>
      %gather3A_561 = tpu.dynamic_gather %add3A_549[%gather3A_560] in [0] : vector<16xf32>, vector<16xi32> -> vector<16xf32>
      %add3A_562 = arith.addf %add3A_546, %gather3A_552 : vector<16xf32>
      %add3A_563 = arith.addf %add3A_547, %gather3A_555 : vector<16xf32>
      %add3A_564 = arith.addf %add3A_548, %gather3A_558 : vector<16xf32>
      %add3A_565 = arith.addf %add3A_549, %gather3A_561 : vector<16xf32>
      %reshape3A_566 = vector.shape_cast %xor3A_177 : vector<16xi32> to vector<16x1xi32>
      %gather3A_567 = vector.shape_cast %reshape3A_566 : vector<16x1xi32> to vector<16xi32>
      %gather3A_568 = tpu.dynamic_gather %add3A_562[%gather3A_567] in [0] : vector<16xf32>, vector<16xi32> -> vector<16xf32>
      %reshape3A_569 = vector.shape_cast %xor3A_177 : vector<16xi32> to vector<16x1xi32>
      %gather3A_570 = vector.shape_cast %reshape3A_569 : vector<16x1xi32> to vector<16xi32>
      %gather3A_571 = tpu.dynamic_gather %add3A_563[%gather3A_570] in [0] : vector<16xf32>, vector<16xi32> -> vector<16xf32>
      %reshape3A_572 = vector.shape_cast %xor3A_177 : vector<16xi32> to vector<16x1xi32>
      %gather3A_573 = vector.shape_cast %reshape3A_572 : vector<16x1xi32> to vector<16xi32>
      %gather3A_574 = tpu.dynamic_gather %add3A_564[%gather3A_573] in [0] : vector<16xf32>, vector<16xi32> -> vector<16xf32>
      %reshape3A_575 = vector.shape_cast %xor3A_177 : vector<16xi32> to vector<16x1xi32>
      %gather3A_576 = vector.shape_cast %reshape3A_575 : vector<16x1xi32> to vector<16xi32>
      %gather3A_577 = tpu.dynamic_gather %add3A_565[%gather3A_576] in [0] : vector<16xf32>, vector<16xi32> -> vector<16xf32>
      %add3A_578 = arith.addf %add3A_562, %gather3A_568 : vector<16xf32>
      %add3A_579 = arith.addf %add3A_563, %gather3A_571 : vector<16xf32>
      %add3A_580 = arith.addf %add3A_564, %gather3A_574 : vector<16xf32>
      %add3A_581 = arith.addf %add3A_565, %gather3A_577 : vector<16xf32>
      %reshape3A_582 = vector.shape_cast %xor3A_180 : vector<16xi32> to vector<16x1xi32>
      %gather3A_583 = vector.shape_cast %reshape3A_582 : vector<16x1xi32> to vector<16xi32>
      %gather3A_584 = tpu.dynamic_gather %add3A_578[%gather3A_583] in [0] : vector<16xf32>, vector<16xi32> -> vector<16xf32>
      %reshape3A_585 = vector.shape_cast %xor3A_180 : vector<16xi32> to vector<16x1xi32>
      %gather3A_586 = vector.shape_cast %reshape3A_585 : vector<16x1xi32> to vector<16xi32>
      %gather3A_587 = tpu.dynamic_gather %add3A_579[%gather3A_586] in [0] : vector<16xf32>, vector<16xi32> -> vector<16xf32>
      %reshape3A_588 = vector.shape_cast %xor3A_180 : vector<16xi32> to vector<16x1xi32>
      %gather3A_589 = vector.shape_cast %reshape3A_588 : vector<16x1xi32> to vector<16xi32>
      %gather3A_590 = tpu.dynamic_gather %add3A_580[%gather3A_589] in [0] : vector<16xf32>, vector<16xi32> -> vector<16xf32>
      %reshape3A_591 = vector.shape_cast %xor3A_180 : vector<16xi32> to vector<16x1xi32>
      %gather3A_592 = vector.shape_cast %reshape3A_591 : vector<16x1xi32> to vector<16xi32>
      %gather3A_593 = tpu.dynamic_gather %add3A_581[%gather3A_592] in [0] : vector<16xf32>, vector<16xi32> -> vector<16xf32>
      %add3A_594 = arith.addf %add3A_578, %gather3A_584 : vector<16xf32>
      %add3A_595 = arith.addf %add3A_579, %gather3A_587 : vector<16xf32>
      %add3A_596 = arith.addf %add3A_580, %gather3A_590 : vector<16xf32>
      %add3A_597 = arith.addf %add3A_581, %gather3A_593 : vector<16xf32>
      %max3A = arith.constant 1.000000e-24 : f32
      %max3A_598 = vector.broadcast %max3A : f32 to vector<16xf32>
      %max3A_599 = arith.maximumf %add3A_594, %max3A_598 : vector<16xf32>
      %max3A_600 = arith.constant 1.000000e-24 : f32
      %max3A_601 = vector.broadcast %max3A_600 : f32 to vector<16xf32>
      %max3A_602 = arith.maximumf %add3A_595, %max3A_601 : vector<16xf32>
      %max3A_603 = arith.constant 1.000000e-24 : f32
      %max3A_604 = vector.broadcast %max3A_603 : f32 to vector<16xf32>
      %max3A_605 = arith.maximumf %add3A_596, %max3A_604 : vector<16xf32>
      %max3A_606 = arith.constant 1.000000e-24 : f32
      %max3A_607 = vector.broadcast %max3A_606 : f32 to vector<16xf32>
      %max3A_608 = arith.maximumf %add3A_597, %max3A_607 : vector<16xf32>
      %bitcast3A = vector.bitcast %max3A_599 : vector<16xf32> to vector<16xi32>
      %bitcast3A_609 = vector.bitcast %max3A_602 : vector<16xf32> to vector<16xi32>
      %bitcast3A_610 = vector.bitcast %max3A_605 : vector<16xf32> to vector<16xi32>
      %bitcast3A_611 = vector.bitcast %max3A_608 : vector<16xf32> to vector<16xi32>
      %shift_right_arithmetic3A_612 = arith.constant 1 : i32
      %shift_right_arithmetic3A_613 = vector.broadcast %shift_right_arithmetic3A_612 : i32 to vector<16xi32>
      %shift_right_arithmetic3A_614 = arith.shrsi %bitcast3A, %shift_right_arithmetic3A_613 : vector<16xi32>
      %sub3A = arith.constant 1597463007 : i32
      %sub3A_615 = vector.broadcast %sub3A : i32 to vector<16xi32>
      %sub3A_616 = arith.subi %sub3A_615, %shift_right_arithmetic3A_614 : vector<16xi32>
      %bitcast3A_617 = vector.bitcast %sub3A_616 : vector<16xi32> to vector<16xf32>
      %shift_right_arithmetic3A_618 = arith.constant 1 : i32
      %shift_right_arithmetic3A_619 = vector.broadcast %shift_right_arithmetic3A_618 : i32 to vector<16xi32>
      %shift_right_arithmetic3A_620 = arith.shrsi %bitcast3A_609, %shift_right_arithmetic3A_619 : vector<16xi32>
      %sub3A_621 = arith.constant 1597463007 : i32
      %sub3A_622 = vector.broadcast %sub3A_621 : i32 to vector<16xi32>
      %sub3A_623 = arith.subi %sub3A_622, %shift_right_arithmetic3A_620 : vector<16xi32>
      %bitcast3A_624 = vector.bitcast %sub3A_623 : vector<16xi32> to vector<16xf32>
      %shift_right_arithmetic3A_625 = arith.constant 1 : i32
      %shift_right_arithmetic3A_626 = vector.broadcast %shift_right_arithmetic3A_625 : i32 to vector<16xi32>
      %shift_right_arithmetic3A_627 = arith.shrsi %bitcast3A_610, %shift_right_arithmetic3A_626 : vector<16xi32>
      %sub3A_628 = arith.constant 1597463007 : i32
      %sub3A_629 = vector.broadcast %sub3A_628 : i32 to vector<16xi32>
      %sub3A_630 = arith.subi %sub3A_629, %shift_right_arithmetic3A_627 : vector<16xi32>
      %bitcast3A_631 = vector.bitcast %sub3A_630 : vector<16xi32> to vector<16xf32>
      %shift_right_arithmetic3A_632 = arith.constant 1 : i32
      %shift_right_arithmetic3A_633 = vector.broadcast %shift_right_arithmetic3A_632 : i32 to vector<16xi32>
      %shift_right_arithmetic3A_634 = arith.shrsi %bitcast3A_611, %shift_right_arithmetic3A_633 : vector<16xi32>
      %sub3A_635 = arith.constant 1597463007 : i32
      %sub3A_636 = vector.broadcast %sub3A_635 : i32 to vector<16xi32>
      %sub3A_637 = arith.subi %sub3A_636, %shift_right_arithmetic3A_634 : vector<16xi32>
      %bitcast3A_638 = vector.bitcast %sub3A_637 : vector<16xi32> to vector<16xf32>
      %mul3A_639 = arith.constant 5.000000e-01 : f32
      %mul3A_640 = vector.broadcast %mul3A_639 : f32 to vector<16xf32>
      %mul3A_641 = arith.mulf %mul3A_640, %max3A_599 : vector<16xf32>
      %mul3A_642 = arith.constant 5.000000e-01 : f32
      %mul3A_643 = vector.broadcast %mul3A_642 : f32 to vector<16xf32>
      %mul3A_644 = arith.mulf %mul3A_643, %max3A_602 : vector<16xf32>
      %mul3A_645 = arith.constant 5.000000e-01 : f32
      %mul3A_646 = vector.broadcast %mul3A_645 : f32 to vector<16xf32>
      %mul3A_647 = arith.mulf %mul3A_646, %max3A_605 : vector<16xf32>
      %mul3A_648 = arith.constant 5.000000e-01 : f32
      %mul3A_649 = vector.broadcast %mul3A_648 : f32 to vector<16xf32>
      %mul3A_650 = arith.mulf %mul3A_649, %max3A_608 : vector<16xf32>
      %mul3A_651 = arith.mulf %bitcast3A_617, %bitcast3A_617 : vector<16xf32>
      %mul3A_652 = arith.mulf %bitcast3A_624, %bitcast3A_624 : vector<16xf32>
      %mul3A_653 = arith.mulf %bitcast3A_631, %bitcast3A_631 : vector<16xf32>
      %mul3A_654 = arith.mulf %bitcast3A_638, %bitcast3A_638 : vector<16xf32>
      %mul3A_655 = arith.mulf %mul3A_641, %mul3A_651 : vector<16xf32>
      %mul3A_656 = arith.mulf %mul3A_644, %mul3A_652 : vector<16xf32>
      %mul3A_657 = arith.mulf %mul3A_647, %mul3A_653 : vector<16xf32>
      %mul3A_658 = arith.mulf %mul3A_650, %mul3A_654 : vector<16xf32>
      %sub3A_659 = arith.constant 1.500000e+00 : f32
      %sub3A_660 = vector.broadcast %sub3A_659 : f32 to vector<16xf32>
      %sub3A_661 = arith.subf %sub3A_660, %mul3A_655 : vector<16xf32>
      %sub3A_662 = arith.constant 1.500000e+00 : f32
      %sub3A_663 = vector.broadcast %sub3A_662 : f32 to vector<16xf32>
      %sub3A_664 = arith.subf %sub3A_663, %mul3A_656 : vector<16xf32>
      %sub3A_665 = arith.constant 1.500000e+00 : f32
      %sub3A_666 = vector.broadcast %sub3A_665 : f32 to vector<16xf32>
      %sub3A_667 = arith.subf %sub3A_666, %mul3A_657 : vector<16xf32>
      %sub3A_668 = arith.constant 1.500000e+00 : f32
      %sub3A_669 = vector.broadcast %sub3A_668 : f32 to vector<16xf32>
      %sub3A_670 = arith.subf %sub3A_669, %mul3A_658 : vector<16xf32>
      %mul3A_671 = arith.mulf %bitcast3A_617, %sub3A_661 : vector<16xf32>
      %mul3A_672 = arith.mulf %bitcast3A_624, %sub3A_664 : vector<16xf32>
      %mul3A_673 = arith.mulf %bitcast3A_631, %sub3A_667 : vector<16xf32>
      %mul3A_674 = arith.mulf %bitcast3A_638, %sub3A_670 : vector<16xf32>
      %mul3A_675 = arith.mulf %mul3A_671, %mul3A_671 : vector<16xf32>
      %mul3A_676 = arith.mulf %mul3A_672, %mul3A_672 : vector<16xf32>
      %mul3A_677 = arith.mulf %mul3A_673, %mul3A_673 : vector<16xf32>
      %mul3A_678 = arith.mulf %mul3A_674, %mul3A_674 : vector<16xf32>
      %mul3A_679 = arith.mulf %mul3A_641, %mul3A_675 : vector<16xf32>
      %mul3A_680 = arith.mulf %mul3A_644, %mul3A_676 : vector<16xf32>
      %mul3A_681 = arith.mulf %mul3A_647, %mul3A_677 : vector<16xf32>
      %mul3A_682 = arith.mulf %mul3A_650, %mul3A_678 : vector<16xf32>
      %sub3A_683 = arith.constant 1.500000e+00 : f32
      %sub3A_684 = vector.broadcast %sub3A_683 : f32 to vector<16xf32>
      %sub3A_685 = arith.subf %sub3A_684, %mul3A_679 : vector<16xf32>
      %sub3A_686 = arith.constant 1.500000e+00 : f32
      %sub3A_687 = vector.broadcast %sub3A_686 : f32 to vector<16xf32>
      %sub3A_688 = arith.subf %sub3A_687, %mul3A_680 : vector<16xf32>
      %sub3A_689 = arith.constant 1.500000e+00 : f32
      %sub3A_690 = vector.broadcast %sub3A_689 : f32 to vector<16xf32>
      %sub3A_691 = arith.subf %sub3A_690, %mul3A_681 : vector<16xf32>
      %sub3A_692 = arith.constant 1.500000e+00 : f32
      %sub3A_693 = vector.broadcast %sub3A_692 : f32 to vector<16xf32>
      %sub3A_694 = arith.subf %sub3A_693, %mul3A_682 : vector<16xf32>
      %mul3A_695 = arith.mulf %mul3A_671, %sub3A_685 : vector<16xf32>
      %mul3A_696 = arith.mulf %mul3A_672, %sub3A_688 : vector<16xf32>
      %mul3A_697 = arith.mulf %mul3A_673, %sub3A_691 : vector<16xf32>
      %mul3A_698 = arith.mulf %mul3A_674, %sub3A_694 : vector<16xf32>
      %mul3A_699 = arith.mulf %get3A_460, %mul3A_695 : vector<16xf32>
      %swap3A = arith.index_cast %scan3A_457 : i32 to index
      %swap3A_700 = arith.constant 0 : index
      %swap3A_701 = tpu.vector_load %arg13[%swap3A, %swap3A_700] {strides = array<i32>} : memref<16x384xf32, #tpu.memory_space<vmem>>, vector<16xf32>,
      tpu.vector_store %arg13[%swap3A, %swap3A_700], %mul3A_699 {strides = array<i32>} : memref<16x384xf32, #tpu.memory_space<vmem>>, vector<16xf32>,
      %mul3A_702 = arith.mulf %get3A_463, %mul3A_695 : vector<16xf32>
      %swap3A_703 = arith.index_cast %scan3A_457 : i32 to index
      %swap3A_704 = arith.constant 16 : index
      %swap3A_705 = tpu.vector_load %arg13[%swap3A_703, %swap3A_704] {strides = array<i32>} : memref<16x384xf32, #tpu.memory_space<vmem>>, vector<16xf32>,
      tpu.vector_store %arg13[%swap3A_703, %swap3A_704], %mul3A_702 {strides = array<i32>} : memref<16x384xf32, #tpu.memory_space<vmem>>, vector<16xf32>,
      %mul3A_706 = arith.mulf %get3A_466, %mul3A_695 : vector<16xf32>
      %swap3A_707 = arith.index_cast %scan3A_457 : i32 to index
      %swap3A_708 = arith.constant 32 : index
      %swap3A_709 = tpu.vector_load %arg13[%swap3A_707, %swap3A_708] {strides = array<i32>} : memref<16x384xf32, #tpu.memory_space<vmem>>, vector<16xf32>,
      tpu.vector_store %arg13[%swap3A_707, %swap3A_708], %mul3A_706 {strides = array<i32>} : memref<16x384xf32, #tpu.memory_space<vmem>>, vector<16xf32>,
      %mul3A_710 = arith.mulf %get3A_469, %mul3A_695 : vector<16xf32>
      %swap3A_711 = arith.index_cast %scan3A_457 : i32 to index
      %swap3A_712 = arith.constant 48 : index
      %swap3A_713 = tpu.vector_load %arg13[%swap3A_711, %swap3A_712] {strides = array<i32>} : memref<16x384xf32, #tpu.memory_space<vmem>>, vector<16xf32>,
      tpu.vector_store %arg13[%swap3A_711, %swap3A_712], %mul3A_710 {strides = array<i32>} : memref<16x384xf32, #tpu.memory_space<vmem>>, vector<16xf32>,
      %mul3A_714 = arith.mulf %get3A_472, %mul3A_696 : vector<16xf32>
      %swap3A_715 = arith.index_cast %scan3A_457 : i32 to index
      %swap3A_716 = arith.constant 64 : index
      %swap3A_717 = tpu.vector_load %arg13[%swap3A_715, %swap3A_716] {strides = array<i32>} : memref<16x384xf32, #tpu.memory_space<vmem>>, vector<16xf32>,
      tpu.vector_store %arg13[%swap3A_715, %swap3A_716], %mul3A_714 {strides = array<i32>} : memref<16x384xf32, #tpu.memory_space<vmem>>, vector<16xf32>,
      %mul3A_718 = arith.mulf %get3A_475, %mul3A_696 : vector<16xf32>
      %swap3A_719 = arith.index_cast %scan3A_457 : i32 to index
      %swap3A_720 = arith.constant 80 : index
      %swap3A_721 = tpu.vector_load %arg13[%swap3A_719, %swap3A_720] {strides = array<i32>} : memref<16x384xf32, #tpu.memory_space<vmem>>, vector<16xf32>,
      tpu.vector_store %arg13[%swap3A_719, %swap3A_720], %mul3A_718 {strides = array<i32>} : memref<16x384xf32, #tpu.memory_space<vmem>>, vector<16xf32>,
      %mul3A_722 = arith.mulf %get3A_478, %mul3A_696 : vector<16xf32>
      %swap3A_723 = arith.index_cast %scan3A_457 : i32 to index
      %swap3A_724 = arith.constant 96 : index
      %swap3A_725 = tpu.vector_load %arg13[%swap3A_723, %swap3A_724] {strides = array<i32>} : memref<16x384xf32, #tpu.memory_space<vmem>>, vector<16xf32>,
      tpu.vector_store %arg13[%swap3A_723, %swap3A_724], %mul3A_722 {strides = array<i32>} : memref<16x384xf32, #tpu.memory_space<vmem>>, vector<16xf32>,
      %mul3A_726 = arith.mulf %get3A_481, %mul3A_696 : vector<16xf32>
      %swap3A_727 = arith.index_cast %scan3A_457 : i32 to index
      %swap3A_728 = arith.constant 112 : index
      %swap3A_729 = tpu.vector_load %arg13[%swap3A_727, %swap3A_728] {strides = array<i32>} : memref<16x384xf32, #tpu.memory_space<vmem>>, vector<16xf32>,
      tpu.vector_store %arg13[%swap3A_727, %swap3A_728], %mul3A_726 {strides = array<i32>} : memref<16x384xf32, #tpu.memory_space<vmem>>, vector<16xf32>,
      %mul3A_730 = arith.mulf %get3A_484, %mul3A_697 : vector<16xf32>
      %swap3A_731 = arith.index_cast %scan3A_457 : i32 to index
      %swap3A_732 = arith.constant 128 : index
      %swap3A_733 = tpu.vector_load %arg13[%swap3A_731, %swap3A_732] {strides = array<i32>} : memref<16x384xf32, #tpu.memory_space<vmem>>, vector<16xf32>,
      tpu.vector_store %arg13[%swap3A_731, %swap3A_732], %mul3A_730 {strides = array<i32>} : memref<16x384xf32, #tpu.memory_space<vmem>>, vector<16xf32>,
      %swap3A_734 = arith.index_cast %scan3A_457 : i32 to index
      %swap3A_735 = arith.constant 256 : index
      %swap3A_736 = tpu.vector_load %arg13[%swap3A_734, %swap3A_735] {strides = array<i32>} : memref<16x384xf32, #tpu.memory_space<vmem>>, vector<16xf32>,
      tpu.vector_store %arg13[%swap3A_734, %swap3A_735], %mul3A_730 {strides = array<i32>} : memref<16x384xf32, #tpu.memory_space<vmem>>, vector<16xf32>,
      %mul3A_737 = arith.mulf %get3A_487, %mul3A_697 : vector<16xf32>
      %swap3A_738 = arith.index_cast %scan3A_457 : i32 to index
      %swap3A_739 = arith.constant 144 : index
      %swap3A_740 = tpu.vector_load %arg13[%swap3A_738, %swap3A_739] {strides = array<i32>} : memref<16x384xf32, #tpu.memory_space<vmem>>, vector<16xf32>,
      tpu.vector_store %arg13[%swap3A_738, %swap3A_739], %mul3A_737 {strides = array<i32>} : memref<16x384xf32, #tpu.memory_space<vmem>>, vector<16xf32>,
      %swap3A_741 = arith.index_cast %scan3A_457 : i32 to index
      %swap3A_742 = arith.constant 272 : index
      %swap3A_743 = tpu.vector_load %arg13[%swap3A_741, %swap3A_742] {strides = array<i32>} : memref<16x384xf32, #tpu.memory_space<vmem>>, vector<16xf32>,
      tpu.vector_store %arg13[%swap3A_741, %swap3A_742], %mul3A_737 {strides = array<i32>} : memref<16x384xf32, #tpu.memory_space<vmem>>, vector<16xf32>,
      %mul3A_744 = arith.mulf %get3A_490, %mul3A_697 : vector<16xf32>
      %swap3A_745 = arith.index_cast %scan3A_457 : i32 to index
      %swap3A_746 = arith.constant 160 : index
      %swap3A_747 = tpu.vector_load %arg13[%swap3A_745, %swap3A_746] {strides = array<i32>} : memref<16x384xf32, #tpu.memory_space<vmem>>, vector<16xf32>,
      tpu.vector_store %arg13[%swap3A_745, %swap3A_746], %mul3A_744 {strides = array<i32>} : memref<16x384xf32, #tpu.memory_space<vmem>>, vector<16xf32>,
      %swap3A_748 = arith.index_cast %scan3A_457 : i32 to index
      %swap3A_749 = arith.constant 288 : index
      %swap3A_750 = tpu.vector_load %arg13[%swap3A_748, %swap3A_749] {strides = array<i32>} : memref<16x384xf32, #tpu.memory_space<vmem>>, vector<16xf32>,
      tpu.vector_store %arg13[%swap3A_748, %swap3A_749], %mul3A_744 {strides = array<i32>} : memref<16x384xf32, #tpu.memory_space<vmem>>, vector<16xf32>,
      %mul3A_751 = arith.mulf %get3A_493, %mul3A_697 : vector<16xf32>
      %swap3A_752 = arith.index_cast %scan3A_457 : i32 to index
      %swap3A_753 = arith.constant 176 : index
      %swap3A_754 = tpu.vector_load %arg13[%swap3A_752, %swap3A_753] {strides = array<i32>} : memref<16x384xf32, #tpu.memory_space<vmem>>, vector<16xf32>,
      tpu.vector_store %arg13[%swap3A_752, %swap3A_753], %mul3A_751 {strides = array<i32>} : memref<16x384xf32, #tpu.memory_space<vmem>>, vector<16xf32>,
      %swap3A_755 = arith.index_cast %scan3A_457 : i32 to index
      %swap3A_756 = arith.constant 304 : index
      %swap3A_757 = tpu.vector_load %arg13[%swap3A_755, %swap3A_756] {strides = array<i32>} : memref<16x384xf32, #tpu.memory_space<vmem>>, vector<16xf32>,
      tpu.vector_store %arg13[%swap3A_755, %swap3A_756], %mul3A_751 {strides = array<i32>} : memref<16x384xf32, #tpu.memory_space<vmem>>, vector<16xf32>,
      %mul3A_758 = arith.mulf %get3A_496, %mul3A_698 : vector<16xf32>
      %swap3A_759 = arith.index_cast %scan3A_457 : i32 to index
      %swap3A_760 = arith.constant 192 : index
      %swap3A_761 = tpu.vector_load %arg13[%swap3A_759, %swap3A_760] {strides = array<i32>} : memref<16x384xf32, #tpu.memory_space<vmem>>, vector<16xf32>,
      tpu.vector_store %arg13[%swap3A_759, %swap3A_760], %mul3A_758 {strides = array<i32>} : memref<16x384xf32, #tpu.memory_space<vmem>>, vector<16xf32>,
      %swap3A_762 = arith.index_cast %scan3A_457 : i32 to index
      %swap3A_763 = arith.constant 320 : index
      %swap3A_764 = tpu.vector_load %arg13[%swap3A_762, %swap3A_763] {strides = array<i32>} : memref<16x384xf32, #tpu.memory_space<vmem>>, vector<16xf32>,
      tpu.vector_store %arg13[%swap3A_762, %swap3A_763], %mul3A_758 {strides = array<i32>} : memref<16x384xf32, #tpu.memory_space<vmem>>, vector<16xf32>,
      %mul3A_765 = arith.mulf %get3A_499, %mul3A_698 : vector<16xf32>
      %swap3A_766 = arith.index_cast %scan3A_457 : i32 to index
      %swap3A_767 = arith.constant 208 : index
      %swap3A_768 = tpu.vector_load %arg13[%swap3A_766, %swap3A_767] {strides = array<i32>} : memref<16x384xf32, #tpu.memory_space<vmem>>, vector<16xf32>,
      tpu.vector_store %arg13[%swap3A_766, %swap3A_767], %mul3A_765 {strides = array<i32>} : memref<16x384xf32, #tpu.memory_space<vmem>>, vector<16xf32>,
      %swap3A_769 = arith.index_cast %scan3A_457 : i32 to index
      %swap3A_770 = arith.constant 336 : index
      %swap3A_771 = tpu.vector_load %arg13[%swap3A_769, %swap3A_770] {strides = array<i32>} : memref<16x384xf32, #tpu.memory_space<vmem>>, vector<16xf32>,
      tpu.vector_store %arg13[%swap3A_769, %swap3A_770], %mul3A_765 {strides = array<i32>} : memref<16x384xf32, #tpu.memory_space<vmem>>, vector<16xf32>,
      %mul3A_772 = arith.mulf %get3A_502, %mul3A_698 : vector<16xf32>
      %swap3A_773 = arith.index_cast %scan3A_457 : i32 to index
      %swap3A_774 = arith.constant 224 : index
      %swap3A_775 = tpu.vector_load %arg13[%swap3A_773, %swap3A_774] {strides = array<i32>} : memref<16x384xf32, #tpu.memory_space<vmem>>, vector<16xf32>,
      tpu.vector_store %arg13[%swap3A_773, %swap3A_774], %mul3A_772 {strides = array<i32>} : memref<16x384xf32, #tpu.memory_space<vmem>>, vector<16xf32>,
      %swap3A_776 = arith.index_cast %scan3A_457 : i32 to index
      %swap3A_777 = arith.constant 352 : index
      %swap3A_778 = tpu.vector_load %arg13[%swap3A_776, %swap3A_777] {strides = array<i32>} : memref<16x384xf32, #tpu.memory_space<vmem>>, vector<16xf32>,
      tpu.vector_store %arg13[%swap3A_776, %swap3A_777], %mul3A_772 {strides = array<i32>} : memref<16x384xf32, #tpu.memory_space<vmem>>, vector<16xf32>,
      %mul3A_779 = arith.mulf %get3A_505, %mul3A_698 : vector<16xf32>
      %swap3A_780 = arith.index_cast %scan3A_457 : i32 to index
      %swap3A_781 = arith.constant 240 : index
      %swap3A_782 = tpu.vector_load %arg13[%swap3A_780, %swap3A_781] {strides = array<i32>} : memref<16x384xf32, #tpu.memory_space<vmem>>, vector<16xf32>,
      tpu.vector_store %arg13[%swap3A_780, %swap3A_781], %mul3A_779 {strides = array<i32>} : memref<16x384xf32, #tpu.memory_space<vmem>>, vector<16xf32>,
      %swap3A_783 = arith.index_cast %scan3A_457 : i32 to index
      %swap3A_784 = arith.constant 368 : index
      %swap3A_785 = tpu.vector_load %arg13[%swap3A_783, %swap3A_784] {strides = array<i32>} : memref<16x384xf32, #tpu.memory_space<vmem>>, vector<16xf32>,
      tpu.vector_store %arg13[%swap3A_783, %swap3A_784], %mul3A_779 {strides = array<i32>} : memref<16x384xf32, #tpu.memory_space<vmem>>, vector<16xf32>,
    }
    %scan3A_444 = arith.constant 16 : i32
    "tpu.trace_stop"() : () -> ()
    %dma_start3A_445 = arith.constant 0 : i32
    %dma_start3A_446 = tpu.memref_slice %arg4[%add3A_425, %dma_start3A_445] : memref<4096x384xf32, #tpu.memory_space<hbm>> -> memref<16x384xf32, #tpu.memory_space<hbm>>
    %dma_start3A_447 = arith.constant 0 : i32
    %dma_start3A_448 = tpu.memref_slice %arg4[%add3A_425, %dma_start3A_447] : memref<4096x384xf32, #tpu.memory_space<hbm>> -> memref<16x384xf32, #tpu.memory_space<hbm>>
    tpu.enqueue_dma source(%arg13 : memref<16x384xf32, #tpu.memory_space<vmem>>) target(%dma_start3A_448 : memref<16x384xf32, #tpu.memory_space<hbm>>) target_semaphore(%arg19 : memref<!tpu.dma_semaphore, #tpu.memory_space<semaphore_mem>>)
    "tpu.trace_start"() <{level = 10 : i32, message = "p_drain"}> : () -> ()
    %dma_wait3A_449 = arith.constant 0 : i32
    %dma_wait3A_450 = tpu.memref_slice %arg4[%add3A_400, %dma_wait3A_449] : memref<4096x384xf32, #tpu.memory_space<hbm>> -> memref<16x384xf32, #tpu.memory_space<hbm>>
    %dma_wait3A_451 = arith.constant 0 : i32
    %dma_wait3A_452 = tpu.memref_slice %arg4[%add3A_400, %dma_wait3A_451] : memref<4096x384xf32, #tpu.memory_space<hbm>> -> memref<16x384xf32, #tpu.memory_space<hbm>>
    tpu.wait_dma2 semaphore(%arg18 : memref<!tpu.dma_semaphore, #tpu.memory_space<semaphore_mem>>) src(%arg12 : memref<16x384xf32, #tpu.memory_space<vmem>>) dst(%dma_wait3A_452 : memref<16x384xf32, #tpu.memory_space<hbm>>)
    %dma_wait3A_453 = arith.constant 0 : i32
    %dma_wait3A_454 = tpu.memref_slice %arg4[%add3A_425, %dma_wait3A_453] : memref<4096x384xf32, #tpu.memory_space<hbm>> -> memref<16x384xf32, #tpu.memory_space<hbm>>
    %dma_wait3A_455 = arith.constant 0 : i32
    %dma_wait3A_456 = tpu.memref_slice %arg4[%add3A_425, %dma_wait3A_455] : memref<4096x384xf32, #tpu.memory_space<hbm>> -> memref<16x384xf32, #tpu.memory_space<hbm>>
    tpu.wait_dma2 semaphore(%arg19 : memref<!tpu.dma_semaphore, #tpu.memory_space<semaphore_mem>>) src(%arg13 : memref<16x384xf32, #tpu.memory_space<vmem>>) dst(%dma_wait3A_456 : memref<16x384xf32, #tpu.memory_space<hbm>>)
    "tpu.trace_stop"() : () -> ()
    return
  }
}

</mosaic_0001>

<sc_bundles>
// kernel: _sc_call.3.cloned.1.call-start
scs
__scs_entry_jumppad:
0x0: {  	(pc) =	sbr.rel $0x88, $3  }
0x1: {  	(tag) =	ssettag $0x0;
	lr =	simm.s32 $0x1  }
0x2: {  	[smem:$0x3F9F] =	sst lr;
	_ =	strace $0xD0000000  }
0x3: {  	_ = 	snop  }
0x4: {  	_ = 	snop  }
0x5: {  	_ = 	snop  }
0x6: {  	_ = 	snop  }
0x7: {  	_ = 	snop  }
__scs_overlays_trampoline_lowered:
0x8: {  	[smem:$0x3FAE] =	sst s0  }
0x9: {  	[smem:$0x3FAF] =	sst s1  }
0xa: {  	[smem:$0x3FB0] =	sst s2  }
0xb: {  	[smem:$0x3FB1] =	sst s3  }
0xc: {  	[smem:$0x3FB2] =	sst s4  }
0xd: {  	[smem:$0x3FB3] =	sst s5  }
0xe: {  	[smem:$0x3FB4] =	sst s6  }
0xf: {  	[smem:$0x3FB5] =	sst s7  }
0x10: {  	[smem:$0x3FB6] =	sst s8  }
0x11: {  	[smem:$0x3FB7] =	sst s9;
	s0 =	simm.s32 @!p0 $0x0  }
0x12: {  	s1 =	sld [smem:$0x3F9D];
	s0 =	simm.s32 @p0 $0x1  }
0x13: {  	[smem:$0x3FB8] =	sst s0;
	s0 =	simm.s32 @!p1 $0x0  }
0x14: {  	s2 =	sld [smem:$0x3F9C];
	s0 =	simm.s32 @p1 $0x1  }
0x15: {  	[smem:$0x3FB9] =	sst s0;
	s0 =	simm.s32 @!p2 $0x0  }
0x16: {  	s3 =	sld [smem:$0x3FDB];
	s0 =	simm.s32 @p2 $0x1  }
0x17: {  	s4 =	simm.s32 $0x1BF5;
	[smem:$0x3FBB] =	sst s0  }
0x18: {  	s0 =	sld [smem:$0x3F9E];
	_ =	swait.ge [sflag:s4], $0x0  }
0x19: {  	s7 =	sld [smem:$0x3F9F]  }
0x1a: {  	s8 =	sadd.s32 $0xFFFFE003, lr  }
0x1b: {  	s9 =	sadd.s32 $0xFFFFFEF7, lr;
	s5 =	simm.s32 $0xFFFFFFFF;
	p2 =	slt.u32 s8, $0xFFFFF086  }
0x1c: {  	p1 =	slt.u32 s9, $0xF7A;
	s5 =	simm.s32 @!p2 $0x0  }
0x1d: {  	s5 =	simm.s32 @p1 $0x1;
	p0 =	seq.s32 s7, s2  }
0x1e: {  	s7 =	smul.u32 @!p0 $0xF7A, s2;
	p2 =	seq.s32 @!p0 s5, $0x0  }
0x1f: {  	s9 =	smul.u32 $0xF7A, s1;
	s8 =	simm.s32 @!p0 $0x1BF5;
	p2 =	por !p2, p0  }
0x20: {  	[sflag:s8] =	ssyncset.s32 @!p0 $0xFFFFF086;
	s6 =	sadd.s32 @!p0 s3, s7;
	s7 =	simm.s32 @!p0 $0x108  }
0x21: {  	s3 =	sadd.s32 s3, s9;
	s6 =	sadd.s32 @!p0 $0x88, s6;
	s7 =	simm.s32 @p2 $0x1082  }
0x22: {  	[simem:s7], [sflag:s8] =	dma.local @!p0 [hbm:s6], $0xF7A  }
0x23: {  	s9 =	sor.u32 $0xD0000000, s2;
	s6 =	simm.s32 $0x108;
	_ =	swait.ge @!p0 [sflag:s8], $0x0  }
0x24: {  	s3 =	sadd.s32 $0x88, s3;
	s6 =	simm.s32 @!p1 $0x1082;
	[sflag:s4] =	ssyncset.s32 $0xFFFFF086  }
0x25: {  	[simem:s6], [sflag:s4] =	dma.local [hbm:s3], $0xF7A  }
0x26: {  	[smem:$0x3F9F] =	sst s1;
	(tag) =	ssettag s2;
	_ =	strace s9  }
0x27: {  	s1 =	sld [smem:$0x3FAF]  }
0x28: {  	s2 =	sld [smem:$0x3FB0]  }
0x29: {  	s4 =	sld [smem:$0x3FB2]  }
0x2a: {  	p0 =	seq.s32 s5, $0x0;
	s5 =	sld [smem:$0x3FB3]  }
0x2b: {  	s6 =	sld [smem:$0x3FB4]  }
0x2c: {  	s7 =	sld [smem:$0x3FB5]  }
0x2d: {  	s3 =	simm.s32 $0x108;
	s8 =	sld [smem:$0x3FB6]  }
0x2e: {  	s3 =	simm.s32 @!p0 $0x1082;
	s9 =	sld [smem:$0x3FB7]  }
0x2f: {  	lr =	sadd.s32 s0, s3;
	s0 =	sld [smem:$0x3FAE]  }
0x30: {  	s3 =	sld [smem:$0x3FB1]  }
0x31: {  	[smem:$0x3FBA] =	sst s10  }
0x32: {  	s10 =	sld [smem:$0x3FB8];
	_ =	sdelay $0x3  }
0x33: {  	p0 =	seq.s32 s10, $0x1;
	s10 =	sld [smem:$0x3FBA];
	_ =	sdelay $0x3  }
0x34: {  	[smem:$0x3FBA] =	sst s10  }
0x35: {  	s10 =	sld [smem:$0x3FB9];
	_ =	sdelay $0x3  }
0x36: {  	p1 =	seq.s32 s10, $0x1;
	s10 =	sld [smem:$0x3FBA];
	_ =	sdelay $0x3  }
0x37: {  	[smem:$0x3FBA] =	sst s10  }
0x38: {  	s10 =	sld [smem:$0x3FBB]  }
0x39: {  	_ = 	snop;
	(pc) =	sbr.ind lr, $3  }
0x3a: {  	_ = 	snop  }
0x3b: {  	_ = 	snop  }
0x3c: {  	p2 =	seq.s32 s10, $0x1;
	s10 =	sld [smem:$0x3FBA]  }
0x3d: {  	_ =	shalt  }
0x3e: {  	_ =	shalt  }
0x3f: {  	_ =	shalt  }
0x40: {  	_ =	shalt  }
0x41: {  	_ =	shalt  }
0x42: {  	_ =	shalt  }
0x43: {  	_ =	shalt  }
0x44: {  	_ =	shalt  }
0x45: {  	_ =	shalt  }
0x46: {  	_ =	shalt  }
0x47: {  	_ =	shalt  }
0x48: {  	_ =	shalt  }
0x49: {  	_ =	shalt  }
0x4a: {  	_ =	shalt  }
0x4b: {  	_ =	shalt  }
0x4c: {  	_ =	shalt  }
0x4d: {  	_ =	shalt  }
0x4e: {  	_ =	shalt  }
0x4f: {  	_ =	shalt  }
0x50: {  	_ =	shalt  }
0x51: {  	_ =	shalt  }
0x52: {  	_ =	shalt  }
0x53: {  	_ =	shalt  }
0x54: {  	_ =	shalt  }
0x55: {  	_ =	shalt  }
0x56: {  	_ =	shalt  }
0x57: {  	_ =	shalt  }
0x58: {  	_ =	shalt  }
0x59: {  	_ =	shalt  }
0x5a: {  	_ =	shalt  }
0x5b: {  	_ =	shalt  }
0x5c: {  	_ =	shalt  }
0x5d: {  	_ =	shalt  }
0x5e: {  	_ =	shalt  }
0x5f: {  	_ =	shalt  }
0x60: {  	_ =	shalt  }
0x61: {  	_ =	shalt  }
0x62: {  	_ =	shalt  }
0x63: {  	_ =	shalt  }
0x64: {  	_ =	shalt  }
0x65: {  	_ =	shalt  }
0x66: {  	_ =	shalt  }
0x67: {  	_ =	shalt  }
0x68: {  	_ =	shalt  }
0x69: {  	_ =	shalt  }
0x6a: {  	_ =	shalt  }
0x6b: {  	_ =	shalt  }
0x6c: {  	_ =	shalt  }
0x6d: {  	_ =	shalt  }
0x6e: {  	_ =	shalt  }
0x6f: {  	_ =	shalt  }
0x70: {  	_ =	shalt  }
0x71: {  	_ =	shalt  }
0x72: {  	_ =	shalt  }
0x73: {  	_ =	shalt  }
0x74: {  	_ =	shalt  }
0x75: {  	_ =	shalt  }
0x76: {  	_ =	shalt  }
0x77: {  	_ =	shalt  }
0x78: {  	_ =	shalt  }
0x79: {  	_ =	shalt  }
0x7a: {  	_ =	shalt  }
0x7b: {  	_ =	shalt  }
0x7c: {  	_ =	shalt  }
0x7d: {  	_ =	shalt  }
0x7e: {  	_ =	shalt  }
0x7f: {  	_ =	shalt  }
0x80: {  	_ =	shalt  }
0x81: {  	_ =	shalt  }
0x82: {  	_ =	shalt  }
0x83: {  	_ =	shalt  }
0x84: {  	_ =	shalt  }
0x85: {  	_ =	shalt  }
0x86: {  	_ =	shalt  }
0x87: {  	_ =	shalt  }
.Lfunc_end0:
.L_simem_size_0:
called_computation_lowered:
.L_overlay_start_0:
0x88: {  	s2 =	sld [smem:$0x3FD9]  }
0x89: {  	s3 =	sld [smem:$0x3FFE];
	_ =	sdelay $0x1  }
0x8a: {  	s1 =	srdreg.scid  }
0x8b: {  	s0 =	sand.u32 $0x1, s1  }
0x8c: {  	s18 =	sshll.u32 s0, $0xA;
	s2 =	sadd.s32 s3, s2  }
0x8d: {  	s2 =	sadd.s32 s2, s18  }
0x8e: {  	[smem:$0x3FC6] =	sst s2  }
0x8f: {  	_ = 	snop  }
0x90: {  	s2 =	sld [smem:$0x3FC9]  }
0x91: {  	s19 =	sld [smem:$0x3FC8]  }
0x92: {  	s4 =	sld [smem:$0x3FD0];
	(tm) =	ssettm $0x1  }
0x93: {  	s5 =	sld [smem:$0x3FFB];
	_ =	sdelay $0x3  }
0x94: {  	_ =	strace s5  }
0x95: {  	s5 =	sld [smem:$0x3FFC];
	_ =	sdelay $0x3  }
0x96: {  	_ =	strace s5  }
0x97: {  	s5 =	sld [smem:$0x3FFD];
	_ =	sdelay $0x3  }
0x98: {  	_ =	strace s5  }
0x99: {  	_ =	strace $0x8FFFFFFF  }
0x9a: {  	s20 =	sld [smem:$0x3FDB];
	_ =	sdelay $0x1  }
0x9b: {  	s6 =	simm.s32 $_scs_section_size  }
0x9c: {  	s7 =	simm.s32 $_size__tile_overlayer_lowered;
	s8 =	simm.s32 $_tile_overlayer_lowered  }
0x9d: {  	s23 =	simm.s32 $0x1BFF;
	s22 =	sshll.u32 s8, $0x1;
	s5 =	sadd.s32 s6, s20  }
0x9e: {  	s9 =	simm.s32 $0x0;
	s21 =	sshll.u32 s7, $0x1;
	s7 =	sadd.s32 s22, s5  }
0x9f: {  	[timem:s9], [sflag:s23] =	dma.local [hbm:s7], s21  }
0xa0: {  	_ =	swait.ge [sflag:s23], s21  }
0xa1: {  	s6 =	ssub.s32 $0x0, s21;
	[sflag:s23] =	ssyncset.done $0x0  }
0xa2: {  	[sflag:s23] =	ssyncadd.s32 s6;
	_ =	sdelay $0x1  }
0xa3: {  	s24 =	simm.s32 $0x1B8B  }
0xa4: {  	_ =	swait.ge [sflag:s24], $0x1  }
0xa5: {  	[sflag:s24] =	ssyncset.done $0x0  }
0xa6: {  	s25 =	simm.s32 $0x1B8E;
	[sflag:s24] =	ssyncadd.s32 $0xFFFFFFFF  }
0xa7: {  	s26 =	simm.s32 $execute0_lowered;
	[smem:$0x3FD2] =	sst s25  }
0xa8: {  	s6 =	sshll.u32 s26, $0x1;
	_ =	strace $0x80000046;
	[dreg:$0x1] =	wrdreg $0xFFFFFFFF  }
0xa9: {  	s28 =	simm.s32 $_size_execute0_lowered;
	s5 =	sadd.s32 s5, s6;
	[dreg:$0x0] =	wrdreg $0x0  }
0xaa: {  	s6 =	sshll.u32 s28, $0x1;
	[dreg:$0x2] =	wrdreg s5  }
0xab: {  	[dreg:$0x3] =	wrdreg s6  }
0xac: {  	[dreg:$0x4] =	wrdreg $0xC0  }
0xad: {  	_ =	task [dreg:s9], $0x5FFFF  }
0xae: {  	[dreg:$0x1] =	wrdreg $0xFFFFFFFF  }
0xaf: {  	[dreg:$0x0] =	wrdreg $0x60  }
0xb0: {  	[dreg:$0x2] =	wrdreg s2  }
0xb1: {  	[dreg:$0x3] =	wrdreg s19  }
0xb2: {  	[dreg:$0x4] =	wrdreg s4  }
0xb3: {  	[dreg:$0x5] =	wrdreg $0x9  }
0xb4: {  	_ =	task.clear_ibuf [dreg:s9], $0x6FFFF;
	_ =	strace $0x90000046  }
0xb5: {  	s29 =	simm.s32 $0x9;
	_ =	strace $0x8000005C  }
0xb6: {  	_ =	swait.ge [sflag:s29], $0x1  }
0xb7: {  	[sflag:s29] =	ssyncadd.s32 $0xFFFFFFFF  }
0xb8: {  	_ =	strace $0x9000005C  }
0xb9: {  	_ =	sfence  }
0xba: {  	s30 =	sld [smem:$0x0];
	_ =	sdelay $0x2  }
0xbb: {  	s31 =	sshll.u32 s1, $0xD;
	s1 =	sshrl.u32 s1, $0x2  }
0xbc: {  	s3 =	sand.u32 $0x4000, s31;
	s1 =	sadd.s32 s1, s30  }
0xbd: {  	s0 =	sor.u32 s3, s0;
	s1 =	sshll.u32 s1, $0x11  }
0xbe: {  	s0 =	sor.u32 s1, s0  }
0xbf: {  	s0 =	sadd.s32 $0x8F2B, s0  }
0xc0: {  	[sflag:s0] =	ssyncadd.remote.s32 $0x1  }
0xc1: {  	_ =	sfence.sel $0xFFFF  }
0xc2: {  	[dreg:$0x0] =	wrdreg $0xFFFFFFFF;
	(pc) =	sbr.abs _section_cstart, $3  }
0xc3: {  	[dreg:$0x1] =	wrdreg $0xFFFFFFFF  }
0xc4: {  	_ =	task.clear_ibuf [dreg:s9], $0x2FFFF;
	_ =	strace $0x9FFFFFFF  }
0xc5: {  	(tm) =	ssettm $0x7FFFFFFF  }
tec
execute0_lowered:
.L_overlay_start_1:
0x0: {  	(tag) =	ssettag $0x1  }
0x1: {  	s1 =	rddreg [dreg:$0x0]  }
0x2: {  	s16 =	rddreg [dreg:$0x1]  }
0x3: {  	s0 =	rddreg [dreg:$0x2];
	s4 =	simm.s32 $0x0  }
0x4: {  	s2 =	srdreg.scid;
	s5 =	stileid.u32;
	s28 =	simm.s32 $0x19F80  }
0x5: {  	s29 =	simm.s32 $0x8;
	s30 =	simm.s32 $0x9;
	s31 =	simm.s32 $0xA  }
0x6: {  	[smem:$0x7FF] =	sst s4;
	s2 =	sand.u32 $0x1, s2;
	s5 =	sshll.u32 s5, $0x8  }
0x7: {  	s11 =	sadd.s32 $0x80, s16;
	s3 =	ssub.s32 $0x2, s2;
	s2 =	sshll.u32 s2, $0x7  }
0x8: {  	_ =	strace $0x80000047;
	s6 =	sshrl.u32 s3, $0x1;
	s5 =	sor.u32 s2, s5  }
0x9: {  	s2 =	ssub.s32 s3, s6;
	s20 =	sshrl.u32 s5, $0x3;
	s21 =	sshll.u32 s5, $0x4  }
0xa: {  	s6 =	sadd.s32 s1, s21;
	s22 =	sor.u32 $0x2, s20;
	s7 =	smul.u32 $0x180, s20  }
0xb: {  	s9 =	sor.u32 $0x4, s20;
	[dreg:$0x4] =	wrdreg s6;
	s6 =	smul.u32 $0x180, s22  }
0xc: {  	s13 =	sadd.s32 $0x100, s16;
	s23 =	sor.u32 $0x6, s20;
	s10 =	smul.u32 $0x180, s9  }
0xd: {  	[dreg:$0x6] =	wrdreg s11;
	s24 =	sor.u32 $0x8, s20;
	s12 =	smul.u32 $0x180, s23  }
0xe: {  	[dreg:$0x7] =	wrdreg s13;
	s25 =	sor.u32 $0xA, s20;
	s14 =	smul.u32 $0x180, s24  }
0xf: {  	s11 =	simm.s32 $0x4;
	s3 =	sor.u32 $0xE, s20;
	s15 =	smul.u32 $0x180, s25  }
0x10: {  	s13 =	simm.s32 $0x5;
	s8 =	sshll.u32 s22, $0x7;
	s17 =	smul.u32 $0x180, s3  }
0x11: {  	s21 =	sshll.u32 s9, $0x7;
	s22 =	sshll.u32 s23, $0x7;
	s23 =	sshll.u32 s24, $0x7  }
0x12: {  	v0 =	vimm.s32 $0xFEDCBA9;
	s25 =	sshll.u32 s25, $0x7;
	s3 =	sshll.u32 s3, $0x7;
	s8 =	sadd.s32 s1, s8  }
0x13: {  	v1 =	vimm.s32 $0x87654321;
	v2 =	vimm.s32 $0xEFCDAB89;
	s9 =	simm.s32 $0x1B780;
	s7 =	sadd.s32 s0, s7;
	[dreg:$0x5] =	wrdreg s8  }
0x14: {  	v3 =	vimm.s32 $0x67452301;
	v0 =	vunpack.c.l.s4.s8 v0;
	v1 =	vunpack.c.l.s4.s8 v1;
	s24 =	sadd.s32 s1, s23;
	[dreg:$0x8] =	wrdreg s7;
	s7 =	sor.u32 $0xC, s20  }
0x15: {  	v2 =	vunpack.c.l.s4.s8 v2;
	v3 =	vunpack.c.l.s4.s8 v3;
	s6 =	sadd.s32 s0, s6;
	s10 =	sadd.s32 s0, s10;
	[dreg:$0x13] =	wrdreg s24  }
0x16: {  	v6 =	vimm.s32 $0x32107654;
	v4 =	vunpack.c.0.s8.s32 v0;
	v1 =	vunpack.c.0.s8.s32 v1;
	s12 =	sadd.s32 s0, s12;
	s18 =	sadd.s32 s0, s14;
	[dreg:$0x9] =	wrdreg s6  }
0x17: {  	v0 =	vimm.s32 $0xDCFE98BA;
	v2 =	vunpack.c.0.s8.s32 v2;
	v3 =	vunpack.c.0.s8.s32 v3;
	s19 =	sadd.s32 s0, s15;
	s20 =	sadd.s32 $0x180, s16;
	[dreg:$0xa] =	wrdreg s10  }
0x18: {  	v7 =	vimm.s32 $0xFEDCBA98;
	v8 =	vimm.s32 $0x76543210;
	v5 =	vunpack.c.l.s4.s8 v0;
	s24 =	sadd.s32 s1, s3;
	s3 =	simm.s32 $0x7;
	[dreg:$0xb] =	wrdreg s12  }
0x19: {  	v6 =	vunpack.c.l.s4.s8 v6;
	v1 =	vcombine.low v1, v4;
	v4 =	vcombine.low v3, v2;
	s8 =	simm.s32 $0x3;
	s26 =	smul.u32 $0x180, s7;
	[dreg:$0xc] =	wrdreg s18  }
0x1a: {  	v3 =	vimm.s32 $0x54761032;
	v2 =	vunpack.c.0.s8.s32 v5;
	v5 =	vimm.s32 $0xBA98FEDC;
	s14 =	simm.s32 $0x6;
	s15 =	simm.s32 $0x0;
	[dreg:$0xd] =	wrdreg s19  }
0x1b: {  	v7 =	vunpack.c.l.s4.s8 v7;
	v3 =	vunpack.c.l.s4.s8 v3;
	v5 =	vunpack.c.l.s4.s8 v5;
	[dreg:$0x10] =	wrdreg s20;
	s10 =	simm.s32 $0x2;
	s6 =	sadd.s32 s0, s26  }
0x1c: {  	v8 =	vunpack.c.l.s4.s8 v8;
	v6 =	vunpack.c.0.s8.s32 v6;
	s12 =	simm.s32 $0x1CF80;
	s0 =	sadd.s32 s0, s17;
	[dreg:$0xe] =	wrdreg s6  }
0x1d: {  	v7 =	vunpack.c.0.s8.s32 v7;
	v3 =	vunpack.c.0.s8.s32 v3;
	v5 =	vunpack.c.0.s8.s32 v5;
	s26 =	sshll.u32 s7, $0x7;
	s7 =	simm.s32 $0x1;
	[dreg:$0xf] =	wrdreg s0  }
0x1e: {  	vm0 =	vcmask $0x3F3C;
	v8 =	vunpack.c.0.s8.s32 v8;
	v0 =	vlaneseq.u32;
	s0 =	sadd.s32 s1, s21;
	s23 =	sadd.s32 s1, s26;
	s26 =	simm.s32 $0x19780  }
0x1f: {  	v7 =	vand.u32 $0xF, v7;
	v9 =	vcombine.low v3, v2;
	v6 =	vcombine.low v6, v5;
	s6 =	simm.s32 $0x1AF80;
	[dreg:$0x11] =	wrdreg s0;
	s0 =	sadd.s32 s1, s22  }
0x20: {  	v7 =	vcombine.low v7, v8;
	v4 =	vand.u32 $0xF, v4;
	v2 =	vand.u32 $0xF, v1;
	[dreg:$0x12] =	wrdreg s0;
	s0 =	sadd.s32 s1, s25;
	s25 =	smax.u32 s2, $0x1  }
0x21: {  	v3 =	vor.u32 $0x3F0, v0;
	v5 =	vand.u32 $0xF, v9;
	v6 =	vand.u32 $0xF, v6;
	s2 =	simm.s32 $0x1A780;
	[dreg:$0x14] =	wrdreg s0;
	s0 =	simm.s32 $0x10  }
.LBB2_1:
0x22: {  	s16 =	rddreg [dreg:$0x4]  }
0x23: {  	[tilespmem:s26], [sflag:$0x1] =	stream.linear.gather [hbm4b:s16+s4], $0x800, $0x38;
	[tilespmem:$0x1E780] =	vst v63  }
0x24: {  	s19 =	rddreg [dreg:$0x5]  }
0x25: {  	[tilespmem:s28], [sflag:$0x2] =	stream.linear.gather [hbm4b:s19+s4], $0x800, $0x38;
	[tilespmem:$0x1E780] =	vst v63  }
0x26: {  	_ =	strace $0x80000048  }
0x27: {  	s17 =	simm.s32 $0x18700;
	s20 =	rddreg [dreg:$0x1]  }
0x28: {  	[tilespmem:s17], [sflag:$0x7] =	stream.linear.gather [hbm4b:s20+s4], $0x400, $0x200038;
	[tilespmem:$0x1E780] =	vst v63  }
0x29: {  	s22 =	simm.s32 $0x18B00;
	s21 =	rddreg [dreg:$0x6]  }
0x2a: {  	[tilespmem:s22], [sflag:$0x8] =	stream.linear.gather [hbm4b:s21+s4], $0x400, $0x200038;
	[tilespmem:$0x1E780] =	vst v63  }
0x2b: {  	s19 =	simm.s32 $0x18F00;
	s18 =	rddreg [dreg:$0x7]  }
0x2c: {  	[tilespmem:s19], [sflag:$0x9] =	stream.linear.gather [hbm4b:s18+s4], $0x400, $0x200038;
	[tilespmem:$0x1E780] =	vst v63  }
0x2d: {  	s20 =	rddreg [dreg:$0x10];
	s21 =	simm.s32 $0x19300  }
0x2e: {  	[tilespmem:s21], [sflag:$0xA] =	stream.linear.gather [hbm4b:s20+s4], $0x400, $0x200038;
	[tilespmem:$0x1E780] =	vst v63  }
0x2f: {  	_ =	strace $0x90000048  }
0x30: {  	_ =	strace $0x80000049  }
0x31: {  	_ =	swait.ge [sflag:s3], $0x400  }
0x32: {  	[sflag:s3] =	ssyncset.done $0x0  }
0x33: {  	[sflag:s3] =	ssyncadd.s32 $0xFFFFFC00  }
0x34: {  	v8 =	vld [tilespmem:$0x18700];
	_ =	sdelay $0x4  }
0x35: {  	v8 =	vshll.u32 v8, $0xC  }
0x36: {  	v8 =	vor.u32 v0, v8  }
0x37: {  	(xrf1) =	vsort.ascd.msk.u32 $0xffff, v8, v8;
	_ =	sdelay $0xd  }
0x38: {  	v8, _, _ =	vpop (xrf1)  }
0x39: {  	_ =	swait.ge [sflag:s29], $0x400  }
0x3a: {  	[sflag:s29] =	ssyncset.done $0x0  }
0x3b: {  	s16 =	simm.s32 $0x18720;
	[sflag:s29] =	ssyncadd.s32 $0xFFFFFC00  }
0x3c: {  	v9 =	vld [tilespmem:s16+$0xFFFFFFF0];
	_ =	sdelay $0x4  }
0x3d: {  	s22 =	simm.s32 $0x10;
	v9 =	vshll.u32 v9, $0xC  }
0x3e: {  	v9 =	vadd.s32 s22, v9  }
0x3f: {  	v9 =	vadd.s32 v0, v9  }
0x40: {  	(xrf1) =	vsort.ascd.msk.u32 $0xffff, v9, v9;
	_ =	sdelay $0x3  }
0x41: {  	v9 =	vperm.xlane v8, v2;
	_ =	sdelay $0x1  }
0x42: {  	v10 =	vshra.s32 v8, $0xC;
	v9 =	vshra.s32 v9, $0xC  }
0x43: {  	vm1 =	vne.s32 v10, v9  }
0x44: {  	vm1 =	vmor vm1, vm0;
	_ =	sdelay $0x4  }
0x45: {  	v8 =	vand.u32 $0xFFF, v8  }
0x46: {  	[tilespmem:v10+s4+$0x0] =	vst.idx.msk vm1, v8;
	v10, _, _ =	vpop (xrf1)  }
0x47: {  	v11 =	vperm.xlane v10, v2;
	_ =	sdelay $0x1  }
0x48: {  	v9 =	vld [tilespmem:s16+$0x0];
	v8 =	vshra.s32 v10, $0xC;
	v11 =	vshra.s32 v11, $0xC  }
0x49: {  	vm1 =	vne.s32 v8, v11  }
0x4a: {  	vm1 =	vmor vm1, vm0;
	_ =	sdelay $0x2  }
0x4b: {  	s17 =	simm.s32 $0x20;
	v9 =	vshll.u32 v9, $0xC  }
0x4c: {  	v9 =	vadd.s32 s17, v9  }
0x4d: {  	s18 =	simm.s32 $0x1;
	v10 =	vand.u32 $0xFFF, v10;
	v9 =	vadd.s32 v0, v9  }
.LBB2_2:
0x4e: {  	s18 =	sadd.s32 $0x2, s18;
	[tilespmem:v8+s4+$0x0] =	vst.idx.msk vm1, v10;
	s16 =	sadd.s32 $0x20, s16;
	s17 =	sadd.s32 $0x20, s17;
	(xrf1) =	vsort.ascd.msk.u32 $0xffff, v9, v9  }
0x4f: {  	v8 =	vld [tilespmem:s16+$0xFFFFFFF0];
	p0 =	slt.u32 s18, $0x3D;
	_ =	sdelay $0x4  }
0x50: {  	s19 =	sadd.s32 $0xFFFFFFF0, s17;
	v8 =	vshll.u32 v8, $0xC  }
0x51: {  	v8 =	vadd.s32 s19, v8  }
0x52: {  	v8 =	vadd.s32 v0, v8  }
0x53: {  	(xrf1) =	vsort.ascd.msk.u32 $0xffff, v8, v8;
	_ =	sdelay $0x4  }
0x54: {  	v8, _, _ =	vpop (xrf1)  }
0x55: {  	v9 =	vperm.xlane v8, v2;
	_ =	sdelay $0x1  }
0x56: {  	v10 =	vshra.s32 v8, $0xC;
	v9 =	vshra.s32 v9, $0xC  }
0x57: {  	vm1 =	vne.s32 v10, v9  }
0x58: {  	vm1 =	vmor vm1, vm0;
	_ =	sdelay $0x3  }
0x59: {  	v11, _, _ =	vpop (xrf1)  }
0x5a: {  	v8 =	vand.u32 $0xFFF, v8;
	v9 =	vperm.xlane v11, v2  }
0x5b: {  	[tilespmem:v10+s4+$0x0] =	vst.idx.msk vm1, v8  }
0x5c: {  	v8 =	vshra.s32 v11, $0xC;
	v10 =	vld [tilespmem:s16+$0x0];
	v9 =	vshra.s32 v9, $0xC  }
0x5d: {  	vm1 =	vne.s32 v8, v9  }
0x5e: {  	vm1 =	vmor vm1, vm0  }
.Ltmp0:
0x5f: {  	(pc) =	sbr.rel @p0 .LBB2_2-.Ltmp0, $4  }
0x60: {  	_ = 	snop  }
0x61: {  	v9 =	vshll.u32 v10, $0xC  }
0x62: {  	v9 =	vadd.s32 s17, v9  }
0x63: {  	v10 =	vand.u32 $0xFFF, v11;
	v9 =	vadd.s32 v0, v9  }
0x64: {  	_ =	sdelay $0x1  }
0x65: {  	(xrf1) =	vsort.ascd.msk.u32 $0xffff, v9, v9;
	_ =	sdelay $0x2  }
0x66: {  	[tilespmem:v8+s4+$0x0] =	vst.idx.msk vm1, v10  }
0x67: {  	v8 =	vld [tilespmem:$0x18AF0];
	_ =	sdelay $0x4  }
0x68: {  	v8 =	vshll.u32 v8, $0xC  }
0x69: {  	v8 =	vor.u32 v3, v8  }
0x6a: {  	(xrf1) =	vsort.ascd.msk.u32 $0xffff, v8, v8;
	_ =	sdelay $0x2  }
0x6b: {  	v8, _, _ =	vpop (xrf1)  }
0x6c: {  	v9 =	vperm.xlane v8, v1;
	_ =	sdelay $0x1  }
0x6d: {  	v10 =	vshra.s32 v8, $0xC;
	v9 =	vshra.s32 v9, $0xC  }
0x6e: {  	vm1 =	vne.s32 v10, v9  }
0x6f: {  	vm1 =	vmor vm1, vm0;
	_ =	sdelay $0x4  }
0x70: {  	v8 =	vand.u32 $0xFFF, v8  }
0x71: {  	v9, _, _ =	vpop (xrf1);
	[tilespmem:v10+s4+$0x0] =	vst.idx.msk vm1, v8  }
0x72: {  	_ =	swait.ge [sflag:s30], $0x400  }
0x73: {  	[sflag:s30] =	ssyncset.done $0x0  }
0x74: {  	s16 =	simm.s32 $0x18B10;
	[sflag:s30] =	ssyncadd.s32 $0xFFFFFC00  }
0x75: {  	v8 =	vld [tilespmem:s16+$0xFFFFFFF0];
	_ =	sdelay $0x4  }
0x76: {  	s17 =	simm.s32 $0x400;
	v8 =	vshll.u32 v8, $0xC  }
0x77: {  	v8 =	vadd.s32 s17, v8  }
0x78: {  	v8 =	vadd.s32 v0, v8  }
0x79: {  	(xrf1) =	vsort.ascd.msk.u32 $0xffff, v8, v8;
	_ =	sdelay $0x3  }
0x7a: {  	v8 =	vperm.xlane v9, v2;
	_ =	sdelay $0x1  }
0x7b: {  	v10 =	vshra.s32 v9, $0xC;
	v8 =	vshra.s32 v8, $0xC  }
0x7c: {  	vm1 =	vne.s32 v10, v8  }
0x7d: {  	vm1 =	vmor vm1, vm0;
	_ =	sdelay $0x4  }
0x7e: {  	v8 =	vand.u32 $0xFFF, v9  }
0x7f: {  	[tilespmem:v10+s4+$0x0] =	vst.idx.msk vm1, v8;
	v10, _, _ =	vpop (xrf1)  }
0x80: {  	v11 =	vperm.xlane v10, v2;
	_ =	sdelay $0x1  }
0x81: {  	v9 =	vld [tilespmem:s16+$0x0];
	v8 =	vshra.s32 v10, $0xC;
	v11 =	vshra.s32 v11, $0xC  }
0x82: {  	vm1 =	vne.s32 v8, v11  }
0x83: {  	vm1 =	vmor vm1, vm0;
	_ =	sdelay $0x2  }
0x84: {  	s17 =	simm.s32 $0x410;
	v9 =	vshll.u32 v9, $0xC  }
0x85: {  	v9 =	vadd.s32 s17, v9  }
0x86: {  	s18 =	simm.s32 $0x40;
	v10 =	vand.u32 $0xFFF, v10;
	v9 =	vadd.s32 v0, v9  }
.LBB2_4:
0x87: {  	s18 =	sadd.s32 $0x2, s18;
	[tilespmem:v8+s4+$0x0] =	vst.idx.msk vm1, v10;
	s16 =	sadd.s32 $0x20, s16;
	s17 =	sadd.s32 $0x20, s17;
	(xrf1) =	vsort.ascd.msk.u32 $0xffff, v9, v9  }
0x88: {  	v8 =	vld [tilespmem:s16+$0xFFFFFFF0];
	p0 =	slt.u32 s18, $0x7E;
	_ =	sdelay $0x4  }
0x89: {  	s19 =	sadd.s32 $0xFFFFFFF0, s17;
	v8 =	vshll.u32 v8, $0xC  }
0x8a: {  	v8 =	vadd.s32 s19, v8  }
0x8b: {  	v8 =	vadd.s32 v0, v8  }
0x8c: {  	(xrf1) =	vsort.ascd.msk.u32 $0xffff, v8, v8;
	_ =	sdelay $0x4  }
0x8d: {  	v8, _, _ =	vpop (xrf1)  }
0x8e: {  	v9 =	vperm.xlane v8, v2;
	_ =	sdelay $0x1  }
0x8f: {  	v10 =	vshra.s32 v8, $0xC;
	v9 =	vshra.s32 v9, $0xC  }
0x90: {  	vm1 =	vne.s32 v10, v9  }
0x91: {  	vm1 =	vmor vm1, vm0;
	_ =	sdelay $0x3  }
0x92: {  	v11, _, _ =	vpop (xrf1)  }
0x93: {  	v8 =	vand.u32 $0xFFF, v8;
	v9 =	vperm.xlane v11, v2  }
0x94: {  	[tilespmem:v10+s4+$0x0] =	vst.idx.msk vm1, v8  }
0x95: {  	v8 =	vshra.s32 v11, $0xC;
	v10 =	vld [tilespmem:s16+$0x0];
	v9 =	vshra.s32 v9, $0xC  }
0x96: {  	vm1 =	vne.s32 v8, v9  }
0x97: {  	vm1 =	vmor vm1, vm0  }
.Ltmp1:
0x98: {  	(pc) =	sbr.rel @p0 .LBB2_4-.Ltmp1, $4  }
0x99: {  	_ = 	snop  }
0x9a: {  	v9 =	vshll.u32 v10, $0xC  }
0x9b: {  	v9 =	vadd.s32 s17, v9  }
0x9c: {  	v10 =	vand.u32 $0xFFF, v11;
	v9 =	vadd.s32 v0, v9  }
0x9d: {  	(xrf1) =	vsort.ascd.msk.u32 $0xffff, v9, v9;
	_ =	sdelay $0xd  }
0x9e: {  	[tilespmem:v8+s4+$0x0] =	vst.idx.msk vm1, v10;
	v8, _, _ =	vpop (xrf1)  }
0x9f: {  	_ =	swait.ge [sflag:s31], $0x400  }
0xa0: {  	[sflag:s31] =	ssyncset.done $0x0  }
0xa1: {  	s18 =	simm.s32 $0x18F10;
	[sflag:s31] =	ssyncadd.s32 $0xFFFFFC00  }
0xa2: {  	v9 =	vld [tilespmem:s18+$0xFFFFFFF0];
	_ =	sdelay $0x4  }
0xa3: {  	s16 =	simm.s32 $0x800;
	v9 =	vshll.u32 v9, $0xC  }
0xa4: {  	v9 =	vadd.s32 s16, v9  }
0xa5: {  	v9 =	vadd.s32 v0, v9  }
0xa6: {  	(xrf1) =	vsort.ascd.msk.u32 $0xffff, v9, v9;
	_ =	sdelay $0x3  }
0xa7: {  	v9 =	vperm.xlane v8, v2;
	_ =	sdelay $0x1  }
0xa8: {  	v10 =	vshra.s32 v8, $0xC;
	v9 =	vshra.s32 v9, $0xC  }
0xa9: {  	vm1 =	vne.s32 v10, v9  }
0xaa: {  	vm1 =	vmor vm1, vm0;
	_ =	sdelay $0x4  }
0xab: {  	v8 =	vand.u32 $0xFFF, v8  }
0xac: {  	[tilespmem:v10+s4+$0x0] =	vst.idx.msk vm1, v8;
	v10, _, _ =	vpop (xrf1)  }
0xad: {  	v11 =	vperm.xlane v10, v2;
	_ =	sdelay $0x1  }
0xae: {  	v9 =	vld [tilespmem:s18+$0x0];
	v8 =	vshra.s32 v10, $0xC;
	v11 =	vshra.s32 v11, $0xC  }
0xaf: {  	vm1 =	vne.s32 v8, v11  }
0xb0: {  	vm1 =	vmor vm1, vm0;
	_ =	sdelay $0x2  }
0xb1: {  	s19 =	simm.s32 $0x810;
	v9 =	vshll.u32 v9, $0xC  }
0xb2: {  	v9 =	vadd.s32 s19, v9  }
0xb3: {  	s20 =	simm.s32 $0x80;
	s17 =	simm.s32 $0xC10;
	s16 =	simm.s32 $0x19310;
	v10 =	vand.u32 $0xFFF, v10;
	v9 =	vadd.s32 v0, v9  }
.LBB2_6:
0xb4: {  	s20 =	sadd.s32 $0x2, s20;
	[tilespmem:v8+s4+$0x0] =	vst.idx.msk vm1, v10;
	s18 =	sadd.s32 $0x20, s18;
	s19 =	sadd.s32 $0x20, s19;
	(xrf1) =	vsort.ascd.msk.u32 $0xffff, v9, v9  }
0xb5: {  	v8 =	vld [tilespmem:s18+$0xFFFFFFF0];
	p0 =	slt.u32 s20, $0xBE;
	_ =	sdelay $0x4  }
0xb6: {  	s21 =	sadd.s32 $0xFFFFFFF0, s19;
	v8 =	vshll.u32 v8, $0xC  }
0xb7: {  	v8 =	vadd.s32 s21, v8  }
0xb8: {  	v8 =	vadd.s32 v0, v8  }
0xb9: {  	(xrf1) =	vsort.ascd.msk.u32 $0xffff, v8, v8;
	_ =	sdelay $0x4  }
0xba: {  	v8, _, _ =	vpop (xrf1)  }
0xbb: {  	v9 =	vperm.xlane v8, v2;
	_ =	sdelay $0x1  }
0xbc: {  	v10 =	vshra.s32 v8, $0xC;
	v9 =	vshra.s32 v9, $0xC  }
0xbd: {  	vm1 =	vne.s32 v10, v9  }
0xbe: {  	vm1 =	vmor vm1, vm0;
	_ =	sdelay $0x3  }
0xbf: {  	v11, _, _ =	vpop (xrf1)  }
0xc0: {  	v8 =	vand.u32 $0xFFF, v8;
	v9 =	vperm.xlane v11, v2  }
0xc1: {  	[tilespmem:v10+s4+$0x0] =	vst.idx.msk vm1, v8  }
0xc2: {  	v8 =	vshra.s32 v11, $0xC;
	v10 =	vld [tilespmem:s18+$0x0];
	v9 =	vshra.s32 v9, $0xC  }
0xc3: {  	vm1 =	vne.s32 v8, v9  }
0xc4: {  	vm1 =	vmor vm1, vm0  }
.Ltmp2:
0xc5: {  	(pc) =	sbr.rel @p0 .LBB2_6-.Ltmp2, $4  }
0xc6: {  	_ = 	snop  }
0xc7: {  	v9 =	vshll.u32 v10, $0xC  }
0xc8: {  	v9 =	vadd.s32 s19, v9  }
0xc9: {  	v10 =	vand.u32 $0xFFF, v11;
	v9 =	vadd.s32 v0, v9  }
0xca: {  	(xrf1) =	vsort.ascd.msk.u32 $0xffff, v9, v9;
	_ =	sdelay $0x4  }
0xcb: {  	[tilespmem:v8+s4+$0x0] =	vst.idx.msk vm1, v10  }
0xcc: {  	v8 =	vld [tilespmem:s16+$0xFFFFFFF0];
	_ =	sdelay $0x4  }
0xcd: {  	s18 =	simm.s32 $0xC00;
	v8 =	vshll.u32 v8, $0xC  }
0xce: {  	v8 =	vadd.s32 s18, v8  }
0xcf: {  	v8 =	vadd.s32 v0, v8  }
0xd0: {  	v9, _, _ =	vpop (xrf1);
	(xrf1) =	vsort.ascd.msk.u32 $0xffff, v8, v8;
	_ =	sdelay $0x4  }
0xd1: {  	v8 =	vperm.xlane v9, v2;
	_ =	sdelay $0x1  }
0xd2: {  	v10 =	vshra.s32 v9, $0xC;
	v8 =	vshra.s32 v8, $0xC  }
0xd3: {  	vm1 =	vne.s32 v10, v8  }
0xd4: {  	vm1 =	vmor vm1, vm0;
	_ =	sdelay $0x4  }
0xd5: {  	v8 =	vand.u32 $0xFFF, v9;
	v11, _, _ =	vpop (xrf1)  }
0xd6: {  	[tilespmem:v10+s4+$0x0] =	vst.idx.msk vm1, v8;
	v10 =	vperm.xlane v11, v2;
	_ =	sdelay $0x1  }
0xd7: {  	v9 =	vld [tilespmem:s16+$0x0];
	v8 =	vshra.s32 v11, $0xC;
	v10 =	vshra.s32 v10, $0xC  }
0xd8: {  	vm1 =	vne.s32 v8, v10  }
0xd9: {  	vm1 =	vmor vm1, vm0;
	_ =	sdelay $0x2  }
0xda: {  	v9 =	vshll.u32 v9, $0xC  }
0xdb: {  	v9 =	vadd.s32 s17, v9  }
0xdc: {  	s18 =	simm.s32 $0xC0;
	v10 =	vadd.s32 v0, v9;
	v9 =	vand.u32 $0xFFF, v11  }
.LBB2_8:
0xdd: {  	s18 =	sadd.s32 $0x2, s18;
	[tilespmem:v8+s4+$0x0] =	vst.idx.msk vm1, v9;
	s16 =	sadd.s32 $0x20, s16;
	s17 =	sadd.s32 $0x20, s17;
	(xrf1) =	vsort.ascd.msk.u32 $0xffff, v10, v10  }
0xde: {  	v8 =	vld [tilespmem:s16+$0xFFFFFFF0];
	p0 =	slt.u32 s18, $0xFE;
	_ =	sdelay $0x4  }
0xdf: {  	s19 =	sadd.s32 $0xFFFFFFF0, s17;
	v8 =	vshll.u32 v8, $0xC  }
0xe0: {  	v8 =	vadd.s32 s19, v8  }
0xe1: {  	v8 =	vadd.s32 v0, v8  }
0xe2: {  	(xrf1) =	vsort.ascd.msk.u32 $0xffff, v8, v8;
	_ =	sdelay $0x4  }
0xe3: {  	v8, _, _ =	vpop (xrf1)  }
0xe4: {  	v9 =	vperm.xlane v8, v2;
	_ =	sdelay $0x1  }
0xe5: {  	v10 =	vshra.s32 v8, $0xC;
	v9 =	vshra.s32 v9, $0xC  }
0xe6: {  	vm1 =	vne.s32 v10, v9  }
0xe7: {  	vm1 =	vmor vm1, vm0;
	_ =	sdelay $0x3  }
0xe8: {  	v9, _, _ =	vpop (xrf1)  }
0xe9: {  	v8 =	vand.u32 $0xFFF, v8;
	v11 =	vperm.xlane v9, v2  }
0xea: {  	[tilespmem:v10+s4+$0x0] =	vst.idx.msk vm1, v8  }
0xeb: {  	v8 =	vshra.s32 v9, $0xC;
	v10 =	vld [tilespmem:s16+$0x0];
	v11 =	vshra.s32 v11, $0xC  }
0xec: {  	vm1 =	vne.s32 v8, v11  }
0xed: {  	vm1 =	vmor vm1, vm0  }
.Ltmp3:
0xee: {  	(pc) =	sbr.rel @p0 .LBB2_8-.Ltmp3, $4  }
0xef: {  	_ = 	snop  }
0xf0: {  	v10 =	vshll.u32 v10, $0xC  }
0xf1: {  	v10 =	vadd.s32 s17, v10  }
0xf2: {  	v9 =	vand.u32 $0xFFF, v9;
	v10 =	vadd.s32 v0, v10  }
0xf3: {  	(xrf1) =	vsort.ascd.msk.u32 $0xffff, v10, v10;
	_ =	sdelay $0xd  }
0xf4: {  	v10, _, _ =	vpop (xrf1)  }
0xf5: {  	v11 =	vperm.xlane v10, v1;
	_ =	sdelay $0x1  }
0xf6: {  	v12 =	vshra.s32 v10, $0xC;
	v11 =	vshra.s32 v11, $0xC  }
0xf7: {  	vm2 =	vne.s32 v12, v11  }
0xf8: {  	vm2 =	vmor vm2, vm0;
	_ =	sdelay $0x4  }
0xf9: {  	[tilespmem:v8+s4+$0x0] =	vst.idx.msk vm1, v9;
	s16 =	simm.s32 $0x0;
	v8 =	vand.u32 $0xFFF, v10  }
0xfa: {  	[tilespmem:v12+s16+$0x0] =	vst.idx.msk vm2, v8  }
0xfb: {  	_ =	strace $0x90000049  }
0xfc: {  	_ =	strace $0x8000004A  }
0xfd: {  	v8 =	vld [tilespmem:s5+$0x18700];
	_ =	sdelay $0x7  }
0xfe: {  	v8 =	vld.idx.msk [tilespmem:v8+s16+$0x0], $0xffff;
	_ =	sdelay $0x4  }
0xff: {  	[tilespmem:$0x19700] =	vst v8  }
0x100: {  	v8 =	vld [tilespmem:s5+$0x18710];
	_ =	sdelay $0x7  }
0x101: {  	v8 =	vld.idx.msk [tilespmem:v8+s16+$0x0], $0xffff;
	_ =	sdelay $0x4  }
0x102: {  	[tilespmem:$0x19710] =	vst v8  }
0x103: {  	v8 =	vld [tilespmem:s5+$0x18720];
	_ =	sdelay $0x7  }
0x104: {  	v8 =	vld.idx.msk [tilespmem:v8+s16+$0x0], $0xffff;
	_ =	sdelay $0x4  }
0x105: {  	[tilespmem:$0x19720] =	vst v8  }
0x106: {  	v8 =	vld [tilespmem:s5+$0x18730];
	_ =	sdelay $0x7  }
0x107: {  	v8 =	vld.idx.msk [tilespmem:v8+s16+$0x0], $0xffff;
	_ =	sdelay $0x4  }
0x108: {  	[tilespmem:$0x19730] =	vst v8  }
0x109: {  	v8 =	vld [tilespmem:s5+$0x18740];
	_ =	sdelay $0x7  }
0x10a: {  	v8 =	vld.idx.msk [tilespmem:v8+s16+$0x0], $0xffff;
	_ =	sdelay $0x4  }
0x10b: {  	[tilespmem:$0x19740] =	vst v8  }
0x10c: {  	v8 =	vld [tilespmem:s5+$0x18750];
	_ =	sdelay $0x7  }
0x10d: {  	v8 =	vld.idx.msk [tilespmem:v8+s16+$0x0], $0xffff;
	_ =	sdelay $0x4  }
0x10e: {  	[tilespmem:$0x19750] =	vst v8  }
0x10f: {  	v8 =	vld [tilespmem:s5+$0x18760];
	_ =	sdelay $0x7  }
0x110: {  	v8 =	vld.idx.msk [tilespmem:v8+s16+$0x0], $0xffff;
	_ =	sdelay $0x4  }
0x111: {  	[tilespmem:$0x19760] =	vst v8  }
0x112: {  	v8 =	vld [tilespmem:s5+$0x18770];
	_ =	sdelay $0x7  }
0x113: {  	v8 =	vld.idx.msk [tilespmem:v8+s16+$0x0], $0xffff;
	_ =	sdelay $0x4  }
0x114: {  	[tilespmem:$0x19770] =	vst v8  }
0x115: {  	s17 =	simm.s32 $0x19700;
	_ =	strace $0x9000004A  }
0x116: {  	[tilespmem:s2], [sflag:$0x3] =	stream.indirect.gather [hbm4b:s1+s0], $0x80, s17, s0, $0xb8;
	[tilespmem:$0x1E780] =	vst v63  }
0x117: {  	s22 =	simm.s32 $0x19710  }
0x118: {  	[tilespmem:s6], [sflag:$0x4] =	stream.indirect.gather [hbm4b:s1+s0], $0x80, s22, s0, $0xb8;
	[tilespmem:$0x1E780] =	vst v63  }
0x119: {  	_ =	strace $0x8000004B  }
0x11a: {  	_ =	swait.ge [sflag:s7], $0x800  }
0x11b: {  	[sflag:s7] =	ssyncset.done $0x0  }
0x11c: {  	[sflag:s7] =	ssyncadd.s32 $0xFFFFF800  }
0x11d: {  	_ =	swait.ge [sflag:s8], $0x800  }
0x11e: {  	[sflag:s8] =	ssyncset.done $0x0  }
0x11f: {  	[sflag:s8] =	ssyncadd.s32 $0xFFFFF800  }
0x120: {  	_ =	strace $0x9000004B  }
0x121: {  	s17 =	simm.s32 $0x197C0;
	_ =	strace $0x8000004C  }
0x122: {  	v15 =	vld [tilespmem:s17+$0xFFFFFFC0]  }
0x123: {  	v11 =	vld [tilespmem:s17+$0xFFFFFFD0]  }
0x124: {  	v18 =	vld [tilespmem:s17+$0x10]  }
0x125: {  	v19 =	vld [tilespmem:s17+$0x0]  }
0x126: {  	v13 =	vld [tilespmem:s17+$0xFFFFFFE0]  }
0x127: {  	v20 =	vld [tilespmem:s17+$0xFFFFFFF0]  }
0x128: {  	v21 =	vld [tilespmem:s17+$0x20]  }
0x129: {  	v8 =	vmul.f32 v15, v15;
	v9 =	vmul.f32 v11, v11  }
0x12a: {  	s18 =	simm.s32 $0x1A7C0;
	v22 =	vld [tilespmem:s17+$0x30];
	v10 =	vmul.f32 v19, v19;
	v17 =	vmul.f32 v18, v18  }
0x12b: {  	v12 =	vld [tilespmem:s18+$0xFFFFFFD0];
	v8 =	vadd.f32 v9, v8;
	v9 =	vmul.f32 v13, v13  }
0x12c: {  	v16 =	vld [tilespmem:s18+$0xFFFFFFC0];
	v10 =	vadd.f32 v17, v10  }
0x12d: {  	v14 =	vld [tilespmem:s18+$0xFFFFFFE0];
	v17 =	vmul.f32 v21, v21;
	v8 =	vadd.f32 v9, v8;
	v9 =	vmul.f32 v20, v20;
	_ =	sdelay $0x1  }
0x12e: {  	v8 =	vadd.f32 v9, v8;
	v9 =	vadd.f32 v17, v10;
	v10 =	vmul.f32 v22, v22  }
0x12f: {  	v23 =	vmul.f32 v12, v12;
	v17 =	vld [tilespmem:s18+$0xFFFFFFF0]  }
0x130: {  	v24 =	vmul.f32 v16, v16;
	v25 =	vperm.xlane v8, v4;
	v9 =	vadd.f32 v10, v9  }
0x131: {  	v39 =	vld [tilespmem:s18+$0x0];
	v38 =	vmul.f32 v14, v14  }
0x132: {  	v10 =	vadd.f32 v23, v24;
	v25 =	vadd.f32 v25, v8;
	v26 =	vperm.xlane v9, v4;
	v8 =	vld [tilespmem:s18+$0x10];
	_ =	sdelay $0x1  }
0x133: {  	v10 =	vadd.f32 v38, v10;
	v40 =	vmul.f32 v17, v17;
	v26 =	vadd.f32 v26, v9;
	v9 =	vld [tilespmem:s18+$0x20];
	_ =	sdelay $0x1  }
0x134: {  	v27 =	vperm.xlane v25, v5;
	v23 =	vadd.f32 v40, v10;
	v10 =	vld [tilespmem:s18+$0x30]  }
0x135: {  	v28 =	vmul.f32 v39, v39;
	v29 =	vmul.f32 v8, v8  }
0x136: {  	v25 =	vadd.f32 v27, v25;
	v41 =	vperm.xlane v26, v5  }
0x137: {  	v30 =	vperm.xlane v23, v4;
	v42 =	vadd.f32 v29, v28;
	v43 =	vmul.f32 v9, v9  }
0x138: {  	v31 =	vperm.xlane v25, v6;
	v26 =	vadd.f32 v41, v26  }
0x139: {  	v23 =	vadd.f32 v30, v23;
	v45 =	vmul.f32 v10, v10;
	v27 =	vadd.f32 v43, v42  }
0x13a: {  	v25 =	vadd.f32 v31, v25;
	v44 =	vperm.xlane v26, v6  }
0x13b: {  	v30 =	vperm.xlane v23, v5;
	v27 =	vadd.f32 v45, v27  }
0x13c: {  	v31 =	vperm.xlane v25, v7;
	v26 =	vadd.f32 v44, v26  }
0x13d: {  	v23 =	vadd.f32 v30, v23;
	v47 =	vperm.xlane v27, v4  }
0x13e: {  	v25 =	vadd.f32 v31, v25;
	v46 =	vperm.xlane v26, v7  }
0x13f: {  	v30 =	vperm.xlane v23, v6;
	v27 =	vadd.f32 v47, v27  }
0x140: {  	v25 =	vmax.f32 v25, $1.000000020e-24;
	v26 =	vadd.f32 v46, v26  }
0x141: {  	v48 =	vshra.s32 v25, $0x1;
	v23 =	vadd.f32 v30, v23;
	v29 =	vperm.xlane v27, v5  }
0x142: {  	v25 =	vmul.f32 $5.000000000e-01, v25;
	v28 =	vsub.s32 $0x5F3759DF, v48;
	v26 =	vmax.f32 v26, $1.000000020e-24  }
0x143: {  	v49 =	vmul.f32 v28, v28;
	v50 =	vshra.s32 v26, $0x1;
	v27 =	vadd.f32 v29, v27  }
0x144: {  	v32 =	vperm.xlane v23, v7;
	v26 =	vmul.f32 $5.000000000e-01, v26;
	v31 =	vsub.s32 $0x5F3759DF, v50  }
0x145: {  	v51 =	vmul.f32 v31, v31;
	v33 =	vperm.xlane v27, v6  }
0x146: {  	v30 =	vmul.f32 v49, v25;
	v23 =	vadd.f32 v32, v23  }
0x147: {  	v29 =	vmul.f32 v51, v26;
	v27 =	vadd.f32 v33, v27  }
0x148: {  	v30 =	vsub.f32 $1.500000000e+00, v30;
	v23 =	vmax.f32 v23, $1.000000020e-24  }
0x149: {  	v52 =	vshra.s32 v23, $0x1;
	v29 =	vsub.f32 $1.500000000e+00, v29;
	v33 =	vperm.xlane v27, v7  }
0x14a: {  	v23 =	vmul.f32 $5.000000000e-01, v23;
	v28 =	vmul.f32 v28, v30;
	v53 =	vsub.s32 $0x5F3759DF, v52  }
0x14b: {  	v54 =	vmul.f32 v53, v53;
	v29 =	vmul.f32 v31, v29;
	v27 =	vadd.f32 v33, v27  }
0x14c: {  	v56 =	vmul.f32 v28, v28  }
0x14d: {  	v31 =	vmul.f32 v54, v23;
	v55 =	vmul.f32 v29, v29;
	v27 =	vmax.f32 v27, $1.000000020e-24  }
0x14e: {  	v25 =	vmul.f32 v56, v25;
	v57 =	vshra.s32 v27, $0x1  }
0x14f: {  	v31 =	vsub.f32 $1.500000000e+00, v31;
	v26 =	vmul.f32 v55, v26;
	v32 =	vsub.s32 $0x5F3759DF, v57  }
0x150: {  	v25 =	vsub.f32 $1.500000000e+00, v25;
	v27 =	vmul.f32 $5.000000000e-01, v27;
	v58 =	vmul.f32 v32, v32  }
0x151: {  	s19 =	simm.s32 $0x0;
	v30 =	vmul.f32 v53, v31  }
0x152: {  	s19 =	smul.u32 $0x3000, s19;
	v26 =	vsub.f32 $1.500000000e+00, v26;
	v25 =	vmul.f32 v25, v28;
	v59 =	vmul.f32 v58, v27  }
0x153: {  	v31 =	vmul.f32 v30, v30  }
0x154: {  	s20 =	sand.u32 $0x380, s16;
	s19 =	sshra.s32 s19, $0x2;
	v26 =	vmul.f32 v26, v29;
	v15 =	vmul.f32 v25, v15;
	v60 =	vsub.f32 $1.500000000e+00, v59  }
0x155: {  	s20 =	sor.u32 s20, s19;
	v20 =	vmul.f32 v25, v20;
	v13 =	vmul.f32 v25, v13  }
0x156: {  	s19 =	sadd.s32 $0x1B780, s20;
	v23 =	vmul.f32 v31, v23;
	[tilespmem:s20+$0x1B780] =	vst v15;
	v28 =	vmul.f32 v32, v60  }
0x157: {  	v11 =	vmul.f32 v25, v11;
	[tilespmem:s19+$0x30] =	vst v20  }
0x158: {  	v18 =	vmul.f32 v26, v18;
	v61 =	vsub.f32 $1.500000000e+00, v23;
	[tilespmem:s19+$0x20] =	vst v13;
	v62 =	vmul.f32 v28, v28  }
0x159: {  	v21 =	vmul.f32 v26, v21;
	v19 =	vmul.f32 v26, v19;
	[tilespmem:s19+$0x10] =	vst v11  }
0x15a: {  	[tilespmem:s19+$0x50] =	vst v18;
	v18 =	vmul.f32 v61, v30;
	v15 =	vmul.f32 v62, v27  }
0x15b: {  	v63 =	vmul.f32 v26, v22;
	[tilespmem:s19+$0x60] =	vst v21  }
0x15c: {  	[tilespmem:s19+$0x40] =	vst v19;
	v16 =	vmul.f32 v18, v16;
	v15 =	vsub.f32 $1.500000000e+00, v15  }
0x15d: {  	[tilespmem:s19+$0x70] =	vst v63  }
0x15e: {  	v13 =	vmul.f32 v18, v12;
	[tilespmem:s20+$0x1BB80] =	vst v16;
	v11 =	vmul.f32 v15, v28  }
0x15f: {  	s21 =	sadd.s32 $0x1BB80, s20;
	v12 =	vmul.f32 v18, v14;
	[tilespmem:s20+$0x1BF80] =	vst v16  }
0x160: {  	s22 =	sadd.s32 $0x1BF80, s20;
	s19 =	simm.s32 $0x1;
	v14 =	vmul.f32 v18, v17;
	[tilespmem:s21+$0x10] =	vst v13;
	v15 =	vmul.f32 v11, v39  }
.LBB2_10:
0x161: {  	[tilespmem:s22+$0x10] =	vst v13;
	s16 =	sadd.s32 $0x80, s16;
	s17 =	sadd.s32 $0x80, s17;
	s18 =	sadd.s32 $0x80, s18  }
0x162: {  	p0 =	sne.s32 s19, $0xF;
	v8 =	vmul.f32 v11, v8;
	s20 =	smov.u32 s19;
	s19 =	sadd.s32 $0x1, s19;
	[tilespmem:s21+$0x20] =	vst v12  }
0x163: {  	[tilespmem:s22+$0x20] =	vst v12  }
0x164: {  	v9 =	vmul.f32 v11, v9;
	[tilespmem:s21+$0x30] =	vst v14  }
0x165: {  	[tilespmem:s22+$0x30] =	vst v14  }
0x166: {  	v10 =	vmul.f32 v11, v10;
	[tilespmem:s21+$0x40] =	vst v15  }
0x167: {  	[tilespmem:s22+$0x40] =	vst v15  }
0x168: {  	[tilespmem:s21+$0x50] =	vst v8  }
0x169: {  	[tilespmem:s22+$0x50] =	vst v8  }
0x16a: {  	[tilespmem:s21+$0x60] =	vst v9  }
0x16b: {  	[tilespmem:s22+$0x60] =	vst v9  }
0x16c: {  	[tilespmem:s21+$0x70] =	vst v10  }
0x16d: {  	[tilespmem:s22+$0x70] =	vst v10  }
0x16e: {  	v20 =	vld [tilespmem:s17+$0xFFFFFFC0]  }
0x16f: {  	v11 =	vld [tilespmem:s17+$0xFFFFFFD0]  }
0x170: {  	v15 =	vld [tilespmem:s17+$0x10]  }
0x171: {  	v13 =	vld [tilespmem:s17+$0xFFFFFFE0]  }
0x172: {  	v21 =	vld [tilespmem:s17+$0x0]  }
0x173: {  	v17 =	vld [tilespmem:s17+$0xFFFFFFF0]  }
0x174: {  	v8 =	vmul.f32 v20, v20;
	v22 =	vld [tilespmem:s17+$0x20];
	v9 =	vmul.f32 v11, v11  }
0x175: {  	v12 =	vld [tilespmem:s18+$0xFFFFFFD0]  }
0x176: {  	v23 =	vld [tilespmem:s17+$0x30];
	v8 =	vadd.f32 v9, v8;
	v9 =	vmul.f32 v13, v13  }
0x177: {  	v14 =	vmul.f32 v15, v15;
	v19 =	vld [tilespmem:s18+$0xFFFFFFC0];
	v10 =	vmul.f32 v21, v21  }
0x178: {  	v8 =	vadd.f32 v9, v8;
	v9 =	vmul.f32 v17, v17  }
0x179: {  	v16 =	vld [tilespmem:s18+$0xFFFFFFE0];
	v10 =	vadd.f32 v14, v10;
	v18 =	vmul.f32 v22, v22  }
0x17a: {  	v8 =	vadd.f32 v9, v8  }
0x17b: {  	v9 =	vmul.f32 v12, v12;
	v14 =	vld [tilespmem:s18+$0xFFFFFFF0];
	v10 =	vadd.f32 v18, v10;
	v18 =	vmul.f32 v23, v23  }
0x17c: {  	v24 =	vmul.f32 v19, v19;
	v25 =	vperm.xlane v8, v4  }
0x17d: {  	v10 =	vadd.f32 v18, v10  }
0x17e: {  	v9 =	vadd.f32 v9, v24;
	v24 =	vmul.f32 v16, v16;
	v25 =	vadd.f32 v25, v8  }
0x17f: {  	v18 =	vld [tilespmem:s18+$0x0];
	v26 =	vperm.xlane v10, v4  }
0x180: {  	v8 =	vld [tilespmem:s18+$0x10];
	v24 =	vadd.f32 v24, v9;
	v27 =	vmul.f32 v14, v14;
	v28 =	vperm.xlane v25, v5  }
0x181: {  	v26 =	vadd.f32 v26, v10  }
0x182: {  	v9 =	vld [tilespmem:s18+$0x20];
	v24 =	vadd.f32 v27, v24;
	v25 =	vadd.f32 v28, v25  }
0x183: {  	v27 =	vperm.xlane v26, v5  }
0x184: {  	v10 =	vld [tilespmem:s18+$0x30];
	v28 =	vperm.xlane v24, v4;
	v29 =	vperm.xlane v25, v6  }
0x185: {  	v30 =	vmul.f32 v18, v18;
	v31 =	vmul.f32 v8, v8;
	v26 =	vadd.f32 v27, v26  }
0x186: {  	v24 =	vadd.f32 v28, v24;
	v25 =	vadd.f32 v29, v25  }
0x187: {  	v27 =	vadd.f32 v31, v30;
	v28 =	vmul.f32 v9, v9;
	v29 =	vperm.xlane v26, v6  }
0x188: {  	v30 =	vperm.xlane v24, v5;
	v31 =	vperm.xlane v25, v7  }
0x189: {  	v27 =	vadd.f32 v28, v27;
	v28 =	vmul.f32 v10, v10;
	v26 =	vadd.f32 v29, v26  }
0x18a: {  	v24 =	vadd.f32 v30, v24;
	v25 =	vadd.f32 v31, v25  }
0x18b: {  	v27 =	vadd.f32 v28, v27;
	v28 =	vperm.xlane v26, v7  }
0x18c: {  	v29 =	vperm.xlane v24, v6;
	v25 =	vmax.f32 v25, $1.000000020e-24  }
0x18d: {  	v30 =	vperm.xlane v27, v4;
	v26 =	vadd.f32 v28, v26;
	v28 =	vshra.s32 v25, $0x1  }
0x18e: {  	v25 =	vmul.f32 $5.000000000e-01, v25;
	v24 =	vadd.f32 v29, v24;
	v28 =	vsub.s32 $0x5F3759DF, v28  }
0x18f: {  	v27 =	vadd.f32 v30, v27;
	v26 =	vmax.f32 v26, $1.000000020e-24;
	v29 =	vmul.f32 v28, v28  }
0x190: {  	v30 =	vperm.xlane v24, v7;
	v31 =	vshra.s32 v26, $0x1  }
0x191: {  	v32 =	vperm.xlane v27, v5;
	v31 =	vsub.s32 $0x5F3759DF, v31;
	v29 =	vmul.f32 v29, v25  }
0x192: {  	v26 =	vmul.f32 $5.000000000e-01, v26;
	v24 =	vadd.f32 v30, v24;
	v30 =	vmul.f32 v31, v31  }
0x193: {  	v27 =	vadd.f32 v32, v27;
	v29 =	vsub.f32 $1.500000000e+00, v29  }
0x194: {  	v24 =	vmax.f32 v24, $1.000000020e-24;
	v30 =	vmul.f32 v30, v26  }
0x195: {  	v32 =	vperm.xlane v27, v6;
	v33 =	vshra.s32 v24, $0x1;
	v28 =	vmul.f32 v28, v29  }
0x196: {  	v29 =	vsub.s32 $0x5F3759DF, v33;
	v30 =	vsub.f32 $1.500000000e+00, v30  }
0x197: {  	v24 =	vmul.f32 $5.000000000e-01, v24;
	v27 =	vadd.f32 v32, v27;
	v32 =	vmul.f32 v29, v29  }
0x198: {  	v30 =	vmul.f32 v31, v30;
	v31 =	vmul.f32 v28, v28  }
0x199: {  	v33 =	vperm.xlane v27, v7;
	v32 =	vmul.f32 v32, v24  }
0x19a: {  	v34 =	vmul.f32 v30, v30;
	v25 =	vmul.f32 v31, v25  }
0x19b: {  	v27 =	vadd.f32 v33, v27;
	v31 =	vsub.f32 $1.500000000e+00, v32  }
0x19c: {  	v26 =	vmul.f32 v34, v26;
	v25 =	vsub.f32 $1.500000000e+00, v25  }
0x19d: {  	v27 =	vmax.f32 v27, $1.000000020e-24;
	v29 =	vmul.f32 v29, v31  }
0x19e: {  	v31 =	vshra.s32 v27, $0x1;
	v26 =	vsub.f32 $1.500000000e+00, v26;
	v25 =	vmul.f32 v25, v28  }
0x19f: {  	v28 =	vsub.s32 $0x5F3759DF, v31;
	v31 =	vmul.f32 v29, v29  }
0x1a0: {  	s20 =	sshrl.u32 s20, $0x3;
	v27 =	vmul.f32 $5.000000000e-01, v27;
	v32 =	vmul.f32 v28, v28  }
0x1a1: {  	s20 =	smul.u32 $0x3000, s20;
	v26 =	vmul.f32 v26, v30;
	v24 =	vmul.f32 v31, v24  }
0x1a2: {  	v20 =	vmul.f32 v25, v20;
	v30 =	vmul.f32 v32, v27  }
0x1a3: {  	s20 =	sshra.s32 s20, $0x2;
	s21 =	sand.u32 $0x380, s16;
	v21 =	vmul.f32 v26, v21;
	v22 =	vmul.f32 v26, v22;
	v24 =	vsub.f32 $1.500000000e+00, v24  }
0x1a4: {  	s20 =	sor.u32 s21, s20;
	v15 =	vmul.f32 v26, v15;
	v23 =	vmul.f32 v26, v23;
	v30 =	vsub.f32 $1.500000000e+00, v30  }
0x1a5: {  	s21 =	sadd.s32 $0x1B780, s20;
	v17 =	vmul.f32 v25, v17;
	v24 =	vmul.f32 v24, v29  }
0x1a6: {  	v26 =	vmul.f32 v28, v30;
	v28 =	vmul.f32 v25, v13;
	[tilespmem:s21+$0x50] =	vst v15  }
0x1a7: {  	v11 =	vmul.f32 v25, v11;
	[tilespmem:s21+$0x60] =	vst v22;
	v15 =	vmul.f32 v24, v19  }
0x1a8: {  	v19 =	vmul.f32 v26, v26;
	[tilespmem:s21+$0x40] =	vst v21  }
0x1a9: {  	v13 =	vmul.f32 v24, v12;
	[tilespmem:s20+$0x1B780] =	vst v20  }
0x1aa: {  	v19 =	vmul.f32 v19, v27;
	[tilespmem:s21+$0x30] =	vst v17  }
0x1ab: {  	v12 =	vmul.f32 v24, v16;
	[tilespmem:s21+$0x70] =	vst v23  }
.Ltmp4:
0x1ac: {  	v16 =	vsub.f32 $1.500000000e+00, v19;
	[tilespmem:s21+$0x20] =	vst v28;
	(pc) =	sbr.rel @p0 .LBB2_10-.Ltmp4, $4  }
0x1ad: {  	[tilespmem:s21+$0x10] =	vst v11  }
0x1ae: {  	v14 =	vmul.f32 v24, v14;
	s21 =	sadd.s32 $0x1BB80, s20;
	v11 =	vmul.f32 v16, v26;
	[tilespmem:s20+$0x1BB80] =	vst v15  }
0x1af: {  	s22 =	sadd.s32 $0x1BF80, s20;
	[tilespmem:s20+$0x1BF80] =	vst v15  }
0x1b0: {  	[tilespmem:s21+$0x10] =	vst v13;
	v15 =	vmul.f32 v11, v18  }
0x1b1: {  	[tilespmem:s22+$0x10] =	vst v13  }
0x1b2: {  	[tilespmem:s21+$0x20] =	vst v12  }
0x1b3: {  	[tilespmem:s22+$0x20] =	vst v12  }
0x1b4: {  	[tilespmem:s21+$0x30] =	vst v14  }
0x1b5: {  	[tilespmem:s22+$0x30] =	vst v14  }
0x1b6: {  	v8 =	vmul.f32 v11, v8;
	[tilespmem:s21+$0x40] =	vst v15  }
0x1b7: {  	[tilespmem:s22+$0x40] =	vst v15  }
0x1b8: {  	v9 =	vmul.f32 v11, v9;
	[tilespmem:s21+$0x50] =	vst v8  }
0x1b9: {  	[tilespmem:s22+$0x50] =	vst v8  }
0x1ba: {  	v8 =	vmul.f32 v11, v10;
	[tilespmem:s21+$0x60] =	vst v9  }
0x1bb: {  	[tilespmem:s22+$0x60] =	vst v9  }
0x1bc: {  	[tilespmem:s21+$0x70] =	vst v8  }
0x1bd: {  	[tilespmem:s22+$0x70] =	vst v8  }
0x1be: {  	_ =	strace $0x9000004C  }
0x1bf: {  	s16 =	simm.s32 $0x0;
	s17 =	rddreg [dreg:$0x11]  }
0x1c0: {  	[tilespmem:s26], [sflag:$0x1] =	stream.linear.gather [hbm4b:s17+s16], $0x800, $0x38;
	[tilespmem:$0x1E780] =	vst v63  }
0x1c1: {  	s21 =	simm.s32 $0x19720  }
0x1c2: {  	[tilespmem:s2], [sflag:$0x3] =	stream.indirect.gather [hbm4b:s1+s0], $0x80, s21, s0, $0xb8;
	[tilespmem:$0x1E780] =	vst v63  }
0x1c3: {  	s22 =	rddreg [dreg:$0x8]  }
0x1c4: {  	[hbm4b:s22+s16] =	stream.linear.scatter [tilespmem:s9], [sflag:$0x5], $0x1800, $0x38;
	[tilespmem:$0x1E780] =	vst v63  }
0x1c5: {  	_ =	strace $0x8000004D  }
0x1c6: {  	_ =	swait.ge [sflag:s10], $0x800  }
0x1c7: {  	[sflag:s10] =	ssyncset.done $0x0  }
0x1c8: {  	[sflag:s10] =	ssyncadd.s32 $0xFFFFF800  }
0x1c9: {  	_ =	swait.ge [sflag:s11], $0x800  }
0x1ca: {  	[sflag:s11] =	ssyncset.done $0x0  }
0x1cb: {  	[sflag:s11] =	ssyncadd.s32 $0xFFFFF800  }
0x1cc: {  	_ =	strace $0x9000004D  }
0x1cd: {  	s17 =	simm.s32 $0x19FC0;
	_ =	strace $0x8000004E  }
0x1ce: {  	v15 =	vld [tilespmem:s17+$0xFFFFFFC0]  }
0x1cf: {  	v11 =	vld [tilespmem:s17+$0xFFFFFFD0]  }
0x1d0: {  	v18 =	vld [tilespmem:s17+$0x10]  }
0x1d1: {  	v19 =	vld [tilespmem:s17+$0x0]  }
0x1d2: {  	v13 =	vld [tilespmem:s17+$0xFFFFFFE0]  }
0x1d3: {  	v20 =	vld [tilespmem:s17+$0xFFFFFFF0]  }
0x1d4: {  	v21 =	vld [tilespmem:s17+$0x20]  }
0x1d5: {  	v8 =	vmul.f32 v15, v15;
	v9 =	vmul.f32 v11, v11  }
0x1d6: {  	s18 =	simm.s32 $0x1AFC0;
	v22 =	vld [tilespmem:s17+$0x30];
	v10 =	vmul.f32 v19, v19;
	v17 =	vmul.f32 v18, v18  }
0x1d7: {  	v12 =	vld [tilespmem:s18+$0xFFFFFFD0];
	v8 =	vadd.f32 v9, v8;
	v9 =	vmul.f32 v13, v13  }
0x1d8: {  	v16 =	vld [tilespmem:s18+$0xFFFFFFC0];
	v10 =	vadd.f32 v17, v10  }
0x1d9: {  	v14 =	vld [tilespmem:s18+$0xFFFFFFE0];
	v17 =	vmul.f32 v21, v21;
	v8 =	vadd.f32 v9, v8;
	v9 =	vmul.f32 v20, v20;
	_ =	sdelay $0x1  }
0x1da: {  	v8 =	vadd.f32 v9, v8;
	v9 =	vadd.f32 v17, v10;
	v10 =	vmul.f32 v22, v22  }
0x1db: {  	v23 =	vmul.f32 v12, v12;
	v17 =	vld [tilespmem:s18+$0xFFFFFFF0]  }
0x1dc: {  	v24 =	vmul.f32 v16, v16;
	v25 =	vperm.xlane v8, v4;
	v9 =	vadd.f32 v10, v9  }
0x1dd: {  	v39 =	vld [tilespmem:s18+$0x0];
	v38 =	vmul.f32 v14, v14  }
0x1de: {  	v10 =	vadd.f32 v23, v24;
	v25 =	vadd.f32 v25, v8;
	v26 =	vperm.xlane v9, v4;
	v8 =	vld [tilespmem:s18+$0x10];
	_ =	sdelay $0x1  }
0x1df: {  	v10 =	vadd.f32 v38, v10;
	v40 =	vmul.f32 v17, v17;
	v26 =	vadd.f32 v26, v9;
	v9 =	vld [tilespmem:s18+$0x20];
	_ =	sdelay $0x1  }
0x1e0: {  	v27 =	vperm.xlane v25, v5;
	v23 =	vadd.f32 v40, v10;
	v10 =	vld [tilespmem:s18+$0x30]  }
0x1e1: {  	v28 =	vmul.f32 v39, v39;
	v29 =	vmul.f32 v8, v8  }
0x1e2: {  	v25 =	vadd.f32 v27, v25;
	v41 =	vperm.xlane v26, v5  }
0x1e3: {  	v30 =	vperm.xlane v23, v4;
	v42 =	vadd.f32 v29, v28;
	v43 =	vmul.f32 v9, v9  }
0x1e4: {  	v31 =	vperm.xlane v25, v6;
	v26 =	vadd.f32 v41, v26  }
0x1e5: {  	v23 =	vadd.f32 v30, v23;
	v45 =	vmul.f32 v10, v10;
	v27 =	vadd.f32 v43, v42  }
0x1e6: {  	v25 =	vadd.f32 v31, v25;
	v44 =	vperm.xlane v26, v6  }
0x1e7: {  	v30 =	vperm.xlane v23, v5;
	v27 =	vadd.f32 v45, v27  }
0x1e8: {  	v31 =	vperm.xlane v25, v7;
	v26 =	vadd.f32 v44, v26  }
0x1e9: {  	v23 =	vadd.f32 v30, v23;
	v47 =	vperm.xlane v27, v4  }
0x1ea: {  	v25 =	vadd.f32 v31, v25;
	v46 =	vperm.xlane v26, v7  }
0x1eb: {  	v30 =	vperm.xlane v23, v6;
	v27 =	vadd.f32 v47, v27  }
0x1ec: {  	v25 =	vmax.f32 v25, $1.000000020e-24;
	v26 =	vadd.f32 v46, v26  }
0x1ed: {  	v48 =	vshra.s32 v25, $0x1;
	v23 =	vadd.f32 v30, v23;
	v29 =	vperm.xlane v27, v5  }
0x1ee: {  	v25 =	vmul.f32 $5.000000000e-01, v25;
	v28 =	vsub.s32 $0x5F3759DF, v48;
	v26 =	vmax.f32 v26, $1.000000020e-24  }
0x1ef: {  	v49 =	vmul.f32 v28, v28;
	v50 =	vshra.s32 v26, $0x1;
	v27 =	vadd.f32 v29, v27  }
0x1f0: {  	v32 =	vperm.xlane v23, v7;
	v26 =	vmul.f32 $5.000000000e-01, v26;
	v31 =	vsub.s32 $0x5F3759DF, v50  }
0x1f1: {  	v51 =	vmul.f32 v31, v31;
	v33 =	vperm.xlane v27, v6  }
0x1f2: {  	v30 =	vmul.f32 v49, v25;
	v23 =	vadd.f32 v32, v23  }
0x1f3: {  	v29 =	vmul.f32 v51, v26;
	v27 =	vadd.f32 v33, v27  }
0x1f4: {  	v30 =	vsub.f32 $1.500000000e+00, v30;
	v23 =	vmax.f32 v23, $1.000000020e-24  }
0x1f5: {  	v52 =	vshra.s32 v23, $0x1;
	v29 =	vsub.f32 $1.500000000e+00, v29;
	v33 =	vperm.xlane v27, v7  }
0x1f6: {  	v23 =	vmul.f32 $5.000000000e-01, v23;
	v28 =	vmul.f32 v28, v30;
	v53 =	vsub.s32 $0x5F3759DF, v52  }
0x1f7: {  	v54 =	vmul.f32 v53, v53;
	v29 =	vmul.f32 v31, v29;
	v27 =	vadd.f32 v33, v27  }
0x1f8: {  	v56 =	vmul.f32 v28, v28  }
0x1f9: {  	v31 =	vmul.f32 v54, v23;
	v55 =	vmul.f32 v29, v29;
	v27 =	vmax.f32 v27, $1.000000020e-24  }
0x1fa: {  	v25 =	vmul.f32 v56, v25;
	v57 =	vshra.s32 v27, $0x1  }
0x1fb: {  	v31 =	vsub.f32 $1.500000000e+00, v31;
	v26 =	vmul.f32 v55, v26;
	v32 =	vsub.s32 $0x5F3759DF, v57  }
0x1fc: {  	v25 =	vsub.f32 $1.500000000e+00, v25;
	v27 =	vmul.f32 $5.000000000e-01, v27;
	v58 =	vmul.f32 v32, v32  }
0x1fd: {  	s19 =	simm.s32 $0x0;
	v30 =	vmul.f32 v53, v31  }
0x1fe: {  	s19 =	smul.u32 $0x3000, s19;
	v26 =	vsub.f32 $1.500000000e+00, v26;
	v25 =	vmul.f32 v25, v28;
	v59 =	vmul.f32 v58, v27  }
0x1ff: {  	v31 =	vmul.f32 v30, v30  }
0x200: {  	s20 =	sand.u32 $0x380, s16;
	s19 =	sshra.s32 s19, $0x2;
	v26 =	vmul.f32 v26, v29;
	v15 =	vmul.f32 v25, v15;
	v60 =	vsub.f32 $1.500000000e+00, v59  }
0x201: {  	s20 =	sor.u32 s20, s19;
	v20 =	vmul.f32 v25, v20;
	v13 =	vmul.f32 v25, v13  }
0x202: {  	s19 =	sadd.s32 $0x1CF80, s20;
	v23 =	vmul.f32 v31, v23;
	[tilespmem:s20+$0x1CF80] =	vst v15;
	v28 =	vmul.f32 v32, v60  }
0x203: {  	v11 =	vmul.f32 v25, v11;
	[tilespmem:s19+$0x30] =	vst v20  }
0x204: {  	v18 =	vmul.f32 v26, v18;
	v61 =	vsub.f32 $1.500000000e+00, v23;
	[tilespmem:s19+$0x20] =	vst v13;
	v62 =	vmul.f32 v28, v28  }
0x205: {  	v21 =	vmul.f32 v26, v21;
	v19 =	vmul.f32 v26, v19;
	[tilespmem:s19+$0x10] =	vst v11  }
0x206: {  	[tilespmem:s19+$0x50] =	vst v18;
	v18 =	vmul.f32 v61, v30;
	v15 =	vmul.f32 v62, v27  }
0x207: {  	v63 =	vmul.f32 v26, v22;
	[tilespmem:s19+$0x60] =	vst v21  }
0x208: {  	[tilespmem:s19+$0x40] =	vst v19;
	v16 =	vmul.f32 v18, v16;
	v15 =	vsub.f32 $1.500000000e+00, v15  }
0x209: {  	[tilespmem:s19+$0x70] =	vst v63  }
0x20a: {  	v13 =	vmul.f32 v18, v12;
	[tilespmem:s20+$0x1D380] =	vst v16;
	v11 =	vmul.f32 v15, v28  }
0x20b: {  	s21 =	sadd.s32 $0x1D380, s20;
	v12 =	vmul.f32 v18, v14;
	[tilespmem:s20+$0x1D780] =	vst v16  }
0x20c: {  	s22 =	sadd.s32 $0x1D780, s20;
	s19 =	simm.s32 $0x1;
	v14 =	vmul.f32 v18, v17;
	[tilespmem:s21+$0x10] =	vst v13;
	v15 =	vmul.f32 v11, v39  }
.LBB2_12:
0x20d: {  	[tilespmem:s22+$0x10] =	vst v13;
	s16 =	sadd.s32 $0x80, s16;
	s17 =	sadd.s32 $0x80, s17;
	s18 =	sadd.s32 $0x80, s18  }
0x20e: {  	p0 =	sne.s32 s19, $0xF;
	v8 =	vmul.f32 v11, v8;
	s20 =	smov.u32 s19;
	s19 =	sadd.s32 $0x1, s19;
	[tilespmem:s21+$0x20] =	vst v12  }
0x20f: {  	[tilespmem:s22+$0x20] =	vst v12  }
0x210: {  	v9 =	vmul.f32 v11, v9;
	[tilespmem:s21+$0x30] =	vst v14  }
0x211: {  	[tilespmem:s22+$0x30] =	vst v14  }
0x212: {  	v10 =	vmul.f32 v11, v10;
	[tilespmem:s21+$0x40] =	vst v15  }
0x213: {  	[tilespmem:s22+$0x40] =	vst v15  }
0x214: {  	[tilespmem:s21+$0x50] =	vst v8  }
0x215: {  	[tilespmem:s22+$0x50] =	vst v8  }
0x216: {  	[tilespmem:s21+$0x60] =	vst v9  }
0x217: {  	[tilespmem:s22+$0x60] =	vst v9  }
0x218: {  	[tilespmem:s21+$0x70] =	vst v10  }
0x219: {  	[tilespmem:s22+$0x70] =	vst v10  }
0x21a: {  	v20 =	vld [tilespmem:s17+$0xFFFFFFC0]  }
0x21b: {  	v11 =	vld [tilespmem:s17+$0xFFFFFFD0]  }
0x21c: {  	v15 =	vld [tilespmem:s17+$0x10]  }
0x21d: {  	v13 =	vld [tilespmem:s17+$0xFFFFFFE0]  }
0x21e: {  	v21 =	vld [tilespmem:s17+$0x0]  }
0x21f: {  	v17 =	vld [tilespmem:s17+$0xFFFFFFF0]  }
0x220: {  	v8 =	vmul.f32 v20, v20;
	v22 =	vld [tilespmem:s17+$0x20];
	v9 =	vmul.f32 v11, v11  }
0x221: {  	v12 =	vld [tilespmem:s18+$0xFFFFFFD0]  }
0x222: {  	v23 =	vld [tilespmem:s17+$0x30];
	v8 =	vadd.f32 v9, v8;
	v9 =	vmul.f32 v13, v13  }
0x223: {  	v14 =	vmul.f32 v15, v15;
	v19 =	vld [tilespmem:s18+$0xFFFFFFC0];
	v10 =	vmul.f32 v21, v21  }
0x224: {  	v8 =	vadd.f32 v9, v8;
	v9 =	vmul.f32 v17, v17  }
0x225: {  	v16 =	vld [tilespmem:s18+$0xFFFFFFE0];
	v10 =	vadd.f32 v14, v10;
	v18 =	vmul.f32 v22, v22  }
0x226: {  	v8 =	vadd.f32 v9, v8  }
0x227: {  	v9 =	vmul.f32 v12, v12;
	v14 =	vld [tilespmem:s18+$0xFFFFFFF0];
	v10 =	vadd.f32 v18, v10;
	v18 =	vmul.f32 v23, v23  }
0x228: {  	v24 =	vmul.f32 v19, v19;
	v25 =	vperm.xlane v8, v4  }
0x229: {  	v10 =	vadd.f32 v18, v10  }
0x22a: {  	v9 =	vadd.f32 v9, v24;
	v24 =	vmul.f32 v16, v16;
	v25 =	vadd.f32 v25, v8  }
0x22b: {  	v18 =	vld [tilespmem:s18+$0x0];
	v26 =	vperm.xlane v10, v4  }
0x22c: {  	v8 =	vld [tilespmem:s18+$0x10];
	v24 =	vadd.f32 v24, v9;
	v27 =	vmul.f32 v14, v14;
	v28 =	vperm.xlane v25, v5  }
0x22d: {  	v26 =	vadd.f32 v26, v10  }
0x22e: {  	v9 =	vld [tilespmem:s18+$0x20];
	v24 =	vadd.f32 v27, v24;
	v25 =	vadd.f32 v28, v25  }
0x22f: {  	v27 =	vperm.xlane v26, v5  }
0x230: {  	v10 =	vld [tilespmem:s18+$0x30];
	v28 =	vperm.xlane v24, v4;
	v29 =	vperm.xlane v25, v6  }
0x231: {  	v30 =	vmul.f32 v18, v18;
	v31 =	vmul.f32 v8, v8;
	v26 =	vadd.f32 v27, v26  }
0x232: {  	v24 =	vadd.f32 v28, v24;
	v25 =	vadd.f32 v29, v25  }
0x233: {  	v27 =	vadd.f32 v31, v30;
	v28 =	vmul.f32 v9, v9;
	v29 =	vperm.xlane v26, v6  }
0x234: {  	v30 =	vperm.xlane v24, v5;
	v31 =	vperm.xlane v25, v7  }
0x235: {  	v27 =	vadd.f32 v28, v27;
	v28 =	vmul.f32 v10, v10;
	v26 =	vadd.f32 v29, v26  }
0x236: {  	v24 =	vadd.f32 v30, v24;
	v25 =	vadd.f32 v31, v25  }
0x237: {  	v27 =	vadd.f32 v28, v27;
	v28 =	vperm.xlane v26, v7  }
0x238: {  	v29 =	vperm.xlane v24, v6;
	v25 =	vmax.f32 v25, $1.000000020e-24  }
0x239: {  	v30 =	vperm.xlane v27, v4;
	v26 =	vadd.f32 v28, v26;
	v28 =	vshra.s32 v25, $0x1  }
0x23a: {  	v25 =	vmul.f32 $5.000000000e-01, v25;
	v24 =	vadd.f32 v29, v24;
	v28 =	vsub.s32 $0x5F3759DF, v28  }
0x23b: {  	v27 =	vadd.f32 v30, v27;
	v26 =	vmax.f32 v26, $1.000000020e-24;
	v29 =	vmul.f32 v28, v28  }
0x23c: {  	v30 =	vperm.xlane v24, v7;
	v31 =	vshra.s32 v26, $0x1  }
0x23d: {  	v32 =	vperm.xlane v27, v5;
	v31 =	vsub.s32 $0x5F3759DF, v31;
	v29 =	vmul.f32 v29, v25  }
0x23e: {  	v26 =	vmul.f32 $5.000000000e-01, v26;
	v24 =	vadd.f32 v30, v24;
	v30 =	vmul.f32 v31, v31  }
0x23f: {  	v27 =	vadd.f32 v32, v27;
	v29 =	vsub.f32 $1.500000000e+00, v29  }
0x240: {  	v24 =	vmax.f32 v24, $1.000000020e-24;
	v30 =	vmul.f32 v30, v26  }
0x241: {  	v32 =	vperm.xlane v27, v6;
	v33 =	vshra.s32 v24, $0x1;
	v28 =	vmul.f32 v28, v29  }
0x242: {  	v29 =	vsub.s32 $0x5F3759DF, v33;
	v30 =	vsub.f32 $1.500000000e+00, v30  }
0x243: {  	v24 =	vmul.f32 $5.000000000e-01, v24;
	v27 =	vadd.f32 v32, v27;
	v32 =	vmul.f32 v29, v29  }
0x244: {  	v30 =	vmul.f32 v31, v30;
	v31 =	vmul.f32 v28, v28  }
0x245: {  	v33 =	vperm.xlane v27, v7;
	v32 =	vmul.f32 v32, v24  }
0x246: {  	v34 =	vmul.f32 v30, v30;
	v25 =	vmul.f32 v31, v25  }
0x247: {  	v27 =	vadd.f32 v33, v27;
	v31 =	vsub.f32 $1.500000000e+00, v32  }
0x248: {  	v26 =	vmul.f32 v34, v26;
	v25 =	vsub.f32 $1.500000000e+00, v25  }
0x249: {  	v27 =	vmax.f32 v27, $1.000000020e-24;
	v29 =	vmul.f32 v29, v31  }
0x24a: {  	v31 =	vshra.s32 v27, $0x1;
	v26 =	vsub.f32 $1.500000000e+00, v26;
	v25 =	vmul.f32 v25, v28  }
0x24b: {  	v28 =	vsub.s32 $0x5F3759DF, v31;
	v31 =	vmul.f32 v29, v29  }
0x24c: {  	s20 =	sshrl.u32 s20, $0x3;
	v27 =	vmul.f32 $5.000000000e-01, v27;
	v32 =	vmul.f32 v28, v28  }
0x24d: {  	s20 =	smul.u32 $0x3000, s20;
	v26 =	vmul.f32 v26, v30;
	v24 =	vmul.f32 v31, v24  }
0x24e: {  	v20 =	vmul.f32 v25, v20;
	v30 =	vmul.f32 v32, v27  }
0x24f: {  	s20 =	sshra.s32 s20, $0x2;
	s21 =	sand.u32 $0x380, s16;
	v21 =	vmul.f32 v26, v21;
	v22 =	vmul.f32 v26, v22;
	v24 =	vsub.f32 $1.500000000e+00, v24  }
0x250: {  	s20 =	sor.u32 s21, s20;
	v15 =	vmul.f32 v26, v15;
	v23 =	vmul.f32 v26, v23;
	v30 =	vsub.f32 $1.500000000e+00, v30  }
0x251: {  	s21 =	sadd.s32 $0x1CF80, s20;
	v17 =	vmul.f32 v25, v17;
	v24 =	vmul.f32 v24, v29  }
0x252: {  	v26 =	vmul.f32 v28, v30;
	v28 =	vmul.f32 v25, v13;
	[tilespmem:s21+$0x50] =	vst v15  }
0x253: {  	v11 =	vmul.f32 v25, v11;
	[tilespmem:s21+$0x60] =	vst v22;
	v15 =	vmul.f32 v24, v19  }
0x254: {  	v19 =	vmul.f32 v26, v26;
	[tilespmem:s21+$0x40] =	vst v21  }
0x255: {  	v13 =	vmul.f32 v24, v12;
	[tilespmem:s20+$0x1CF80] =	vst v20  }
0x256: {  	v19 =	vmul.f32 v19, v27;
	[tilespmem:s21+$0x30] =	vst v17  }
0x257: {  	v12 =	vmul.f32 v24, v16;
	[tilespmem:s21+$0x70] =	vst v23  }
.Ltmp5:
0x258: {  	v16 =	vsub.f32 $1.500000000e+00, v19;
	[tilespmem:s21+$0x20] =	vst v28;
	(pc) =	sbr.rel @p0 .LBB2_12-.Ltmp5, $4  }
0x259: {  	[tilespmem:s21+$0x10] =	vst v11  }
0x25a: {  	v14 =	vmul.f32 v24, v14;
	s21 =	sadd.s32 $0x1D380, s20;
	v11 =	vmul.f32 v16, v26;
	[tilespmem:s20+$0x1D380] =	vst v15  }
0x25b: {  	s22 =	sadd.s32 $0x1D780, s20;
	[tilespmem:s20+$0x1D780] =	vst v15  }
0x25c: {  	[tilespmem:s21+$0x10] =	vst v13;
	v15 =	vmul.f32 v11, v18  }
0x25d: {  	[tilespmem:s22+$0x10] =	vst v13  }
0x25e: {  	[tilespmem:s21+$0x20] =	vst v12  }
0x25f: {  	[tilespmem:s22+$0x20] =	vst v12  }
0x260: {  	[tilespmem:s21+$0x30] =	vst v14  }
0x261: {  	[tilespmem:s22+$0x30] =	vst v14  }
0x262: {  	v8 =	vmul.f32 v11, v8;
	[tilespmem:s21+$0x40] =	vst v15  }
0x263: {  	[tilespmem:s22+$0x40] =	vst v15  }
0x264: {  	v9 =	vmul.f32 v11, v9;
	[tilespmem:s21+$0x50] =	vst v8  }
0x265: {  	[tilespmem:s22+$0x50] =	vst v8  }
0x266: {  	v8 =	vmul.f32 v11, v10;
	[tilespmem:s21+$0x60] =	vst v9  }
0x267: {  	[tilespmem:s22+$0x60] =	vst v9  }
0x268: {  	[tilespmem:s21+$0x70] =	vst v8  }
0x269: {  	[tilespmem:s22+$0x70] =	vst v8  }
0x26a: {  	_ =	strace $0x9000004E  }
0x26b: {  	s16 =	simm.s32 $0x0;
	s17 =	rddreg [dreg:$0x12]  }
0x26c: {  	[tilespmem:s28], [sflag:$0x2] =	stream.linear.gather [hbm4b:s17+s16], $0x800, $0x38;
	[tilespmem:$0x1E780] =	vst v63  }
0x26d: {  	s21 =	simm.s32 $0x19730  }
0x26e: {  	[tilespmem:s6], [sflag:$0x4] =	stream.indirect.gather [hbm4b:s1+s0], $0x80, s21, s0, $0xb8;
	[tilespmem:$0x1E780] =	vst v63  }
0x26f: {  	s22 =	rddreg [dreg:$0x9]  }
0x270: {  	[hbm4b:s22+s16] =	stream.linear.scatter [tilespmem:s12], [sflag:$0x6], $0x1800, $0x38;
	[tilespmem:$0x1E780] =	vst v63  }
0x271: {  	_ =	strace $0x8000004F  }
0x272: {  	_ =	swait.ge [sflag:s7], $0x800  }
0x273: {  	[sflag:s7] =	ssyncset.done $0x0  }
0x274: {  	[sflag:s7] =	ssyncadd.s32 $0xFFFFF800  }
0x275: {  	_ =	swait.ge [sflag:s8], $0x800  }
0x276: {  	[sflag:s8] =	ssyncset.done $0x0  }
0x277: {  	[sflag:s8] =	ssyncadd.s32 $0xFFFFF800  }
0x278: {  	_ =	strace $0x9000004F  }
0x279: {  	_ =	swait.ge [sflag:s13], $0x1800  }
0x27a: {  	[sflag:s13] =	ssyncset.done $0x0  }
0x27b: {  	[sflag:s13] =	ssyncadd.s32 $0xFFFFE800  }
0x27c: {  	s17 =	simm.s32 $0x197C0;
	_ =	strace $0x80000050  }
0x27d: {  	v15 =	vld [tilespmem:s17+$0xFFFFFFC0]  }
0x27e: {  	v11 =	vld [tilespmem:s17+$0xFFFFFFD0]  }
0x27f: {  	v18 =	vld [tilespmem:s17+$0x10]  }
0x280: {  	v19 =	vld [tilespmem:s17+$0x0]  }
0x281: {  	v13 =	vld [tilespmem:s17+$0xFFFFFFE0]  }
0x282: {  	v20 =	vld [tilespmem:s17+$0xFFFFFFF0]  }
0x283: {  	v21 =	vld [tilespmem:s17+$0x20]  }
0x284: {  	v8 =	vmul.f32 v15, v15;
	v9 =	vmul.f32 v11, v11  }
0x285: {  	s18 =	simm.s32 $0x1A7C0;
	v22 =	vld [tilespmem:s17+$0x30];
	v10 =	vmul.f32 v19, v19;
	v17 =	vmul.f32 v18, v18  }
0x286: {  	v12 =	vld [tilespmem:s18+$0xFFFFFFD0];
	v8 =	vadd.f32 v9, v8;
	v9 =	vmul.f32 v13, v13  }
0x287: {  	v16 =	vld [tilespmem:s18+$0xFFFFFFC0];
	v10 =	vadd.f32 v17, v10  }
0x288: {  	v14 =	vld [tilespmem:s18+$0xFFFFFFE0];
	v17 =	vmul.f32 v21, v21;
	v8 =	vadd.f32 v9, v8;
	v9 =	vmul.f32 v20, v20;
	_ =	sdelay $0x1  }
0x289: {  	v8 =	vadd.f32 v9, v8;
	v9 =	vadd.f32 v17, v10;
	v10 =	vmul.f32 v22, v22  }
0x28a: {  	v23 =	vmul.f32 v12, v12;
	v17 =	vld [tilespmem:s18+$0xFFFFFFF0]  }
0x28b: {  	v24 =	vmul.f32 v16, v16;
	v25 =	vperm.xlane v8, v4;
	v9 =	vadd.f32 v10, v9  }
0x28c: {  	v39 =	vld [tilespmem:s18+$0x0];
	v38 =	vmul.f32 v14, v14  }
0x28d: {  	v10 =	vadd.f32 v23, v24;
	v25 =	vadd.f32 v25, v8;
	v26 =	vperm.xlane v9, v4;
	v8 =	vld [tilespmem:s18+$0x10];
	_ =	sdelay $0x1  }
0x28e: {  	v10 =	vadd.f32 v38, v10;
	v40 =	vmul.f32 v17, v17;
	v26 =	vadd.f32 v26, v9;
	v9 =	vld [tilespmem:s18+$0x20];
	_ =	sdelay $0x1  }
0x28f: {  	v27 =	vperm.xlane v25, v5;
	v23 =	vadd.f32 v40, v10;
	v10 =	vld [tilespmem:s18+$0x30]  }
0x290: {  	v28 =	vmul.f32 v39, v39;
	v29 =	vmul.f32 v8, v8  }
0x291: {  	v25 =	vadd.f32 v27, v25;
	v41 =	vperm.xlane v26, v5  }
0x292: {  	v30 =	vperm.xlane v23, v4;
	v42 =	vadd.f32 v29, v28;
	v43 =	vmul.f32 v9, v9  }
0x293: {  	v31 =	vperm.xlane v25, v6;
	v26 =	vadd.f32 v41, v26  }
0x294: {  	v23 =	vadd.f32 v30, v23;
	v45 =	vmul.f32 v10, v10;
	v27 =	vadd.f32 v43, v42  }
0x295: {  	v25 =	vadd.f32 v31, v25;
	v44 =	vperm.xlane v26, v6  }
0x296: {  	v30 =	vperm.xlane v23, v5;
	v27 =	vadd.f32 v45, v27  }
0x297: {  	v31 =	vperm.xlane v25, v7;
	v26 =	vadd.f32 v44, v26  }
0x298: {  	v23 =	vadd.f32 v30, v23;
	v47 =	vperm.xlane v27, v4  }
0x299: {  	v25 =	vadd.f32 v31, v25;
	v46 =	vperm.xlane v26, v7  }
0x29a: {  	v30 =	vperm.xlane v23, v6;
	v27 =	vadd.f32 v47, v27  }
0x29b: {  	v25 =	vmax.f32 v25, $1.000000020e-24;
	v26 =	vadd.f32 v46, v26  }
0x29c: {  	v48 =	vshra.s32 v25, $0x1;
	v23 =	vadd.f32 v30, v23;
	v29 =	vperm.xlane v27, v5  }
0x29d: {  	v25 =	vmul.f32 $5.000000000e-01, v25;
	v28 =	vsub.s32 $0x5F3759DF, v48;
	v26 =	vmax.f32 v26, $1.000000020e-24  }
0x29e: {  	v49 =	vmul.f32 v28, v28;
	v50 =	vshra.s32 v26, $0x1;
	v27 =	vadd.f32 v29, v27  }
0x29f: {  	v32 =	vperm.xlane v23, v7;
	v26 =	vmul.f32 $5.000000000e-01, v26;
	v31 =	vsub.s32 $0x5F3759DF, v50  }
0x2a0: {  	v51 =	vmul.f32 v31, v31;
	v33 =	vperm.xlane v27, v6  }
0x2a1: {  	v30 =	vmul.f32 v49, v25;
	v23 =	vadd.f32 v32, v23  }
0x2a2: {  	v29 =	vmul.f32 v51, v26;
	v27 =	vadd.f32 v33, v27  }
0x2a3: {  	v30 =	vsub.f32 $1.500000000e+00, v30;
	v23 =	vmax.f32 v23, $1.000000020e-24  }
0x2a4: {  	v52 =	vshra.s32 v23, $0x1;
	v29 =	vsub.f32 $1.500000000e+00, v29;
	v33 =	vperm.xlane v27, v7  }
0x2a5: {  	v23 =	vmul.f32 $5.000000000e-01, v23;
	v28 =	vmul.f32 v28, v30;
	v53 =	vsub.s32 $0x5F3759DF, v52  }
0x2a6: {  	v54 =	vmul.f32 v53, v53;
	v29 =	vmul.f32 v31, v29;
	v27 =	vadd.f32 v33, v27  }
0x2a7: {  	v56 =	vmul.f32 v28, v28  }
0x2a8: {  	v31 =	vmul.f32 v54, v23;
	v55 =	vmul.f32 v29, v29;
	v27 =	vmax.f32 v27, $1.000000020e-24  }
0x2a9: {  	v25 =	vmul.f32 v56, v25;
	v57 =	vshra.s32 v27, $0x1  }
0x2aa: {  	v31 =	vsub.f32 $1.500000000e+00, v31;
	v26 =	vmul.f32 v55, v26;
	v32 =	vsub.s32 $0x5F3759DF, v57  }
0x2ab: {  	v25 =	vsub.f32 $1.500000000e+00, v25;
	v27 =	vmul.f32 $5.000000000e-01, v27;
	v58 =	vmul.f32 v32, v32  }
0x2ac: {  	s19 =	simm.s32 $0x0;
	v30 =	vmul.f32 v53, v31  }
0x2ad: {  	s19 =	smul.u32 $0x3000, s19;
	v26 =	vsub.f32 $1.500000000e+00, v26;
	v25 =	vmul.f32 v25, v28;
	v59 =	vmul.f32 v58, v27  }
0x2ae: {  	v31 =	vmul.f32 v30, v30  }
0x2af: {  	s20 =	sand.u32 $0x380, s16;
	s19 =	sshra.s32 s19, $0x2;
	v26 =	vmul.f32 v26, v29;
	v15 =	vmul.f32 v25, v15;
	v60 =	vsub.f32 $1.500000000e+00, v59  }
0x2b0: {  	s20 =	sor.u32 s20, s19;
	v20 =	vmul.f32 v25, v20;
	v13 =	vmul.f32 v25, v13  }
0x2b1: {  	s19 =	sadd.s32 $0x1B780, s20;
	v23 =	vmul.f32 v31, v23;
	[tilespmem:s20+$0x1B780] =	vst v15;
	v28 =	vmul.f32 v32, v60  }
0x2b2: {  	v11 =	vmul.f32 v25, v11;
	[tilespmem:s19+$0x30] =	vst v20  }
0x2b3: {  	v18 =	vmul.f32 v26, v18;
	v61 =	vsub.f32 $1.500000000e+00, v23;
	[tilespmem:s19+$0x20] =	vst v13;
	v62 =	vmul.f32 v28, v28  }
0x2b4: {  	v21 =	vmul.f32 v26, v21;
	v19 =	vmul.f32 v26, v19;
	[tilespmem:s19+$0x10] =	vst v11  }
0x2b5: {  	[tilespmem:s19+$0x50] =	vst v18;
	v18 =	vmul.f32 v61, v30;
	v15 =	vmul.f32 v62, v27  }
0x2b6: {  	v63 =	vmul.f32 v26, v22;
	[tilespmem:s19+$0x60] =	vst v21  }
0x2b7: {  	[tilespmem:s19+$0x40] =	vst v19;
	v16 =	vmul.f32 v18, v16;
	v15 =	vsub.f32 $1.500000000e+00, v15  }
0x2b8: {  	[tilespmem:s19+$0x70] =	vst v63  }
0x2b9: {  	v13 =	vmul.f32 v18, v12;
	[tilespmem:s20+$0x1BB80] =	vst v16;
	v11 =	vmul.f32 v15, v28  }
0x2ba: {  	s21 =	sadd.s32 $0x1BB80, s20;
	v12 =	vmul.f32 v18, v14;
	[tilespmem:s20+$0x1BF80] =	vst v16  }
0x2bb: {  	s22 =	sadd.s32 $0x1BF80, s20;
	s19 =	simm.s32 $0x1;
	v14 =	vmul.f32 v18, v17;
	[tilespmem:s21+$0x10] =	vst v13;
	v15 =	vmul.f32 v11, v39  }
.LBB2_14:
0x2bc: {  	[tilespmem:s22+$0x10] =	vst v13;
	s16 =	sadd.s32 $0x80, s16;
	s17 =	sadd.s32 $0x80, s17;
	s18 =	sadd.s32 $0x80, s18  }
0x2bd: {  	p0 =	sne.s32 s19, $0xF;
	v8 =	vmul.f32 v11, v8;
	s20 =	smov.u32 s19;
	s19 =	sadd.s32 $0x1, s19;
	[tilespmem:s21+$0x20] =	vst v12  }
0x2be: {  	[tilespmem:s22+$0x20] =	vst v12  }
0x2bf: {  	v9 =	vmul.f32 v11, v9;
	[tilespmem:s21+$0x30] =	vst v14  }
0x2c0: {  	[tilespmem:s22+$0x30] =	vst v14  }
0x2c1: {  	v10 =	vmul.f32 v11, v10;
	[tilespmem:s21+$0x40] =	vst v15  }
0x2c2: {  	[tilespmem:s22+$0x40] =	vst v15  }
0x2c3: {  	[tilespmem:s21+$0x50] =	vst v8  }
0x2c4: {  	[tilespmem:s22+$0x50] =	vst v8  }
0x2c5: {  	[tilespmem:s21+$0x60] =	vst v9  }
0x2c6: {  	[tilespmem:s22+$0x60] =	vst v9  }
0x2c7: {  	[tilespmem:s21+$0x70] =	vst v10  }
0x2c8: {  	[tilespmem:s22+$0x70] =	vst v10  }
0x2c9: {  	v20 =	vld [tilespmem:s17+$0xFFFFFFC0]  }
0x2ca: {  	v11 =	vld [tilespmem:s17+$0xFFFFFFD0]  }
0x2cb: {  	v15 =	vld [tilespmem:s17+$0x10]  }
0x2cc: {  	v13 =	vld [tilespmem:s17+$0xFFFFFFE0]  }
0x2cd: {  	v21 =	vld [tilespmem:s17+$0x0]  }
0x2ce: {  	v17 =	vld [tilespmem:s17+$0xFFFFFFF0]  }
0x2cf: {  	v8 =	vmul.f32 v20, v20;
	v22 =	vld [tilespmem:s17+$0x20];
	v9 =	vmul.f32 v11, v11  }
0x2d0: {  	v12 =	vld [tilespmem:s18+$0xFFFFFFD0]  }
0x2d1: {  	v23 =	vld [tilespmem:s17+$0x30];
	v8 =	vadd.f32 v9, v8;
	v9 =	vmul.f32 v13, v13  }
0x2d2: {  	v14 =	vmul.f32 v15, v15;
	v19 =	vld [tilespmem:s18+$0xFFFFFFC0];
	v10 =	vmul.f32 v21, v21  }
0x2d3: {  	v8 =	vadd.f32 v9, v8;
	v9 =	vmul.f32 v17, v17  }
0x2d4: {  	v16 =	vld [tilespmem:s18+$0xFFFFFFE0];
	v10 =	vadd.f32 v14, v10;
	v18 =	vmul.f32 v22, v22  }
0x2d5: {  	v8 =	vadd.f32 v9, v8  }
0x2d6: {  	v9 =	vmul.f32 v12, v12;
	v14 =	vld [tilespmem:s18+$0xFFFFFFF0];
	v10 =	vadd.f32 v18, v10;
	v18 =	vmul.f32 v23, v23  }
0x2d7: {  	v24 =	vmul.f32 v19, v19;
	v25 =	vperm.xlane v8, v4  }
0x2d8: {  	v10 =	vadd.f32 v18, v10  }
0x2d9: {  	v9 =	vadd.f32 v9, v24;
	v24 =	vmul.f32 v16, v16;
	v25 =	vadd.f32 v25, v8  }
0x2da: {  	v18 =	vld [tilespmem:s18+$0x0];
	v26 =	vperm.xlane v10, v4  }
0x2db: {  	v8 =	vld [tilespmem:s18+$0x10];
	v24 =	vadd.f32 v24, v9;
	v27 =	vmul.f32 v14, v14;
	v28 =	vperm.xlane v25, v5  }
0x2dc: {  	v26 =	vadd.f32 v26, v10  }
0x2dd: {  	v9 =	vld [tilespmem:s18+$0x20];
	v24 =	vadd.f32 v27, v24;
	v25 =	vadd.f32 v28, v25  }
0x2de: {  	v27 =	vperm.xlane v26, v5  }
0x2df: {  	v10 =	vld [tilespmem:s18+$0x30];
	v28 =	vperm.xlane v24, v4;
	v29 =	vperm.xlane v25, v6  }
0x2e0: {  	v30 =	vmul.f32 v18, v18;
	v31 =	vmul.f32 v8, v8;
	v26 =	vadd.f32 v27, v26  }
0x2e1: {  	v24 =	vadd.f32 v28, v24;
	v25 =	vadd.f32 v29, v25  }
0x2e2: {  	v27 =	vadd.f32 v31, v30;
	v28 =	vmul.f32 v9, v9;
	v29 =	vperm.xlane v26, v6  }
0x2e3: {  	v30 =	vperm.xlane v24, v5;
	v31 =	vperm.xlane v25, v7  }
0x2e4: {  	v27 =	vadd.f32 v28, v27;
	v28 =	vmul.f32 v10, v10;
	v26 =	vadd.f32 v29, v26  }
0x2e5: {  	v24 =	vadd.f32 v30, v24;
	v25 =	vadd.f32 v31, v25  }
0x2e6: {  	v27 =	vadd.f32 v28, v27;
	v28 =	vperm.xlane v26, v7  }
0x2e7: {  	v29 =	vperm.xlane v24, v6;
	v25 =	vmax.f32 v25, $1.000000020e-24  }
0x2e8: {  	v30 =	vperm.xlane v27, v4;
	v26 =	vadd.f32 v28, v26;
	v28 =	vshra.s32 v25, $0x1  }
0x2e9: {  	v25 =	vmul.f32 $5.000000000e-01, v25;
	v24 =	vadd.f32 v29, v24;
	v28 =	vsub.s32 $0x5F3759DF, v28  }
0x2ea: {  	v27 =	vadd.f32 v30, v27;
	v26 =	vmax.f32 v26, $1.000000020e-24;
	v29 =	vmul.f32 v28, v28  }
0x2eb: {  	v30 =	vperm.xlane v24, v7;
	v31 =	vshra.s32 v26, $0x1  }
0x2ec: {  	v32 =	vperm.xlane v27, v5;
	v31 =	vsub.s32 $0x5F3759DF, v31;
	v29 =	vmul.f32 v29, v25  }
0x2ed: {  	v26 =	vmul.f32 $5.000000000e-01, v26;
	v24 =	vadd.f32 v30, v24;
	v30 =	vmul.f32 v31, v31  }
0x2ee: {  	v27 =	vadd.f32 v32, v27;
	v29 =	vsub.f32 $1.500000000e+00, v29  }
0x2ef: {  	v24 =	vmax.f32 v24, $1.000000020e-24;
	v30 =	vmul.f32 v30, v26  }
0x2f0: {  	v32 =	vperm.xlane v27, v6;
	v33 =	vshra.s32 v24, $0x1;
	v28 =	vmul.f32 v28, v29  }
0x2f1: {  	v29 =	vsub.s32 $0x5F3759DF, v33;
	v30 =	vsub.f32 $1.500000000e+00, v30  }
0x2f2: {  	v24 =	vmul.f32 $5.000000000e-01, v24;
	v27 =	vadd.f32 v32, v27;
	v32 =	vmul.f32 v29, v29  }
0x2f3: {  	v30 =	vmul.f32 v31, v30;
	v31 =	vmul.f32 v28, v28  }
0x2f4: {  	v33 =	vperm.xlane v27, v7;
	v32 =	vmul.f32 v32, v24  }
0x2f5: {  	v34 =	vmul.f32 v30, v30;
	v25 =	vmul.f32 v31, v25  }
0x2f6: {  	v27 =	vadd.f32 v33, v27;
	v31 =	vsub.f32 $1.500000000e+00, v32  }
0x2f7: {  	v26 =	vmul.f32 v34, v26;
	v25 =	vsub.f32 $1.500000000e+00, v25  }
0x2f8: {  	v27 =	vmax.f32 v27, $1.000000020e-24;
	v29 =	vmul.f32 v29, v31  }
0x2f9: {  	v31 =	vshra.s32 v27, $0x1;
	v26 =	vsub.f32 $1.500000000e+00, v26;
	v25 =	vmul.f32 v25, v28  }
0x2fa: {  	v28 =	vsub.s32 $0x5F3759DF, v31;
	v31 =	vmul.f32 v29, v29  }
0x2fb: {  	s20 =	sshrl.u32 s20, $0x3;
	v27 =	vmul.f32 $5.000000000e-01, v27;
	v32 =	vmul.f32 v28, v28  }
0x2fc: {  	s20 =	smul.u32 $0x3000, s20;
	v26 =	vmul.f32 v26, v30;
	v24 =	vmul.f32 v31, v24  }
0x2fd: {  	v20 =	vmul.f32 v25, v20;
	v30 =	vmul.f32 v32, v27  }
0x2fe: {  	s20 =	sshra.s32 s20, $0x2;
	s21 =	sand.u32 $0x380, s16;
	v21 =	vmul.f32 v26, v21;
	v22 =	vmul.f32 v26, v22;
	v24 =	vsub.f32 $1.500000000e+00, v24  }
0x2ff: {  	s20 =	sor.u32 s21, s20;
	v15 =	vmul.f32 v26, v15;
	v23 =	vmul.f32 v26, v23;
	v30 =	vsub.f32 $1.500000000e+00, v30  }
0x300: {  	s21 =	sadd.s32 $0x1B780, s20;
	v17 =	vmul.f32 v25, v17;
	v24 =	vmul.f32 v24, v29  }
0x301: {  	v26 =	vmul.f32 v28, v30;
	v28 =	vmul.f32 v25, v13;
	[tilespmem:s21+$0x50] =	vst v15  }
0x302: {  	v11 =	vmul.f32 v25, v11;
	[tilespmem:s21+$0x60] =	vst v22;
	v15 =	vmul.f32 v24, v19  }
0x303: {  	v19 =	vmul.f32 v26, v26;
	[tilespmem:s21+$0x40] =	vst v21  }
0x304: {  	v13 =	vmul.f32 v24, v12;
	[tilespmem:s20+$0x1B780] =	vst v20  }
0x305: {  	v19 =	vmul.f32 v19, v27;
	[tilespmem:s21+$0x30] =	vst v17  }
0x306: {  	v12 =	vmul.f32 v24, v16;
	[tilespmem:s21+$0x70] =	vst v23  }
.Ltmp6:
0x307: {  	v16 =	vsub.f32 $1.500000000e+00, v19;
	[tilespmem:s21+$0x20] =	vst v28;
	(pc) =	sbr.rel @p0 .LBB2_14-.Ltmp6, $4  }
0x308: {  	[tilespmem:s21+$0x10] =	vst v11  }
0x309: {  	v14 =	vmul.f32 v24, v14;
	s21 =	sadd.s32 $0x1BB80, s20;
	v11 =	vmul.f32 v16, v26;
	[tilespmem:s20+$0x1BB80] =	vst v15  }
0x30a: {  	s22 =	sadd.s32 $0x1BF80, s20;
	[tilespmem:s20+$0x1BF80] =	vst v15  }
0x30b: {  	[tilespmem:s21+$0x10] =	vst v13;
	v15 =	vmul.f32 v11, v18  }
0x30c: {  	[tilespmem:s22+$0x10] =	vst v13  }
0x30d: {  	[tilespmem:s21+$0x20] =	vst v12  }
0x30e: {  	[tilespmem:s22+$0x20] =	vst v12  }
0x30f: {  	[tilespmem:s21+$0x30] =	vst v14  }
0x310: {  	[tilespmem:s22+$0x30] =	vst v14  }
0x311: {  	v8 =	vmul.f32 v11, v8;
	[tilespmem:s21+$0x40] =	vst v15  }
0x312: {  	[tilespmem:s22+$0x40] =	vst v15  }
0x313: {  	v9 =	vmul.f32 v11, v9;
	[tilespmem:s21+$0x50] =	vst v8  }
0x314: {  	[tilespmem:s22+$0x50] =	vst v8  }
0x315: {  	v8 =	vmul.f32 v11, v10;
	[tilespmem:s21+$0x60] =	vst v9  }
0x316: {  	[tilespmem:s22+$0x60] =	vst v9  }
0x317: {  	[tilespmem:s21+$0x70] =	vst v8  }
0x318: {  	[tilespmem:s22+$0x70] =	vst v8  }
0x319: {  	_ =	strace $0x90000050  }
0x31a: {  	s16 =	simm.s32 $0x0;
	s17 =	rddreg [dreg:$0x13]  }
0x31b: {  	[tilespmem:s26], [sflag:$0x1] =	stream.linear.gather [hbm4b:s17+s16], $0x800, $0x38;
	[tilespmem:$0x1E780] =	vst v63  }
0x31c: {  	s21 =	simm.s32 $0x19740  }
0x31d: {  	[tilespmem:s2], [sflag:$0x3] =	stream.indirect.gather [hbm4b:s1+s0], $0x80, s21, s0, $0xb8;
	[tilespmem:$0x1E780] =	vst v63  }
0x31e: {  	s22 =	rddreg [dreg:$0xa]  }
0x31f: {  	[hbm4b:s22+s16] =	stream.linear.scatter [tilespmem:s9], [sflag:$0x5], $0x1800, $0x38;
	[tilespmem:$0x1E780] =	vst v63  }
0x320: {  	_ =	strace $0x80000051  }
0x321: {  	_ =	swait.ge [sflag:s10], $0x800  }
0x322: {  	[sflag:s10] =	ssyncset.done $0x0  }
0x323: {  	[sflag:s10] =	ssyncadd.s32 $0xFFFFF800  }
0x324: {  	_ =	swait.ge [sflag:s11], $0x800  }
0x325: {  	[sflag:s11] =	ssyncset.done $0x0  }
0x326: {  	[sflag:s11] =	ssyncadd.s32 $0xFFFFF800  }
0x327: {  	_ =	strace $0x90000051  }
0x328: {  	_ =	swait.ge [sflag:s14], $0x1800  }
0x329: {  	[sflag:s14] =	ssyncset.done $0x0  }
0x32a: {  	[sflag:s14] =	ssyncadd.s32 $0xFFFFE800  }
0x32b: {  	s17 =	simm.s32 $0x19FC0;
	_ =	strace $0x80000052  }
0x32c: {  	v15 =	vld [tilespmem:s17+$0xFFFFFFC0]  }
0x32d: {  	v11 =	vld [tilespmem:s17+$0xFFFFFFD0]  }
0x32e: {  	v18 =	vld [tilespmem:s17+$0x10]  }
0x32f: {  	v19 =	vld [tilespmem:s17+$0x0]  }
0x330: {  	v13 =	vld [tilespmem:s17+$0xFFFFFFE0]  }
0x331: {  	v20 =	vld [tilespmem:s17+$0xFFFFFFF0]  }
0x332: {  	v21 =	vld [tilespmem:s17+$0x20]  }
0x333: {  	v8 =	vmul.f32 v15, v15;
	v9 =	vmul.f32 v11, v11  }
0x334: {  	s18 =	simm.s32 $0x1AFC0;
	v22 =	vld [tilespmem:s17+$0x30];
	v10 =	vmul.f32 v19, v19;
	v17 =	vmul.f32 v18, v18  }
0x335: {  	v12 =	vld [tilespmem:s18+$0xFFFFFFD0];
	v8 =	vadd.f32 v9, v8;
	v9 =	vmul.f32 v13, v13  }
0x336: {  	v16 =	vld [tilespmem:s18+$0xFFFFFFC0];
	v10 =	vadd.f32 v17, v10  }
0x337: {  	v14 =	vld [tilespmem:s18+$0xFFFFFFE0];
	v17 =	vmul.f32 v21, v21;
	v8 =	vadd.f32 v9, v8;
	v9 =	vmul.f32 v20, v20;
	_ =	sdelay $0x1  }
0x338: {  	v8 =	vadd.f32 v9, v8;
	v9 =	vadd.f32 v17, v10;
	v10 =	vmul.f32 v22, v22  }
0x339: {  	v23 =	vmul.f32 v12, v12;
	v17 =	vld [tilespmem:s18+$0xFFFFFFF0]  }
0x33a: {  	v24 =	vmul.f32 v16, v16;
	v25 =	vperm.xlane v8, v4;
	v9 =	vadd.f32 v10, v9  }
0x33b: {  	v39 =	vld [tilespmem:s18+$0x0];
	v38 =	vmul.f32 v14, v14  }
0x33c: {  	v10 =	vadd.f32 v23, v24;
	v25 =	vadd.f32 v25, v8;
	v26 =	vperm.xlane v9, v4;
	v8 =	vld [tilespmem:s18+$0x10];
	_ =	sdelay $0x1  }
0x33d: {  	v10 =	vadd.f32 v38, v10;
	v40 =	vmul.f32 v17, v17;
	v26 =	vadd.f32 v26, v9;
	v9 =	vld [tilespmem:s18+$0x20];
	_ =	sdelay $0x1  }
0x33e: {  	v27 =	vperm.xlane v25, v5;
	v23 =	vadd.f32 v40, v10;
	v10 =	vld [tilespmem:s18+$0x30]  }
0x33f: {  	v28 =	vmul.f32 v39, v39;
	v29 =	vmul.f32 v8, v8  }
0x340: {  	v25 =	vadd.f32 v27, v25;
	v41 =	vperm.xlane v26, v5  }
0x341: {  	v30 =	vperm.xlane v23, v4;
	v42 =	vadd.f32 v29, v28;
	v43 =	vmul.f32 v9, v9  }
0x342: {  	v31 =	vperm.xlane v25, v6;
	v26 =	vadd.f32 v41, v26  }
0x343: {  	v23 =	vadd.f32 v30, v23;
	v45 =	vmul.f32 v10, v10;
	v27 =	vadd.f32 v43, v42  }
0x344: {  	v25 =	vadd.f32 v31, v25;
	v44 =	vperm.xlane v26, v6  }
0x345: {  	v30 =	vperm.xlane v23, v5;
	v27 =	vadd.f32 v45, v27  }
0x346: {  	v31 =	vperm.xlane v25, v7;
	v26 =	vadd.f32 v44, v26  }
0x347: {  	v23 =	vadd.f32 v30, v23;
	v47 =	vperm.xlane v27, v4  }
0x348: {  	v25 =	vadd.f32 v31, v25;
	v46 =	vperm.xlane v26, v7  }
0x349: {  	v30 =	vperm.xlane v23, v6;
	v27 =	vadd.f32 v47, v27  }
0x34a: {  	v25 =	vmax.f32 v25, $1.000000020e-24;
	v26 =	vadd.f32 v46, v26  }
0x34b: {  	v48 =	vshra.s32 v25, $0x1;
	v23 =	vadd.f32 v30, v23;
	v29 =	vperm.xlane v27, v5  }
0x34c: {  	v25 =	vmul.f32 $5.000000000e-01, v25;
	v28 =	vsub.s32 $0x5F3759DF, v48;
	v26 =	vmax.f32 v26, $1.000000020e-24  }
0x34d: {  	v49 =	vmul.f32 v28, v28;
	v50 =	vshra.s32 v26, $0x1;
	v27 =	vadd.f32 v29, v27  }
0x34e: {  	v32 =	vperm.xlane v23, v7;
	v26 =	vmul.f32 $5.000000000e-01, v26;
	v31 =	vsub.s32 $0x5F3759DF, v50  }
0x34f: {  	v51 =	vmul.f32 v31, v31;
	v33 =	vperm.xlane v27, v6  }
0x350: {  	v30 =	vmul.f32 v49, v25;
	v23 =	vadd.f32 v32, v23  }
0x351: {  	v29 =	vmul.f32 v51, v26;
	v27 =	vadd.f32 v33, v27  }
0x352: {  	v30 =	vsub.f32 $1.500000000e+00, v30;
	v23 =	vmax.f32 v23, $1.000000020e-24  }
0x353: {  	v52 =	vshra.s32 v23, $0x1;
	v29 =	vsub.f32 $1.500000000e+00, v29;
	v33 =	vperm.xlane v27, v7  }
0x354: {  	v23 =	vmul.f32 $5.000000000e-01, v23;
	v28 =	vmul.f32 v28, v30;
	v53 =	vsub.s32 $0x5F3759DF, v52  }
0x355: {  	v54 =	vmul.f32 v53, v53;
	v29 =	vmul.f32 v31, v29;
	v27 =	vadd.f32 v33, v27  }
0x356: {  	v56 =	vmul.f32 v28, v28  }
0x357: {  	v31 =	vmul.f32 v54, v23;
	v55 =	vmul.f32 v29, v29;
	v27 =	vmax.f32 v27, $1.000000020e-24  }
0x358: {  	v25 =	vmul.f32 v56, v25;
	v57 =	vshra.s32 v27, $0x1  }
0x359: {  	v31 =	vsub.f32 $1.500000000e+00, v31;
	v26 =	vmul.f32 v55, v26;
	v32 =	vsub.s32 $0x5F3759DF, v57  }
0x35a: {  	v25 =	vsub.f32 $1.500000000e+00, v25;
	v27 =	vmul.f32 $5.000000000e-01, v27;
	v58 =	vmul.f32 v32, v32  }
0x35b: {  	s19 =	simm.s32 $0x0;
	v30 =	vmul.f32 v53, v31  }
0x35c: {  	s19 =	smul.u32 $0x3000, s19;
	v26 =	vsub.f32 $1.500000000e+00, v26;
	v25 =	vmul.f32 v25, v28;
	v59 =	vmul.f32 v58, v27  }
0x35d: {  	v31 =	vmul.f32 v30, v30  }
0x35e: {  	s20 =	sand.u32 $0x380, s16;
	s19 =	sshra.s32 s19, $0x2;
	v26 =	vmul.f32 v26, v29;
	v15 =	vmul.f32 v25, v15;
	v60 =	vsub.f32 $1.500000000e+00, v59  }
0x35f: {  	s20 =	sor.u32 s20, s19;
	v20 =	vmul.f32 v25, v20;
	v13 =	vmul.f32 v25, v13  }
0x360: {  	s19 =	sadd.s32 $0x1CF80, s20;
	v23 =	vmul.f32 v31, v23;
	[tilespmem:s20+$0x1CF80] =	vst v15;
	v28 =	vmul.f32 v32, v60  }
0x361: {  	v11 =	vmul.f32 v25, v11;
	[tilespmem:s19+$0x30] =	vst v20  }
0x362: {  	v18 =	vmul.f32 v26, v18;
	v61 =	vsub.f32 $1.500000000e+00, v23;
	[tilespmem:s19+$0x20] =	vst v13;
	v62 =	vmul.f32 v28, v28  }
0x363: {  	v21 =	vmul.f32 v26, v21;
	v19 =	vmul.f32 v26, v19;
	[tilespmem:s19+$0x10] =	vst v11  }
0x364: {  	[tilespmem:s19+$0x50] =	vst v18;
	v18 =	vmul.f32 v61, v30;
	v15 =	vmul.f32 v62, v27  }
0x365: {  	v63 =	vmul.f32 v26, v22;
	[tilespmem:s19+$0x60] =	vst v21  }
0x366: {  	[tilespmem:s19+$0x40] =	vst v19;
	v16 =	vmul.f32 v18, v16;
	v15 =	vsub.f32 $1.500000000e+00, v15  }
0x367: {  	[tilespmem:s19+$0x70] =	vst v63  }
0x368: {  	v13 =	vmul.f32 v18, v12;
	[tilespmem:s20+$0x1D380] =	vst v16;
	v11 =	vmul.f32 v15, v28  }
0x369: {  	s21 =	sadd.s32 $0x1D380, s20;
	v12 =	vmul.f32 v18, v14;
	[tilespmem:s20+$0x1D780] =	vst v16  }
0x36a: {  	s22 =	sadd.s32 $0x1D780, s20;
	s19 =	simm.s32 $0x1;
	v14 =	vmul.f32 v18, v17;
	[tilespmem:s21+$0x10] =	vst v13;
	v15 =	vmul.f32 v11, v39  }
.LBB2_16:
0x36b: {  	[tilespmem:s22+$0x10] =	vst v13;
	s16 =	sadd.s32 $0x80, s16;
	s17 =	sadd.s32 $0x80, s17;
	s18 =	sadd.s32 $0x80, s18  }
0x36c: {  	p0 =	sne.s32 s19, $0xF;
	v8 =	vmul.f32 v11, v8;
	s20 =	smov.u32 s19;
	s19 =	sadd.s32 $0x1, s19;
	[tilespmem:s21+$0x20] =	vst v12  }
0x36d: {  	[tilespmem:s22+$0x20] =	vst v12  }
0x36e: {  	v9 =	vmul.f32 v11, v9;
	[tilespmem:s21+$0x30] =	vst v14  }
0x36f: {  	[tilespmem:s22+$0x30] =	vst v14  }
0x370: {  	v10 =	vmul.f32 v11, v10;
	[tilespmem:s21+$0x40] =	vst v15  }
0x371: {  	[tilespmem:s22+$0x40] =	vst v15  }
0x372: {  	[tilespmem:s21+$0x50] =	vst v8  }
0x373: {  	[tilespmem:s22+$0x50] =	vst v8  }
0x374: {  	[tilespmem:s21+$0x60] =	vst v9  }
0x375: {  	[tilespmem:s22+$0x60] =	vst v9  }
0x376: {  	[tilespmem:s21+$0x70] =	vst v10  }
0x377: {  	[tilespmem:s22+$0x70] =	vst v10  }
0x378: {  	v20 =	vld [tilespmem:s17+$0xFFFFFFC0]  }
0x379: {  	v11 =	vld [tilespmem:s17+$0xFFFFFFD0]  }
0x37a: {  	v15 =	vld [tilespmem:s17+$0x10]  }
0x37b: {  	v13 =	vld [tilespmem:s17+$0xFFFFFFE0]  }
0x37c: {  	v21 =	vld [tilespmem:s17+$0x0]  }
0x37d: {  	v17 =	vld [tilespmem:s17+$0xFFFFFFF0]  }
0x37e: {  	v8 =	vmul.f32 v20, v20;
	v22 =	vld [tilespmem:s17+$0x20];
	v9 =	vmul.f32 v11, v11  }
0x37f: {  	v12 =	vld [tilespmem:s18+$0xFFFFFFD0]  }
0x380: {  	v23 =	vld [tilespmem:s17+$0x30];
	v8 =	vadd.f32 v9, v8;
	v9 =	vmul.f32 v13, v13  }
0x381: {  	v14 =	vmul.f32 v15, v15;
	v19 =	vld [tilespmem:s18+$0xFFFFFFC0];
	v10 =	vmul.f32 v21, v21  }
0x382: {  	v8 =	vadd.f32 v9, v8;
	v9 =	vmul.f32 v17, v17  }
0x383: {  	v16 =	vld [tilespmem:s18+$0xFFFFFFE0];
	v10 =	vadd.f32 v14, v10;
	v18 =	vmul.f32 v22, v22  }
0x384: {  	v8 =	vadd.f32 v9, v8  }
0x385: {  	v9 =	vmul.f32 v12, v12;
	v14 =	vld [tilespmem:s18+$0xFFFFFFF0];
	v10 =	vadd.f32 v18, v10;
	v18 =	vmul.f32 v23, v23  }
0x386: {  	v24 =	vmul.f32 v19, v19;
	v25 =	vperm.xlane v8, v4  }
0x387: {  	v10 =	vadd.f32 v18, v10  }
0x388: {  	v9 =	vadd.f32 v9, v24;
	v24 =	vmul.f32 v16, v16;
	v25 =	vadd.f32 v25, v8  }
0x389: {  	v18 =	vld [tilespmem:s18+$0x0];
	v26 =	vperm.xlane v10, v4  }
0x38a: {  	v8 =	vld [tilespmem:s18+$0x10];
	v24 =	vadd.f32 v24, v9;
	v27 =	vmul.f32 v14, v14;
	v28 =	vperm.xlane v25, v5  }
0x38b: {  	v26 =	vadd.f32 v26, v10  }
0x38c: {  	v9 =	vld [tilespmem:s18+$0x20];
	v24 =	vadd.f32 v27, v24;
	v25 =	vadd.f32 v28, v25  }
0x38d: {  	v27 =	vperm.xlane v26, v5  }
0x38e: {  	v10 =	vld [tilespmem:s18+$0x30];
	v28 =	vperm.xlane v24, v4;
	v29 =	vperm.xlane v25, v6  }
0x38f: {  	v30 =	vmul.f32 v18, v18;
	v31 =	vmul.f32 v8, v8;
	v26 =	vadd.f32 v27, v26  }
0x390: {  	v24 =	vadd.f32 v28, v24;
	v25 =	vadd.f32 v29, v25  }
0x391: {  	v27 =	vadd.f32 v31, v30;
	v28 =	vmul.f32 v9, v9;
	v29 =	vperm.xlane v26, v6  }
0x392: {  	v30 =	vperm.xlane v24, v5;
	v31 =	vperm.xlane v25, v7  }
0x393: {  	v27 =	vadd.f32 v28, v27;
	v28 =	vmul.f32 v10, v10;
	v26 =	vadd.f32 v29, v26  }
0x394: {  	v24 =	vadd.f32 v30, v24;
	v25 =	vadd.f32 v31, v25  }
0x395: {  	v27 =	vadd.f32 v28, v27;
	v28 =	vperm.xlane v26, v7  }
0x396: {  	v29 =	vperm.xlane v24, v6;
	v25 =	vmax.f32 v25, $1.000000020e-24  }
0x397: {  	v30 =	vperm.xlane v27, v4;
	v26 =	vadd.f32 v28, v26;
	v28 =	vshra.s32 v25, $0x1  }
0x398: {  	v25 =	vmul.f32 $5.000000000e-01, v25;
	v24 =	vadd.f32 v29, v24;
	v28 =	vsub.s32 $0x5F3759DF, v28  }
0x399: {  	v27 =	vadd.f32 v30, v27;
	v26 =	vmax.f32 v26, $1.000000020e-24;
	v29 =	vmul.f32 v28, v28  }
0x39a: {  	v30 =	vperm.xlane v24, v7;
	v31 =	vshra.s32 v26, $0x1  }
0x39b: {  	v32 =	vperm.xlane v27, v5;
	v31 =	vsub.s32 $0x5F3759DF, v31;
	v29 =	vmul.f32 v29, v25  }
0x39c: {  	v26 =	vmul.f32 $5.000000000e-01, v26;
	v24 =	vadd.f32 v30, v24;
	v30 =	vmul.f32 v31, v31  }
0x39d: {  	v27 =	vadd.f32 v32, v27;
	v29 =	vsub.f32 $1.500000000e+00, v29  }
0x39e: {  	v24 =	vmax.f32 v24, $1.000000020e-24;
	v30 =	vmul.f32 v30, v26  }
0x39f: {  	v32 =	vperm.xlane v27, v6;
	v33 =	vshra.s32 v24, $0x1;
	v28 =	vmul.f32 v28, v29  }
0x3a0: {  	v29 =	vsub.s32 $0x5F3759DF, v33;
	v30 =	vsub.f32 $1.500000000e+00, v30  }
0x3a1: {  	v24 =	vmul.f32 $5.000000000e-01, v24;
	v27 =	vadd.f32 v32, v27;
	v32 =	vmul.f32 v29, v29  }
0x3a2: {  	v30 =	vmul.f32 v31, v30;
	v31 =	vmul.f32 v28, v28  }
0x3a3: {  	v33 =	vperm.xlane v27, v7;
	v32 =	vmul.f32 v32, v24  }
0x3a4: {  	v34 =	vmul.f32 v30, v30;
	v25 =	vmul.f32 v31, v25  }
0x3a5: {  	v27 =	vadd.f32 v33, v27;
	v31 =	vsub.f32 $1.500000000e+00, v32  }
0x3a6: {  	v26 =	vmul.f32 v34, v26;
	v25 =	vsub.f32 $1.500000000e+00, v25  }
0x3a7: {  	v27 =	vmax.f32 v27, $1.000000020e-24;
	v29 =	vmul.f32 v29, v31  }
0x3a8: {  	v31 =	vshra.s32 v27, $0x1;
	v26 =	vsub.f32 $1.500000000e+00, v26;
	v25 =	vmul.f32 v25, v28  }
0x3a9: {  	v28 =	vsub.s32 $0x5F3759DF, v31;
	v31 =	vmul.f32 v29, v29  }
0x3aa: {  	s20 =	sshrl.u32 s20, $0x3;
	v27 =	vmul.f32 $5.000000000e-01, v27;
	v32 =	vmul.f32 v28, v28  }
0x3ab: {  	s20 =	smul.u32 $0x3000, s20;
	v26 =	vmul.f32 v26, v30;
	v24 =	vmul.f32 v31, v24  }
0x3ac: {  	v20 =	vmul.f32 v25, v20;
	v30 =	vmul.f32 v32, v27  }
0x3ad: {  	s20 =	sshra.s32 s20, $0x2;
	s21 =	sand.u32 $0x380, s16;
	v21 =	vmul.f32 v26, v21;
	v22 =	vmul.f32 v26, v22;
	v24 =	vsub.f32 $1.500000000e+00, v24  }
0x3ae: {  	s20 =	sor.u32 s21, s20;
	v15 =	vmul.f32 v26, v15;
	v23 =	vmul.f32 v26, v23;
	v30 =	vsub.f32 $1.500000000e+00, v30  }
0x3af: {  	s21 =	sadd.s32 $0x1CF80, s20;
	v17 =	vmul.f32 v25, v17;
	v24 =	vmul.f32 v24, v29  }
0x3b0: {  	v26 =	vmul.f32 v28, v30;
	v28 =	vmul.f32 v25, v13;
	[tilespmem:s21+$0x50] =	vst v15  }
0x3b1: {  	v11 =	vmul.f32 v25, v11;
	[tilespmem:s21+$0x60] =	vst v22;
	v15 =	vmul.f32 v24, v19  }
0x3b2: {  	v19 =	vmul.f32 v26, v26;
	[tilespmem:s21+$0x40] =	vst v21  }
0x3b3: {  	v13 =	vmul.f32 v24, v12;
	[tilespmem:s20+$0x1CF80] =	vst v20  }
0x3b4: {  	v19 =	vmul.f32 v19, v27;
	[tilespmem:s21+$0x30] =	vst v17  }
0x3b5: {  	v12 =	vmul.f32 v24, v16;
	[tilespmem:s21+$0x70] =	vst v23  }
.Ltmp7:
0x3b6: {  	v16 =	vsub.f32 $1.500000000e+00, v19;
	[tilespmem:s21+$0x20] =	vst v28;
	(pc) =	sbr.rel @p0 .LBB2_16-.Ltmp7, $4  }
0x3b7: {  	[tilespmem:s21+$0x10] =	vst v11  }
0x3b8: {  	v14 =	vmul.f32 v24, v14;
	s21 =	sadd.s32 $0x1D380, s20;
	v11 =	vmul.f32 v16, v26;
	[tilespmem:s20+$0x1D380] =	vst v15  }
0x3b9: {  	s22 =	sadd.s32 $0x1D780, s20;
	[tilespmem:s20+$0x1D780] =	vst v15  }
0x3ba: {  	[tilespmem:s21+$0x10] =	vst v13;
	v15 =	vmul.f32 v11, v18  }
0x3bb: {  	[tilespmem:s22+$0x10] =	vst v13  }
0x3bc: {  	[tilespmem:s21+$0x20] =	vst v12  }
0x3bd: {  	[tilespmem:s22+$0x20] =	vst v12  }
0x3be: {  	[tilespmem:s21+$0x30] =	vst v14  }
0x3bf: {  	[tilespmem:s22+$0x30] =	vst v14  }
0x3c0: {  	v8 =	vmul.f32 v11, v8;
	[tilespmem:s21+$0x40] =	vst v15  }
0x3c1: {  	[tilespmem:s22+$0x40] =	vst v15  }
0x3c2: {  	v9 =	vmul.f32 v11, v9;
	[tilespmem:s21+$0x50] =	vst v8  }
0x3c3: {  	[tilespmem:s22+$0x50] =	vst v8  }
0x3c4: {  	v8 =	vmul.f32 v11, v10;
	[tilespmem:s21+$0x60] =	vst v9  }
0x3c5: {  	[tilespmem:s22+$0x60] =	vst v9  }
0x3c6: {  	[tilespmem:s21+$0x70] =	vst v8  }
0x3c7: {  	[tilespmem:s22+$0x70] =	vst v8  }
0x3c8: {  	_ =	strace $0x90000052  }
0x3c9: {  	s16 =	simm.s32 $0x0;
	s17 =	rddreg [dreg:$0x14]  }
0x3ca: {  	[tilespmem:s28], [sflag:$0x2] =	stream.linear.gather [hbm4b:s17+s16], $0x800, $0x38;
	[tilespmem:$0x1E780] =	vst v63  }
0x3cb: {  	s21 =	simm.s32 $0x19750  }
0x3cc: {  	[tilespmem:s6], [sflag:$0x4] =	stream.indirect.gather [hbm4b:s1+s0], $0x80, s21, s0, $0xb8;
	[tilespmem:$0x1E780] =	vst v63  }
0x3cd: {  	s22 =	rddreg [dreg:$0xb]  }
0x3ce: {  	[hbm4b:s22+s16] =	stream.linear.scatter [tilespmem:s12], [sflag:$0x6], $0x1800, $0x38;
	[tilespmem:$0x1E780] =	vst v63  }
0x3cf: {  	_ =	strace $0x80000053  }
0x3d0: {  	_ =	swait.ge [sflag:s7], $0x800  }
0x3d1: {  	[sflag:s7] =	ssyncset.done $0x0  }
0x3d2: {  	[sflag:s7] =	ssyncadd.s32 $0xFFFFF800  }
0x3d3: {  	_ =	swait.ge [sflag:s8], $0x800  }
0x3d4: {  	[sflag:s8] =	ssyncset.done $0x0  }
0x3d5: {  	[sflag:s8] =	ssyncadd.s32 $0xFFFFF800  }
0x3d6: {  	_ =	strace $0x90000053  }
0x3d7: {  	_ =	swait.ge [sflag:s13], $0x1800  }
0x3d8: {  	[sflag:s13] =	ssyncset.done $0x0  }
0x3d9: {  	[sflag:s13] =	ssyncadd.s32 $0xFFFFE800  }
0x3da: {  	s17 =	simm.s32 $0x197C0;
	_ =	strace $0x80000054  }
0x3db: {  	v15 =	vld [tilespmem:s17+$0xFFFFFFC0]  }
0x3dc: {  	v11 =	vld [tilespmem:s17+$0xFFFFFFD0]  }
0x3dd: {  	v18 =	vld [tilespmem:s17+$0x10]  }
0x3de: {  	v19 =	vld [tilespmem:s17+$0x0]  }
0x3df: {  	v13 =	vld [tilespmem:s17+$0xFFFFFFE0]  }
0x3e0: {  	v20 =	vld [tilespmem:s17+$0xFFFFFFF0]  }
0x3e1: {  	v21 =	vld [tilespmem:s17+$0x20]  }
0x3e2: {  	v8 =	vmul.f32 v15, v15;
	v9 =	vmul.f32 v11, v11  }
0x3e3: {  	s18 =	simm.s32 $0x1A7C0;
	v22 =	vld [tilespmem:s17+$0x30];
	v10 =	vmul.f32 v19, v19;
	v17 =	vmul.f32 v18, v18  }
0x3e4: {  	v12 =	vld [tilespmem:s18+$0xFFFFFFD0];
	v8 =	vadd.f32 v9, v8;
	v9 =	vmul.f32 v13, v13  }
0x3e5: {  	v16 =	vld [tilespmem:s18+$0xFFFFFFC0];
	v10 =	vadd.f32 v17, v10  }
0x3e6: {  	v14 =	vld [tilespmem:s18+$0xFFFFFFE0];
	v17 =	vmul.f32 v21, v21;
	v8 =	vadd.f32 v9, v8;
	v9 =	vmul.f32 v20, v20;
	_ =	sdelay $0x1  }
0x3e7: {  	v8 =	vadd.f32 v9, v8;
	v9 =	vadd.f32 v17, v10;
	v10 =	vmul.f32 v22, v22  }
0x3e8: {  	v23 =	vmul.f32 v12, v12;
	v17 =	vld [tilespmem:s18+$0xFFFFFFF0]  }
0x3e9: {  	v24 =	vmul.f32 v16, v16;
	v25 =	vperm.xlane v8, v4;
	v9 =	vadd.f32 v10, v9  }
0x3ea: {  	v39 =	vld [tilespmem:s18+$0x0];
	v38 =	vmul.f32 v14, v14  }
0x3eb: {  	v10 =	vadd.f32 v23, v24;
	v25 =	vadd.f32 v25, v8;
	v26 =	vperm.xlane v9, v4;
	v8 =	vld [tilespmem:s18+$0x10];
	_ =	sdelay $0x1  }
0x3ec: {  	v10 =	vadd.f32 v38, v10;
	v40 =	vmul.f32 v17, v17;
	v26 =	vadd.f32 v26, v9;
	v9 =	vld [tilespmem:s18+$0x20];
	_ =	sdelay $0x1  }
0x3ed: {  	v27 =	vperm.xlane v25, v5;
	v23 =	vadd.f32 v40, v10;
	v10 =	vld [tilespmem:s18+$0x30]  }
0x3ee: {  	v28 =	vmul.f32 v39, v39;
	v29 =	vmul.f32 v8, v8  }
0x3ef: {  	v25 =	vadd.f32 v27, v25;
	v41 =	vperm.xlane v26, v5  }
0x3f0: {  	v30 =	vperm.xlane v23, v4;
	v42 =	vadd.f32 v29, v28;
	v43 =	vmul.f32 v9, v9  }
0x3f1: {  	v31 =	vperm.xlane v25, v6;
	v26 =	vadd.f32 v41, v26  }
0x3f2: {  	v23 =	vadd.f32 v30, v23;
	v45 =	vmul.f32 v10, v10;
	v27 =	vadd.f32 v43, v42  }
0x3f3: {  	v25 =	vadd.f32 v31, v25;
	v44 =	vperm.xlane v26, v6  }
0x3f4: {  	v30 =	vperm.xlane v23, v5;
	v27 =	vadd.f32 v45, v27  }
0x3f5: {  	v31 =	vperm.xlane v25, v7;
	v26 =	vadd.f32 v44, v26  }
0x3f6: {  	v23 =	vadd.f32 v30, v23;
	v47 =	vperm.xlane v27, v4  }
0x3f7: {  	v25 =	vadd.f32 v31, v25;
	v46 =	vperm.xlane v26, v7  }
0x3f8: {  	v30 =	vperm.xlane v23, v6;
	v27 =	vadd.f32 v47, v27  }
0x3f9: {  	v25 =	vmax.f32 v25, $1.000000020e-24;
	v26 =	vadd.f32 v46, v26  }
0x3fa: {  	v48 =	vshra.s32 v25, $0x1;
	v23 =	vadd.f32 v30, v23;
	v29 =	vperm.xlane v27, v5  }
0x3fb: {  	v25 =	vmul.f32 $5.000000000e-01, v25;
	v28 =	vsub.s32 $0x5F3759DF, v48;
	v26 =	vmax.f32 v26, $1.000000020e-24  }
0x3fc: {  	v49 =	vmul.f32 v28, v28;
	v50 =	vshra.s32 v26, $0x1;
	v27 =	vadd.f32 v29, v27  }
0x3fd: {  	v32 =	vperm.xlane v23, v7;
	v26 =	vmul.f32 $5.000000000e-01, v26;
	v31 =	vsub.s32 $0x5F3759DF, v50  }
0x3fe: {  	v51 =	vmul.f32 v31, v31;
	v33 =	vperm.xlane v27, v6  }
0x3ff: {  	v30 =	vmul.f32 v49, v25;
	v23 =	vadd.f32 v32, v23  }
0x400: {  	v29 =	vmul.f32 v51, v26;
	v27 =	vadd.f32 v33, v27  }
0x401: {  	v30 =	vsub.f32 $1.500000000e+00, v30;
	v23 =	vmax.f32 v23, $1.000000020e-24  }
0x402: {  	v52 =	vshra.s32 v23, $0x1;
	v29 =	vsub.f32 $1.500000000e+00, v29;
	v33 =	vperm.xlane v27, v7  }
0x403: {  	v23 =	vmul.f32 $5.000000000e-01, v23;
	v28 =	vmul.f32 v28, v30;
	v53 =	vsub.s32 $0x5F3759DF, v52  }
0x404: {  	v54 =	vmul.f32 v53, v53;
	v29 =	vmul.f32 v31, v29;
	v27 =	vadd.f32 v33, v27  }
0x405: {  	v56 =	vmul.f32 v28, v28  }
0x406: {  	v31 =	vmul.f32 v54, v23;
	v55 =	vmul.f32 v29, v29;
	v27 =	vmax.f32 v27, $1.000000020e-24  }
0x407: {  	v25 =	vmul.f32 v56, v25;
	v57 =	vshra.s32 v27, $0x1  }
0x408: {  	v31 =	vsub.f32 $1.500000000e+00, v31;
	v26 =	vmul.f32 v55, v26;
	v32 =	vsub.s32 $0x5F3759DF, v57  }
0x409: {  	v25 =	vsub.f32 $1.500000000e+00, v25;
	v27 =	vmul.f32 $5.000000000e-01, v27;
	v58 =	vmul.f32 v32, v32  }
0x40a: {  	s19 =	simm.s32 $0x0;
	v30 =	vmul.f32 v53, v31  }
0x40b: {  	s19 =	smul.u32 $0x3000, s19;
	v26 =	vsub.f32 $1.500000000e+00, v26;
	v25 =	vmul.f32 v25, v28;
	v59 =	vmul.f32 v58, v27  }
0x40c: {  	v31 =	vmul.f32 v30, v30  }
0x40d: {  	s20 =	sand.u32 $0x380, s16;
	s19 =	sshra.s32 s19, $0x2;
	v26 =	vmul.f32 v26, v29;
	v15 =	vmul.f32 v25, v15;
	v60 =	vsub.f32 $1.500000000e+00, v59  }
0x40e: {  	s20 =	sor.u32 s20, s19;
	v20 =	vmul.f32 v25, v20;
	v13 =	vmul.f32 v25, v13  }
0x40f: {  	s19 =	sadd.s32 $0x1B780, s20;
	v23 =	vmul.f32 v31, v23;
	[tilespmem:s20+$0x1B780] =	vst v15;
	v28 =	vmul.f32 v32, v60  }
0x410: {  	v11 =	vmul.f32 v25, v11;
	[tilespmem:s19+$0x30] =	vst v20  }
0x411: {  	v18 =	vmul.f32 v26, v18;
	v61 =	vsub.f32 $1.500000000e+00, v23;
	[tilespmem:s19+$0x20] =	vst v13;
	v62 =	vmul.f32 v28, v28  }
0x412: {  	v21 =	vmul.f32 v26, v21;
	v19 =	vmul.f32 v26, v19;
	[tilespmem:s19+$0x10] =	vst v11  }
0x413: {  	[tilespmem:s19+$0x50] =	vst v18;
	v18 =	vmul.f32 v61, v30;
	v15 =	vmul.f32 v62, v27  }
0x414: {  	v63 =	vmul.f32 v26, v22;
	[tilespmem:s19+$0x60] =	vst v21  }
0x415: {  	[tilespmem:s19+$0x40] =	vst v19;
	v16 =	vmul.f32 v18, v16;
	v15 =	vsub.f32 $1.500000000e+00, v15  }
0x416: {  	[tilespmem:s19+$0x70] =	vst v63  }
0x417: {  	v13 =	vmul.f32 v18, v12;
	[tilespmem:s20+$0x1BB80] =	vst v16;
	v11 =	vmul.f32 v15, v28  }
0x418: {  	s21 =	sadd.s32 $0x1BB80, s20;
	v12 =	vmul.f32 v18, v14;
	[tilespmem:s20+$0x1BF80] =	vst v16  }
0x419: {  	s22 =	sadd.s32 $0x1BF80, s20;
	s19 =	simm.s32 $0x1;
	v14 =	vmul.f32 v18, v17;
	[tilespmem:s21+$0x10] =	vst v13;
	v15 =	vmul.f32 v11, v39  }
.LBB2_18:
0x41a: {  	[tilespmem:s22+$0x10] =	vst v13;
	s16 =	sadd.s32 $0x80, s16;
	s17 =	sadd.s32 $0x80, s17;
	s18 =	sadd.s32 $0x80, s18  }
0x41b: {  	p0 =	sne.s32 s19, $0xF;
	v8 =	vmul.f32 v11, v8;
	s20 =	smov.u32 s19;
	s19 =	sadd.s32 $0x1, s19;
	[tilespmem:s21+$0x20] =	vst v12  }
0x41c: {  	[tilespmem:s22+$0x20] =	vst v12  }
0x41d: {  	v9 =	vmul.f32 v11, v9;
	[tilespmem:s21+$0x30] =	vst v14  }
0x41e: {  	[tilespmem:s22+$0x30] =	vst v14  }
0x41f: {  	v10 =	vmul.f32 v11, v10;
	[tilespmem:s21+$0x40] =	vst v15  }
0x420: {  	[tilespmem:s22+$0x40] =	vst v15  }
0x421: {  	[tilespmem:s21+$0x50] =	vst v8  }
0x422: {  	[tilespmem:s22+$0x50] =	vst v8  }
0x423: {  	[tilespmem:s21+$0x60] =	vst v9  }
0x424: {  	[tilespmem:s22+$0x60] =	vst v9  }
0x425: {  	[tilespmem:s21+$0x70] =	vst v10  }
0x426: {  	[tilespmem:s22+$0x70] =	vst v10  }
0x427: {  	v20 =	vld [tilespmem:s17+$0xFFFFFFC0]  }
0x428: {  	v11 =	vld [tilespmem:s17+$0xFFFFFFD0]  }
0x429: {  	v15 =	vld [tilespmem:s17+$0x10]  }
0x42a: {  	v13 =	vld [tilespmem:s17+$0xFFFFFFE0]  }
0x42b: {  	v21 =	vld [tilespmem:s17+$0x0]  }
0x42c: {  	v17 =	vld [tilespmem:s17+$0xFFFFFFF0]  }
0x42d: {  	v8 =	vmul.f32 v20, v20;
	v22 =	vld [tilespmem:s17+$0x20];
	v9 =	vmul.f32 v11, v11  }
0x42e: {  	v12 =	vld [tilespmem:s18+$0xFFFFFFD0]  }
0x42f: {  	v23 =	vld [tilespmem:s17+$0x30];
	v8 =	vadd.f32 v9, v8;
	v9 =	vmul.f32 v13, v13  }
0x430: {  	v14 =	vmul.f32 v15, v15;
	v19 =	vld [tilespmem:s18+$0xFFFFFFC0];
	v10 =	vmul.f32 v21, v21  }
0x431: {  	v8 =	vadd.f32 v9, v8;
	v9 =	vmul.f32 v17, v17  }
0x432: {  	v16 =	vld [tilespmem:s18+$0xFFFFFFE0];
	v10 =	vadd.f32 v14, v10;
	v18 =	vmul.f32 v22, v22  }
0x433: {  	v8 =	vadd.f32 v9, v8  }
0x434: {  	v9 =	vmul.f32 v12, v12;
	v14 =	vld [tilespmem:s18+$0xFFFFFFF0];
	v10 =	vadd.f32 v18, v10;
	v18 =	vmul.f32 v23, v23  }
0x435: {  	v24 =	vmul.f32 v19, v19;
	v25 =	vperm.xlane v8, v4  }
0x436: {  	v10 =	vadd.f32 v18, v10  }
0x437: {  	v9 =	vadd.f32 v9, v24;
	v24 =	vmul.f32 v16, v16;
	v25 =	vadd.f32 v25, v8  }
0x438: {  	v18 =	vld [tilespmem:s18+$0x0];
	v26 =	vperm.xlane v10, v4  }
0x439: {  	v8 =	vld [tilespmem:s18+$0x10];
	v24 =	vadd.f32 v24, v9;
	v27 =	vmul.f32 v14, v14;
	v28 =	vperm.xlane v25, v5  }
0x43a: {  	v26 =	vadd.f32 v26, v10  }
0x43b: {  	v9 =	vld [tilespmem:s18+$0x20];
	v24 =	vadd.f32 v27, v24;
	v25 =	vadd.f32 v28, v25  }
0x43c: {  	v27 =	vperm.xlane v26, v5  }
0x43d: {  	v10 =	vld [tilespmem:s18+$0x30];
	v28 =	vperm.xlane v24, v4;
	v29 =	vperm.xlane v25, v6  }
0x43e: {  	v30 =	vmul.f32 v18, v18;
	v31 =	vmul.f32 v8, v8;
	v26 =	vadd.f32 v27, v26  }
0x43f: {  	v24 =	vadd.f32 v28, v24;
	v25 =	vadd.f32 v29, v25  }
0x440: {  	v27 =	vadd.f32 v31, v30;
	v28 =	vmul.f32 v9, v9;
	v29 =	vperm.xlane v26, v6  }
0x441: {  	v30 =	vperm.xlane v24, v5;
	v31 =	vperm.xlane v25, v7  }
0x442: {  	v27 =	vadd.f32 v28, v27;
	v28 =	vmul.f32 v10, v10;
	v26 =	vadd.f32 v29, v26  }
0x443: {  	v24 =	vadd.f32 v30, v24;
	v25 =	vadd.f32 v31, v25  }
0x444: {  	v27 =	vadd.f32 v28, v27;
	v28 =	vperm.xlane v26, v7  }
0x445: {  	v29 =	vperm.xlane v24, v6;
	v25 =	vmax.f32 v25, $1.000000020e-24  }
0x446: {  	v30 =	vperm.xlane v27, v4;
	v26 =	vadd.f32 v28, v26;
	v28 =	vshra.s32 v25, $0x1  }
0x447: {  	v25 =	vmul.f32 $5.000000000e-01, v25;
	v24 =	vadd.f32 v29, v24;
	v28 =	vsub.s32 $0x5F3759DF, v28  }
0x448: {  	v27 =	vadd.f32 v30, v27;
	v26 =	vmax.f32 v26, $1.000000020e-24;
	v29 =	vmul.f32 v28, v28  }
0x449: {  	v30 =	vperm.xlane v24, v7;
	v31 =	vshra.s32 v26, $0x1  }
0x44a: {  	v32 =	vperm.xlane v27, v5;
	v31 =	vsub.s32 $0x5F3759DF, v31;
	v29 =	vmul.f32 v29, v25  }
0x44b: {  	v26 =	vmul.f32 $5.000000000e-01, v26;
	v24 =	vadd.f32 v30, v24;
	v30 =	vmul.f32 v31, v31  }
0x44c: {  	v27 =	vadd.f32 v32, v27;
	v29 =	vsub.f32 $1.500000000e+00, v29  }
0x44d: {  	v24 =	vmax.f32 v24, $1.000000020e-24;
	v30 =	vmul.f32 v30, v26  }
0x44e: {  	v32 =	vperm.xlane v27, v6;
	v33 =	vshra.s32 v24, $0x1;
	v28 =	vmul.f32 v28, v29  }
0x44f: {  	v29 =	vsub.s32 $0x5F3759DF, v33;
	v30 =	vsub.f32 $1.500000000e+00, v30  }
0x450: {  	v24 =	vmul.f32 $5.000000000e-01, v24;
	v27 =	vadd.f32 v32, v27;
	v32 =	vmul.f32 v29, v29  }
0x451: {  	v30 =	vmul.f32 v31, v30;
	v31 =	vmul.f32 v28, v28  }
0x452: {  	v33 =	vperm.xlane v27, v7;
	v32 =	vmul.f32 v32, v24  }
0x453: {  	v34 =	vmul.f32 v30, v30;
	v25 =	vmul.f32 v31, v25  }
0x454: {  	v27 =	vadd.f32 v33, v27;
	v31 =	vsub.f32 $1.500000000e+00, v32  }
0x455: {  	v26 =	vmul.f32 v34, v26;
	v25 =	vsub.f32 $1.500000000e+00, v25  }
0x456: {  	v27 =	vmax.f32 v27, $1.000000020e-24;
	v29 =	vmul.f32 v29, v31  }
0x457: {  	v31 =	vshra.s32 v27, $0x1;
	v26 =	vsub.f32 $1.500000000e+00, v26;
	v25 =	vmul.f32 v25, v28  }
0x458: {  	v28 =	vsub.s32 $0x5F3759DF, v31;
	v31 =	vmul.f32 v29, v29  }
0x459: {  	s20 =	sshrl.u32 s20, $0x3;
	v27 =	vmul.f32 $5.000000000e-01, v27;
	v32 =	vmul.f32 v28, v28  }
0x45a: {  	s20 =	smul.u32 $0x3000, s20;
	v26 =	vmul.f32 v26, v30;
	v24 =	vmul.f32 v31, v24  }
0x45b: {  	v20 =	vmul.f32 v25, v20;
	v30 =	vmul.f32 v32, v27  }
0x45c: {  	s20 =	sshra.s32 s20, $0x2;
	s21 =	sand.u32 $0x380, s16;
	v21 =	vmul.f32 v26, v21;
	v22 =	vmul.f32 v26, v22;
	v24 =	vsub.f32 $1.500000000e+00, v24  }
0x45d: {  	s20 =	sor.u32 s21, s20;
	v15 =	vmul.f32 v26, v15;
	v23 =	vmul.f32 v26, v23;
	v30 =	vsub.f32 $1.500000000e+00, v30  }
0x45e: {  	s21 =	sadd.s32 $0x1B780, s20;
	v17 =	vmul.f32 v25, v17;
	v24 =	vmul.f32 v24, v29  }
0x45f: {  	v26 =	vmul.f32 v28, v30;
	v28 =	vmul.f32 v25, v13;
	[tilespmem:s21+$0x50] =	vst v15  }
0x460: {  	v11 =	vmul.f32 v25, v11;
	[tilespmem:s21+$0x60] =	vst v22;
	v15 =	vmul.f32 v24, v19  }
0x461: {  	v19 =	vmul.f32 v26, v26;
	[tilespmem:s21+$0x40] =	vst v21  }
0x462: {  	v13 =	vmul.f32 v24, v12;
	[tilespmem:s20+$0x1B780] =	vst v20  }
0x463: {  	v19 =	vmul.f32 v19, v27;
	[tilespmem:s21+$0x30] =	vst v17  }
0x464: {  	v12 =	vmul.f32 v24, v16;
	[tilespmem:s21+$0x70] =	vst v23  }
.Ltmp8:
0x465: {  	v16 =	vsub.f32 $1.500000000e+00, v19;
	[tilespmem:s21+$0x20] =	vst v28;
	(pc) =	sbr.rel @p0 .LBB2_18-.Ltmp8, $4  }
0x466: {  	[tilespmem:s21+$0x10] =	vst v11  }
0x467: {  	v14 =	vmul.f32 v24, v14;
	s21 =	sadd.s32 $0x1BB80, s20;
	v11 =	vmul.f32 v16, v26;
	[tilespmem:s20+$0x1BB80] =	vst v15  }
0x468: {  	s22 =	sadd.s32 $0x1BF80, s20;
	[tilespmem:s20+$0x1BF80] =	vst v15  }
0x469: {  	[tilespmem:s21+$0x10] =	vst v13;
	v15 =	vmul.f32 v11, v18  }
0x46a: {  	[tilespmem:s22+$0x10] =	vst v13  }
0x46b: {  	[tilespmem:s21+$0x20] =	vst v12  }
0x46c: {  	[tilespmem:s22+$0x20] =	vst v12  }
0x46d: {  	[tilespmem:s21+$0x30] =	vst v14  }
0x46e: {  	[tilespmem:s22+$0x30] =	vst v14  }
0x46f: {  	v8 =	vmul.f32 v11, v8;
	[tilespmem:s21+$0x40] =	vst v15  }
0x470: {  	[tilespmem:s22+$0x40] =	vst v15  }
0x471: {  	v9 =	vmul.f32 v11, v9;
	[tilespmem:s21+$0x50] =	vst v8  }
0x472: {  	[tilespmem:s22+$0x50] =	vst v8  }
0x473: {  	v8 =	vmul.f32 v11, v10;
	[tilespmem:s21+$0x60] =	vst v9  }
0x474: {  	[tilespmem:s22+$0x60] =	vst v9  }
0x475: {  	[tilespmem:s21+$0x70] =	vst v8  }
0x476: {  	[tilespmem:s22+$0x70] =	vst v8  }
0x477: {  	s16 =	simm.s32 $0x0;
	_ =	strace $0x90000054  }
0x478: {  	[tilespmem:s26], [sflag:$0x1] =	stream.linear.gather [hbm4b:s23+s16], $0x800, $0x38;
	[tilespmem:$0x1E780] =	vst v63  }
0x479: {  	s17 =	simm.s32 $0x19760  }
0x47a: {  	[tilespmem:s2], [sflag:$0x3] =	stream.indirect.gather [hbm4b:s1+s0], $0x80, s17, s0, $0xb8;
	[tilespmem:$0x1E780] =	vst v63  }
0x47b: {  	s22 =	rddreg [dreg:$0xc]  }
0x47c: {  	[hbm4b:s22+s16] =	stream.linear.scatter [tilespmem:s9], [sflag:$0x5], $0x1800, $0x38;
	[tilespmem:$0x1E780] =	vst v63  }
0x47d: {  	_ =	strace $0x80000055  }
0x47e: {  	_ =	swait.ge [sflag:s10], $0x800  }
0x47f: {  	[sflag:s10] =	ssyncset.done $0x0  }
0x480: {  	[sflag:s10] =	ssyncadd.s32 $0xFFFFF800  }
0x481: {  	_ =	swait.ge [sflag:s11], $0x800  }
0x482: {  	[sflag:s11] =	ssyncset.done $0x0  }
0x483: {  	[sflag:s11] =	ssyncadd.s32 $0xFFFFF800  }
0x484: {  	_ =	strace $0x90000055  }
0x485: {  	_ =	swait.ge [sflag:s14], $0x1800  }
0x486: {  	[sflag:s14] =	ssyncset.done $0x0  }
0x487: {  	[sflag:s14] =	ssyncadd.s32 $0xFFFFE800  }
0x488: {  	s17 =	simm.s32 $0x19FC0;
	_ =	strace $0x80000056  }
0x489: {  	v15 =	vld [tilespmem:s17+$0xFFFFFFC0]  }
0x48a: {  	v11 =	vld [tilespmem:s17+$0xFFFFFFD0]  }
0x48b: {  	v18 =	vld [tilespmem:s17+$0x10]  }
0x48c: {  	v19 =	vld [tilespmem:s17+$0x0]  }
0x48d: {  	v13 =	vld [tilespmem:s17+$0xFFFFFFE0]  }
0x48e: {  	v20 =	vld [tilespmem:s17+$0xFFFFFFF0]  }
0x48f: {  	v21 =	vld [tilespmem:s17+$0x20]  }
0x490: {  	v8 =	vmul.f32 v15, v15;
	v9 =	vmul.f32 v11, v11  }
0x491: {  	s18 =	simm.s32 $0x1AFC0;
	v22 =	vld [tilespmem:s17+$0x30];
	v10 =	vmul.f32 v19, v19;
	v17 =	vmul.f32 v18, v18  }
0x492: {  	v12 =	vld [tilespmem:s18+$0xFFFFFFD0];
	v8 =	vadd.f32 v9, v8;
	v9 =	vmul.f32 v13, v13  }
0x493: {  	v16 =	vld [tilespmem:s18+$0xFFFFFFC0];
	v10 =	vadd.f32 v17, v10  }
0x494: {  	v14 =	vld [tilespmem:s18+$0xFFFFFFE0];
	v17 =	vmul.f32 v21, v21;
	v8 =	vadd.f32 v9, v8;
	v9 =	vmul.f32 v20, v20;
	_ =	sdelay $0x1  }
0x495: {  	v8 =	vadd.f32 v9, v8;
	v9 =	vadd.f32 v17, v10;
	v10 =	vmul.f32 v22, v22  }
0x496: {  	v23 =	vmul.f32 v12, v12;
	v17 =	vld [tilespmem:s18+$0xFFFFFFF0]  }
0x497: {  	v24 =	vmul.f32 v16, v16;
	v25 =	vperm.xlane v8, v4;
	v9 =	vadd.f32 v10, v9  }
0x498: {  	v39 =	vld [tilespmem:s18+$0x0];
	v38 =	vmul.f32 v14, v14  }
0x499: {  	v10 =	vadd.f32 v23, v24;
	v25 =	vadd.f32 v25, v8;
	v26 =	vperm.xlane v9, v4;
	v8 =	vld [tilespmem:s18+$0x10];
	_ =	sdelay $0x1  }
0x49a: {  	v10 =	vadd.f32 v38, v10;
	v40 =	vmul.f32 v17, v17;
	v26 =	vadd.f32 v26, v9;
	v9 =	vld [tilespmem:s18+$0x20];
	_ =	sdelay $0x1  }
0x49b: {  	v27 =	vperm.xlane v25, v5;
	v23 =	vadd.f32 v40, v10;
	v10 =	vld [tilespmem:s18+$0x30]  }
0x49c: {  	v28 =	vmul.f32 v39, v39;
	v29 =	vmul.f32 v8, v8  }
0x49d: {  	v25 =	vadd.f32 v27, v25;
	v41 =	vperm.xlane v26, v5  }
0x49e: {  	v30 =	vperm.xlane v23, v4;
	v42 =	vadd.f32 v29, v28;
	v43 =	vmul.f32 v9, v9  }
0x49f: {  	v31 =	vperm.xlane v25, v6;
	v26 =	vadd.f32 v41, v26  }
0x4a0: {  	v23 =	vadd.f32 v30, v23;
	v45 =	vmul.f32 v10, v10;
	v27 =	vadd.f32 v43, v42  }
0x4a1: {  	v25 =	vadd.f32 v31, v25;
	v44 =	vperm.xlane v26, v6  }
0x4a2: {  	v30 =	vperm.xlane v23, v5;
	v27 =	vadd.f32 v45, v27  }
0x4a3: {  	v31 =	vperm.xlane v25, v7;
	v26 =	vadd.f32 v44, v26  }
0x4a4: {  	v23 =	vadd.f32 v30, v23;
	v47 =	vperm.xlane v27, v4  }
0x4a5: {  	v25 =	vadd.f32 v31, v25;
	v46 =	vperm.xlane v26, v7  }
0x4a6: {  	v30 =	vperm.xlane v23, v6;
	v27 =	vadd.f32 v47, v27  }
0x4a7: {  	v25 =	vmax.f32 v25, $1.000000020e-24;
	v26 =	vadd.f32 v46, v26  }
0x4a8: {  	v48 =	vshra.s32 v25, $0x1;
	v23 =	vadd.f32 v30, v23;
	v29 =	vperm.xlane v27, v5  }
0x4a9: {  	v25 =	vmul.f32 $5.000000000e-01, v25;
	v28 =	vsub.s32 $0x5F3759DF, v48;
	v26 =	vmax.f32 v26, $1.000000020e-24  }
0x4aa: {  	v49 =	vmul.f32 v28, v28;
	v50 =	vshra.s32 v26, $0x1;
	v27 =	vadd.f32 v29, v27  }
0x4ab: {  	v32 =	vperm.xlane v23, v7;
	v26 =	vmul.f32 $5.000000000e-01, v26;
	v31 =	vsub.s32 $0x5F3759DF, v50  }
0x4ac: {  	v51 =	vmul.f32 v31, v31;
	v33 =	vperm.xlane v27, v6  }
0x4ad: {  	v30 =	vmul.f32 v49, v25;
	v23 =	vadd.f32 v32, v23  }
0x4ae: {  	v29 =	vmul.f32 v51, v26;
	v27 =	vadd.f32 v33, v27  }
0x4af: {  	v30 =	vsub.f32 $1.500000000e+00, v30;
	v23 =	vmax.f32 v23, $1.000000020e-24  }
0x4b0: {  	v52 =	vshra.s32 v23, $0x1;
	v29 =	vsub.f32 $1.500000000e+00, v29;
	v33 =	vperm.xlane v27, v7  }
0x4b1: {  	v23 =	vmul.f32 $5.000000000e-01, v23;
	v28 =	vmul.f32 v28, v30;
	v53 =	vsub.s32 $0x5F3759DF, v52  }
0x4b2: {  	v54 =	vmul.f32 v53, v53;
	v29 =	vmul.f32 v31, v29;
	v27 =	vadd.f32 v33, v27  }
0x4b3: {  	v56 =	vmul.f32 v28, v28  }
0x4b4: {  	v31 =	vmul.f32 v54, v23;
	v55 =	vmul.f32 v29, v29;
	v27 =	vmax.f32 v27, $1.000000020e-24  }
0x4b5: {  	v25 =	vmul.f32 v56, v25;
	v57 =	vshra.s32 v27, $0x1  }
0x4b6: {  	v31 =	vsub.f32 $1.500000000e+00, v31;
	v26 =	vmul.f32 v55, v26;
	v32 =	vsub.s32 $0x5F3759DF, v57  }
0x4b7: {  	v25 =	vsub.f32 $1.500000000e+00, v25;
	v27 =	vmul.f32 $5.000000000e-01, v27;
	v58 =	vmul.f32 v32, v32  }
0x4b8: {  	s19 =	simm.s32 $0x0;
	v30 =	vmul.f32 v53, v31  }
0x4b9: {  	s19 =	smul.u32 $0x3000, s19;
	v26 =	vsub.f32 $1.500000000e+00, v26;
	v25 =	vmul.f32 v25, v28;
	v59 =	vmul.f32 v58, v27  }
0x4ba: {  	v31 =	vmul.f32 v30, v30  }
0x4bb: {  	s20 =	sand.u32 $0x380, s16;
	s19 =	sshra.s32 s19, $0x2;
	v26 =	vmul.f32 v26, v29;
	v15 =	vmul.f32 v25, v15;
	v60 =	vsub.f32 $1.500000000e+00, v59  }
0x4bc: {  	s20 =	sor.u32 s20, s19;
	v20 =	vmul.f32 v25, v20;
	v13 =	vmul.f32 v25, v13  }
0x4bd: {  	s19 =	sadd.s32 $0x1CF80, s20;
	v23 =	vmul.f32 v31, v23;
	[tilespmem:s20+$0x1CF80] =	vst v15;
	v28 =	vmul.f32 v32, v60  }
0x4be: {  	v11 =	vmul.f32 v25, v11;
	[tilespmem:s19+$0x30] =	vst v20  }
0x4bf: {  	v18 =	vmul.f32 v26, v18;
	v61 =	vsub.f32 $1.500000000e+00, v23;
	[tilespmem:s19+$0x20] =	vst v13;
	v62 =	vmul.f32 v28, v28  }
0x4c0: {  	v21 =	vmul.f32 v26, v21;
	v19 =	vmul.f32 v26, v19;
	[tilespmem:s19+$0x10] =	vst v11  }
0x4c1: {  	[tilespmem:s19+$0x50] =	vst v18;
	v18 =	vmul.f32 v61, v30;
	v15 =	vmul.f32 v62, v27  }
0x4c2: {  	v63 =	vmul.f32 v26, v22;
	[tilespmem:s19+$0x60] =	vst v21  }
0x4c3: {  	[tilespmem:s19+$0x40] =	vst v19;
	v16 =	vmul.f32 v18, v16;
	v15 =	vsub.f32 $1.500000000e+00, v15  }
0x4c4: {  	[tilespmem:s19+$0x70] =	vst v63  }
0x4c5: {  	v13 =	vmul.f32 v18, v12;
	[tilespmem:s20+$0x1D380] =	vst v16;
	v11 =	vmul.f32 v15, v28  }
0x4c6: {  	s21 =	sadd.s32 $0x1D380, s20;
	v12 =	vmul.f32 v18, v14;
	[tilespmem:s20+$0x1D780] =	vst v16  }
0x4c7: {  	s22 =	sadd.s32 $0x1D780, s20;
	s19 =	simm.s32 $0x1;
	v14 =	vmul.f32 v18, v17;
	[tilespmem:s21+$0x10] =	vst v13;
	v15 =	vmul.f32 v11, v39  }
.LBB2_20:
0x4c8: {  	[tilespmem:s22+$0x10] =	vst v13;
	s16 =	sadd.s32 $0x80, s16;
	s17 =	sadd.s32 $0x80, s17;
	s18 =	sadd.s32 $0x80, s18  }
0x4c9: {  	p0 =	sne.s32 s19, $0xF;
	v8 =	vmul.f32 v11, v8;
	s20 =	smov.u32 s19;
	s19 =	sadd.s32 $0x1, s19;
	[tilespmem:s21+$0x20] =	vst v12  }
0x4ca: {  	[tilespmem:s22+$0x20] =	vst v12  }
0x4cb: {  	v9 =	vmul.f32 v11, v9;
	[tilespmem:s21+$0x30] =	vst v14  }
0x4cc: {  	[tilespmem:s22+$0x30] =	vst v14  }
0x4cd: {  	v10 =	vmul.f32 v11, v10;
	[tilespmem:s21+$0x40] =	vst v15  }
0x4ce: {  	[tilespmem:s22+$0x40] =	vst v15  }
0x4cf: {  	[tilespmem:s21+$0x50] =	vst v8  }
0x4d0: {  	[tilespmem:s22+$0x50] =	vst v8  }
0x4d1: {  	[tilespmem:s21+$0x60] =	vst v9  }
0x4d2: {  	[tilespmem:s22+$0x60] =	vst v9  }
0x4d3: {  	[tilespmem:s21+$0x70] =	vst v10  }
0x4d4: {  	[tilespmem:s22+$0x70] =	vst v10  }
0x4d5: {  	v20 =	vld [tilespmem:s17+$0xFFFFFFC0]  }
0x4d6: {  	v11 =	vld [tilespmem:s17+$0xFFFFFFD0]  }
0x4d7: {  	v15 =	vld [tilespmem:s17+$0x10]  }
0x4d8: {  	v13 =	vld [tilespmem:s17+$0xFFFFFFE0]  }
0x4d9: {  	v21 =	vld [tilespmem:s17+$0x0]  }
0x4da: {  	v17 =	vld [tilespmem:s17+$0xFFFFFFF0]  }
0x4db: {  	v8 =	vmul.f32 v20, v20;
	v22 =	vld [tilespmem:s17+$0x20];
	v9 =	vmul.f32 v11, v11  }
0x4dc: {  	v12 =	vld [tilespmem:s18+$0xFFFFFFD0]  }
0x4dd: {  	v23 =	vld [tilespmem:s17+$0x30];
	v8 =	vadd.f32 v9, v8;
	v9 =	vmul.f32 v13, v13  }
0x4de: {  	v14 =	vmul.f32 v15, v15;
	v19 =	vld [tilespmem:s18+$0xFFFFFFC0];
	v10 =	vmul.f32 v21, v21  }
0x4df: {  	v8 =	vadd.f32 v9, v8;
	v9 =	vmul.f32 v17, v17  }
0x4e0: {  	v16 =	vld [tilespmem:s18+$0xFFFFFFE0];
	v10 =	vadd.f32 v14, v10;
	v18 =	vmul.f32 v22, v22  }
0x4e1: {  	v8 =	vadd.f32 v9, v8  }
0x4e2: {  	v9 =	vmul.f32 v12, v12;
	v14 =	vld [tilespmem:s18+$0xFFFFFFF0];
	v10 =	vadd.f32 v18, v10;
	v18 =	vmul.f32 v23, v23  }
0x4e3: {  	v24 =	vmul.f32 v19, v19;
	v25 =	vperm.xlane v8, v4  }
0x4e4: {  	v10 =	vadd.f32 v18, v10  }
0x4e5: {  	v9 =	vadd.f32 v9, v24;
	v24 =	vmul.f32 v16, v16;
	v25 =	vadd.f32 v25, v8  }
0x4e6: {  	v18 =	vld [tilespmem:s18+$0x0];
	v26 =	vperm.xlane v10, v4  }
0x4e7: {  	v8 =	vld [tilespmem:s18+$0x10];
	v24 =	vadd.f32 v24, v9;
	v27 =	vmul.f32 v14, v14;
	v28 =	vperm.xlane v25, v5  }
0x4e8: {  	v26 =	vadd.f32 v26, v10  }
0x4e9: {  	v9 =	vld [tilespmem:s18+$0x20];
	v24 =	vadd.f32 v27, v24;
	v25 =	vadd.f32 v28, v25  }
0x4ea: {  	v27 =	vperm.xlane v26, v5  }
0x4eb: {  	v10 =	vld [tilespmem:s18+$0x30];
	v28 =	vperm.xlane v24, v4;
	v29 =	vperm.xlane v25, v6  }
0x4ec: {  	v30 =	vmul.f32 v18, v18;
	v31 =	vmul.f32 v8, v8;
	v26 =	vadd.f32 v27, v26  }
0x4ed: {  	v24 =	vadd.f32 v28, v24;
	v25 =	vadd.f32 v29, v25  }
0x4ee: {  	v27 =	vadd.f32 v31, v30;
	v28 =	vmul.f32 v9, v9;
	v29 =	vperm.xlane v26, v6  }
0x4ef: {  	v30 =	vperm.xlane v24, v5;
	v31 =	vperm.xlane v25, v7  }
0x4f0: {  	v27 =	vadd.f32 v28, v27;
	v28 =	vmul.f32 v10, v10;
	v26 =	vadd.f32 v29, v26  }
0x4f1: {  	v24 =	vadd.f32 v30, v24;
	v25 =	vadd.f32 v31, v25  }
0x4f2: {  	v27 =	vadd.f32 v28, v27;
	v28 =	vperm.xlane v26, v7  }
0x4f3: {  	v29 =	vperm.xlane v24, v6;
	v25 =	vmax.f32 v25, $1.000000020e-24  }
0x4f4: {  	v30 =	vperm.xlane v27, v4;
	v26 =	vadd.f32 v28, v26;
	v28 =	vshra.s32 v25, $0x1  }
0x4f5: {  	v25 =	vmul.f32 $5.000000000e-01, v25;
	v24 =	vadd.f32 v29, v24;
	v28 =	vsub.s32 $0x5F3759DF, v28  }
0x4f6: {  	v27 =	vadd.f32 v30, v27;
	v26 =	vmax.f32 v26, $1.000000020e-24;
	v29 =	vmul.f32 v28, v28  }
0x4f7: {  	v30 =	vperm.xlane v24, v7;
	v31 =	vshra.s32 v26, $0x1  }
0x4f8: {  	v32 =	vperm.xlane v27, v5;
	v31 =	vsub.s32 $0x5F3759DF, v31;
	v29 =	vmul.f32 v29, v25  }
0x4f9: {  	v26 =	vmul.f32 $5.000000000e-01, v26;
	v24 =	vadd.f32 v30, v24;
	v30 =	vmul.f32 v31, v31  }
0x4fa: {  	v27 =	vadd.f32 v32, v27;
	v29 =	vsub.f32 $1.500000000e+00, v29  }
0x4fb: {  	v24 =	vmax.f32 v24, $1.000000020e-24;
	v30 =	vmul.f32 v30, v26  }
0x4fc: {  	v32 =	vperm.xlane v27, v6;
	v33 =	vshra.s32 v24, $0x1;
	v28 =	vmul.f32 v28, v29  }
0x4fd: {  	v29 =	vsub.s32 $0x5F3759DF, v33;
	v30 =	vsub.f32 $1.500000000e+00, v30  }
0x4fe: {  	v24 =	vmul.f32 $5.000000000e-01, v24;
	v27 =	vadd.f32 v32, v27;
	v32 =	vmul.f32 v29, v29  }
0x4ff: {  	v30 =	vmul.f32 v31, v30;
	v31 =	vmul.f32 v28, v28  }
0x500: {  	v33 =	vperm.xlane v27, v7;
	v32 =	vmul.f32 v32, v24  }
0x501: {  	v34 =	vmul.f32 v30, v30;
	v25 =	vmul.f32 v31, v25  }
0x502: {  	v27 =	vadd.f32 v33, v27;
	v31 =	vsub.f32 $1.500000000e+00, v32  }
0x503: {  	v26 =	vmul.f32 v34, v26;
	v25 =	vsub.f32 $1.500000000e+00, v25  }
0x504: {  	v27 =	vmax.f32 v27, $1.000000020e-24;
	v29 =	vmul.f32 v29, v31  }
0x505: {  	v31 =	vshra.s32 v27, $0x1;
	v26 =	vsub.f32 $1.500000000e+00, v26;
	v25 =	vmul.f32 v25, v28  }
0x506: {  	v28 =	vsub.s32 $0x5F3759DF, v31;
	v31 =	vmul.f32 v29, v29  }
0x507: {  	s20 =	sshrl.u32 s20, $0x3;
	v27 =	vmul.f32 $5.000000000e-01, v27;
	v32 =	vmul.f32 v28, v28  }
0x508: {  	s20 =	smul.u32 $0x3000, s20;
	v26 =	vmul.f32 v26, v30;
	v24 =	vmul.f32 v31, v24  }
0x509: {  	v20 =	vmul.f32 v25, v20;
	v30 =	vmul.f32 v32, v27  }
0x50a: {  	s20 =	sshra.s32 s20, $0x2;
	s21 =	sand.u32 $0x380, s16;
	v21 =	vmul.f32 v26, v21;
	v22 =	vmul.f32 v26, v22;
	v24 =	vsub.f32 $1.500000000e+00, v24  }
0x50b: {  	s20 =	sor.u32 s21, s20;
	v15 =	vmul.f32 v26, v15;
	v23 =	vmul.f32 v26, v23;
	v30 =	vsub.f32 $1.500000000e+00, v30  }
0x50c: {  	s21 =	sadd.s32 $0x1CF80, s20;
	v17 =	vmul.f32 v25, v17;
	v24 =	vmul.f32 v24, v29  }
0x50d: {  	v26 =	vmul.f32 v28, v30;
	v28 =	vmul.f32 v25, v13;
	[tilespmem:s21+$0x50] =	vst v15  }
0x50e: {  	v11 =	vmul.f32 v25, v11;
	[tilespmem:s21+$0x60] =	vst v22;
	v15 =	vmul.f32 v24, v19  }
0x50f: {  	v19 =	vmul.f32 v26, v26;
	[tilespmem:s21+$0x40] =	vst v21  }
0x510: {  	v13 =	vmul.f32 v24, v12;
	[tilespmem:s20+$0x1CF80] =	vst v20  }
0x511: {  	v19 =	vmul.f32 v19, v27;
	[tilespmem:s21+$0x30] =	vst v17  }
0x512: {  	v12 =	vmul.f32 v24, v16;
	[tilespmem:s21+$0x70] =	vst v23  }
.Ltmp9:
0x513: {  	v16 =	vsub.f32 $1.500000000e+00, v19;
	[tilespmem:s21+$0x20] =	vst v28;
	(pc) =	sbr.rel @p0 .LBB2_20-.Ltmp9, $4  }
0x514: {  	[tilespmem:s21+$0x10] =	vst v11  }
0x515: {  	v14 =	vmul.f32 v24, v14;
	s21 =	sadd.s32 $0x1D380, s20;
	v11 =	vmul.f32 v16, v26;
	[tilespmem:s20+$0x1D380] =	vst v15  }
0x516: {  	s22 =	sadd.s32 $0x1D780, s20;
	[tilespmem:s20+$0x1D780] =	vst v15  }
0x517: {  	[tilespmem:s21+$0x10] =	vst v13;
	v15 =	vmul.f32 v11, v18  }
0x518: {  	[tilespmem:s22+$0x10] =	vst v13  }
0x519: {  	[tilespmem:s21+$0x20] =	vst v12  }
0x51a: {  	[tilespmem:s22+$0x20] =	vst v12  }
0x51b: {  	[tilespmem:s21+$0x30] =	vst v14  }
0x51c: {  	[tilespmem:s22+$0x30] =	vst v14  }
0x51d: {  	v8 =	vmul.f32 v11, v8;
	[tilespmem:s21+$0x40] =	vst v15  }
0x51e: {  	[tilespmem:s22+$0x40] =	vst v15  }
0x51f: {  	v9 =	vmul.f32 v11, v9;
	[tilespmem:s21+$0x50] =	vst v8  }
0x520: {  	[tilespmem:s22+$0x50] =	vst v8  }
0x521: {  	v8 =	vmul.f32 v11, v10;
	[tilespmem:s21+$0x60] =	vst v9  }
0x522: {  	[tilespmem:s22+$0x60] =	vst v9  }
0x523: {  	[tilespmem:s21+$0x70] =	vst v8  }
0x524: {  	[tilespmem:s22+$0x70] =	vst v8  }
0x525: {  	s16 =	simm.s32 $0x0;
	_ =	strace $0x90000056  }
0x526: {  	[tilespmem:s28], [sflag:$0x2] =	stream.linear.gather [hbm4b:s24+s16], $0x800, $0x38;
	[tilespmem:$0x1E780] =	vst v63  }
0x527: {  	s17 =	simm.s32 $0x19770  }
0x528: {  	[tilespmem:s6], [sflag:$0x4] =	stream.indirect.gather [hbm4b:s1+s0], $0x80, s17, s0, $0xb8;
	[tilespmem:$0x1E780] =	vst v63  }
0x529: {  	s22 =	rddreg [dreg:$0xd]  }
0x52a: {  	[hbm4b:s22+s16] =	stream.linear.scatter [tilespmem:s12], [sflag:$0x6], $0x1800, $0x38;
	[tilespmem:$0x1E780] =	vst v63  }
0x52b: {  	_ =	strace $0x80000057  }
0x52c: {  	_ =	swait.ge [sflag:s7], $0x800  }
0x52d: {  	[sflag:s7] =	ssyncset.done $0x0  }
0x52e: {  	[sflag:s7] =	ssyncadd.s32 $0xFFFFF800  }
0x52f: {  	_ =	swait.ge [sflag:s8], $0x800  }
0x530: {  	[sflag:s8] =	ssyncset.done $0x0  }
0x531: {  	[sflag:s8] =	ssyncadd.s32 $0xFFFFF800  }
0x532: {  	_ =	strace $0x90000057  }
0x533: {  	_ =	swait.ge [sflag:s13], $0x1800  }
0x534: {  	[sflag:s13] =	ssyncset.done $0x0  }
0x535: {  	[sflag:s13] =	ssyncadd.s32 $0xFFFFE800  }
0x536: {  	s17 =	simm.s32 $0x197C0;
	_ =	strace $0x80000058  }
0x537: {  	v15 =	vld [tilespmem:s17+$0xFFFFFFC0]  }
0x538: {  	v11 =	vld [tilespmem:s17+$0xFFFFFFD0]  }
0x539: {  	v18 =	vld [tilespmem:s17+$0x10]  }
0x53a: {  	v19 =	vld [tilespmem:s17+$0x0]  }
0x53b: {  	v13 =	vld [tilespmem:s17+$0xFFFFFFE0]  }
0x53c: {  	v20 =	vld [tilespmem:s17+$0xFFFFFFF0]  }
0x53d: {  	v21 =	vld [tilespmem:s17+$0x20]  }
0x53e: {  	v8 =	vmul.f32 v15, v15;
	v9 =	vmul.f32 v11, v11  }
0x53f: {  	s18 =	simm.s32 $0x1A7C0;
	v22 =	vld [tilespmem:s17+$0x30];
	v10 =	vmul.f32 v19, v19;
	v17 =	vmul.f32 v18, v18  }
0x540: {  	v12 =	vld [tilespmem:s18+$0xFFFFFFD0];
	v8 =	vadd.f32 v9, v8;
	v9 =	vmul.f32 v13, v13  }
0x541: {  	v16 =	vld [tilespmem:s18+$0xFFFFFFC0];
	v10 =	vadd.f32 v17, v10  }
0x542: {  	v14 =	vld [tilespmem:s18+$0xFFFFFFE0];
	v17 =	vmul.f32 v21, v21;
	v8 =	vadd.f32 v9, v8;
	v9 =	vmul.f32 v20, v20;
	_ =	sdelay $0x1  }
0x543: {  	v8 =	vadd.f32 v9, v8;
	v9 =	vadd.f32 v17, v10;
	v10 =	vmul.f32 v22, v22  }
0x544: {  	v23 =	vmul.f32 v12, v12;
	v17 =	vld [tilespmem:s18+$0xFFFFFFF0]  }
0x545: {  	v24 =	vmul.f32 v16, v16;
	v25 =	vperm.xlane v8, v4;
	v9 =	vadd.f32 v10, v9  }
0x546: {  	v39 =	vld [tilespmem:s18+$0x0];
	v38 =	vmul.f32 v14, v14  }
0x547: {  	v10 =	vadd.f32 v23, v24;
	v25 =	vadd.f32 v25, v8;
	v26 =	vperm.xlane v9, v4;
	v8 =	vld [tilespmem:s18+$0x10];
	_ =	sdelay $0x1  }
0x548: {  	v10 =	vadd.f32 v38, v10;
	v40 =	vmul.f32 v17, v17;
	v26 =	vadd.f32 v26, v9;
	v9 =	vld [tilespmem:s18+$0x20];
	_ =	sdelay $0x1  }
0x549: {  	v27 =	vperm.xlane v25, v5;
	v23 =	vadd.f32 v40, v10;
	v10 =	vld [tilespmem:s18+$0x30]  }
0x54a: {  	v28 =	vmul.f32 v39, v39;
	v29 =	vmul.f32 v8, v8  }
0x54b: {  	v25 =	vadd.f32 v27, v25;
	v41 =	vperm.xlane v26, v5  }
0x54c: {  	v30 =	vperm.xlane v23, v4;
	v42 =	vadd.f32 v29, v28;
	v43 =	vmul.f32 v9, v9  }
0x54d: {  	v31 =	vperm.xlane v25, v6;
	v26 =	vadd.f32 v41, v26  }
0x54e: {  	v23 =	vadd.f32 v30, v23;
	v45 =	vmul.f32 v10, v10;
	v27 =	vadd.f32 v43, v42  }
0x54f: {  	v25 =	vadd.f32 v31, v25;
	v44 =	vperm.xlane v26, v6  }
0x550: {  	v30 =	vperm.xlane v23, v5;
	v27 =	vadd.f32 v45, v27  }
0x551: {  	v31 =	vperm.xlane v25, v7;
	v26 =	vadd.f32 v44, v26  }
0x552: {  	v23 =	vadd.f32 v30, v23;
	v47 =	vperm.xlane v27, v4  }
0x553: {  	v25 =	vadd.f32 v31, v25;
	v46 =	vperm.xlane v26, v7  }
0x554: {  	v30 =	vperm.xlane v23, v6;
	v27 =	vadd.f32 v47, v27  }
0x555: {  	v25 =	vmax.f32 v25, $1.000000020e-24;
	v26 =	vadd.f32 v46, v26  }
0x556: {  	v48 =	vshra.s32 v25, $0x1;
	v23 =	vadd.f32 v30, v23;
	v29 =	vperm.xlane v27, v5  }
0x557: {  	v25 =	vmul.f32 $5.000000000e-01, v25;
	v28 =	vsub.s32 $0x5F3759DF, v48;
	v26 =	vmax.f32 v26, $1.000000020e-24  }
0x558: {  	v49 =	vmul.f32 v28, v28;
	v50 =	vshra.s32 v26, $0x1;
	v27 =	vadd.f32 v29, v27  }
0x559: {  	v32 =	vperm.xlane v23, v7;
	v26 =	vmul.f32 $5.000000000e-01, v26;
	v31 =	vsub.s32 $0x5F3759DF, v50  }
0x55a: {  	v51 =	vmul.f32 v31, v31;
	v33 =	vperm.xlane v27, v6  }
0x55b: {  	v30 =	vmul.f32 v49, v25;
	v23 =	vadd.f32 v32, v23  }
0x55c: {  	v29 =	vmul.f32 v51, v26;
	v27 =	vadd.f32 v33, v27  }
0x55d: {  	v30 =	vsub.f32 $1.500000000e+00, v30;
	v23 =	vmax.f32 v23, $1.000000020e-24  }
0x55e: {  	v52 =	vshra.s32 v23, $0x1;
	v29 =	vsub.f32 $1.500000000e+00, v29;
	v33 =	vperm.xlane v27, v7  }
0x55f: {  	v23 =	vmul.f32 $5.000000000e-01, v23;
	v28 =	vmul.f32 v28, v30;
	v53 =	vsub.s32 $0x5F3759DF, v52  }
0x560: {  	v54 =	vmul.f32 v53, v53;
	v29 =	vmul.f32 v31, v29;
	v27 =	vadd.f32 v33, v27  }
0x561: {  	v56 =	vmul.f32 v28, v28  }
0x562: {  	v31 =	vmul.f32 v54, v23;
	v55 =	vmul.f32 v29, v29;
	v27 =	vmax.f32 v27, $1.000000020e-24  }
0x563: {  	v25 =	vmul.f32 v56, v25;
	v57 =	vshra.s32 v27, $0x1  }
0x564: {  	v31 =	vsub.f32 $1.500000000e+00, v31;
	v26 =	vmul.f32 v55, v26;
	v32 =	vsub.s32 $0x5F3759DF, v57  }
0x565: {  	v25 =	vsub.f32 $1.500000000e+00, v25;
	v27 =	vmul.f32 $5.000000000e-01, v27;
	v58 =	vmul.f32 v32, v32  }
0x566: {  	s19 =	simm.s32 $0x0;
	v30 =	vmul.f32 v53, v31  }
0x567: {  	s19 =	smul.u32 $0x3000, s19;
	v26 =	vsub.f32 $1.500000000e+00, v26;
	v25 =	vmul.f32 v25, v28;
	v59 =	vmul.f32 v58, v27  }
0x568: {  	v31 =	vmul.f32 v30, v30  }
0x569: {  	s20 =	sand.u32 $0x380, s16;
	s19 =	sshra.s32 s19, $0x2;
	v26 =	vmul.f32 v26, v29;
	v15 =	vmul.f32 v25, v15;
	v60 =	vsub.f32 $1.500000000e+00, v59  }
0x56a: {  	s20 =	sor.u32 s20, s19;
	v20 =	vmul.f32 v25, v20;
	v13 =	vmul.f32 v25, v13  }
0x56b: {  	s19 =	sadd.s32 $0x1B780, s20;
	v23 =	vmul.f32 v31, v23;
	[tilespmem:s20+$0x1B780] =	vst v15;
	v28 =	vmul.f32 v32, v60  }
0x56c: {  	v11 =	vmul.f32 v25, v11;
	[tilespmem:s19+$0x30] =	vst v20  }
0x56d: {  	v18 =	vmul.f32 v26, v18;
	v61 =	vsub.f32 $1.500000000e+00, v23;
	[tilespmem:s19+$0x20] =	vst v13;
	v62 =	vmul.f32 v28, v28  }
0x56e: {  	v21 =	vmul.f32 v26, v21;
	v19 =	vmul.f32 v26, v19;
	[tilespmem:s19+$0x10] =	vst v11  }
0x56f: {  	[tilespmem:s19+$0x50] =	vst v18;
	v18 =	vmul.f32 v61, v30;
	v15 =	vmul.f32 v62, v27  }
0x570: {  	v63 =	vmul.f32 v26, v22;
	[tilespmem:s19+$0x60] =	vst v21  }
0x571: {  	[tilespmem:s19+$0x40] =	vst v19;
	v16 =	vmul.f32 v18, v16;
	v15 =	vsub.f32 $1.500000000e+00, v15  }
0x572: {  	[tilespmem:s19+$0x70] =	vst v63  }
0x573: {  	v13 =	vmul.f32 v18, v12;
	[tilespmem:s20+$0x1BB80] =	vst v16;
	v11 =	vmul.f32 v15, v28  }
0x574: {  	s21 =	sadd.s32 $0x1BB80, s20;
	v12 =	vmul.f32 v18, v14;
	[tilespmem:s20+$0x1BF80] =	vst v16  }
0x575: {  	s22 =	sadd.s32 $0x1BF80, s20;
	s19 =	simm.s32 $0x1;
	v14 =	vmul.f32 v18, v17;
	[tilespmem:s21+$0x10] =	vst v13;
	v15 =	vmul.f32 v11, v39  }
.LBB2_22:
0x576: {  	[tilespmem:s22+$0x10] =	vst v13;
	s16 =	sadd.s32 $0x80, s16;
	s17 =	sadd.s32 $0x80, s17;
	s18 =	sadd.s32 $0x80, s18  }
0x577: {  	p0 =	sne.s32 s19, $0xF;
	v8 =	vmul.f32 v11, v8;
	s20 =	smov.u32 s19;
	s19 =	sadd.s32 $0x1, s19;
	[tilespmem:s21+$0x20] =	vst v12  }
0x578: {  	[tilespmem:s22+$0x20] =	vst v12  }
0x579: {  	v9 =	vmul.f32 v11, v9;
	[tilespmem:s21+$0x30] =	vst v14  }
0x57a: {  	[tilespmem:s22+$0x30] =	vst v14  }
0x57b: {  	v10 =	vmul.f32 v11, v10;
	[tilespmem:s21+$0x40] =	vst v15  }
0x57c: {  	[tilespmem:s22+$0x40] =	vst v15  }
0x57d: {  	[tilespmem:s21+$0x50] =	vst v8  }
0x57e: {  	[tilespmem:s22+$0x50] =	vst v8  }
0x57f: {  	[tilespmem:s21+$0x60] =	vst v9  }
0x580: {  	[tilespmem:s22+$0x60] =	vst v9  }
0x581: {  	[tilespmem:s21+$0x70] =	vst v10  }
0x582: {  	[tilespmem:s22+$0x70] =	vst v10  }
0x583: {  	v20 =	vld [tilespmem:s17+$0xFFFFFFC0]  }
0x584: {  	v11 =	vld [tilespmem:s17+$0xFFFFFFD0]  }
0x585: {  	v15 =	vld [tilespmem:s17+$0x10]  }
0x586: {  	v13 =	vld [tilespmem:s17+$0xFFFFFFE0]  }
0x587: {  	v21 =	vld [tilespmem:s17+$0x0]  }
0x588: {  	v17 =	vld [tilespmem:s17+$0xFFFFFFF0]  }
0x589: {  	v8 =	vmul.f32 v20, v20;
	v22 =	vld [tilespmem:s17+$0x20];
	v9 =	vmul.f32 v11, v11  }
0x58a: {  	v12 =	vld [tilespmem:s18+$0xFFFFFFD0]  }
0x58b: {  	v23 =	vld [tilespmem:s17+$0x30];
	v8 =	vadd.f32 v9, v8;
	v9 =	vmul.f32 v13, v13  }
0x58c: {  	v14 =	vmul.f32 v15, v15;
	v19 =	vld [tilespmem:s18+$0xFFFFFFC0];
	v10 =	vmul.f32 v21, v21  }
0x58d: {  	v8 =	vadd.f32 v9, v8;
	v9 =	vmul.f32 v17, v17  }
0x58e: {  	v16 =	vld [tilespmem:s18+$0xFFFFFFE0];
	v10 =	vadd.f32 v14, v10;
	v18 =	vmul.f32 v22, v22  }
0x58f: {  	v8 =	vadd.f32 v9, v8  }
0x590: {  	v9 =	vmul.f32 v12, v12;
	v14 =	vld [tilespmem:s18+$0xFFFFFFF0];
	v10 =	vadd.f32 v18, v10;
	v18 =	vmul.f32 v23, v23  }
0x591: {  	v24 =	vmul.f32 v19, v19;
	v25 =	vperm.xlane v8, v4  }
0x592: {  	v10 =	vadd.f32 v18, v10  }
0x593: {  	v9 =	vadd.f32 v9, v24;
	v24 =	vmul.f32 v16, v16;
	v25 =	vadd.f32 v25, v8  }
0x594: {  	v18 =	vld [tilespmem:s18+$0x0];
	v26 =	vperm.xlane v10, v4  }
0x595: {  	v8 =	vld [tilespmem:s18+$0x10];
	v24 =	vadd.f32 v24, v9;
	v27 =	vmul.f32 v14, v14;
	v28 =	vperm.xlane v25, v5  }
0x596: {  	v26 =	vadd.f32 v26, v10  }
0x597: {  	v9 =	vld [tilespmem:s18+$0x20];
	v24 =	vadd.f32 v27, v24;
	v25 =	vadd.f32 v28, v25  }
0x598: {  	v27 =	vperm.xlane v26, v5  }
0x599: {  	v10 =	vld [tilespmem:s18+$0x30];
	v28 =	vperm.xlane v24, v4;
	v29 =	vperm.xlane v25, v6  }
0x59a: {  	v30 =	vmul.f32 v18, v18;
	v31 =	vmul.f32 v8, v8;
	v26 =	vadd.f32 v27, v26  }
0x59b: {  	v24 =	vadd.f32 v28, v24;
	v25 =	vadd.f32 v29, v25  }
0x59c: {  	v27 =	vadd.f32 v31, v30;
	v28 =	vmul.f32 v9, v9;
	v29 =	vperm.xlane v26, v6  }
0x59d: {  	v30 =	vperm.xlane v24, v5;
	v31 =	vperm.xlane v25, v7  }
0x59e: {  	v27 =	vadd.f32 v28, v27;
	v28 =	vmul.f32 v10, v10;
	v26 =	vadd.f32 v29, v26  }
0x59f: {  	v24 =	vadd.f32 v30, v24;
	v25 =	vadd.f32 v31, v25  }
0x5a0: {  	v27 =	vadd.f32 v28, v27;
	v28 =	vperm.xlane v26, v7  }
0x5a1: {  	v29 =	vperm.xlane v24, v6;
	v25 =	vmax.f32 v25, $1.000000020e-24  }
0x5a2: {  	v30 =	vperm.xlane v27, v4;
	v26 =	vadd.f32 v28, v26;
	v28 =	vshra.s32 v25, $0x1  }
0x5a3: {  	v25 =	vmul.f32 $5.000000000e-01, v25;
	v24 =	vadd.f32 v29, v24;
	v28 =	vsub.s32 $0x5F3759DF, v28  }
0x5a4: {  	v27 =	vadd.f32 v30, v27;
	v26 =	vmax.f32 v26, $1.000000020e-24;
	v29 =	vmul.f32 v28, v28  }
0x5a5: {  	v30 =	vperm.xlane v24, v7;
	v31 =	vshra.s32 v26, $0x1  }
0x5a6: {  	v32 =	vperm.xlane v27, v5;
	v31 =	vsub.s32 $0x5F3759DF, v31;
	v29 =	vmul.f32 v29, v25  }
0x5a7: {  	v26 =	vmul.f32 $5.000000000e-01, v26;
	v24 =	vadd.f32 v30, v24;
	v30 =	vmul.f32 v31, v31  }
0x5a8: {  	v27 =	vadd.f32 v32, v27;
	v29 =	vsub.f32 $1.500000000e+00, v29  }
0x5a9: {  	v24 =	vmax.f32 v24, $1.000000020e-24;
	v30 =	vmul.f32 v30, v26  }
0x5aa: {  	v32 =	vperm.xlane v27, v6;
	v33 =	vshra.s32 v24, $0x1;
	v28 =	vmul.f32 v28, v29  }
0x5ab: {  	v29 =	vsub.s32 $0x5F3759DF, v33;
	v30 =	vsub.f32 $1.500000000e+00, v30  }
0x5ac: {  	v24 =	vmul.f32 $5.000000000e-01, v24;
	v27 =	vadd.f32 v32, v27;
	v32 =	vmul.f32 v29, v29  }
0x5ad: {  	v30 =	vmul.f32 v31, v30;
	v31 =	vmul.f32 v28, v28  }
0x5ae: {  	v33 =	vperm.xlane v27, v7;
	v32 =	vmul.f32 v32, v24  }
0x5af: {  	v34 =	vmul.f32 v30, v30;
	v25 =	vmul.f32 v31, v25  }
0x5b0: {  	v27 =	vadd.f32 v33, v27;
	v31 =	vsub.f32 $1.500000000e+00, v32  }
0x5b1: {  	v26 =	vmul.f32 v34, v26;
	v25 =	vsub.f32 $1.500000000e+00, v25  }
0x5b2: {  	v27 =	vmax.f32 v27, $1.000000020e-24;
	v29 =	vmul.f32 v29, v31  }
0x5b3: {  	v31 =	vshra.s32 v27, $0x1;
	v26 =	vsub.f32 $1.500000000e+00, v26;
	v25 =	vmul.f32 v25, v28  }
0x5b4: {  	v28 =	vsub.s32 $0x5F3759DF, v31;
	v31 =	vmul.f32 v29, v29  }
0x5b5: {  	s20 =	sshrl.u32 s20, $0x3;
	v27 =	vmul.f32 $5.000000000e-01, v27;
	v32 =	vmul.f32 v28, v28  }
0x5b6: {  	s20 =	smul.u32 $0x3000, s20;
	v26 =	vmul.f32 v26, v30;
	v24 =	vmul.f32 v31, v24  }
0x5b7: {  	v20 =	vmul.f32 v25, v20;
	v30 =	vmul.f32 v32, v27  }
0x5b8: {  	s20 =	sshra.s32 s20, $0x2;
	s21 =	sand.u32 $0x380, s16;
	v21 =	vmul.f32 v26, v21;
	v22 =	vmul.f32 v26, v22;
	v24 =	vsub.f32 $1.500000000e+00, v24  }
0x5b9: {  	s20 =	sor.u32 s21, s20;
	v15 =	vmul.f32 v26, v15;
	v23 =	vmul.f32 v26, v23;
	v30 =	vsub.f32 $1.500000000e+00, v30  }
0x5ba: {  	s21 =	sadd.s32 $0x1B780, s20;
	v17 =	vmul.f32 v25, v17;
	v24 =	vmul.f32 v24, v29  }
0x5bb: {  	v26 =	vmul.f32 v28, v30;
	v28 =	vmul.f32 v25, v13;
	[tilespmem:s21+$0x50] =	vst v15  }
0x5bc: {  	v11 =	vmul.f32 v25, v11;
	[tilespmem:s21+$0x60] =	vst v22;
	v15 =	vmul.f32 v24, v19  }
0x5bd: {  	v19 =	vmul.f32 v26, v26;
	[tilespmem:s21+$0x40] =	vst v21  }
0x5be: {  	v13 =	vmul.f32 v24, v12;
	[tilespmem:s20+$0x1B780] =	vst v20  }
0x5bf: {  	v19 =	vmul.f32 v19, v27;
	[tilespmem:s21+$0x30] =	vst v17  }
0x5c0: {  	v12 =	vmul.f32 v24, v16;
	[tilespmem:s21+$0x70] =	vst v23  }
.Ltmp10:
0x5c1: {  	v16 =	vsub.f32 $1.500000000e+00, v19;
	[tilespmem:s21+$0x20] =	vst v28;
	(pc) =	sbr.rel @p0 .LBB2_22-.Ltmp10, $4  }
0x5c2: {  	[tilespmem:s21+$0x10] =	vst v11  }
0x5c3: {  	v14 =	vmul.f32 v24, v14;
	s21 =	sadd.s32 $0x1BB80, s20;
	v11 =	vmul.f32 v16, v26;
	[tilespmem:s20+$0x1BB80] =	vst v15  }
0x5c4: {  	s22 =	sadd.s32 $0x1BF80, s20;
	[tilespmem:s20+$0x1BF80] =	vst v15  }
0x5c5: {  	[tilespmem:s21+$0x10] =	vst v13;
	v15 =	vmul.f32 v11, v18  }
0x5c6: {  	[tilespmem:s22+$0x10] =	vst v13  }
0x5c7: {  	[tilespmem:s21+$0x20] =	vst v12  }
0x5c8: {  	[tilespmem:s22+$0x20] =	vst v12  }
0x5c9: {  	[tilespmem:s21+$0x30] =	vst v14  }
0x5ca: {  	[tilespmem:s22+$0x30] =	vst v14  }
0x5cb: {  	v8 =	vmul.f32 v11, v8;
	[tilespmem:s21+$0x40] =	vst v15  }
0x5cc: {  	[tilespmem:s22+$0x40] =	vst v15  }
0x5cd: {  	v9 =	vmul.f32 v11, v9;
	[tilespmem:s21+$0x50] =	vst v8  }
0x5ce: {  	[tilespmem:s22+$0x50] =	vst v8  }
0x5cf: {  	v8 =	vmul.f32 v11, v10;
	[tilespmem:s21+$0x60] =	vst v9  }
0x5d0: {  	[tilespmem:s22+$0x60] =	vst v9  }
0x5d1: {  	[tilespmem:s21+$0x70] =	vst v8  }
0x5d2: {  	[tilespmem:s22+$0x70] =	vst v8  }
0x5d3: {  	_ =	strace $0x90000058  }
0x5d4: {  	s16 =	simm.s32 $0x0;
	s17 =	rddreg [dreg:$0xe]  }
0x5d5: {  	[hbm4b:s17+s16] =	stream.linear.scatter [tilespmem:s9], [sflag:$0x5], $0x1800, $0x38;
	[tilespmem:$0x1E780] =	vst v63  }
0x5d6: {  	_ =	strace $0x80000059  }
0x5d7: {  	_ =	swait.ge [sflag:s10], $0x800  }
0x5d8: {  	[sflag:s10] =	ssyncset.done $0x0  }
0x5d9: {  	[sflag:s10] =	ssyncadd.s32 $0xFFFFF800  }
0x5da: {  	_ =	swait.ge [sflag:s11], $0x800  }
0x5db: {  	[sflag:s11] =	ssyncset.done $0x0  }
0x5dc: {  	[sflag:s11] =	ssyncadd.s32 $0xFFFFF800  }
0x5dd: {  	_ =	strace $0x90000059  }
0x5de: {  	_ =	swait.ge [sflag:s14], $0x1800  }
0x5df: {  	[sflag:s14] =	ssyncset.done $0x0  }
0x5e0: {  	[sflag:s14] =	ssyncadd.s32 $0xFFFFE800  }
0x5e1: {  	s17 =	simm.s32 $0x19FC0;
	_ =	strace $0x8000005A  }
0x5e2: {  	v15 =	vld [tilespmem:s17+$0xFFFFFFC0]  }
0x5e3: {  	v11 =	vld [tilespmem:s17+$0xFFFFFFD0]  }
0x5e4: {  	v18 =	vld [tilespmem:s17+$0x10]  }
0x5e5: {  	v19 =	vld [tilespmem:s17+$0x0]  }
0x5e6: {  	v13 =	vld [tilespmem:s17+$0xFFFFFFE0]  }
0x5e7: {  	v20 =	vld [tilespmem:s17+$0xFFFFFFF0]  }
0x5e8: {  	v21 =	vld [tilespmem:s17+$0x20]  }
0x5e9: {  	v8 =	vmul.f32 v15, v15;
	v9 =	vmul.f32 v11, v11  }
0x5ea: {  	s18 =	simm.s32 $0x1AFC0;
	v22 =	vld [tilespmem:s17+$0x30];
	v10 =	vmul.f32 v19, v19;
	v17 =	vmul.f32 v18, v18  }
0x5eb: {  	v12 =	vld [tilespmem:s18+$0xFFFFFFD0];
	v8 =	vadd.f32 v9, v8;
	v9 =	vmul.f32 v13, v13  }
0x5ec: {  	v16 =	vld [tilespmem:s18+$0xFFFFFFC0];
	v10 =	vadd.f32 v17, v10  }
0x5ed: {  	v14 =	vld [tilespmem:s18+$0xFFFFFFE0];
	v17 =	vmul.f32 v21, v21;
	v8 =	vadd.f32 v9, v8;
	v9 =	vmul.f32 v20, v20;
	_ =	sdelay $0x1  }
0x5ee: {  	v8 =	vadd.f32 v9, v8;
	v9 =	vadd.f32 v17, v10;
	v10 =	vmul.f32 v22, v22  }
0x5ef: {  	v23 =	vmul.f32 v12, v12;
	v17 =	vld [tilespmem:s18+$0xFFFFFFF0]  }
0x5f0: {  	v24 =	vmul.f32 v16, v16;
	v25 =	vperm.xlane v8, v4;
	v9 =	vadd.f32 v10, v9  }
0x5f1: {  	v39 =	vld [tilespmem:s18+$0x0];
	v38 =	vmul.f32 v14, v14  }
0x5f2: {  	v10 =	vadd.f32 v23, v24;
	v25 =	vadd.f32 v25, v8;
	v26 =	vperm.xlane v9, v4;
	v8 =	vld [tilespmem:s18+$0x10];
	_ =	sdelay $0x1  }
0x5f3: {  	v10 =	vadd.f32 v38, v10;
	v40 =	vmul.f32 v17, v17;
	v26 =	vadd.f32 v26, v9;
	v9 =	vld [tilespmem:s18+$0x20];
	_ =	sdelay $0x1  }
0x5f4: {  	v27 =	vperm.xlane v25, v5;
	v23 =	vadd.f32 v40, v10;
	v10 =	vld [tilespmem:s18+$0x30]  }
0x5f5: {  	v28 =	vmul.f32 v39, v39;
	v29 =	vmul.f32 v8, v8  }
0x5f6: {  	v25 =	vadd.f32 v27, v25;
	v41 =	vperm.xlane v26, v5  }
0x5f7: {  	v30 =	vperm.xlane v23, v4;
	v42 =	vadd.f32 v29, v28;
	v43 =	vmul.f32 v9, v9  }
0x5f8: {  	v31 =	vperm.xlane v25, v6;
	v26 =	vadd.f32 v41, v26  }
0x5f9: {  	v23 =	vadd.f32 v30, v23;
	v45 =	vmul.f32 v10, v10;
	v27 =	vadd.f32 v43, v42  }
0x5fa: {  	v25 =	vadd.f32 v31, v25;
	v44 =	vperm.xlane v26, v6  }
0x5fb: {  	v30 =	vperm.xlane v23, v5;
	v27 =	vadd.f32 v45, v27  }
0x5fc: {  	v31 =	vperm.xlane v25, v7;
	v26 =	vadd.f32 v44, v26  }
0x5fd: {  	v23 =	vadd.f32 v30, v23;
	v47 =	vperm.xlane v27, v4  }
0x5fe: {  	v25 =	vadd.f32 v31, v25;
	v46 =	vperm.xlane v26, v7  }
0x5ff: {  	v30 =	vperm.xlane v23, v6;
	v27 =	vadd.f32 v47, v27  }
0x600: {  	v25 =	vmax.f32 v25, $1.000000020e-24;
	v26 =	vadd.f32 v46, v26  }
0x601: {  	v48 =	vshra.s32 v25, $0x1;
	v23 =	vadd.f32 v30, v23;
	v29 =	vperm.xlane v27, v5  }
0x602: {  	v25 =	vmul.f32 $5.000000000e-01, v25;
	v28 =	vsub.s32 $0x5F3759DF, v48;
	v26 =	vmax.f32 v26, $1.000000020e-24  }
0x603: {  	v49 =	vmul.f32 v28, v28;
	v50 =	vshra.s32 v26, $0x1;
	v27 =	vadd.f32 v29, v27  }
0x604: {  	v32 =	vperm.xlane v23, v7;
	v26 =	vmul.f32 $5.000000000e-01, v26;
	v31 =	vsub.s32 $0x5F3759DF, v50  }
0x605: {  	v51 =	vmul.f32 v31, v31;
	v33 =	vperm.xlane v27, v6  }
0x606: {  	v30 =	vmul.f32 v49, v25;
	v23 =	vadd.f32 v32, v23  }
0x607: {  	v29 =	vmul.f32 v51, v26;
	v27 =	vadd.f32 v33, v27  }
0x608: {  	v30 =	vsub.f32 $1.500000000e+00, v30;
	v23 =	vmax.f32 v23, $1.000000020e-24  }
0x609: {  	v52 =	vshra.s32 v23, $0x1;
	v29 =	vsub.f32 $1.500000000e+00, v29;
	v33 =	vperm.xlane v27, v7  }
0x60a: {  	v23 =	vmul.f32 $5.000000000e-01, v23;
	v28 =	vmul.f32 v28, v30;
	v53 =	vsub.s32 $0x5F3759DF, v52  }
0x60b: {  	v54 =	vmul.f32 v53, v53;
	v29 =	vmul.f32 v31, v29;
	v27 =	vadd.f32 v33, v27  }
0x60c: {  	v56 =	vmul.f32 v28, v28  }
0x60d: {  	v31 =	vmul.f32 v54, v23;
	v55 =	vmul.f32 v29, v29;
	v27 =	vmax.f32 v27, $1.000000020e-24  }
0x60e: {  	v25 =	vmul.f32 v56, v25;
	v57 =	vshra.s32 v27, $0x1  }
0x60f: {  	v31 =	vsub.f32 $1.500000000e+00, v31;
	v26 =	vmul.f32 v55, v26;
	v32 =	vsub.s32 $0x5F3759DF, v57  }
0x610: {  	v25 =	vsub.f32 $1.500000000e+00, v25;
	v27 =	vmul.f32 $5.000000000e-01, v27;
	v58 =	vmul.f32 v32, v32  }
0x611: {  	s19 =	simm.s32 $0x0;
	v30 =	vmul.f32 v53, v31  }
0x612: {  	s19 =	smul.u32 $0x3000, s19;
	v26 =	vsub.f32 $1.500000000e+00, v26;
	v25 =	vmul.f32 v25, v28;
	v59 =	vmul.f32 v58, v27  }
0x613: {  	v31 =	vmul.f32 v30, v30  }
0x614: {  	s20 =	sand.u32 $0x380, s16;
	s19 =	sshra.s32 s19, $0x2;
	v26 =	vmul.f32 v26, v29;
	v15 =	vmul.f32 v25, v15;
	v60 =	vsub.f32 $1.500000000e+00, v59  }
0x615: {  	s20 =	sor.u32 s20, s19;
	v20 =	vmul.f32 v25, v20;
	v13 =	vmul.f32 v25, v13  }
0x616: {  	s19 =	sadd.s32 $0x1CF80, s20;
	v23 =	vmul.f32 v31, v23;
	[tilespmem:s20+$0x1CF80] =	vst v15;
	v28 =	vmul.f32 v32, v60  }
0x617: {  	v11 =	vmul.f32 v25, v11;
	[tilespmem:s19+$0x30] =	vst v20  }
0x618: {  	v18 =	vmul.f32 v26, v18;
	v61 =	vsub.f32 $1.500000000e+00, v23;
	[tilespmem:s19+$0x20] =	vst v13;
	v62 =	vmul.f32 v28, v28  }
0x619: {  	v21 =	vmul.f32 v26, v21;
	v19 =	vmul.f32 v26, v19;
	[tilespmem:s19+$0x10] =	vst v11  }
0x61a: {  	[tilespmem:s19+$0x50] =	vst v18;
	v18 =	vmul.f32 v61, v30;
	v15 =	vmul.f32 v62, v27  }
0x61b: {  	v63 =	vmul.f32 v26, v22;
	[tilespmem:s19+$0x60] =	vst v21  }
0x61c: {  	[tilespmem:s19+$0x40] =	vst v19;
	v16 =	vmul.f32 v18, v16;
	v15 =	vsub.f32 $1.500000000e+00, v15  }
0x61d: {  	[tilespmem:s19+$0x70] =	vst v63  }
0x61e: {  	v13 =	vmul.f32 v18, v12;
	[tilespmem:s20+$0x1D380] =	vst v16;
	v11 =	vmul.f32 v15, v28  }
0x61f: {  	s21 =	sadd.s32 $0x1D380, s20;
	v12 =	vmul.f32 v18, v14;
	[tilespmem:s20+$0x1D780] =	vst v16  }
0x620: {  	s22 =	sadd.s32 $0x1D780, s20;
	s19 =	simm.s32 $0x1;
	v14 =	vmul.f32 v18, v17;
	[tilespmem:s21+$0x10] =	vst v13;
	v15 =	vmul.f32 v11, v39  }
.LBB2_24:
0x621: {  	[tilespmem:s22+$0x10] =	vst v13;
	s16 =	sadd.s32 $0x80, s16;
	s17 =	sadd.s32 $0x80, s17;
	s18 =	sadd.s32 $0x80, s18  }
0x622: {  	p0 =	sne.s32 s19, $0xF;
	v8 =	vmul.f32 v11, v8;
	s20 =	smov.u32 s19;
	s19 =	sadd.s32 $0x1, s19;
	[tilespmem:s21+$0x20] =	vst v12  }
0x623: {  	[tilespmem:s22+$0x20] =	vst v12  }
0x624: {  	v9 =	vmul.f32 v11, v9;
	[tilespmem:s21+$0x30] =	vst v14  }
0x625: {  	[tilespmem:s22+$0x30] =	vst v14  }
0x626: {  	v10 =	vmul.f32 v11, v10;
	[tilespmem:s21+$0x40] =	vst v15  }
0x627: {  	[tilespmem:s22+$0x40] =	vst v15  }
0x628: {  	[tilespmem:s21+$0x50] =	vst v8  }
0x629: {  	[tilespmem:s22+$0x50] =	vst v8  }
0x62a: {  	[tilespmem:s21+$0x60] =	vst v9  }
0x62b: {  	[tilespmem:s22+$0x60] =	vst v9  }
0x62c: {  	[tilespmem:s21+$0x70] =	vst v10  }
0x62d: {  	[tilespmem:s22+$0x70] =	vst v10  }
0x62e: {  	v20 =	vld [tilespmem:s17+$0xFFFFFFC0]  }
0x62f: {  	v11 =	vld [tilespmem:s17+$0xFFFFFFD0]  }
0x630: {  	v15 =	vld [tilespmem:s17+$0x10]  }
0x631: {  	v13 =	vld [tilespmem:s17+$0xFFFFFFE0]  }
0x632: {  	v21 =	vld [tilespmem:s17+$0x0]  }
0x633: {  	v17 =	vld [tilespmem:s17+$0xFFFFFFF0]  }
0x634: {  	v8 =	vmul.f32 v20, v20;
	v22 =	vld [tilespmem:s17+$0x20];
	v9 =	vmul.f32 v11, v11  }
0x635: {  	v12 =	vld [tilespmem:s18+$0xFFFFFFD0]  }
0x636: {  	v23 =	vld [tilespmem:s17+$0x30];
	v8 =	vadd.f32 v9, v8;
	v9 =	vmul.f32 v13, v13  }
0x637: {  	v14 =	vmul.f32 v15, v15;
	v19 =	vld [tilespmem:s18+$0xFFFFFFC0];
	v10 =	vmul.f32 v21, v21  }
0x638: {  	v8 =	vadd.f32 v9, v8;
	v9 =	vmul.f32 v17, v17  }
0x639: {  	v16 =	vld [tilespmem:s18+$0xFFFFFFE0];
	v10 =	vadd.f32 v14, v10;
	v18 =	vmul.f32 v22, v22  }
0x63a: {  	v8 =	vadd.f32 v9, v8  }
0x63b: {  	v9 =	vmul.f32 v12, v12;
	v14 =	vld [tilespmem:s18+$0xFFFFFFF0];
	v10 =	vadd.f32 v18, v10;
	v18 =	vmul.f32 v23, v23  }
0x63c: {  	v24 =	vmul.f32 v19, v19;
	v25 =	vperm.xlane v8, v4  }
0x63d: {  	v10 =	vadd.f32 v18, v10  }
0x63e: {  	v9 =	vadd.f32 v9, v24;
	v24 =	vmul.f32 v16, v16;
	v25 =	vadd.f32 v25, v8  }
0x63f: {  	v18 =	vld [tilespmem:s18+$0x0];
	v26 =	vperm.xlane v10, v4  }
0x640: {  	v8 =	vld [tilespmem:s18+$0x10];
	v24 =	vadd.f32 v24, v9;
	v27 =	vmul.f32 v14, v14;
	v28 =	vperm.xlane v25, v5  }
0x641: {  	v26 =	vadd.f32 v26, v10  }
0x642: {  	v9 =	vld [tilespmem:s18+$0x20];
	v24 =	vadd.f32 v27, v24;
	v25 =	vadd.f32 v28, v25  }
0x643: {  	v27 =	vperm.xlane v26, v5  }
0x644: {  	v10 =	vld [tilespmem:s18+$0x30];
	v28 =	vperm.xlane v24, v4;
	v29 =	vperm.xlane v25, v6  }
0x645: {  	v30 =	vmul.f32 v18, v18;
	v31 =	vmul.f32 v8, v8;
	v26 =	vadd.f32 v27, v26  }
0x646: {  	v24 =	vadd.f32 v28, v24;
	v25 =	vadd.f32 v29, v25  }
0x647: {  	v27 =	vadd.f32 v31, v30;
	v28 =	vmul.f32 v9, v9;
	v29 =	vperm.xlane v26, v6  }
0x648: {  	v30 =	vperm.xlane v24, v5;
	v31 =	vperm.xlane v25, v7  }
0x649: {  	v27 =	vadd.f32 v28, v27;
	v28 =	vmul.f32 v10, v10;
	v26 =	vadd.f32 v29, v26  }
0x64a: {  	v24 =	vadd.f32 v30, v24;
	v25 =	vadd.f32 v31, v25  }
0x64b: {  	v27 =	vadd.f32 v28, v27;
	v28 =	vperm.xlane v26, v7  }
0x64c: {  	v29 =	vperm.xlane v24, v6;
	v25 =	vmax.f32 v25, $1.000000020e-24  }
0x64d: {  	v30 =	vperm.xlane v27, v4;
	v26 =	vadd.f32 v28, v26;
	v28 =	vshra.s32 v25, $0x1  }
0x64e: {  	v25 =	vmul.f32 $5.000000000e-01, v25;
	v24 =	vadd.f32 v29, v24;
	v28 =	vsub.s32 $0x5F3759DF, v28  }
0x64f: {  	v27 =	vadd.f32 v30, v27;
	v26 =	vmax.f32 v26, $1.000000020e-24;
	v29 =	vmul.f32 v28, v28  }
0x650: {  	v30 =	vperm.xlane v24, v7;
	v31 =	vshra.s32 v26, $0x1  }
0x651: {  	v32 =	vperm.xlane v27, v5;
	v31 =	vsub.s32 $0x5F3759DF, v31;
	v29 =	vmul.f32 v29, v25  }
0x652: {  	v26 =	vmul.f32 $5.000000000e-01, v26;
	v24 =	vadd.f32 v30, v24;
	v30 =	vmul.f32 v31, v31  }
0x653: {  	v27 =	vadd.f32 v32, v27;
	v29 =	vsub.f32 $1.500000000e+00, v29  }
0x654: {  	v24 =	vmax.f32 v24, $1.000000020e-24;
	v30 =	vmul.f32 v30, v26  }
0x655: {  	v32 =	vperm.xlane v27, v6;
	v33 =	vshra.s32 v24, $0x1;
	v28 =	vmul.f32 v28, v29  }
0x656: {  	v29 =	vsub.s32 $0x5F3759DF, v33;
	v30 =	vsub.f32 $1.500000000e+00, v30  }
0x657: {  	v24 =	vmul.f32 $5.000000000e-01, v24;
	v27 =	vadd.f32 v32, v27;
	v32 =	vmul.f32 v29, v29  }
0x658: {  	v30 =	vmul.f32 v31, v30;
	v31 =	vmul.f32 v28, v28  }
0x659: {  	v33 =	vperm.xlane v27, v7;
	v32 =	vmul.f32 v32, v24  }
0x65a: {  	v34 =	vmul.f32 v30, v30;
	v25 =	vmul.f32 v31, v25  }
0x65b: {  	v27 =	vadd.f32 v33, v27;
	v31 =	vsub.f32 $1.500000000e+00, v32  }
0x65c: {  	v26 =	vmul.f32 v34, v26;
	v25 =	vsub.f32 $1.500000000e+00, v25  }
0x65d: {  	v27 =	vmax.f32 v27, $1.000000020e-24;
	v29 =	vmul.f32 v29, v31  }
0x65e: {  	v31 =	vshra.s32 v27, $0x1;
	v26 =	vsub.f32 $1.500000000e+00, v26;
	v25 =	vmul.f32 v25, v28  }
0x65f: {  	v28 =	vsub.s32 $0x5F3759DF, v31;
	v31 =	vmul.f32 v29, v29  }
0x660: {  	s20 =	sshrl.u32 s20, $0x3;
	v27 =	vmul.f32 $5.000000000e-01, v27;
	v32 =	vmul.f32 v28, v28  }
0x661: {  	s20 =	smul.u32 $0x3000, s20;
	v26 =	vmul.f32 v26, v30;
	v24 =	vmul.f32 v31, v24  }
0x662: {  	v20 =	vmul.f32 v25, v20;
	v30 =	vmul.f32 v32, v27  }
0x663: {  	s20 =	sshra.s32 s20, $0x2;
	s21 =	sand.u32 $0x380, s16;
	v21 =	vmul.f32 v26, v21;
	v22 =	vmul.f32 v26, v22;
	v24 =	vsub.f32 $1.500000000e+00, v24  }
0x664: {  	s20 =	sor.u32 s21, s20;
	v15 =	vmul.f32 v26, v15;
	v23 =	vmul.f32 v26, v23;
	v30 =	vsub.f32 $1.500000000e+00, v30  }
0x665: {  	s21 =	sadd.s32 $0x1CF80, s20;
	v17 =	vmul.f32 v25, v17;
	v24 =	vmul.f32 v24, v29  }
0x666: {  	v26 =	vmul.f32 v28, v30;
	v28 =	vmul.f32 v25, v13;
	[tilespmem:s21+$0x50] =	vst v15  }
0x667: {  	v11 =	vmul.f32 v25, v11;
	[tilespmem:s21+$0x60] =	vst v22;
	v15 =	vmul.f32 v24, v19  }
0x668: {  	v19 =	vmul.f32 v26, v26;
	[tilespmem:s21+$0x40] =	vst v21  }
0x669: {  	v13 =	vmul.f32 v24, v12;
	[tilespmem:s20+$0x1CF80] =	vst v20  }
0x66a: {  	v19 =	vmul.f32 v19, v27;
	[tilespmem:s21+$0x30] =	vst v17  }
0x66b: {  	v12 =	vmul.f32 v24, v16;
	[tilespmem:s21+$0x70] =	vst v23  }
.Ltmp11:
0x66c: {  	v16 =	vsub.f32 $1.500000000e+00, v19;
	[tilespmem:s21+$0x20] =	vst v28;
	(pc) =	sbr.rel @p0 .LBB2_24-.Ltmp11, $4  }
0x66d: {  	[tilespmem:s21+$0x10] =	vst v11  }
0x66e: {  	v14 =	vmul.f32 v24, v14;
	s21 =	sadd.s32 $0x1D380, s20;
	v11 =	vmul.f32 v16, v26;
	[tilespmem:s20+$0x1D380] =	vst v15  }
0x66f: {  	s22 =	sadd.s32 $0x1D780, s20;
	[tilespmem:s20+$0x1D780] =	vst v15  }
0x670: {  	[tilespmem:s21+$0x10] =	vst v13;
	v15 =	vmul.f32 v11, v18  }
0x671: {  	[tilespmem:s22+$0x10] =	vst v13  }
0x672: {  	[tilespmem:s21+$0x20] =	vst v12  }
0x673: {  	[tilespmem:s22+$0x20] =	vst v12  }
0x674: {  	[tilespmem:s21+$0x30] =	vst v14  }
0x675: {  	[tilespmem:s22+$0x30] =	vst v14  }
0x676: {  	v8 =	vmul.f32 v11, v8;
	[tilespmem:s21+$0x40] =	vst v15  }
0x677: {  	[tilespmem:s22+$0x40] =	vst v15  }
0x678: {  	v9 =	vmul.f32 v11, v9;
	[tilespmem:s21+$0x50] =	vst v8  }
0x679: {  	[tilespmem:s22+$0x50] =	vst v8  }
0x67a: {  	v8 =	vmul.f32 v11, v10;
	[tilespmem:s21+$0x60] =	vst v9  }
0x67b: {  	[tilespmem:s22+$0x60] =	vst v9  }
0x67c: {  	[tilespmem:s21+$0x70] =	vst v8  }
0x67d: {  	[tilespmem:s22+$0x70] =	vst v8  }
0x67e: {  	_ =	strace $0x9000005A  }
0x67f: {  	s16 =	rddreg [dreg:$0xf]  }
0x680: {  	[hbm4b:s16+s4] =	stream.linear.scatter [tilespmem:s12], [sflag:$0x6], $0x1800, $0x38;
	[tilespmem:$0x1E780] =	vst v63  }
0x681: {  	_ =	strace $0x8000005B  }
0x682: {  	s15 =	sadd.s32 $0x1, s15;
	_ =	swait.ge [sflag:s13], $0x1800  }
0x683: {  	p0 =	sne.s32 s15, s25;
	[sflag:s13] =	ssyncset.done $0x0  }
.Ltmp12:
0x684: {  	[sflag:s13] =	ssyncadd.s32 $0xFFFFE800;
	(pc) =	sbr.rel @p0 .LBB2_1-.Ltmp12, $4  }
0x685: {  	_ =	swait.ge [sflag:s14], $0x1800  }
0x686: {  	[sflag:s14] =	ssyncset.done $0x0  }
0x687: {  	[sflag:s14] =	ssyncadd.s32 $0xFFFFE800  }
0x688: {  	_ =	strace $0x9000005B  }
0x689: {  	_ =	sfence.sel $0x180000  }
0x68a: {  	[bflag:$0x0] =	sbarrier.arrive $0xFFFF  }
0x68b: {  	_ =	strace $0x90000047  }
0x68c: {  	s0 =	stileid.u32;
	[bflag:$0x2] =	sbarrier.arrive $0xFFFF  }
0x68d: {  	p0 =	sne.s32 s0, $0x0;
	s0 =	rddreg [dreg:$0x3]  }
0x68e: {  	s0 =	sadd.s32 @!p0 $0x100000, s0  }
0x68f: {  	[sflag:s0] =	ssyncadd.tile.s32 @!p0 $0x1;
	_ =	shalt  }
.Lfunc_end2:
_tile_overlayer_lowered:
.L_overlay_start_2:
0x690: {  	(tag) =	ssettag $0x2  }
0x691: {  	s0 =	rddreg [dreg:$0x0];
	s2 =	stileid.u32  }
0x692: {  	s1 =	rddreg [dreg:$0x1];
	p0 =	sne.s32 s2, $0x0  }
0x693: {  	s3 =	rddreg [dreg:$0x2];
	[bflag:$0x3] =	sbarrier.arrive $0xFFFF;
	s2 =	simm.s32 @!p0 $0x1C0B  }
0x694: {  	[timem:s3], [sflag:s2] =	dma.local @!p0 [hbm:s0], s1  }
0x695: {  	s0 =	simm.s32 @!p0 $0xB  }
0x696: {  	_ =	swait.ge @!p0 [sflag:s0], s1  }
0x697: {  	s1 =	ssub.s32 @!p0 $0x0, s1;
	[sflag:s0] =	ssyncset.done @!p0 $0x0  }
0x698: {  	[sflag:s0] =	ssyncadd.s32 @!p0 s1  }
0x699: {  	[bflag:$0x3] =	sbarrier.arrive $0xFFFF  }
0x69a: {  	_ =	shalt  }

</sc_bundles>
